<compile_context>
chip_gen: v7x
topology: tpu7x:2x2x1
jax: 0.10.2.dev20260603
libtpu: 0.0.44.dev20260713+nightly
codegen_flags: <defaults>
</compile_context>

<pallas_src>
import functools

import jax
import jax.numpy as jnp
from jax import lax
from jax.experimental import pallas as pl
from jax.experimental.pallas import tpu as pltpu
from jax.experimental.pallas import tpu_sc as plsc

N_NODES = 10000
D = 128

NC = 2
NS = 16
NW = NC * NS

C = 64
NBUF = 4
IBLK = 32
N_PAD = 10112
RPT = N_PAD // NS


def _sc_aggregate(feat, src_p, dst_p, n_chunk, n_real_chunks):
    n_iblk = n_chunk // IBLK
    assert n_chunk % IBLK == 0
    mesh = plsc.VectorSubcoreMesh(core_axis_name="c", subcore_axis_name="s")

    @functools.partial(
        pl.kernel,
        out_type=jax.ShapeDtypeStruct((NC * N_PAD, D), jnp.float32),
        mesh=mesh,
        scratch_types=[
            *[pltpu.VMEM((IBLK, C), jnp.int32) for _ in range(2)],
            *[pltpu.VMEM((IBLK, C), jnp.int32) for _ in range(2)],
            *[pltpu.VMEM((C, D), jnp.float32) for _ in range(NBUF)],
            pltpu.VMEM_SHARED((N_PAD, D), jnp.float32),
            *[pltpu.SemaphoreType.DMA for _ in range(2)],
            *[pltpu.SemaphoreType.DMA for _ in range(NBUF)],
        ],
    )
    def agg(feat_hbm, src_hbm, dst_hbm, out_hbm, *rest):
        sidx = rest[0:2]
        didx = rest[2:4]
        rows = rest[4:4 + NBUF]
        acc_sh = rest[4 + NBUF]
        isem = rest[5 + NBUF:7 + NBUF]
        gsem = rest[7 + NBUF:]
        c = lax.axis_index("c")
        s = lax.axis_index("s")
        row0 = s * RPT
        k0 = (c * NS + s) * n_chunk
        bound = jnp.clip(n_real_chunks - k0, 0, n_chunk)

        def stage_idx(j, jb):
            pltpu.async_copy(src_hbm.at[pl.ds(k0 + j * IBLK, IBLK)], sidx[jb], isem[jb])
            pltpu.async_copy(dst_hbm.at[pl.ds(k0 + j * IBLK, IBLK)], didx[jb], isem[jb])

        stage_idx(0, 0)
        if n_iblk > 1:
            stage_idx(1, 1)

        z16 = jnp.zeros((16,), jnp.float32)

        def zfill(r, carry):
            for l in range(D // 16):
                rows[0][r, pl.ds(l * 16, 16)] = z16
            return carry

        lax.fori_loop(0, C, zfill, 0)
        n_zcopy = RPT // C
        z_tail = RPT - n_zcopy * C
        for t in range(n_zcopy):
            pltpu.async_copy(rows[0], acc_sh.at[pl.ds(row0 + t * C, C)], gsem[0])
        if z_tail:
            pltpu.async_copy(
                rows[0].at[pl.ds(0, z_tail)],
                acc_sh.at[pl.ds(row0 + n_zcopy * C, z_tail)], gsem[0])
        for t in range(n_zcopy):
            pltpu.make_async_copy(
                rows[0], acc_sh.at[pl.ds(row0, C)], gsem[0]).wait()
        if z_tail:
            pltpu.make_async_copy(
                rows[0].at[pl.ds(0, z_tail)],
                acc_sh.at[pl.ds(row0, z_tail)], gsem[0]).wait()
        plsc.subcore_barrier()

        for j in range(n_iblk):
            jb = j % 2
            pltpu.make_async_copy(
                src_hbm.at[pl.ds(k0, IBLK)], sidx[jb], isem[jb]).wait()
            pltpu.make_async_copy(
                dst_hbm.at[pl.ds(k0, IBLK)], didx[jb], isem[jb]).wait()
            lb = jnp.clip(bound - j * IBLK, 0, IBLK)

            for b in range(NBUF):
                @pl.when(b < lb)
                def _(b=b):
                    pltpu.async_copy(feat_hbm.at[sidx[jb].at[b]], rows[b], gsem[b])

            def inner(g, carry):
                for b in range(NBUF):
                    k = g * NBUF + b

                    @pl.when(k < lb)
                    def _(b=b, k=k):
                        pltpu.make_async_copy(
                            feat_hbm.at[sidx[jb].at[k]], rows[b], gsem[b]).wait()
                        pltpu.sync_copy(rows[b], acc_sh.at[didx[jb].at[k]], add=True)

                        @pl.when(k + NBUF < lb)
                        def _():
                            pltpu.async_copy(
                                feat_hbm.at[sidx[jb].at[k + NBUF]], rows[b], gsem[b])
                return carry

            lax.fori_loop(0, (IBLK + NBUF - 1) // NBUF, inner, 0)
            if j + 2 < n_iblk:
                stage_idx(j + 2, jb)

        plsc.subcore_barrier()
        pltpu.sync_copy(
            acc_sh.at[pl.ds(row0, RPT)],
            out_hbm.at[pl.ds(c * N_PAD + row0, RPT)],
        )

    return agg(feat, src_p, dst_p)


def _tc_layer(partials, W, b, relu, bm=2000):
    n_blocks = N_NODES // bm

    def body(p0_ref, p1_ref, w_ref, b_ref, o_ref):
        t = p0_ref[0] + p1_ref[0]
        z = jnp.dot(t, w_ref[...], preferred_element_type=jnp.float32) + b_ref[...]
        if relu:
            z = jnp.maximum(z, 0.0)
        o_ref[...] = z

    return pl.pallas_call(
        body,
        grid=(n_blocks,),
        in_specs=[
            pl.BlockSpec((1, bm, D), lambda i: (0, i, 0)),
            pl.BlockSpec((1, bm, D), lambda i: (1, i, 0)),
            pl.BlockSpec((D, D), lambda i: (0, 0)),
            pl.BlockSpec((1, D), lambda i: (0, 0)),
        ],
        out_specs=pl.BlockSpec((bm, D), lambda i: (i, 0)),
        out_shape=jax.ShapeDtypeStruct((N_NODES, D), jnp.float32),
    )(partials, partials, W, b.reshape(1, D))


def kernel(x, edge_index, W1, b1, W2, b2):
    n_edges = edge_index.shape[1]
    src = edge_index[0].astype(jnp.int32)
    dst = edge_index[1].astype(jnp.int32)

    quantum = NW * C * 8
    e_pad = ((n_edges + quantum - 1) // quantum) * quantum
    pad = e_pad - n_edges
    if pad:
        src = jnp.concatenate([src, jnp.zeros((pad,), jnp.int32)])
        pad_dst = N_NODES + (jnp.arange(pad, dtype=jnp.int32) % (N_PAD - N_NODES))
        dst = jnp.concatenate([dst, pad_dst])
    n_chunk = e_pad // (NW * C)
    n_real_chunks = (n_edges + C - 1) // C
    src = src.reshape(NW * n_chunk, C)
    dst = dst.reshape(NW * n_chunk, C)

    p = _sc_aggregate(x, src, dst, n_chunk, n_real_chunks)
    h = _tc_layer(p.reshape(2, N_PAD, D), W1, b1, relu=True)
    q = _sc_aggregate(h, src, dst, n_chunk, n_real_chunks)
    return _tc_layer(q.reshape(2, N_PAD, D), W2, b2, relu=False)

# --- scband reference (transcript-rebuilt; emitter-appended) ---
"""Pipeline reference for scband-incremental-gnn-2336462209718 (READ-ONLY COPY).

The authoritative reference and input builder live on the scoring server;
editing this copy changes nothing except your own understanding.
"""

import jax, jax.numpy as jnp
import numpy as np

N_NODES = 10000
N_EDGES = 320000
D_IN = 128
D_HID = 128
D_OUT = 128


def _xavier_uniform(key, fan_in, fan_out):
    limit = float(np.sqrt(6.0 / (fan_in + fan_out)))
    return jax.random.uniform(key, (fan_in, fan_out), dtype=jnp.float32, minval=-limit, maxval=limit)


def setup_inputs(seed: int = 0) -> dict:
    key = jax.random.key(seed)
    k_x, k_e, k_w1, k_w2 = jax.random.split(key, 4)
    x = jax.random.normal(k_x, (N_NODES, D_IN), dtype=jnp.float32)
    edge_index = jax.random.randint(k_e, (2, N_EDGES), 0, N_NODES, dtype=jnp.int64)
    W1 = _xavier_uniform(k_w1, D_IN, D_HID)
    b1 = jnp.zeros((D_HID,), dtype=jnp.float32)
    W2 = _xavier_uniform(k_w2, D_HID, D_OUT)
    b2 = jnp.zeros((D_OUT,), dtype=jnp.float32)
    return {"x": x, "edge_index": edge_index, "W1": W1, "b1": b1, "W2": W2, "b2": b2}


def _gcn_layer(x, edge_index, W, b):
    # IncrementalGCNConv._full_forward: x = x @ W; propagate (aggr='add', message = x_j); out += bias
    h = jnp.matmul(x, W)
    src = edge_index[0]
    dst = edge_index[1]
    msgs = jnp.take(h, src, axis=0)
    out = jax.ops.segment_sum(msgs, dst, num_segments=x.shape[0])
    out = out + b
    return out


def reference(x, edge_index, W1, b1, W2, b2):
    # IncrementalGNN.forward with incremental=False, eval mode (dropout = identity)
    h = _gcn_layer(x, edge_index, W1, b1)
    h = jax.nn.relu(h)
    out = _gcn_layer(h, edge_index, W2, b2)
    return out

if __name__ == "__main__":
    import jax
    _d = setup_inputs()
    print(jax.jit(kernel)(*tuple(_d.values())))

</pallas_src>

<mosaic_0001>
#map = affine_map<(d0, d1) -> (0, 0)>
module attributes {stable_mosaic.version = 14 : i64} {
  func.func @agg(%arg0: i32, %arg1: i32, %arg2: memref<10000x128xf32, #tpu.memory_space<hbm>>, %arg3: memref<5120x64xi32, #tpu.memory_space<hbm>>, %arg4: memref<5120x64xi32, #tpu.memory_space<hbm>>, %arg5: memref<20224x128xf32, #tpu.memory_space<hbm>>, %arg6: memref<32x64xi32, #tpu.memory_space<vmem>>, %arg7: memref<32x64xi32, #tpu.memory_space<vmem>>, %arg8: memref<32x64xi32, #tpu.memory_space<vmem>>, %arg9: memref<32x64xi32, #tpu.memory_space<vmem>>, %arg10: memref<64x128xf32, #tpu.memory_space<vmem>>, %arg11: memref<64x128xf32, #tpu.memory_space<vmem>>, %arg12: memref<64x128xf32, #tpu.memory_space<vmem>>, %arg13: memref<64x128xf32, #tpu.memory_space<vmem>>, %arg14: memref<10112x128xf32, #tpu.memory_space<vmem_shared>>, %arg15: memref<!tpu.dma_semaphore, #tpu.memory_space<semaphore_mem>>, %arg16: memref<!tpu.dma_semaphore, #tpu.memory_space<semaphore_mem>>, %arg17: memref<!tpu.dma_semaphore, #tpu.memory_space<semaphore_mem>>, %arg18: memref<!tpu.dma_semaphore, #tpu.memory_space<semaphore_mem>>, %arg19: memref<!tpu.dma_semaphore, #tpu.memory_space<semaphore_mem>>, %arg20: memref<!tpu.dma_semaphore, #tpu.memory_space<semaphore_mem>>) attributes {dimension_semantics = [#tpu.dimension_semantics<core_parallel>, #tpu.dimension_semantics<subcore_parallel>], iteration_bounds = array<i64: 2, 16>, scalar_prefetch = 0 : i64, scratch_operands = 15 : i64, tpu.core_type = #tpu.core_type<sc_vector_subcore>, window_params = [{transform_indices = #map}, {transform_indices = #map}, {transform_indices = #map}, {transform_indices = #map}]} {
    %mul3A = arith.constant 632 : i32
    %mul3A_0 = arith.muli %arg1, %mul3A : i32
    %mul3A_1 = arith.constant 16 : i32
    %mul3A_2 = arith.muli %arg0, %mul3A_1 : i32
    %add3A = arith.addi %mul3A_2, %arg1 : i32
    %mul3A_3 = arith.constant 160 : i32
    %mul3A_4 = arith.muli %add3A, %mul3A_3 : i32
    %sub3A = arith.constant 5000 : i32
    %sub3A_5 = arith.subi %sub3A, %mul3A_4 : i32
    %jit3A = arith.constant 0 : i32
    %jit3A_6 = arith.constant 160 : i32
    %max3A = arith.maxsi %jit3A, %sub3A_5 : i32
    %min3A = arith.minsi %jit3A_6, %max3A : i32
    %add3A_7 = arith.constant 0 : i32
    %add3A_8 = arith.addi %mul3A_4, %add3A_7 : i32
    %dma_start3A = arith.constant 0 : i32
    %dma_start3A_9 = tpu.memref_slice %arg3[%add3A_8, %dma_start3A] : memref<5120x64xi32, #tpu.memory_space<hbm>> -> memref<32x64xi32, #tpu.memory_space<hbm>>
    %dma_start3A_10 = arith.constant 0 : i32
    %dma_start3A_11 = tpu.memref_slice %arg3[%add3A_8, %dma_start3A_10] : memref<5120x64xi32, #tpu.memory_space<hbm>> -> memref<32x64xi32, #tpu.memory_space<hbm>>
    tpu.enqueue_dma source(%dma_start3A_11 : memref<32x64xi32, #tpu.memory_space<hbm>>) target(%arg6 : memref<32x64xi32, #tpu.memory_space<vmem>>) target_semaphore(%arg15 : memref<!tpu.dma_semaphore, #tpu.memory_space<semaphore_mem>>)
    %add3A_12 = arith.constant 0 : i32
    %add3A_13 = arith.addi %mul3A_4, %add3A_12 : i32
    %dma_start3A_14 = arith.constant 0 : i32
    %dma_start3A_15 = tpu.memref_slice %arg4[%add3A_13, %dma_start3A_14] : memref<5120x64xi32, #tpu.memory_space<hbm>> -> memref<32x64xi32, #tpu.memory_space<hbm>>
    %dma_start3A_16 = arith.constant 0 : i32
    %dma_start3A_17 = tpu.memref_slice %arg4[%add3A_13, %dma_start3A_16] : memref<5120x64xi32, #tpu.memory_space<hbm>> -> memref<32x64xi32, #tpu.memory_space<hbm>>
    tpu.enqueue_dma source(%dma_start3A_17 : memref<32x64xi32, #tpu.memory_space<hbm>>) target(%arg8 : memref<32x64xi32, #tpu.memory_space<vmem>>) target_semaphore(%arg15 : memref<!tpu.dma_semaphore, #tpu.memory_space<semaphore_mem>>)
    %add3A_18 = arith.constant 32 : i32
    %add3A_19 = arith.addi %mul3A_4, %add3A_18 : i32
    %dma_start3A_20 = arith.constant 0 : i32
    %dma_start3A_21 = tpu.memref_slice %arg3[%add3A_19, %dma_start3A_20] : memref<5120x64xi32, #tpu.memory_space<hbm>> -> memref<32x64xi32, #tpu.memory_space<hbm>>
    %dma_start3A_22 = arith.constant 0 : i32
    %dma_start3A_23 = tpu.memref_slice %arg3[%add3A_19, %dma_start3A_22] : memref<5120x64xi32, #tpu.memory_space<hbm>> -> memref<32x64xi32, #tpu.memory_space<hbm>>
    tpu.enqueue_dma source(%dma_start3A_23 : memref<32x64xi32, #tpu.memory_space<hbm>>) target(%arg7 : memref<32x64xi32, #tpu.memory_space<vmem>>) target_semaphore(%arg16 : memref<!tpu.dma_semaphore, #tpu.memory_space<semaphore_mem>>)
    %add3A_24 = arith.constant 32 : i32
    %add3A_25 = arith.addi %mul3A_4, %add3A_24 : i32
    %dma_start3A_26 = arith.constant 0 : i32
    %dma_start3A_27 = tpu.memref_slice %arg4[%add3A_25, %dma_start3A_26] : memref<5120x64xi32, #tpu.memory_space<hbm>> -> memref<32x64xi32, #tpu.memory_space<hbm>>
    %dma_start3A_28 = arith.constant 0 : i32
    %dma_start3A_29 = tpu.memref_slice %arg4[%add3A_25, %dma_start3A_28] : memref<5120x64xi32, #tpu.memory_space<hbm>> -> memref<32x64xi32, #tpu.memory_space<hbm>>
    tpu.enqueue_dma source(%dma_start3A_29 : memref<32x64xi32, #tpu.memory_space<hbm>>) target(%arg9 : memref<32x64xi32, #tpu.memory_space<vmem>>) target_semaphore(%arg16 : memref<!tpu.dma_semaphore, #tpu.memory_space<semaphore_mem>>)
    %broadcast_in_dim3A = arith.constant 0.000000e+00 : f32
    %broadcast_in_dim3A_30 = vector.broadcast %broadcast_in_dim3A : f32 to vector<16xf32>
    %scan3A = arith.constant 0 : i32
    %scan3A_31 = arith.constant 0 : i32
    %scan3A_32 = arith.constant 64 : i32
    %scan3A_33 = arith.addi %scan3A_31, %scan3A_32 : i32
    %scan3A_34 = arith.constant 1 : i32
    scf.for %scan3A_384 = %scan3A_31 to %scan3A_33 step %scan3A_34  : i32 {
      %swap3A = arith.index_cast %scan3A_384 : i32 to index
      %swap3A_385 = arith.constant 0 : index
      %swap3A_386 = tpu.vector_load %arg10[%swap3A, %swap3A_385] {strides = array<i32>} : memref<64x128xf32, #tpu.memory_space<vmem>>, vector<1x16xf32>,
      %swap3A_387 = vector.shape_cast %swap3A_386 : vector<1x16xf32> to vector<16xf32>
      %swap3A_388 = vector.shape_cast %broadcast_in_dim3A_30 : vector<16xf32> to vector<1x16xf32>
      tpu.vector_store %arg10[%swap3A, %swap3A_385], %swap3A_388 {strides = array<i32>} : memref<64x128xf32, #tpu.memory_space<vmem>>, vector<1x16xf32>,
      %swap3A_389 = arith.index_cast %scan3A_384 : i32 to index
      %swap3A_390 = arith.constant 16 : index
      %swap3A_391 = tpu.vector_load %arg10[%swap3A_389, %swap3A_390] {strides = array<i32>} : memref<64x128xf32, #tpu.memory_space<vmem>>, vector<1x16xf32>,
      %swap3A_392 = vector.shape_cast %swap3A_391 : vector<1x16xf32> to vector<16xf32>
      %swap3A_393 = vector.shape_cast %broadcast_in_dim3A_30 : vector<16xf32> to vector<1x16xf32>
      tpu.vector_store %arg10[%swap3A_389, %swap3A_390], %swap3A_393 {strides = array<i32>} : memref<64x128xf32, #tpu.memory_space<vmem>>, vector<1x16xf32>,
      %swap3A_394 = arith.index_cast %scan3A_384 : i32 to index
      %swap3A_395 = arith.constant 32 : index
      %swap3A_396 = tpu.vector_load %arg10[%swap3A_394, %swap3A_395] {strides = array<i32>} : memref<64x128xf32, #tpu.memory_space<vmem>>, vector<1x16xf32>,
      %swap3A_397 = vector.shape_cast %swap3A_396 : vector<1x16xf32> to vector<16xf32>
      %swap3A_398 = vector.shape_cast %broadcast_in_dim3A_30 : vector<16xf32> to vector<1x16xf32>
      tpu.vector_store %arg10[%swap3A_394, %swap3A_395], %swap3A_398 {strides = array<i32>} : memref<64x128xf32, #tpu.memory_space<vmem>>, vector<1x16xf32>,
      %swap3A_399 = arith.index_cast %scan3A_384 : i32 to index
      %swap3A_400 = arith.constant 48 : index
      %swap3A_401 = tpu.vector_load %arg10[%swap3A_399, %swap3A_400] {strides = array<i32>} : memref<64x128xf32, #tpu.memory_space<vmem>>, vector<1x16xf32>,
      %swap3A_402 = vector.shape_cast %swap3A_401 : vector<1x16xf32> to vector<16xf32>
      %swap3A_403 = vector.shape_cast %broadcast_in_dim3A_30 : vector<16xf32> to vector<1x16xf32>
      tpu.vector_store %arg10[%swap3A_399, %swap3A_400], %swap3A_403 {strides = array<i32>} : memref<64x128xf32, #tpu.memory_space<vmem>>, vector<1x16xf32>,
      %swap3A_404 = arith.index_cast %scan3A_384 : i32 to index
      %swap3A_405 = arith.constant 64 : index
      %swap3A_406 = tpu.vector_load %arg10[%swap3A_404, %swap3A_405] {strides = array<i32>} : memref<64x128xf32, #tpu.memory_space<vmem>>, vector<1x16xf32>,
      %swap3A_407 = vector.shape_cast %swap3A_406 : vector<1x16xf32> to vector<16xf32>
      %swap3A_408 = vector.shape_cast %broadcast_in_dim3A_30 : vector<16xf32> to vector<1x16xf32>
      tpu.vector_store %arg10[%swap3A_404, %swap3A_405], %swap3A_408 {strides = array<i32>} : memref<64x128xf32, #tpu.memory_space<vmem>>, vector<1x16xf32>,
      %swap3A_409 = arith.index_cast %scan3A_384 : i32 to index
      %swap3A_410 = arith.constant 80 : index
      %swap3A_411 = tpu.vector_load %arg10[%swap3A_409, %swap3A_410] {strides = array<i32>} : memref<64x128xf32, #tpu.memory_space<vmem>>, vector<1x16xf32>,
      %swap3A_412 = vector.shape_cast %swap3A_411 : vector<1x16xf32> to vector<16xf32>
      %swap3A_413 = vector.shape_cast %broadcast_in_dim3A_30 : vector<16xf32> to vector<1x16xf32>
      tpu.vector_store %arg10[%swap3A_409, %swap3A_410], %swap3A_413 {strides = array<i32>} : memref<64x128xf32, #tpu.memory_space<vmem>>, vector<1x16xf32>,
      %swap3A_414 = arith.index_cast %scan3A_384 : i32 to index
      %swap3A_415 = arith.constant 96 : index
      %swap3A_416 = tpu.vector_load %arg10[%swap3A_414, %swap3A_415] {strides = array<i32>} : memref<64x128xf32, #tpu.memory_space<vmem>>, vector<1x16xf32>,
      %swap3A_417 = vector.shape_cast %swap3A_416 : vector<1x16xf32> to vector<16xf32>
      %swap3A_418 = vector.shape_cast %broadcast_in_dim3A_30 : vector<16xf32> to vector<1x16xf32>
      tpu.vector_store %arg10[%swap3A_414, %swap3A_415], %swap3A_418 {strides = array<i32>} : memref<64x128xf32, #tpu.memory_space<vmem>>, vector<1x16xf32>,
      %swap3A_419 = arith.index_cast %scan3A_384 : i32 to index
      %swap3A_420 = arith.constant 112 : index
      %swap3A_421 = tpu.vector_load %arg10[%swap3A_419, %swap3A_420] {strides = array<i32>} : memref<64x128xf32, #tpu.memory_space<vmem>>, vector<1x16xf32>,
      %swap3A_422 = vector.shape_cast %swap3A_421 : vector<1x16xf32> to vector<16xf32>
      %swap3A_423 = vector.shape_cast %broadcast_in_dim3A_30 : vector<16xf32> to vector<1x16xf32>
      tpu.vector_store %arg10[%swap3A_419, %swap3A_420], %swap3A_423 {strides = array<i32>} : memref<64x128xf32, #tpu.memory_space<vmem>>, vector<1x16xf32>,
    }
    %scan3A_35 = arith.constant 64 : i32
    %add3A_36 = arith.constant 0 : i32
    %add3A_37 = arith.addi %mul3A_0, %add3A_36 : i32
    %dma_start3A_38 = arith.constant 0 : i32
    %dma_start3A_39 = tpu.memref_slice %arg14[%add3A_37, %dma_start3A_38] : memref<10112x128xf32, #tpu.memory_space<vmem_shared>> -> memref<64x128xf32, #tpu.memory_space<vmem_shared>>
    %dma_start3A_40 = arith.constant 0 : i32
    %dma_start3A_41 = tpu.memref_slice %arg14[%add3A_37, %dma_start3A_40] : memref<10112x128xf32, #tpu.memory_space<vmem_shared>> -> memref<64x128xf32, #tpu.memory_space<vmem_shared>>
    tpu.enqueue_dma source(%arg10 : memref<64x128xf32, #tpu.memory_space<vmem>>) target(%dma_start3A_41 : memref<64x128xf32, #tpu.memory_space<vmem_shared>>) target_semaphore(%arg17 : memref<!tpu.dma_semaphore, #tpu.memory_space<semaphore_mem>>)
    %add3A_42 = arith.constant 64 : i32
    %add3A_43 = arith.addi %mul3A_0, %add3A_42 : i32
    %dma_start3A_44 = arith.constant 0 : i32
    %dma_start3A_45 = tpu.memref_slice %arg14[%add3A_43, %dma_start3A_44] : memref<10112x128xf32, #tpu.memory_space<vmem_shared>> -> memref<64x128xf32, #tpu.memory_space<vmem_shared>>
    %dma_start3A_46 = arith.constant 0 : i32
    %dma_start3A_47 = tpu.memref_slice %arg14[%add3A_43, %dma_start3A_46] : memref<10112x128xf32, #tpu.memory_space<vmem_shared>> -> memref<64x128xf32, #tpu.memory_space<vmem_shared>>
    tpu.enqueue_dma source(%arg10 : memref<64x128xf32, #tpu.memory_space<vmem>>) target(%dma_start3A_47 : memref<64x128xf32, #tpu.memory_space<vmem_shared>>) target_semaphore(%arg17 : memref<!tpu.dma_semaphore, #tpu.memory_space<semaphore_mem>>)
    %add3A_48 = arith.constant 128 : i32
    %add3A_49 = arith.addi %mul3A_0, %add3A_48 : i32
    %dma_start3A_50 = arith.constant 0 : i32
    %dma_start3A_51 = tpu.memref_slice %arg14[%add3A_49, %dma_start3A_50] : memref<10112x128xf32, #tpu.memory_space<vmem_shared>> -> memref<64x128xf32, #tpu.memory_space<vmem_shared>>
    %dma_start3A_52 = arith.constant 0 : i32
    %dma_start3A_53 = tpu.memref_slice %arg14[%add3A_49, %dma_start3A_52] : memref<10112x128xf32, #tpu.memory_space<vmem_shared>> -> memref<64x128xf32, #tpu.memory_space<vmem_shared>>
    tpu.enqueue_dma source(%arg10 : memref<64x128xf32, #tpu.memory_space<vmem>>) target(%dma_start3A_53 : memref<64x128xf32, #tpu.memory_space<vmem_shared>>) target_semaphore(%arg17 : memref<!tpu.dma_semaphore, #tpu.memory_space<semaphore_mem>>)
    %add3A_54 = arith.constant 192 : i32
    %add3A_55 = arith.addi %mul3A_0, %add3A_54 : i32
    %dma_start3A_56 = arith.constant 0 : i32
    %dma_start3A_57 = tpu.memref_slice %arg14[%add3A_55, %dma_start3A_56] : memref<10112x128xf32, #tpu.memory_space<vmem_shared>> -> memref<64x128xf32, #tpu.memory_space<vmem_shared>>
    %dma_start3A_58 = arith.constant 0 : i32
    %dma_start3A_59 = tpu.memref_slice %arg14[%add3A_55, %dma_start3A_58] : memref<10112x128xf32, #tpu.memory_space<vmem_shared>> -> memref<64x128xf32, #tpu.memory_space<vmem_shared>>
    tpu.enqueue_dma source(%arg10 : memref<64x128xf32, #tpu.memory_space<vmem>>) target(%dma_start3A_59 : memref<64x128xf32, #tpu.memory_space<vmem_shared>>) target_semaphore(%arg17 : memref<!tpu.dma_semaphore, #tpu.memory_space<semaphore_mem>>)
    %add3A_60 = arith.constant 256 : i32
    %add3A_61 = arith.addi %mul3A_0, %add3A_60 : i32
    %dma_start3A_62 = arith.constant 0 : i32
    %dma_start3A_63 = tpu.memref_slice %arg14[%add3A_61, %dma_start3A_62] : memref<10112x128xf32, #tpu.memory_space<vmem_shared>> -> memref<64x128xf32, #tpu.memory_space<vmem_shared>>
    %dma_start3A_64 = arith.constant 0 : i32
    %dma_start3A_65 = tpu.memref_slice %arg14[%add3A_61, %dma_start3A_64] : memref<10112x128xf32, #tpu.memory_space<vmem_shared>> -> memref<64x128xf32, #tpu.memory_space<vmem_shared>>
    tpu.enqueue_dma source(%arg10 : memref<64x128xf32, #tpu.memory_space<vmem>>) target(%dma_start3A_65 : memref<64x128xf32, #tpu.memory_space<vmem_shared>>) target_semaphore(%arg17 : memref<!tpu.dma_semaphore, #tpu.memory_space<semaphore_mem>>)
    %add3A_66 = arith.constant 320 : i32
    %add3A_67 = arith.addi %mul3A_0, %add3A_66 : i32
    %dma_start3A_68 = arith.constant 0 : i32
    %dma_start3A_69 = tpu.memref_slice %arg14[%add3A_67, %dma_start3A_68] : memref<10112x128xf32, #tpu.memory_space<vmem_shared>> -> memref<64x128xf32, #tpu.memory_space<vmem_shared>>
    %dma_start3A_70 = arith.constant 0 : i32
    %dma_start3A_71 = tpu.memref_slice %arg14[%add3A_67, %dma_start3A_70] : memref<10112x128xf32, #tpu.memory_space<vmem_shared>> -> memref<64x128xf32, #tpu.memory_space<vmem_shared>>
    tpu.enqueue_dma source(%arg10 : memref<64x128xf32, #tpu.memory_space<vmem>>) target(%dma_start3A_71 : memref<64x128xf32, #tpu.memory_space<vmem_shared>>) target_semaphore(%arg17 : memref<!tpu.dma_semaphore, #tpu.memory_space<semaphore_mem>>)
    %add3A_72 = arith.constant 384 : i32
    %add3A_73 = arith.addi %mul3A_0, %add3A_72 : i32
    %dma_start3A_74 = arith.constant 0 : i32
    %dma_start3A_75 = tpu.memref_slice %arg14[%add3A_73, %dma_start3A_74] : memref<10112x128xf32, #tpu.memory_space<vmem_shared>> -> memref<64x128xf32, #tpu.memory_space<vmem_shared>>
    %dma_start3A_76 = arith.constant 0 : i32
    %dma_start3A_77 = tpu.memref_slice %arg14[%add3A_73, %dma_start3A_76] : memref<10112x128xf32, #tpu.memory_space<vmem_shared>> -> memref<64x128xf32, #tpu.memory_space<vmem_shared>>
    tpu.enqueue_dma source(%arg10 : memref<64x128xf32, #tpu.memory_space<vmem>>) target(%dma_start3A_77 : memref<64x128xf32, #tpu.memory_space<vmem_shared>>) target_semaphore(%arg17 : memref<!tpu.dma_semaphore, #tpu.memory_space<semaphore_mem>>)
    %add3A_78 = arith.constant 448 : i32
    %add3A_79 = arith.addi %mul3A_0, %add3A_78 : i32
    %dma_start3A_80 = arith.constant 0 : i32
    %dma_start3A_81 = tpu.memref_slice %arg14[%add3A_79, %dma_start3A_80] : memref<10112x128xf32, #tpu.memory_space<vmem_shared>> -> memref<64x128xf32, #tpu.memory_space<vmem_shared>>
    %dma_start3A_82 = arith.constant 0 : i32
    %dma_start3A_83 = tpu.memref_slice %arg14[%add3A_79, %dma_start3A_82] : memref<10112x128xf32, #tpu.memory_space<vmem_shared>> -> memref<64x128xf32, #tpu.memory_space<vmem_shared>>
    tpu.enqueue_dma source(%arg10 : memref<64x128xf32, #tpu.memory_space<vmem>>) target(%dma_start3A_83 : memref<64x128xf32, #tpu.memory_space<vmem_shared>>) target_semaphore(%arg17 : memref<!tpu.dma_semaphore, #tpu.memory_space<semaphore_mem>>)
    %add3A_84 = arith.constant 512 : i32
    %add3A_85 = arith.addi %mul3A_0, %add3A_84 : i32
    %dma_start3A_86 = arith.constant 0 : i32
    %dma_start3A_87 = tpu.memref_slice %arg14[%add3A_85, %dma_start3A_86] : memref<10112x128xf32, #tpu.memory_space<vmem_shared>> -> memref<64x128xf32, #tpu.memory_space<vmem_shared>>
    %dma_start3A_88 = arith.constant 0 : i32
    %dma_start3A_89 = tpu.memref_slice %arg14[%add3A_85, %dma_start3A_88] : memref<10112x128xf32, #tpu.memory_space<vmem_shared>> -> memref<64x128xf32, #tpu.memory_space<vmem_shared>>
    tpu.enqueue_dma source(%arg10 : memref<64x128xf32, #tpu.memory_space<vmem>>) target(%dma_start3A_89 : memref<64x128xf32, #tpu.memory_space<vmem_shared>>) target_semaphore(%arg17 : memref<!tpu.dma_semaphore, #tpu.memory_space<semaphore_mem>>)
    %add3A_90 = arith.constant 576 : i32
    %add3A_91 = arith.addi %mul3A_0, %add3A_90 : i32
    %dma_start3A_92 = arith.constant 0 : i32
    %dma_start3A_93 = arith.constant 0 : i32
    %dma_start3A_94 = tpu.memref_slice %arg10[%dma_start3A_92, %dma_start3A_93] : memref<64x128xf32, #tpu.memory_space<vmem>> -> memref<56x128xf32, #tpu.memory_space<vmem>>
    %dma_start3A_95 = arith.constant 0 : i32
    %dma_start3A_96 = tpu.memref_slice %arg14[%add3A_91, %dma_start3A_95] : memref<10112x128xf32, #tpu.memory_space<vmem_shared>> -> memref<56x128xf32, #tpu.memory_space<vmem_shared>>
    %dma_start3A_97 = arith.constant 0 : i32
    %dma_start3A_98 = tpu.memref_slice %arg14[%add3A_91, %dma_start3A_97] : memref<10112x128xf32, #tpu.memory_space<vmem_shared>> -> memref<56x128xf32, #tpu.memory_space<vmem_shared>>
    %dma_start3A_99 = arith.constant 0 : i32
    %dma_start3A_100 = arith.constant 0 : i32
    %dma_start3A_101 = tpu.memref_slice %arg10[%dma_start3A_99, %dma_start3A_100] : memref<64x128xf32, #tpu.memory_space<vmem>> -> memref<56x128xf32, #tpu.memory_space<vmem>>
    tpu.enqueue_dma source(%dma_start3A_101 : memref<56x128xf32, #tpu.memory_space<vmem>>) target(%dma_start3A_98 : memref<56x128xf32, #tpu.memory_space<vmem_shared>>) target_semaphore(%arg17 : memref<!tpu.dma_semaphore, #tpu.memory_space<semaphore_mem>>)
    %dma_wait3A = arith.constant 0 : i32
    %dma_wait3A_102 = tpu.memref_slice %arg14[%mul3A_0, %dma_wait3A] : memref<10112x128xf32, #tpu.memory_space<vmem_shared>> -> memref<64x128xf32, #tpu.memory_space<vmem_shared>>
    %dma_wait3A_103 = arith.constant 0 : i32
    %dma_wait3A_104 = tpu.memref_slice %arg14[%mul3A_0, %dma_wait3A_103] : memref<10112x128xf32, #tpu.memory_space<vmem_shared>> -> memref<64x128xf32, #tpu.memory_space<vmem_shared>>
    tpu.wait_dma2 semaphore(%arg17 : memref<!tpu.dma_semaphore, #tpu.memory_space<semaphore_mem>>) src(%arg10 : memref<64x128xf32, #tpu.memory_space<vmem>>) dst(%dma_wait3A_104 : memref<64x128xf32, #tpu.memory_space<vmem_shared>>)
    %dma_wait3A_105 = arith.constant 0 : i32
    %dma_wait3A_106 = tpu.memref_slice %arg14[%mul3A_0, %dma_wait3A_105] : memref<10112x128xf32, #tpu.memory_space<vmem_shared>> -> memref<64x128xf32, #tpu.memory_space<vmem_shared>>
    %dma_wait3A_107 = arith.constant 0 : i32
    %dma_wait3A_108 = tpu.memref_slice %arg14[%mul3A_0, %dma_wait3A_107] : memref<10112x128xf32, #tpu.memory_space<vmem_shared>> -> memref<64x128xf32, #tpu.memory_space<vmem_shared>>
    tpu.wait_dma2 semaphore(%arg17 : memref<!tpu.dma_semaphore, #tpu.memory_space<semaphore_mem>>) src(%arg10 : memref<64x128xf32, #tpu.memory_space<vmem>>) dst(%dma_wait3A_108 : memref<64x128xf32, #tpu.memory_space<vmem_shared>>)
    %dma_wait3A_109 = arith.constant 0 : i32
    %dma_wait3A_110 = tpu.memref_slice %arg14[%mul3A_0, %dma_wait3A_109] : memref<10112x128xf32, #tpu.memory_space<vmem_shared>> -> memref<64x128xf32, #tpu.memory_space<vmem_shared>>
    %dma_wait3A_111 = arith.constant 0 : i32
    %dma_wait3A_112 = tpu.memref_slice %arg14[%mul3A_0, %dma_wait3A_111] : memref<10112x128xf32, #tpu.memory_space<vmem_shared>> -> memref<64x128xf32, #tpu.memory_space<vmem_shared>>
    tpu.wait_dma2 semaphore(%arg17 : memref<!tpu.dma_semaphore, #tpu.memory_space<semaphore_mem>>) src(%arg10 : memref<64x128xf32, #tpu.memory_space<vmem>>) dst(%dma_wait3A_112 : memref<64x128xf32, #tpu.memory_space<vmem_shared>>)
    %dma_wait3A_113 = arith.constant 0 : i32
    %dma_wait3A_114 = tpu.memref_slice %arg14[%mul3A_0, %dma_wait3A_113] : memref<10112x128xf32, #tpu.memory_space<vmem_shared>> -> memref<64x128xf32, #tpu.memory_space<vmem_shared>>
    %dma_wait3A_115 = arith.constant 0 : i32
    %dma_wait3A_116 = tpu.memref_slice %arg14[%mul3A_0, %dma_wait3A_115] : memref<10112x128xf32, #tpu.memory_space<vmem_shared>> -> memref<64x128xf32, #tpu.memory_space<vmem_shared>>
    tpu.wait_dma2 semaphore(%arg17 : memref<!tpu.dma_semaphore, #tpu.memory_space<semaphore_mem>>) src(%arg10 : memref<64x128xf32, #tpu.memory_space<vmem>>) dst(%dma_wait3A_116 : memref<64x128xf32, #tpu.memory_space<vmem_shared>>)
    %dma_wait3A_117 = arith.constant 0 : i32
    %dma_wait3A_118 = tpu.memref_slice %arg14[%mul3A_0, %dma_wait3A_117] : memref<10112x128xf32, #tpu.memory_space<vmem_shared>> -> memref<64x128xf32, #tpu.memory_space<vmem_shared>>
    %dma_wait3A_119 = arith.constant 0 : i32
    %dma_wait3A_120 = tpu.memref_slice %arg14[%mul3A_0, %dma_wait3A_119] : memref<10112x128xf32, #tpu.memory_space<vmem_shared>> -> memref<64x128xf32, #tpu.memory_space<vmem_shared>>
    tpu.wait_dma2 semaphore(%arg17 : memref<!tpu.dma_semaphore, #tpu.memory_space<semaphore_mem>>) src(%arg10 : memref<64x128xf32, #tpu.memory_space<vmem>>) dst(%dma_wait3A_120 : memref<64x128xf32, #tpu.memory_space<vmem_shared>>)
    %dma_wait3A_121 = arith.constant 0 : i32
    %dma_wait3A_122 = tpu.memref_slice %arg14[%mul3A_0, %dma_wait3A_121] : memref<10112x128xf32, #tpu.memory_space<vmem_shared>> -> memref<64x128xf32, #tpu.memory_space<vmem_shared>>
    %dma_wait3A_123 = arith.constant 0 : i32
    %dma_wait3A_124 = tpu.memref_slice %arg14[%mul3A_0, %dma_wait3A_123] : memref<10112x128xf32, #tpu.memory_space<vmem_shared>> -> memref<64x128xf32, #tpu.memory_space<vmem_shared>>
    tpu.wait_dma2 semaphore(%arg17 : memref<!tpu.dma_semaphore, #tpu.memory_space<semaphore_mem>>) src(%arg10 : memref<64x128xf32, #tpu.memory_space<vmem>>) dst(%dma_wait3A_124 : memref<64x128xf32, #tpu.memory_space<vmem_shared>>)
    %dma_wait3A_125 = arith.constant 0 : i32
    %dma_wait3A_126 = tpu.memref_slice %arg14[%mul3A_0, %dma_wait3A_125] : memref<10112x128xf32, #tpu.memory_space<vmem_shared>> -> memref<64x128xf32, #tpu.memory_space<vmem_shared>>
    %dma_wait3A_127 = arith.constant 0 : i32
    %dma_wait3A_128 = tpu.memref_slice %arg14[%mul3A_0, %dma_wait3A_127] : memref<10112x128xf32, #tpu.memory_space<vmem_shared>> -> memref<64x128xf32, #tpu.memory_space<vmem_shared>>
    tpu.wait_dma2 semaphore(%arg17 : memref<!tpu.dma_semaphore, #tpu.memory_space<semaphore_mem>>) src(%arg10 : memref<64x128xf32, #tpu.memory_space<vmem>>) dst(%dma_wait3A_128 : memref<64x128xf32, #tpu.memory_space<vmem_shared>>)
    %dma_wait3A_129 = arith.constant 0 : i32
    %dma_wait3A_130 = tpu.memref_slice %arg14[%mul3A_0, %dma_wait3A_129] : memref<10112x128xf32, #tpu.memory_space<vmem_shared>> -> memref<64x128xf32, #tpu.memory_space<vmem_shared>>
    %dma_wait3A_131 = arith.constant 0 : i32
    %dma_wait3A_132 = tpu.memref_slice %arg14[%mul3A_0, %dma_wait3A_131] : memref<10112x128xf32, #tpu.memory_space<vmem_shared>> -> memref<64x128xf32, #tpu.memory_space<vmem_shared>>
    tpu.wait_dma2 semaphore(%arg17 : memref<!tpu.dma_semaphore, #tpu.memory_space<semaphore_mem>>) src(%arg10 : memref<64x128xf32, #tpu.memory_space<vmem>>) dst(%dma_wait3A_132 : memref<64x128xf32, #tpu.memory_space<vmem_shared>>)
    %dma_wait3A_133 = arith.constant 0 : i32
    %dma_wait3A_134 = tpu.memref_slice %arg14[%mul3A_0, %dma_wait3A_133] : memref<10112x128xf32, #tpu.memory_space<vmem_shared>> -> memref<64x128xf32, #tpu.memory_space<vmem_shared>>
    %dma_wait3A_135 = arith.constant 0 : i32
    %dma_wait3A_136 = tpu.memref_slice %arg14[%mul3A_0, %dma_wait3A_135] : memref<10112x128xf32, #tpu.memory_space<vmem_shared>> -> memref<64x128xf32, #tpu.memory_space<vmem_shared>>
    tpu.wait_dma2 semaphore(%arg17 : memref<!tpu.dma_semaphore, #tpu.memory_space<semaphore_mem>>) src(%arg10 : memref<64x128xf32, #tpu.memory_space<vmem>>) dst(%dma_wait3A_136 : memref<64x128xf32, #tpu.memory_space<vmem_shared>>)
    %dma_wait3A_137 = arith.constant 0 : i32
    %dma_wait3A_138 = arith.constant 0 : i32
    %dma_wait3A_139 = tpu.memref_slice %arg10[%dma_wait3A_137, %dma_wait3A_138] : memref<64x128xf32, #tpu.memory_space<vmem>> -> memref<56x128xf32, #tpu.memory_space<vmem>>
    %dma_wait3A_140 = arith.constant 0 : i32
    %dma_wait3A_141 = tpu.memref_slice %arg14[%mul3A_0, %dma_wait3A_140] : memref<10112x128xf32, #tpu.memory_space<vmem_shared>> -> memref<56x128xf32, #tpu.memory_space<vmem_shared>>
    %dma_wait3A_142 = arith.constant 0 : i32
    %dma_wait3A_143 = tpu.memref_slice %arg14[%mul3A_0, %dma_wait3A_142] : memref<10112x128xf32, #tpu.memory_space<vmem_shared>> -> memref<56x128xf32, #tpu.memory_space<vmem_shared>>
    %dma_wait3A_144 = arith.constant 0 : i32
    %dma_wait3A_145 = arith.constant 0 : i32
    %dma_wait3A_146 = tpu.memref_slice %arg10[%dma_wait3A_144, %dma_wait3A_145] : memref<64x128xf32, #tpu.memory_space<vmem>> -> memref<56x128xf32, #tpu.memory_space<vmem>>
    tpu.wait_dma2 semaphore(%arg17 : memref<!tpu.dma_semaphore, #tpu.memory_space<semaphore_mem>>) src(%dma_wait3A_146 : memref<56x128xf32, #tpu.memory_space<vmem>>) dst(%dma_wait3A_143 : memref<56x128xf32, #tpu.memory_space<vmem_shared>>)
    %barrier3A = arith.constant 0 : index
    tpu.barrier barrier_id(%barrier3A)
    %dma_wait3A_147 = arith.constant 0 : i32
    %dma_wait3A_148 = tpu.memref_slice %arg3[%mul3A_4, %dma_wait3A_147] : memref<5120x64xi32, #tpu.memory_space<hbm>> -> memref<32x64xi32, #tpu.memory_space<hbm>>
    %dma_wait3A_149 = arith.constant 0 : i32
    %dma_wait3A_150 = tpu.memref_slice %arg3[%mul3A_4, %dma_wait3A_149] : memref<5120x64xi32, #tpu.memory_space<hbm>> -> memref<32x64xi32, #tpu.memory_space<hbm>>
    tpu.wait_dma2 semaphore(%arg15 : memref<!tpu.dma_semaphore, #tpu.memory_space<semaphore_mem>>) src(%dma_wait3A_150 : memref<32x64xi32, #tpu.memory_space<hbm>>) dst(%arg6 : memref<32x64xi32, #tpu.memory_space<vmem>>)
    %dma_wait3A_151 = arith.constant 0 : i32
    %dma_wait3A_152 = tpu.memref_slice %arg4[%mul3A_4, %dma_wait3A_151] : memref<5120x64xi32, #tpu.memory_space<hbm>> -> memref<32x64xi32, #tpu.memory_space<hbm>>
    %dma_wait3A_153 = arith.constant 0 : i32
    %dma_wait3A_154 = tpu.memref_slice %arg4[%mul3A_4, %dma_wait3A_153] : memref<5120x64xi32, #tpu.memory_space<hbm>> -> memref<32x64xi32, #tpu.memory_space<hbm>>
    tpu.wait_dma2 semaphore(%arg15 : memref<!tpu.dma_semaphore, #tpu.memory_space<semaphore_mem>>) src(%dma_wait3A_154 : memref<32x64xi32, #tpu.memory_space<hbm>>) dst(%arg8 : memref<32x64xi32, #tpu.memory_space<vmem>>)
    %sub3A_155 = arith.constant 0 : i32
    %sub3A_156 = arith.subi %min3A, %sub3A_155 : i32
    %jit3A_157 = arith.constant 0 : i32
    %jit3A_158 = arith.constant 32 : i32
    %max3A_159 = arith.maxsi %jit3A_157, %sub3A_156 : i32
    %min3A_160 = arith.minsi %jit3A_158, %max3A_159 : i32
    %gt3A = arith.constant 0 : i32
    %gt3A_161 = arith.cmpi sgt, %min3A_160, %gt3A : i32
    %convert_element_type3A = arith.extui %gt3A_161 : i1 to i32
    %cond3A = arith.constant 0 : i32
    %cond3A_162 = arith.cmpi ne, %convert_element_type3A, %cond3A : i32
    scf.if %cond3A_162 {
      %dma_start3A_384 = arith.constant 0 : i32
      %dma_start3A_385 = arith.constant 0 : i32
      %dma_start3A_386 = tpu.memref_slice %arg6[%dma_start3A_384, %dma_start3A_385] : memref<32x64xi32, #tpu.memory_space<vmem>> -> memref<1x64xi32, #tpu.memory_space<vmem>>
      %dma_start3A_387 = tpu.memref_squeeze %dma_start3A_386 : memref<1x64xi32, #tpu.memory_space<vmem>> -> memref<64xi32, #tpu.memory_space<vmem>>
      %dma_start3A_388 = arith.constant 0 : i32
      %dma_start3A_389 = arith.constant 0 : i32
      %dma_start3A_390 = tpu.memref_slice %arg2[%dma_start3A_388, %dma_start3A_389] : memref<10000x128xf32, #tpu.memory_space<hbm>> -> memref<10000x128xf32, #tpu.memory_space<hbm>>
      tpu.enqueue_indirect_dma source(%dma_start3A_390 : memref<10000x128xf32, #tpu.memory_space<hbm>>) target(%arg10 : memref<64x128xf32, #tpu.memory_space<vmem>>) offsets(%dma_start3A_387 : memref<64xi32, #tpu.memory_space<vmem>>) semaphore(%arg17 : memref<!tpu.dma_semaphore, #tpu.memory_space<semaphore_mem>>)
    } else {
    }
    %gt3A_163 = arith.constant 1 : i32
    %gt3A_164 = arith.cmpi sgt, %min3A_160, %gt3A_163 : i32
    %convert_element_type3A_165 = arith.extui %gt3A_164 : i1 to i32
    %cond3A_166 = arith.constant 0 : i32
    %cond3A_167 = arith.cmpi ne, %convert_element_type3A_165, %cond3A_166 : i32
    scf.if %cond3A_167 {
      %dma_start3A_384 = arith.constant 1 : i32
      %dma_start3A_385 = arith.constant 0 : i32
      %dma_start3A_386 = tpu.memref_slice %arg6[%dma_start3A_384, %dma_start3A_385] : memref<32x64xi32, #tpu.memory_space<vmem>> -> memref<1x64xi32, #tpu.memory_space<vmem>>
      %dma_start3A_387 = tpu.memref_squeeze %dma_start3A_386 : memref<1x64xi32, #tpu.memory_space<vmem>> -> memref<64xi32, #tpu.memory_space<vmem>>
      %dma_start3A_388 = arith.constant 0 : i32
      %dma_start3A_389 = arith.constant 0 : i32
      %dma_start3A_390 = tpu.memref_slice %arg2[%dma_start3A_388, %dma_start3A_389] : memref<10000x128xf32, #tpu.memory_space<hbm>> -> memref<10000x128xf32, #tpu.memory_space<hbm>>
      tpu.enqueue_indirect_dma source(%dma_start3A_390 : memref<10000x128xf32, #tpu.memory_space<hbm>>) target(%arg11 : memref<64x128xf32, #tpu.memory_space<vmem>>) offsets(%dma_start3A_387 : memref<64xi32, #tpu.memory_space<vmem>>) semaphore(%arg18 : memref<!tpu.dma_semaphore, #tpu.memory_space<semaphore_mem>>)
    } else {
    }
    %gt3A_168 = arith.constant 2 : i32
    %gt3A_169 = arith.cmpi sgt, %min3A_160, %gt3A_168 : i32
    %convert_element_type3A_170 = arith.extui %gt3A_169 : i1 to i32
    %cond3A_171 = arith.constant 0 : i32
    %cond3A_172 = arith.cmpi ne, %convert_element_type3A_170, %cond3A_171 : i32
    scf.if %cond3A_172 {
      %dma_start3A_384 = arith.constant 2 : i32
      %dma_start3A_385 = arith.constant 0 : i32
      %dma_start3A_386 = tpu.memref_slice %arg6[%dma_start3A_384, %dma_start3A_385] : memref<32x64xi32, #tpu.memory_space<vmem>> -> memref<1x64xi32, #tpu.memory_space<vmem>>
      %dma_start3A_387 = tpu.memref_squeeze %dma_start3A_386 : memref<1x64xi32, #tpu.memory_space<vmem>> -> memref<64xi32, #tpu.memory_space<vmem>>
      %dma_start3A_388 = arith.constant 0 : i32
      %dma_start3A_389 = arith.constant 0 : i32
      %dma_start3A_390 = tpu.memref_slice %arg2[%dma_start3A_388, %dma_start3A_389] : memref<10000x128xf32, #tpu.memory_space<hbm>> -> memref<10000x128xf32, #tpu.memory_space<hbm>>
      tpu.enqueue_indirect_dma source(%dma_start3A_390 : memref<10000x128xf32, #tpu.memory_space<hbm>>) target(%arg12 : memref<64x128xf32, #tpu.memory_space<vmem>>) offsets(%dma_start3A_387 : memref<64xi32, #tpu.memory_space<vmem>>) semaphore(%arg19 : memref<!tpu.dma_semaphore, #tpu.memory_space<semaphore_mem>>)
    } else {
    }
    %gt3A_173 = arith.constant 3 : i32
    %gt3A_174 = arith.cmpi sgt, %min3A_160, %gt3A_173 : i32
    %convert_element_type3A_175 = arith.extui %gt3A_174 : i1 to i32
    %cond3A_176 = arith.constant 0 : i32
    %cond3A_177 = arith.cmpi ne, %convert_element_type3A_175, %cond3A_176 : i32
    scf.if %cond3A_177 {
      %dma_start3A_384 = arith.constant 3 : i32
      %dma_start3A_385 = arith.constant 0 : i32
      %dma_start3A_386 = tpu.memref_slice %arg6[%dma_start3A_384, %dma_start3A_385] : memref<32x64xi32, #tpu.memory_space<vmem>> -> memref<1x64xi32, #tpu.memory_space<vmem>>
      %dma_start3A_387 = tpu.memref_squeeze %dma_start3A_386 : memref<1x64xi32, #tpu.memory_space<vmem>> -> memref<64xi32, #tpu.memory_space<vmem>>
      %dma_start3A_388 = arith.constant 0 : i32
      %dma_start3A_389 = arith.constant 0 : i32
      %dma_start3A_390 = tpu.memref_slice %arg2[%dma_start3A_388, %dma_start3A_389] : memref<10000x128xf32, #tpu.memory_space<hbm>> -> memref<10000x128xf32, #tpu.memory_space<hbm>>
      tpu.enqueue_indirect_dma source(%dma_start3A_390 : memref<10000x128xf32, #tpu.memory_space<hbm>>) target(%arg13 : memref<64x128xf32, #tpu.memory_space<vmem>>) offsets(%dma_start3A_387 : memref<64xi32, #tpu.memory_space<vmem>>) semaphore(%arg20 : memref<!tpu.dma_semaphore, #tpu.memory_space<semaphore_mem>>)
    } else {
    }
    %scan3A_178 = arith.constant 0 : i32
    %scan3A_179 = arith.constant 0 : i32
    %scan3A_180 = arith.constant 8 : i32
    %scan3A_181 = arith.addi %scan3A_179, %scan3A_180 : i32
    %scan3A_182 = arith.constant 1 : i32
    scf.for %scan3A_384 = %scan3A_179 to %scan3A_181 step %scan3A_182  : i32 {
      %mul3A_385 = arith.constant 4 : i32
      %mul3A_386 = arith.muli %scan3A_384, %mul3A_385 : i32
      %add3A_387 = arith.constant 0 : i32
      %add3A_388 = arith.addi %mul3A_386, %add3A_387 : i32
      %lt3A = arith.cmpi slt, %add3A_388, %min3A_160 : i32
      %convert_element_type3A_389 = arith.extui %lt3A : i1 to i32
      %cond3A_390 = arith.constant 0 : i32
      %cond3A_391 = arith.cmpi ne, %convert_element_type3A_389, %cond3A_390 : i32
      scf.if %cond3A_391 {
        %dma_wait3A_416 = arith.constant 0 : i32
        %dma_wait3A_417 = tpu.memref_slice %arg6[%add3A_388, %dma_wait3A_416] : memref<32x64xi32, #tpu.memory_space<vmem>> -> memref<1x64xi32, #tpu.memory_space<vmem>>
        %dma_wait3A_418 = tpu.memref_squeeze %dma_wait3A_417 : memref<1x64xi32, #tpu.memory_space<vmem>> -> memref<64xi32, #tpu.memory_space<vmem>>
        %dma_wait3A_419 = arith.constant 0 : i32
        %dma_wait3A_420 = arith.constant 0 : i32
        %dma_wait3A_421 = tpu.memref_slice %arg2[%dma_wait3A_419, %dma_wait3A_420] : memref<10000x128xf32, #tpu.memory_space<hbm>> -> memref<10000x128xf32, #tpu.memory_space<hbm>>
        tpu.wait_indirect_dma semaphore(%arg17 : memref<!tpu.dma_semaphore, #tpu.memory_space<semaphore_mem>>) src(%dma_wait3A_421 : memref<10000x128xf32, #tpu.memory_space<hbm>>) dst(%arg10 : memref<64x128xf32, #tpu.memory_space<vmem>>)
        "tpu.region"() ({
          %run_scoped3A = tpu.sem_alloc : memref<!tpu.dma_semaphore, #tpu.memory_space<semaphore_mem>>
          %dma_start3A_428 = arith.constant 0 : i32
          %dma_start3A_429 = tpu.memref_slice %arg8[%add3A_388, %dma_start3A_428] : memref<32x64xi32, #tpu.memory_space<vmem>> -> memref<1x64xi32, #tpu.memory_space<vmem>>
          %dma_start3A_430 = tpu.memref_squeeze %dma_start3A_429 : memref<1x64xi32, #tpu.memory_space<vmem>> -> memref<64xi32, #tpu.memory_space<vmem>>
          %dma_start3A_431 = arith.constant 0 : i32
          %dma_start3A_432 = arith.constant 0 : i32
          %dma_start3A_433 = tpu.memref_slice %arg14[%dma_start3A_431, %dma_start3A_432] : memref<10112x128xf32, #tpu.memory_space<vmem_shared>> -> memref<10112x128xf32, #tpu.memory_space<vmem_shared>>
          tpu.enqueue_indirect_dma source(%arg10 : memref<64x128xf32, #tpu.memory_space<vmem>>) target(%dma_start3A_433 : memref<10112x128xf32, #tpu.memory_space<vmem_shared>>) offsets(%dma_start3A_430 : memref<64xi32, #tpu.memory_space<vmem>>) semaphore(%run_scoped3A : memref<!tpu.dma_semaphore, #tpu.memory_space<semaphore_mem>>) {add = true}
          %dma_wait3A_434 = arith.constant 0 : i32
          %dma_wait3A_435 = tpu.memref_slice %arg8[%add3A_388, %dma_wait3A_434] : memref<32x64xi32, #tpu.memory_space<vmem>> -> memref<1x64xi32, #tpu.memory_space<vmem>>
          %dma_wait3A_436 = tpu.memref_squeeze %dma_wait3A_435 : memref<1x64xi32, #tpu.memory_space<vmem>> -> memref<64xi32, #tpu.memory_space<vmem>>
          %dma_wait3A_437 = arith.constant 0 : i32
          %dma_wait3A_438 = arith.constant 0 : i32
          %dma_wait3A_439 = tpu.memref_slice %arg14[%dma_wait3A_437, %dma_wait3A_438] : memref<10112x128xf32, #tpu.memory_space<vmem_shared>> -> memref<10112x128xf32, #tpu.memory_space<vmem_shared>>
          tpu.wait_indirect_dma semaphore(%run_scoped3A : memref<!tpu.dma_semaphore, #tpu.memory_space<semaphore_mem>>) src(%arg10 : memref<64x128xf32, #tpu.memory_space<vmem>>) dst(%dma_wait3A_439 : memref<10112x128xf32, #tpu.memory_space<vmem_shared>>)
          tpu.yield
        }) : () -> ()
        %add3A_422 = arith.constant 4 : i32
        %add3A_423 = arith.addi %add3A_388, %add3A_422 : i32
        %lt3A_424 = arith.cmpi slt, %add3A_423, %min3A_160 : i32
        %convert_element_type3A_425 = arith.extui %lt3A_424 : i1 to i32
        %cond3A_426 = arith.constant 0 : i32
        %cond3A_427 = arith.cmpi ne, %convert_element_type3A_425, %cond3A_426 : i32
        scf.if %cond3A_427 {
          %add3A_428 = arith.constant 4 : i32
          %add3A_429 = arith.addi %add3A_388, %add3A_428 : i32
          %dma_start3A_430 = arith.constant 0 : i32
          %dma_start3A_431 = tpu.memref_slice %arg6[%add3A_429, %dma_start3A_430] : memref<32x64xi32, #tpu.memory_space<vmem>> -> memref<1x64xi32, #tpu.memory_space<vmem>>
          %dma_start3A_432 = tpu.memref_squeeze %dma_start3A_431 : memref<1x64xi32, #tpu.memory_space<vmem>> -> memref<64xi32, #tpu.memory_space<vmem>>
          %dma_start3A_433 = arith.constant 0 : i32
          %dma_start3A_434 = arith.constant 0 : i32
          %dma_start3A_435 = tpu.memref_slice %arg2[%dma_start3A_433, %dma_start3A_434] : memref<10000x128xf32, #tpu.memory_space<hbm>> -> memref<10000x128xf32, #tpu.memory_space<hbm>>
          tpu.enqueue_indirect_dma source(%dma_start3A_435 : memref<10000x128xf32, #tpu.memory_space<hbm>>) target(%arg10 : memref<64x128xf32, #tpu.memory_space<vmem>>) offsets(%dma_start3A_432 : memref<64xi32, #tpu.memory_space<vmem>>) semaphore(%arg17 : memref<!tpu.dma_semaphore, #tpu.memory_space<semaphore_mem>>)
        } else {
        }
      } else {
      }
      %mul3A_392 = arith.constant 4 : i32
      %mul3A_393 = arith.muli %scan3A_384, %mul3A_392 : i32
      %add3A_394 = arith.constant 1 : i32
      %add3A_395 = arith.addi %mul3A_393, %add3A_394 : i32
      %lt3A_396 = arith.cmpi slt, %add3A_395, %min3A_160 : i32
      %convert_element_type3A_397 = arith.extui %lt3A_396 : i1 to i32
      %cond3A_398 = arith.constant 0 : i32
      %cond3A_399 = arith.cmpi ne, %convert_element_type3A_397, %cond3A_398 : i32
      scf.if %cond3A_399 {
        %dma_wait3A_416 = arith.constant 0 : i32
        %dma_wait3A_417 = tpu.memref_slice %arg6[%add3A_395, %dma_wait3A_416] : memref<32x64xi32, #tpu.memory_space<vmem>> -> memref<1x64xi32, #tpu.memory_space<vmem>>
        %dma_wait3A_418 = tpu.memref_squeeze %dma_wait3A_417 : memref<1x64xi32, #tpu.memory_space<vmem>> -> memref<64xi32, #tpu.memory_space<vmem>>
        %dma_wait3A_419 = arith.constant 0 : i32
        %dma_wait3A_420 = arith.constant 0 : i32
        %dma_wait3A_421 = tpu.memref_slice %arg2[%dma_wait3A_419, %dma_wait3A_420] : memref<10000x128xf32, #tpu.memory_space<hbm>> -> memref<10000x128xf32, #tpu.memory_space<hbm>>
        tpu.wait_indirect_dma semaphore(%arg18 : memref<!tpu.dma_semaphore, #tpu.memory_space<semaphore_mem>>) src(%dma_wait3A_421 : memref<10000x128xf32, #tpu.memory_space<hbm>>) dst(%arg11 : memref<64x128xf32, #tpu.memory_space<vmem>>)
        "tpu.region"() ({
          %run_scoped3A = tpu.sem_alloc : memref<!tpu.dma_semaphore, #tpu.memory_space<semaphore_mem>>
          %dma_start3A_428 = arith.constant 0 : i32
          %dma_start3A_429 = tpu.memref_slice %arg8[%add3A_395, %dma_start3A_428] : memref<32x64xi32, #tpu.memory_space<vmem>> -> memref<1x64xi32, #tpu.memory_space<vmem>>
          %dma_start3A_430 = tpu.memref_squeeze %dma_start3A_429 : memref<1x64xi32, #tpu.memory_space<vmem>> -> memref<64xi32, #tpu.memory_space<vmem>>
          %dma_start3A_431 = arith.constant 0 : i32
          %dma_start3A_432 = arith.constant 0 : i32
          %dma_start3A_433 = tpu.memref_slice %arg14[%dma_start3A_431, %dma_start3A_432] : memref<10112x128xf32, #tpu.memory_space<vmem_shared>> -> memref<10112x128xf32, #tpu.memory_space<vmem_shared>>
          tpu.enqueue_indirect_dma source(%arg11 : memref<64x128xf32, #tpu.memory_space<vmem>>) target(%dma_start3A_433 : memref<10112x128xf32, #tpu.memory_space<vmem_shared>>) offsets(%dma_start3A_430 : memref<64xi32, #tpu.memory_space<vmem>>) semaphore(%run_scoped3A : memref<!tpu.dma_semaphore, #tpu.memory_space<semaphore_mem>>) {add = true}
          %dma_wait3A_434 = arith.constant 0 : i32
          %dma_wait3A_435 = tpu.memref_slice %arg8[%add3A_395, %dma_wait3A_434] : memref<32x64xi32, #tpu.memory_space<vmem>> -> memref<1x64xi32, #tpu.memory_space<vmem>>
          %dma_wait3A_436 = tpu.memref_squeeze %dma_wait3A_435 : memref<1x64xi32, #tpu.memory_space<vmem>> -> memref<64xi32, #tpu.memory_space<vmem>>
          %dma_wait3A_437 = arith.constant 0 : i32
          %dma_wait3A_438 = arith.constant 0 : i32
          %dma_wait3A_439 = tpu.memref_slice %arg14[%dma_wait3A_437, %dma_wait3A_438] : memref<10112x128xf32, #tpu.memory_space<vmem_shared>> -> memref<10112x128xf32, #tpu.memory_space<vmem_shared>>
          tpu.wait_indirect_dma semaphore(%run_scoped3A : memref<!tpu.dma_semaphore, #tpu.memory_space<semaphore_mem>>) src(%arg11 : memref<64x128xf32, #tpu.memory_space<vmem>>) dst(%dma_wait3A_439 : memref<10112x128xf32, #tpu.memory_space<vmem_shared>>)
          tpu.yield
        }) : () -> ()
        %add3A_422 = arith.constant 4 : i32
        %add3A_423 = arith.addi %add3A_395, %add3A_422 : i32
        %lt3A_424 = arith.cmpi slt, %add3A_423, %min3A_160 : i32
        %convert_element_type3A_425 = arith.extui %lt3A_424 : i1 to i32
        %cond3A_426 = arith.constant 0 : i32
        %cond3A_427 = arith.cmpi ne, %convert_element_type3A_425, %cond3A_426 : i32
        scf.if %cond3A_427 {
          %add3A_428 = arith.constant 4 : i32
          %add3A_429 = arith.addi %add3A_395, %add3A_428 : i32
          %dma_start3A_430 = arith.constant 0 : i32
          %dma_start3A_431 = tpu.memref_slice %arg6[%add3A_429, %dma_start3A_430] : memref<32x64xi32, #tpu.memory_space<vmem>> -> memref<1x64xi32, #tpu.memory_space<vmem>>
          %dma_start3A_432 = tpu.memref_squeeze %dma_start3A_431 : memref<1x64xi32, #tpu.memory_space<vmem>> -> memref<64xi32, #tpu.memory_space<vmem>>
          %dma_start3A_433 = arith.constant 0 : i32
          %dma_start3A_434 = arith.constant 0 : i32
          %dma_start3A_435 = tpu.memref_slice %arg2[%dma_start3A_433, %dma_start3A_434] : memref<10000x128xf32, #tpu.memory_space<hbm>> -> memref<10000x128xf32, #tpu.memory_space<hbm>>
          tpu.enqueue_indirect_dma source(%dma_start3A_435 : memref<10000x128xf32, #tpu.memory_space<hbm>>) target(%arg11 : memref<64x128xf32, #tpu.memory_space<vmem>>) offsets(%dma_start3A_432 : memref<64xi32, #tpu.memory_space<vmem>>) semaphore(%arg18 : memref<!tpu.dma_semaphore, #tpu.memory_space<semaphore_mem>>)
        } else {
        }
      } else {
      }
      %mul3A_400 = arith.constant 4 : i32
      %mul3A_401 = arith.muli %scan3A_384, %mul3A_400 : i32
      %add3A_402 = arith.constant 2 : i32
      %add3A_403 = arith.addi %mul3A_401, %add3A_402 : i32
      %lt3A_404 = arith.cmpi slt, %add3A_403, %min3A_160 : i32
      %convert_element_type3A_405 = arith.extui %lt3A_404 : i1 to i32
      %cond3A_406 = arith.constant 0 : i32
      %cond3A_407 = arith.cmpi ne, %convert_element_type3A_405, %cond3A_406 : i32
      scf.if %cond3A_407 {
        %dma_wait3A_416 = arith.constant 0 : i32
        %dma_wait3A_417 = tpu.memref_slice %arg6[%add3A_403, %dma_wait3A_416] : memref<32x64xi32, #tpu.memory_space<vmem>> -> memref<1x64xi32, #tpu.memory_space<vmem>>
        %dma_wait3A_418 = tpu.memref_squeeze %dma_wait3A_417 : memref<1x64xi32, #tpu.memory_space<vmem>> -> memref<64xi32, #tpu.memory_space<vmem>>
        %dma_wait3A_419 = arith.constant 0 : i32
        %dma_wait3A_420 = arith.constant 0 : i32
        %dma_wait3A_421 = tpu.memref_slice %arg2[%dma_wait3A_419, %dma_wait3A_420] : memref<10000x128xf32, #tpu.memory_space<hbm>> -> memref<10000x128xf32, #tpu.memory_space<hbm>>
        tpu.wait_indirect_dma semaphore(%arg19 : memref<!tpu.dma_semaphore, #tpu.memory_space<semaphore_mem>>) src(%dma_wait3A_421 : memref<10000x128xf32, #tpu.memory_space<hbm>>) dst(%arg12 : memref<64x128xf32, #tpu.memory_space<vmem>>)
        "tpu.region"() ({
          %run_scoped3A = tpu.sem_alloc : memref<!tpu.dma_semaphore, #tpu.memory_space<semaphore_mem>>
          %dma_start3A_428 = arith.constant 0 : i32
          %dma_start3A_429 = tpu.memref_slice %arg8[%add3A_403, %dma_start3A_428] : memref<32x64xi32, #tpu.memory_space<vmem>> -> memref<1x64xi32, #tpu.memory_space<vmem>>
          %dma_start3A_430 = tpu.memref_squeeze %dma_start3A_429 : memref<1x64xi32, #tpu.memory_space<vmem>> -> memref<64xi32, #tpu.memory_space<vmem>>
          %dma_start3A_431 = arith.constant 0 : i32
          %dma_start3A_432 = arith.constant 0 : i32
          %dma_start3A_433 = tpu.memref_slice %arg14[%dma_start3A_431, %dma_start3A_432] : memref<10112x128xf32, #tpu.memory_space<vmem_shared>> -> memref<10112x128xf32, #tpu.memory_space<vmem_shared>>
          tpu.enqueue_indirect_dma source(%arg12 : memref<64x128xf32, #tpu.memory_space<vmem>>) target(%dma_start3A_433 : memref<10112x128xf32, #tpu.memory_space<vmem_shared>>) offsets(%dma_start3A_430 : memref<64xi32, #tpu.memory_space<vmem>>) semaphore(%run_scoped3A : memref<!tpu.dma_semaphore, #tpu.memory_space<semaphore_mem>>) {add = true}
          %dma_wait3A_434 = arith.constant 0 : i32
          %dma_wait3A_435 = tpu.memref_slice %arg8[%add3A_403, %dma_wait3A_434] : memref<32x64xi32, #tpu.memory_space<vmem>> -> memref<1x64xi32, #tpu.memory_space<vmem>>
          %dma_wait3A_436 = tpu.memref_squeeze %dma_wait3A_435 : memref<1x64xi32, #tpu.memory_space<vmem>> -> memref<64xi32, #tpu.memory_space<vmem>>
          %dma_wait3A_437 = arith.constant 0 : i32
          %dma_wait3A_438 = arith.constant 0 : i32
          %dma_wait3A_439 = tpu.memref_slice %arg14[%dma_wait3A_437, %dma_wait3A_438] : memref<10112x128xf32, #tpu.memory_space<vmem_shared>> -> memref<10112x128xf32, #tpu.memory_space<vmem_shared>>
          tpu.wait_indirect_dma semaphore(%run_scoped3A : memref<!tpu.dma_semaphore, #tpu.memory_space<semaphore_mem>>) src(%arg12 : memref<64x128xf32, #tpu.memory_space<vmem>>) dst(%dma_wait3A_439 : memref<10112x128xf32, #tpu.memory_space<vmem_shared>>)
          tpu.yield
        }) : () -> ()
        %add3A_422 = arith.constant 4 : i32
        %add3A_423 = arith.addi %add3A_403, %add3A_422 : i32
        %lt3A_424 = arith.cmpi slt, %add3A_423, %min3A_160 : i32
        %convert_element_type3A_425 = arith.extui %lt3A_424 : i1 to i32
        %cond3A_426 = arith.constant 0 : i32
        %cond3A_427 = arith.cmpi ne, %convert_element_type3A_425, %cond3A_426 : i32
        scf.if %cond3A_427 {
          %add3A_428 = arith.constant 4 : i32
          %add3A_429 = arith.addi %add3A_403, %add3A_428 : i32
          %dma_start3A_430 = arith.constant 0 : i32
          %dma_start3A_431 = tpu.memref_slice %arg6[%add3A_429, %dma_start3A_430] : memref<32x64xi32, #tpu.memory_space<vmem>> -> memref<1x64xi32, #tpu.memory_space<vmem>>
          %dma_start3A_432 = tpu.memref_squeeze %dma_start3A_431 : memref<1x64xi32, #tpu.memory_space<vmem>> -> memref<64xi32, #tpu.memory_space<vmem>>
          %dma_start3A_433 = arith.constant 0 : i32
          %dma_start3A_434 = arith.constant 0 : i32
          %dma_start3A_435 = tpu.memref_slice %arg2[%dma_start3A_433, %dma_start3A_434] : memref<10000x128xf32, #tpu.memory_space<hbm>> -> memref<10000x128xf32, #tpu.memory_space<hbm>>
          tpu.enqueue_indirect_dma source(%dma_start3A_435 : memref<10000x128xf32, #tpu.memory_space<hbm>>) target(%arg12 : memref<64x128xf32, #tpu.memory_space<vmem>>) offsets(%dma_start3A_432 : memref<64xi32, #tpu.memory_space<vmem>>) semaphore(%arg19 : memref<!tpu.dma_semaphore, #tpu.memory_space<semaphore_mem>>)
        } else {
        }
      } else {
      }
      %mul3A_408 = arith.constant 4 : i32
      %mul3A_409 = arith.muli %scan3A_384, %mul3A_408 : i32
      %add3A_410 = arith.constant 3 : i32
      %add3A_411 = arith.addi %mul3A_409, %add3A_410 : i32
      %lt3A_412 = arith.cmpi slt, %add3A_411, %min3A_160 : i32
      %convert_element_type3A_413 = arith.extui %lt3A_412 : i1 to i32
      %cond3A_414 = arith.constant 0 : i32
      %cond3A_415 = arith.cmpi ne, %convert_element_type3A_413, %cond3A_414 : i32
      scf.if %cond3A_415 {
        %dma_wait3A_416 = arith.constant 0 : i32
        %dma_wait3A_417 = tpu.memref_slice %arg6[%add3A_411, %dma_wait3A_416] : memref<32x64xi32, #tpu.memory_space<vmem>> -> memref<1x64xi32, #tpu.memory_space<vmem>>
        %dma_wait3A_418 = tpu.memref_squeeze %dma_wait3A_417 : memref<1x64xi32, #tpu.memory_space<vmem>> -> memref<64xi32, #tpu.memory_space<vmem>>
        %dma_wait3A_419 = arith.constant 0 : i32
        %dma_wait3A_420 = arith.constant 0 : i32
        %dma_wait3A_421 = tpu.memref_slice %arg2[%dma_wait3A_419, %dma_wait3A_420] : memref<10000x128xf32, #tpu.memory_space<hbm>> -> memref<10000x128xf32, #tpu.memory_space<hbm>>
        tpu.wait_indirect_dma semaphore(%arg20 : memref<!tpu.dma_semaphore, #tpu.memory_space<semaphore_mem>>) src(%dma_wait3A_421 : memref<10000x128xf32, #tpu.memory_space<hbm>>) dst(%arg13 : memref<64x128xf32, #tpu.memory_space<vmem>>)
        "tpu.region"() ({
          %run_scoped3A = tpu.sem_alloc : memref<!tpu.dma_semaphore, #tpu.memory_space<semaphore_mem>>
          %dma_start3A_428 = arith.constant 0 : i32
          %dma_start3A_429 = tpu.memref_slice %arg8[%add3A_411, %dma_start3A_428] : memref<32x64xi32, #tpu.memory_space<vmem>> -> memref<1x64xi32, #tpu.memory_space<vmem>>
          %dma_start3A_430 = tpu.memref_squeeze %dma_start3A_429 : memref<1x64xi32, #tpu.memory_space<vmem>> -> memref<64xi32, #tpu.memory_space<vmem>>
          %dma_start3A_431 = arith.constant 0 : i32
          %dma_start3A_432 = arith.constant 0 : i32
          %dma_start3A_433 = tpu.memref_slice %arg14[%dma_start3A_431, %dma_start3A_432] : memref<10112x128xf32, #tpu.memory_space<vmem_shared>> -> memref<10112x128xf32, #tpu.memory_space<vmem_shared>>
          tpu.enqueue_indirect_dma source(%arg13 : memref<64x128xf32, #tpu.memory_space<vmem>>) target(%dma_start3A_433 : memref<10112x128xf32, #tpu.memory_space<vmem_shared>>) offsets(%dma_start3A_430 : memref<64xi32, #tpu.memory_space<vmem>>) semaphore(%run_scoped3A : memref<!tpu.dma_semaphore, #tpu.memory_space<semaphore_mem>>) {add = true}
          %dma_wait3A_434 = arith.constant 0 : i32
          %dma_wait3A_435 = tpu.memref_slice %arg8[%add3A_411, %dma_wait3A_434] : memref<32x64xi32, #tpu.memory_space<vmem>> -> memref<1x64xi32, #tpu.memory_space<vmem>>
          %dma_wait3A_436 = tpu.memref_squeeze %dma_wait3A_435 : memref<1x64xi32, #tpu.memory_space<vmem>> -> memref<64xi32, #tpu.memory_space<vmem>>
          %dma_wait3A_437 = arith.constant 0 : i32
          %dma_wait3A_438 = arith.constant 0 : i32
          %dma_wait3A_439 = tpu.memref_slice %arg14[%dma_wait3A_437, %dma_wait3A_438] : memref<10112x128xf32, #tpu.memory_space<vmem_shared>> -> memref<10112x128xf32, #tpu.memory_space<vmem_shared>>
          tpu.wait_indirect_dma semaphore(%run_scoped3A : memref<!tpu.dma_semaphore, #tpu.memory_space<semaphore_mem>>) src(%arg13 : memref<64x128xf32, #tpu.memory_space<vmem>>) dst(%dma_wait3A_439 : memref<10112x128xf32, #tpu.memory_space<vmem_shared>>)
          tpu.yield
        }) : () -> ()
        %add3A_422 = arith.constant 4 : i32
        %add3A_423 = arith.addi %add3A_411, %add3A_422 : i32
        %lt3A_424 = arith.cmpi slt, %add3A_423, %min3A_160 : i32
        %convert_element_type3A_425 = arith.extui %lt3A_424 : i1 to i32
        %cond3A_426 = arith.constant 0 : i32
        %cond3A_427 = arith.cmpi ne, %convert_element_type3A_425, %cond3A_426 : i32
        scf.if %cond3A_427 {
          %add3A_428 = arith.constant 4 : i32
          %add3A_429 = arith.addi %add3A_411, %add3A_428 : i32
          %dma_start3A_430 = arith.constant 0 : i32
          %dma_start3A_431 = tpu.memref_slice %arg6[%add3A_429, %dma_start3A_430] : memref<32x64xi32, #tpu.memory_space<vmem>> -> memref<1x64xi32, #tpu.memory_space<vmem>>
          %dma_start3A_432 = tpu.memref_squeeze %dma_start3A_431 : memref<1x64xi32, #tpu.memory_space<vmem>> -> memref<64xi32, #tpu.memory_space<vmem>>
          %dma_start3A_433 = arith.constant 0 : i32
          %dma_start3A_434 = arith.constant 0 : i32
          %dma_start3A_435 = tpu.memref_slice %arg2[%dma_start3A_433, %dma_start3A_434] : memref<10000x128xf32, #tpu.memory_space<hbm>> -> memref<10000x128xf32, #tpu.memory_space<hbm>>
          tpu.enqueue_indirect_dma source(%dma_start3A_435 : memref<10000x128xf32, #tpu.memory_space<hbm>>) target(%arg13 : memref<64x128xf32, #tpu.memory_space<vmem>>) offsets(%dma_start3A_432 : memref<64xi32, #tpu.memory_space<vmem>>) semaphore(%arg20 : memref<!tpu.dma_semaphore, #tpu.memory_space<semaphore_mem>>)
        } else {
        }
      } else {
      }
    }
    %scan3A_183 = arith.constant 8 : i32
    %add3A_184 = arith.constant 64 : i32
    %add3A_185 = arith.addi %mul3A_4, %add3A_184 : i32
    %dma_start3A_186 = arith.constant 0 : i32
    %dma_start3A_187 = tpu.memref_slice %arg3[%add3A_185, %dma_start3A_186] : memref<5120x64xi32, #tpu.memory_space<hbm>> -> memref<32x64xi32, #tpu.memory_space<hbm>>
    %dma_start3A_188 = arith.constant 0 : i32
    %dma_start3A_189 = tpu.memref_slice %arg3[%add3A_185, %dma_start3A_188] : memref<5120x64xi32, #tpu.memory_space<hbm>> -> memref<32x64xi32, #tpu.memory_space<hbm>>
    tpu.enqueue_dma source(%dma_start3A_189 : memref<32x64xi32, #tpu.memory_space<hbm>>) target(%arg6 : memref<32x64xi32, #tpu.memory_space<vmem>>) target_semaphore(%arg15 : memref<!tpu.dma_semaphore, #tpu.memory_space<semaphore_mem>>)
    %add3A_190 = arith.constant 64 : i32
    %add3A_191 = arith.addi %mul3A_4, %add3A_190 : i32
    %dma_start3A_192 = arith.constant 0 : i32
    %dma_start3A_193 = tpu.memref_slice %arg4[%add3A_191, %dma_start3A_192] : memref<5120x64xi32, #tpu.memory_space<hbm>> -> memref<32x64xi32, #tpu.memory_space<hbm>>
    %dma_start3A_194 = arith.constant 0 : i32
    %dma_start3A_195 = tpu.memref_slice %arg4[%add3A_191, %dma_start3A_194] : memref<5120x64xi32, #tpu.memory_space<hbm>> -> memref<32x64xi32, #tpu.memory_space<hbm>>
    tpu.enqueue_dma source(%dma_start3A_195 : memref<32x64xi32, #tpu.memory_space<hbm>>) target(%arg8 : memref<32x64xi32, #tpu.memory_space<vmem>>) target_semaphore(%arg15 : memref<!tpu.dma_semaphore, #tpu.memory_space<semaphore_mem>>)
    %dma_wait3A_196 = arith.constant 0 : i32
    %dma_wait3A_197 = tpu.memref_slice %arg3[%mul3A_4, %dma_wait3A_196] : memref<5120x64xi32, #tpu.memory_space<hbm>> -> memref<32x64xi32, #tpu.memory_space<hbm>>
    %dma_wait3A_198 = arith.constant 0 : i32
    %dma_wait3A_199 = tpu.memref_slice %arg3[%mul3A_4, %dma_wait3A_198] : memref<5120x64xi32, #tpu.memory_space<hbm>> -> memref<32x64xi32, #tpu.memory_space<hbm>>
    tpu.wait_dma2 semaphore(%arg16 : memref<!tpu.dma_semaphore, #tpu.memory_space<semaphore_mem>>) src(%dma_wait3A_199 : memref<32x64xi32, #tpu.memory_space<hbm>>) dst(%arg7 : memref<32x64xi32, #tpu.memory_space<vmem>>)
    %dma_wait3A_200 = arith.constant 0 : i32
    %dma_wait3A_201 = tpu.memref_slice %arg4[%mul3A_4, %dma_wait3A_200] : memref<5120x64xi32, #tpu.memory_space<hbm>> -> memref<32x64xi32, #tpu.memory_space<hbm>>
    %dma_wait3A_202 = arith.constant 0 : i32
    %dma_wait3A_203 = tpu.memref_slice %arg4[%mul3A_4, %dma_wait3A_202] : memref<5120x64xi32, #tpu.memory_space<hbm>> -> memref<32x64xi32, #tpu.memory_space<hbm>>
    tpu.wait_dma2 semaphore(%arg16 : memref<!tpu.dma_semaphore, #tpu.memory_space<semaphore_mem>>) src(%dma_wait3A_203 : memref<32x64xi32, #tpu.memory_space<hbm>>) dst(%arg9 : memref<32x64xi32, #tpu.memory_space<vmem>>)
    %sub3A_204 = arith.constant 32 : i32
    %sub3A_205 = arith.subi %min3A, %sub3A_204 : i32
    %jit3A_206 = arith.constant 0 : i32
    %jit3A_207 = arith.constant 32 : i32
    %max3A_208 = arith.maxsi %jit3A_206, %sub3A_205 : i32
    %min3A_209 = arith.minsi %jit3A_207, %max3A_208 : i32
    %gt3A_210 = arith.constant 0 : i32
    %gt3A_211 = arith.cmpi sgt, %min3A_209, %gt3A_210 : i32
    %convert_element_type3A_212 = arith.extui %gt3A_211 : i1 to i32
    %cond3A_213 = arith.constant 0 : i32
    %cond3A_214 = arith.cmpi ne, %convert_element_type3A_212, %cond3A_213 : i32
    scf.if %cond3A_214 {
      %dma_start3A_384 = arith.constant 0 : i32
      %dma_start3A_385 = arith.constant 0 : i32
      %dma_start3A_386 = tpu.memref_slice %arg7[%dma_start3A_384, %dma_start3A_385] : memref<32x64xi32, #tpu.memory_space<vmem>> -> memref<1x64xi32, #tpu.memory_space<vmem>>
      %dma_start3A_387 = tpu.memref_squeeze %dma_start3A_386 : memref<1x64xi32, #tpu.memory_space<vmem>> -> memref<64xi32, #tpu.memory_space<vmem>>
      %dma_start3A_388 = arith.constant 0 : i32
      %dma_start3A_389 = arith.constant 0 : i32
      %dma_start3A_390 = tpu.memref_slice %arg2[%dma_start3A_388, %dma_start3A_389] : memref<10000x128xf32, #tpu.memory_space<hbm>> -> memref<10000x128xf32, #tpu.memory_space<hbm>>
      tpu.enqueue_indirect_dma source(%dma_start3A_390 : memref<10000x128xf32, #tpu.memory_space<hbm>>) target(%arg10 : memref<64x128xf32, #tpu.memory_space<vmem>>) offsets(%dma_start3A_387 : memref<64xi32, #tpu.memory_space<vmem>>) semaphore(%arg17 : memref<!tpu.dma_semaphore, #tpu.memory_space<semaphore_mem>>)
    } else {
    }
    %gt3A_215 = arith.constant 1 : i32
    %gt3A_216 = arith.cmpi sgt, %min3A_209, %gt3A_215 : i32
    %convert_element_type3A_217 = arith.extui %gt3A_216 : i1 to i32
    %cond3A_218 = arith.constant 0 : i32
    %cond3A_219 = arith.cmpi ne, %convert_element_type3A_217, %cond3A_218 : i32
    scf.if %cond3A_219 {
      %dma_start3A_384 = arith.constant 1 : i32
      %dma_start3A_385 = arith.constant 0 : i32
      %dma_start3A_386 = tpu.memref_slice %arg7[%dma_start3A_384, %dma_start3A_385] : memref<32x64xi32, #tpu.memory_space<vmem>> -> memref<1x64xi32, #tpu.memory_space<vmem>>
      %dma_start3A_387 = tpu.memref_squeeze %dma_start3A_386 : memref<1x64xi32, #tpu.memory_space<vmem>> -> memref<64xi32, #tpu.memory_space<vmem>>
      %dma_start3A_388 = arith.constant 0 : i32
      %dma_start3A_389 = arith.constant 0 : i32
      %dma_start3A_390 = tpu.memref_slice %arg2[%dma_start3A_388, %dma_start3A_389] : memref<10000x128xf32, #tpu.memory_space<hbm>> -> memref<10000x128xf32, #tpu.memory_space<hbm>>
      tpu.enqueue_indirect_dma source(%dma_start3A_390 : memref<10000x128xf32, #tpu.memory_space<hbm>>) target(%arg11 : memref<64x128xf32, #tpu.memory_space<vmem>>) offsets(%dma_start3A_387 : memref<64xi32, #tpu.memory_space<vmem>>) semaphore(%arg18 : memref<!tpu.dma_semaphore, #tpu.memory_space<semaphore_mem>>)
    } else {
    }
    %gt3A_220 = arith.constant 2 : i32
    %gt3A_221 = arith.cmpi sgt, %min3A_209, %gt3A_220 : i32
    %convert_element_type3A_222 = arith.extui %gt3A_221 : i1 to i32
    %cond3A_223 = arith.constant 0 : i32
    %cond3A_224 = arith.cmpi ne, %convert_element_type3A_222, %cond3A_223 : i32
    scf.if %cond3A_224 {
      %dma_start3A_384 = arith.constant 2 : i32
      %dma_start3A_385 = arith.constant 0 : i32
      %dma_start3A_386 = tpu.memref_slice %arg7[%dma_start3A_384, %dma_start3A_385] : memref<32x64xi32, #tpu.memory_space<vmem>> -> memref<1x64xi32, #tpu.memory_space<vmem>>
      %dma_start3A_387 = tpu.memref_squeeze %dma_start3A_386 : memref<1x64xi32, #tpu.memory_space<vmem>> -> memref<64xi32, #tpu.memory_space<vmem>>
      %dma_start3A_388 = arith.constant 0 : i32
      %dma_start3A_389 = arith.constant 0 : i32
      %dma_start3A_390 = tpu.memref_slice %arg2[%dma_start3A_388, %dma_start3A_389] : memref<10000x128xf32, #tpu.memory_space<hbm>> -> memref<10000x128xf32, #tpu.memory_space<hbm>>
      tpu.enqueue_indirect_dma source(%dma_start3A_390 : memref<10000x128xf32, #tpu.memory_space<hbm>>) target(%arg12 : memref<64x128xf32, #tpu.memory_space<vmem>>) offsets(%dma_start3A_387 : memref<64xi32, #tpu.memory_space<vmem>>) semaphore(%arg19 : memref<!tpu.dma_semaphore, #tpu.memory_space<semaphore_mem>>)
    } else {
    }
    %gt3A_225 = arith.constant 3 : i32
    %gt3A_226 = arith.cmpi sgt, %min3A_209, %gt3A_225 : i32
    %convert_element_type3A_227 = arith.extui %gt3A_226 : i1 to i32
    %cond3A_228 = arith.constant 0 : i32
    %cond3A_229 = arith.cmpi ne, %convert_element_type3A_227, %cond3A_228 : i32
    scf.if %cond3A_229 {
      %dma_start3A_384 = arith.constant 3 : i32
      %dma_start3A_385 = arith.constant 0 : i32
      %dma_start3A_386 = tpu.memref_slice %arg7[%dma_start3A_384, %dma_start3A_385] : memref<32x64xi32, #tpu.memory_space<vmem>> -> memref<1x64xi32, #tpu.memory_space<vmem>>
      %dma_start3A_387 = tpu.memref_squeeze %dma_start3A_386 : memref<1x64xi32, #tpu.memory_space<vmem>> -> memref<64xi32, #tpu.memory_space<vmem>>
      %dma_start3A_388 = arith.constant 0 : i32
      %dma_start3A_389 = arith.constant 0 : i32
      %dma_start3A_390 = tpu.memref_slice %arg2[%dma_start3A_388, %dma_start3A_389] : memref<10000x128xf32, #tpu.memory_space<hbm>> -> memref<10000x128xf32, #tpu.memory_space<hbm>>
      tpu.enqueue_indirect_dma source(%dma_start3A_390 : memref<10000x128xf32, #tpu.memory_space<hbm>>) target(%arg13 : memref<64x128xf32, #tpu.memory_space<vmem>>) offsets(%dma_start3A_387 : memref<64xi32, #tpu.memory_space<vmem>>) semaphore(%arg20 : memref<!tpu.dma_semaphore, #tpu.memory_space<semaphore_mem>>)
    } else {
    }
    %scan3A_230 = arith.constant 0 : i32
    %scan3A_231 = arith.constant 0 : i32
    %scan3A_232 = arith.constant 8 : i32
    %scan3A_233 = arith.addi %scan3A_231, %scan3A_232 : i32
    %scan3A_234 = arith.constant 1 : i32
    scf.for %scan3A_384 = %scan3A_231 to %scan3A_233 step %scan3A_234  : i32 {
      %mul3A_385 = arith.constant 4 : i32
      %mul3A_386 = arith.muli %scan3A_384, %mul3A_385 : i32
      %add3A_387 = arith.constant 0 : i32
      %add3A_388 = arith.addi %mul3A_386, %add3A_387 : i32
      %lt3A = arith.cmpi slt, %add3A_388, %min3A_209 : i32
      %convert_element_type3A_389 = arith.extui %lt3A : i1 to i32
      %cond3A_390 = arith.constant 0 : i32
      %cond3A_391 = arith.cmpi ne, %convert_element_type3A_389, %cond3A_390 : i32
      scf.if %cond3A_391 {
        %dma_wait3A_416 = arith.constant 0 : i32
        %dma_wait3A_417 = tpu.memref_slice %arg7[%add3A_388, %dma_wait3A_416] : memref<32x64xi32, #tpu.memory_space<vmem>> -> memref<1x64xi32, #tpu.memory_space<vmem>>
        %dma_wait3A_418 = tpu.memref_squeeze %dma_wait3A_417 : memref<1x64xi32, #tpu.memory_space<vmem>> -> memref<64xi32, #tpu.memory_space<vmem>>
        %dma_wait3A_419 = arith.constant 0 : i32
        %dma_wait3A_420 = arith.constant 0 : i32
        %dma_wait3A_421 = tpu.memref_slice %arg2[%dma_wait3A_419, %dma_wait3A_420] : memref<10000x128xf32, #tpu.memory_space<hbm>> -> memref<10000x128xf32, #tpu.memory_space<hbm>>
        tpu.wait_indirect_dma semaphore(%arg17 : memref<!tpu.dma_semaphore, #tpu.memory_space<semaphore_mem>>) src(%dma_wait3A_421 : memref<10000x128xf32, #tpu.memory_space<hbm>>) dst(%arg10 : memref<64x128xf32, #tpu.memory_space<vmem>>)
        "tpu.region"() ({
          %run_scoped3A = tpu.sem_alloc : memref<!tpu.dma_semaphore, #tpu.memory_space<semaphore_mem>>
          %dma_start3A_428 = arith.constant 0 : i32
          %dma_start3A_429 = tpu.memref_slice %arg9[%add3A_388, %dma_start3A_428] : memref<32x64xi32, #tpu.memory_space<vmem>> -> memref<1x64xi32, #tpu.memory_space<vmem>>
          %dma_start3A_430 = tpu.memref_squeeze %dma_start3A_429 : memref<1x64xi32, #tpu.memory_space<vmem>> -> memref<64xi32, #tpu.memory_space<vmem>>
          %dma_start3A_431 = arith.constant 0 : i32
          %dma_start3A_432 = arith.constant 0 : i32
          %dma_start3A_433 = tpu.memref_slice %arg14[%dma_start3A_431, %dma_start3A_432] : memref<10112x128xf32, #tpu.memory_space<vmem_shared>> -> memref<10112x128xf32, #tpu.memory_space<vmem_shared>>
          tpu.enqueue_indirect_dma source(%arg10 : memref<64x128xf32, #tpu.memory_space<vmem>>) target(%dma_start3A_433 : memref<10112x128xf32, #tpu.memory_space<vmem_shared>>) offsets(%dma_start3A_430 : memref<64xi32, #tpu.memory_space<vmem>>) semaphore(%run_scoped3A : memref<!tpu.dma_semaphore, #tpu.memory_space<semaphore_mem>>) {add = true}
          %dma_wait3A_434 = arith.constant 0 : i32
          %dma_wait3A_435 = tpu.memref_slice %arg9[%add3A_388, %dma_wait3A_434] : memref<32x64xi32, #tpu.memory_space<vmem>> -> memref<1x64xi32, #tpu.memory_space<vmem>>
          %dma_wait3A_436 = tpu.memref_squeeze %dma_wait3A_435 : memref<1x64xi32, #tpu.memory_space<vmem>> -> memref<64xi32, #tpu.memory_space<vmem>>
          %dma_wait3A_437 = arith.constant 0 : i32
          %dma_wait3A_438 = arith.constant 0 : i32
          %dma_wait3A_439 = tpu.memref_slice %arg14[%dma_wait3A_437, %dma_wait3A_438] : memref<10112x128xf32, #tpu.memory_space<vmem_shared>> -> memref<10112x128xf32, #tpu.memory_space<vmem_shared>>
          tpu.wait_indirect_dma semaphore(%run_scoped3A : memref<!tpu.dma_semaphore, #tpu.memory_space<semaphore_mem>>) src(%arg10 : memref<64x128xf32, #tpu.memory_space<vmem>>) dst(%dma_wait3A_439 : memref<10112x128xf32, #tpu.memory_space<vmem_shared>>)
          tpu.yield
        }) : () -> ()
        %add3A_422 = arith.constant 4 : i32
        %add3A_423 = arith.addi %add3A_388, %add3A_422 : i32
        %lt3A_424 = arith.cmpi slt, %add3A_423, %min3A_209 : i32
        %convert_element_type3A_425 = arith.extui %lt3A_424 : i1 to i32
        %cond3A_426 = arith.constant 0 : i32
        %cond3A_427 = arith.cmpi ne, %convert_element_type3A_425, %cond3A_426 : i32
        scf.if %cond3A_427 {
          %add3A_428 = arith.constant 4 : i32
          %add3A_429 = arith.addi %add3A_388, %add3A_428 : i32
          %dma_start3A_430 = arith.constant 0 : i32
          %dma_start3A_431 = tpu.memref_slice %arg7[%add3A_429, %dma_start3A_430] : memref<32x64xi32, #tpu.memory_space<vmem>> -> memref<1x64xi32, #tpu.memory_space<vmem>>
          %dma_start3A_432 = tpu.memref_squeeze %dma_start3A_431 : memref<1x64xi32, #tpu.memory_space<vmem>> -> memref<64xi32, #tpu.memory_space<vmem>>
          %dma_start3A_433 = arith.constant 0 : i32
          %dma_start3A_434 = arith.constant 0 : i32
          %dma_start3A_435 = tpu.memref_slice %arg2[%dma_start3A_433, %dma_start3A_434] : memref<10000x128xf32, #tpu.memory_space<hbm>> -> memref<10000x128xf32, #tpu.memory_space<hbm>>
          tpu.enqueue_indirect_dma source(%dma_start3A_435 : memref<10000x128xf32, #tpu.memory_space<hbm>>) target(%arg10 : memref<64x128xf32, #tpu.memory_space<vmem>>) offsets(%dma_start3A_432 : memref<64xi32, #tpu.memory_space<vmem>>) semaphore(%arg17 : memref<!tpu.dma_semaphore, #tpu.memory_space<semaphore_mem>>)
        } else {
        }
      } else {
      }
      %mul3A_392 = arith.constant 4 : i32
      %mul3A_393 = arith.muli %scan3A_384, %mul3A_392 : i32
      %add3A_394 = arith.constant 1 : i32
      %add3A_395 = arith.addi %mul3A_393, %add3A_394 : i32
      %lt3A_396 = arith.cmpi slt, %add3A_395, %min3A_209 : i32
      %convert_element_type3A_397 = arith.extui %lt3A_396 : i1 to i32
      %cond3A_398 = arith.constant 0 : i32
      %cond3A_399 = arith.cmpi ne, %convert_element_type3A_397, %cond3A_398 : i32
      scf.if %cond3A_399 {
        %dma_wait3A_416 = arith.constant 0 : i32
        %dma_wait3A_417 = tpu.memref_slice %arg7[%add3A_395, %dma_wait3A_416] : memref<32x64xi32, #tpu.memory_space<vmem>> -> memref<1x64xi32, #tpu.memory_space<vmem>>
        %dma_wait3A_418 = tpu.memref_squeeze %dma_wait3A_417 : memref<1x64xi32, #tpu.memory_space<vmem>> -> memref<64xi32, #tpu.memory_space<vmem>>
        %dma_wait3A_419 = arith.constant 0 : i32
        %dma_wait3A_420 = arith.constant 0 : i32
        %dma_wait3A_421 = tpu.memref_slice %arg2[%dma_wait3A_419, %dma_wait3A_420] : memref<10000x128xf32, #tpu.memory_space<hbm>> -> memref<10000x128xf32, #tpu.memory_space<hbm>>
        tpu.wait_indirect_dma semaphore(%arg18 : memref<!tpu.dma_semaphore, #tpu.memory_space<semaphore_mem>>) src(%dma_wait3A_421 : memref<10000x128xf32, #tpu.memory_space<hbm>>) dst(%arg11 : memref<64x128xf32, #tpu.memory_space<vmem>>)
        "tpu.region"() ({
          %run_scoped3A = tpu.sem_alloc : memref<!tpu.dma_semaphore, #tpu.memory_space<semaphore_mem>>
          %dma_start3A_428 = arith.constant 0 : i32
          %dma_start3A_429 = tpu.memref_slice %arg9[%add3A_395, %dma_start3A_428] : memref<32x64xi32, #tpu.memory_space<vmem>> -> memref<1x64xi32, #tpu.memory_space<vmem>>
          %dma_start3A_430 = tpu.memref_squeeze %dma_start3A_429 : memref<1x64xi32, #tpu.memory_space<vmem>> -> memref<64xi32, #tpu.memory_space<vmem>>
          %dma_start3A_431 = arith.constant 0 : i32
          %dma_start3A_432 = arith.constant 0 : i32
          %dma_start3A_433 = tpu.memref_slice %arg14[%dma_start3A_431, %dma_start3A_432] : memref<10112x128xf32, #tpu.memory_space<vmem_shared>> -> memref<10112x128xf32, #tpu.memory_space<vmem_shared>>
          tpu.enqueue_indirect_dma source(%arg11 : memref<64x128xf32, #tpu.memory_space<vmem>>) target(%dma_start3A_433 : memref<10112x128xf32, #tpu.memory_space<vmem_shared>>) offsets(%dma_start3A_430 : memref<64xi32, #tpu.memory_space<vmem>>) semaphore(%run_scoped3A : memref<!tpu.dma_semaphore, #tpu.memory_space<semaphore_mem>>) {add = true}
          %dma_wait3A_434 = arith.constant 0 : i32
          %dma_wait3A_435 = tpu.memref_slice %arg9[%add3A_395, %dma_wait3A_434] : memref<32x64xi32, #tpu.memory_space<vmem>> -> memref<1x64xi32, #tpu.memory_space<vmem>>
          %dma_wait3A_436 = tpu.memref_squeeze %dma_wait3A_435 : memref<1x64xi32, #tpu.memory_space<vmem>> -> memref<64xi32, #tpu.memory_space<vmem>>
          %dma_wait3A_437 = arith.constant 0 : i32
          %dma_wait3A_438 = arith.constant 0 : i32
          %dma_wait3A_439 = tpu.memref_slice %arg14[%dma_wait3A_437, %dma_wait3A_438] : memref<10112x128xf32, #tpu.memory_space<vmem_shared>> -> memref<10112x128xf32, #tpu.memory_space<vmem_shared>>
          tpu.wait_indirect_dma semaphore(%run_scoped3A : memref<!tpu.dma_semaphore, #tpu.memory_space<semaphore_mem>>) src(%arg11 : memref<64x128xf32, #tpu.memory_space<vmem>>) dst(%dma_wait3A_439 : memref<10112x128xf32, #tpu.memory_space<vmem_shared>>)
          tpu.yield
        }) : () -> ()
        %add3A_422 = arith.constant 4 : i32
        %add3A_423 = arith.addi %add3A_395, %add3A_422 : i32
        %lt3A_424 = arith.cmpi slt, %add3A_423, %min3A_209 : i32
        %convert_element_type3A_425 = arith.extui %lt3A_424 : i1 to i32
        %cond3A_426 = arith.constant 0 : i32
        %cond3A_427 = arith.cmpi ne, %convert_element_type3A_425, %cond3A_426 : i32
        scf.if %cond3A_427 {
          %add3A_428 = arith.constant 4 : i32
          %add3A_429 = arith.addi %add3A_395, %add3A_428 : i32
          %dma_start3A_430 = arith.constant 0 : i32
          %dma_start3A_431 = tpu.memref_slice %arg7[%add3A_429, %dma_start3A_430] : memref<32x64xi32, #tpu.memory_space<vmem>> -> memref<1x64xi32, #tpu.memory_space<vmem>>
          %dma_start3A_432 = tpu.memref_squeeze %dma_start3A_431 : memref<1x64xi32, #tpu.memory_space<vmem>> -> memref<64xi32, #tpu.memory_space<vmem>>
          %dma_start3A_433 = arith.constant 0 : i32
          %dma_start3A_434 = arith.constant 0 : i32
          %dma_start3A_435 = tpu.memref_slice %arg2[%dma_start3A_433, %dma_start3A_434] : memref<10000x128xf32, #tpu.memory_space<hbm>> -> memref<10000x128xf32, #tpu.memory_space<hbm>>
          tpu.enqueue_indirect_dma source(%dma_start3A_435 : memref<10000x128xf32, #tpu.memory_space<hbm>>) target(%arg11 : memref<64x128xf32, #tpu.memory_space<vmem>>) offsets(%dma_start3A_432 : memref<64xi32, #tpu.memory_space<vmem>>) semaphore(%arg18 : memref<!tpu.dma_semaphore, #tpu.memory_space<semaphore_mem>>)
        } else {
        }
      } else {
      }
      %mul3A_400 = arith.constant 4 : i32
      %mul3A_401 = arith.muli %scan3A_384, %mul3A_400 : i32
      %add3A_402 = arith.constant 2 : i32
      %add3A_403 = arith.addi %mul3A_401, %add3A_402 : i32
      %lt3A_404 = arith.cmpi slt, %add3A_403, %min3A_209 : i32
      %convert_element_type3A_405 = arith.extui %lt3A_404 : i1 to i32
      %cond3A_406 = arith.constant 0 : i32
      %cond3A_407 = arith.cmpi ne, %convert_element_type3A_405, %cond3A_406 : i32
      scf.if %cond3A_407 {
        %dma_wait3A_416 = arith.constant 0 : i32
        %dma_wait3A_417 = tpu.memref_slice %arg7[%add3A_403, %dma_wait3A_416] : memref<32x64xi32, #tpu.memory_space<vmem>> -> memref<1x64xi32, #tpu.memory_space<vmem>>
        %dma_wait3A_418 = tpu.memref_squeeze %dma_wait3A_417 : memref<1x64xi32, #tpu.memory_space<vmem>> -> memref<64xi32, #tpu.memory_space<vmem>>
        %dma_wait3A_419 = arith.constant 0 : i32
        %dma_wait3A_420 = arith.constant 0 : i32
        %dma_wait3A_421 = tpu.memref_slice %arg2[%dma_wait3A_419, %dma_wait3A_420] : memref<10000x128xf32, #tpu.memory_space<hbm>> -> memref<10000x128xf32, #tpu.memory_space<hbm>>
        tpu.wait_indirect_dma semaphore(%arg19 : memref<!tpu.dma_semaphore, #tpu.memory_space<semaphore_mem>>) src(%dma_wait3A_421 : memref<10000x128xf32, #tpu.memory_space<hbm>>) dst(%arg12 : memref<64x128xf32, #tpu.memory_space<vmem>>)
        "tpu.region"() ({
          %run_scoped3A = tpu.sem_alloc : memref<!tpu.dma_semaphore, #tpu.memory_space<semaphore_mem>>
          %dma_start3A_428 = arith.constant 0 : i32
          %dma_start3A_429 = tpu.memref_slice %arg9[%add3A_403, %dma_start3A_428] : memref<32x64xi32, #tpu.memory_space<vmem>> -> memref<1x64xi32, #tpu.memory_space<vmem>>
          %dma_start3A_430 = tpu.memref_squeeze %dma_start3A_429 : memref<1x64xi32, #tpu.memory_space<vmem>> -> memref<64xi32, #tpu.memory_space<vmem>>
          %dma_start3A_431 = arith.constant 0 : i32
          %dma_start3A_432 = arith.constant 0 : i32
          %dma_start3A_433 = tpu.memref_slice %arg14[%dma_start3A_431, %dma_start3A_432] : memref<10112x128xf32, #tpu.memory_space<vmem_shared>> -> memref<10112x128xf32, #tpu.memory_space<vmem_shared>>
          tpu.enqueue_indirect_dma source(%arg12 : memref<64x128xf32, #tpu.memory_space<vmem>>) target(%dma_start3A_433 : memref<10112x128xf32, #tpu.memory_space<vmem_shared>>) offsets(%dma_start3A_430 : memref<64xi32, #tpu.memory_space<vmem>>) semaphore(%run_scoped3A : memref<!tpu.dma_semaphore, #tpu.memory_space<semaphore_mem>>) {add = true}
          %dma_wait3A_434 = arith.constant 0 : i32
          %dma_wait3A_435 = tpu.memref_slice %arg9[%add3A_403, %dma_wait3A_434] : memref<32x64xi32, #tpu.memory_space<vmem>> -> memref<1x64xi32, #tpu.memory_space<vmem>>
          %dma_wait3A_436 = tpu.memref_squeeze %dma_wait3A_435 : memref<1x64xi32, #tpu.memory_space<vmem>> -> memref<64xi32, #tpu.memory_space<vmem>>
          %dma_wait3A_437 = arith.constant 0 : i32
          %dma_wait3A_438 = arith.constant 0 : i32
          %dma_wait3A_439 = tpu.memref_slice %arg14[%dma_wait3A_437, %dma_wait3A_438] : memref<10112x128xf32, #tpu.memory_space<vmem_shared>> -> memref<10112x128xf32, #tpu.memory_space<vmem_shared>>
          tpu.wait_indirect_dma semaphore(%run_scoped3A : memref<!tpu.dma_semaphore, #tpu.memory_space<semaphore_mem>>) src(%arg12 : memref<64x128xf32, #tpu.memory_space<vmem>>) dst(%dma_wait3A_439 : memref<10112x128xf32, #tpu.memory_space<vmem_shared>>)
          tpu.yield
        }) : () -> ()
        %add3A_422 = arith.constant 4 : i32
        %add3A_423 = arith.addi %add3A_403, %add3A_422 : i32
        %lt3A_424 = arith.cmpi slt, %add3A_423, %min3A_209 : i32
        %convert_element_type3A_425 = arith.extui %lt3A_424 : i1 to i32
        %cond3A_426 = arith.constant 0 : i32
        %cond3A_427 = arith.cmpi ne, %convert_element_type3A_425, %cond3A_426 : i32
        scf.if %cond3A_427 {
          %add3A_428 = arith.constant 4 : i32
          %add3A_429 = arith.addi %add3A_403, %add3A_428 : i32
          %dma_start3A_430 = arith.constant 0 : i32
          %dma_start3A_431 = tpu.memref_slice %arg7[%add3A_429, %dma_start3A_430] : memref<32x64xi32, #tpu.memory_space<vmem>> -> memref<1x64xi32, #tpu.memory_space<vmem>>
          %dma_start3A_432 = tpu.memref_squeeze %dma_start3A_431 : memref<1x64xi32, #tpu.memory_space<vmem>> -> memref<64xi32, #tpu.memory_space<vmem>>
          %dma_start3A_433 = arith.constant 0 : i32
          %dma_start3A_434 = arith.constant 0 : i32
          %dma_start3A_435 = tpu.memref_slice %arg2[%dma_start3A_433, %dma_start3A_434] : memref<10000x128xf32, #tpu.memory_space<hbm>> -> memref<10000x128xf32, #tpu.memory_space<hbm>>
          tpu.enqueue_indirect_dma source(%dma_start3A_435 : memref<10000x128xf32, #tpu.memory_space<hbm>>) target(%arg12 : memref<64x128xf32, #tpu.memory_space<vmem>>) offsets(%dma_start3A_432 : memref<64xi32, #tpu.memory_space<vmem>>) semaphore(%arg19 : memref<!tpu.dma_semaphore, #tpu.memory_space<semaphore_mem>>)
        } else {
        }
      } else {
      }
      %mul3A_408 = arith.constant 4 : i32
      %mul3A_409 = arith.muli %scan3A_384, %mul3A_408 : i32
      %add3A_410 = arith.constant 3 : i32
      %add3A_411 = arith.addi %mul3A_409, %add3A_410 : i32
      %lt3A_412 = arith.cmpi slt, %add3A_411, %min3A_209 : i32
      %convert_element_type3A_413 = arith.extui %lt3A_412 : i1 to i32
      %cond3A_414 = arith.constant 0 : i32
      %cond3A_415 = arith.cmpi ne, %convert_element_type3A_413, %cond3A_414 : i32
      scf.if %cond3A_415 {
        %dma_wait3A_416 = arith.constant 0 : i32
        %dma_wait3A_417 = tpu.memref_slice %arg7[%add3A_411, %dma_wait3A_416] : memref<32x64xi32, #tpu.memory_space<vmem>> -> memref<1x64xi32, #tpu.memory_space<vmem>>
        %dma_wait3A_418 = tpu.memref_squeeze %dma_wait3A_417 : memref<1x64xi32, #tpu.memory_space<vmem>> -> memref<64xi32, #tpu.memory_space<vmem>>
        %dma_wait3A_419 = arith.constant 0 : i32
        %dma_wait3A_420 = arith.constant 0 : i32
        %dma_wait3A_421 = tpu.memref_slice %arg2[%dma_wait3A_419, %dma_wait3A_420] : memref<10000x128xf32, #tpu.memory_space<hbm>> -> memref<10000x128xf32, #tpu.memory_space<hbm>>
        tpu.wait_indirect_dma semaphore(%arg20 : memref<!tpu.dma_semaphore, #tpu.memory_space<semaphore_mem>>) src(%dma_wait3A_421 : memref<10000x128xf32, #tpu.memory_space<hbm>>) dst(%arg13 : memref<64x128xf32, #tpu.memory_space<vmem>>)
        "tpu.region"() ({
          %run_scoped3A = tpu.sem_alloc : memref<!tpu.dma_semaphore, #tpu.memory_space<semaphore_mem>>
          %dma_start3A_428 = arith.constant 0 : i32
          %dma_start3A_429 = tpu.memref_slice %arg9[%add3A_411, %dma_start3A_428] : memref<32x64xi32, #tpu.memory_space<vmem>> -> memref<1x64xi32, #tpu.memory_space<vmem>>
          %dma_start3A_430 = tpu.memref_squeeze %dma_start3A_429 : memref<1x64xi32, #tpu.memory_space<vmem>> -> memref<64xi32, #tpu.memory_space<vmem>>
          %dma_start3A_431 = arith.constant 0 : i32
          %dma_start3A_432 = arith.constant 0 : i32
          %dma_start3A_433 = tpu.memref_slice %arg14[%dma_start3A_431, %dma_start3A_432] : memref<10112x128xf32, #tpu.memory_space<vmem_shared>> -> memref<10112x128xf32, #tpu.memory_space<vmem_shared>>
          tpu.enqueue_indirect_dma source(%arg13 : memref<64x128xf32, #tpu.memory_space<vmem>>) target(%dma_start3A_433 : memref<10112x128xf32, #tpu.memory_space<vmem_shared>>) offsets(%dma_start3A_430 : memref<64xi32, #tpu.memory_space<vmem>>) semaphore(%run_scoped3A : memref<!tpu.dma_semaphore, #tpu.memory_space<semaphore_mem>>) {add = true}
          %dma_wait3A_434 = arith.constant 0 : i32
          %dma_wait3A_435 = tpu.memref_slice %arg9[%add3A_411, %dma_wait3A_434] : memref<32x64xi32, #tpu.memory_space<vmem>> -> memref<1x64xi32, #tpu.memory_space<vmem>>
          %dma_wait3A_436 = tpu.memref_squeeze %dma_wait3A_435 : memref<1x64xi32, #tpu.memory_space<vmem>> -> memref<64xi32, #tpu.memory_space<vmem>>
          %dma_wait3A_437 = arith.constant 0 : i32
          %dma_wait3A_438 = arith.constant 0 : i32
          %dma_wait3A_439 = tpu.memref_slice %arg14[%dma_wait3A_437, %dma_wait3A_438] : memref<10112x128xf32, #tpu.memory_space<vmem_shared>> -> memref<10112x128xf32, #tpu.memory_space<vmem_shared>>
          tpu.wait_indirect_dma semaphore(%run_scoped3A : memref<!tpu.dma_semaphore, #tpu.memory_space<semaphore_mem>>) src(%arg13 : memref<64x128xf32, #tpu.memory_space<vmem>>) dst(%dma_wait3A_439 : memref<10112x128xf32, #tpu.memory_space<vmem_shared>>)
          tpu.yield
        }) : () -> ()
        %add3A_422 = arith.constant 4 : i32
        %add3A_423 = arith.addi %add3A_411, %add3A_422 : i32
        %lt3A_424 = arith.cmpi slt, %add3A_423, %min3A_209 : i32
        %convert_element_type3A_425 = arith.extui %lt3A_424 : i1 to i32
        %cond3A_426 = arith.constant 0 : i32
        %cond3A_427 = arith.cmpi ne, %convert_element_type3A_425, %cond3A_426 : i32
        scf.if %cond3A_427 {
          %add3A_428 = arith.constant 4 : i32
          %add3A_429 = arith.addi %add3A_411, %add3A_428 : i32
          %dma_start3A_430 = arith.constant 0 : i32
          %dma_start3A_431 = tpu.memref_slice %arg7[%add3A_429, %dma_start3A_430] : memref<32x64xi32, #tpu.memory_space<vmem>> -> memref<1x64xi32, #tpu.memory_space<vmem>>
          %dma_start3A_432 = tpu.memref_squeeze %dma_start3A_431 : memref<1x64xi32, #tpu.memory_space<vmem>> -> memref<64xi32, #tpu.memory_space<vmem>>
          %dma_start3A_433 = arith.constant 0 : i32
          %dma_start3A_434 = arith.constant 0 : i32
          %dma_start3A_435 = tpu.memref_slice %arg2[%dma_start3A_433, %dma_start3A_434] : memref<10000x128xf32, #tpu.memory_space<hbm>> -> memref<10000x128xf32, #tpu.memory_space<hbm>>
          tpu.enqueue_indirect_dma source(%dma_start3A_435 : memref<10000x128xf32, #tpu.memory_space<hbm>>) target(%arg13 : memref<64x128xf32, #tpu.memory_space<vmem>>) offsets(%dma_start3A_432 : memref<64xi32, #tpu.memory_space<vmem>>) semaphore(%arg20 : memref<!tpu.dma_semaphore, #tpu.memory_space<semaphore_mem>>)
        } else {
        }
      } else {
      }
    }
    %scan3A_235 = arith.constant 8 : i32
    %add3A_236 = arith.constant 96 : i32
    %add3A_237 = arith.addi %mul3A_4, %add3A_236 : i32
    %dma_start3A_238 = arith.constant 0 : i32
    %dma_start3A_239 = tpu.memref_slice %arg3[%add3A_237, %dma_start3A_238] : memref<5120x64xi32, #tpu.memory_space<hbm>> -> memref<32x64xi32, #tpu.memory_space<hbm>>
    %dma_start3A_240 = arith.constant 0 : i32
    %dma_start3A_241 = tpu.memref_slice %arg3[%add3A_237, %dma_start3A_240] : memref<5120x64xi32, #tpu.memory_space<hbm>> -> memref<32x64xi32, #tpu.memory_space<hbm>>
    tpu.enqueue_dma source(%dma_start3A_241 : memref<32x64xi32, #tpu.memory_space<hbm>>) target(%arg7 : memref<32x64xi32, #tpu.memory_space<vmem>>) target_semaphore(%arg16 : memref<!tpu.dma_semaphore, #tpu.memory_space<semaphore_mem>>)
    %add3A_242 = arith.constant 96 : i32
    %add3A_243 = arith.addi %mul3A_4, %add3A_242 : i32
    %dma_start3A_244 = arith.constant 0 : i32
    %dma_start3A_245 = tpu.memref_slice %arg4[%add3A_243, %dma_start3A_244] : memref<5120x64xi32, #tpu.memory_space<hbm>> -> memref<32x64xi32, #tpu.memory_space<hbm>>
    %dma_start3A_246 = arith.constant 0 : i32
    %dma_start3A_247 = tpu.memref_slice %arg4[%add3A_243, %dma_start3A_246] : memref<5120x64xi32, #tpu.memory_space<hbm>> -> memref<32x64xi32, #tpu.memory_space<hbm>>
    tpu.enqueue_dma source(%dma_start3A_247 : memref<32x64xi32, #tpu.memory_space<hbm>>) target(%arg9 : memref<32x64xi32, #tpu.memory_space<vmem>>) target_semaphore(%arg16 : memref<!tpu.dma_semaphore, #tpu.memory_space<semaphore_mem>>)
    %dma_wait3A_248 = arith.constant 0 : i32
    %dma_wait3A_249 = tpu.memref_slice %arg3[%mul3A_4, %dma_wait3A_248] : memref<5120x64xi32, #tpu.memory_space<hbm>> -> memref<32x64xi32, #tpu.memory_space<hbm>>
    %dma_wait3A_250 = arith.constant 0 : i32
    %dma_wait3A_251 = tpu.memref_slice %arg3[%mul3A_4, %dma_wait3A_250] : memref<5120x64xi32, #tpu.memory_space<hbm>> -> memref<32x64xi32, #tpu.memory_space<hbm>>
    tpu.wait_dma2 semaphore(%arg15 : memref<!tpu.dma_semaphore, #tpu.memory_space<semaphore_mem>>) src(%dma_wait3A_251 : memref<32x64xi32, #tpu.memory_space<hbm>>) dst(%arg6 : memref<32x64xi32, #tpu.memory_space<vmem>>)
    %dma_wait3A_252 = arith.constant 0 : i32
    %dma_wait3A_253 = tpu.memref_slice %arg4[%mul3A_4, %dma_wait3A_252] : memref<5120x64xi32, #tpu.memory_space<hbm>> -> memref<32x64xi32, #tpu.memory_space<hbm>>
    %dma_wait3A_254 = arith.constant 0 : i32
    %dma_wait3A_255 = tpu.memref_slice %arg4[%mul3A_4, %dma_wait3A_254] : memref<5120x64xi32, #tpu.memory_space<hbm>> -> memref<32x64xi32, #tpu.memory_space<hbm>>
    tpu.wait_dma2 semaphore(%arg15 : memref<!tpu.dma_semaphore, #tpu.memory_space<semaphore_mem>>) src(%dma_wait3A_255 : memref<32x64xi32, #tpu.memory_space<hbm>>) dst(%arg8 : memref<32x64xi32, #tpu.memory_space<vmem>>)
    %sub3A_256 = arith.constant 64 : i32
    %sub3A_257 = arith.subi %min3A, %sub3A_256 : i32
    %jit3A_258 = arith.constant 0 : i32
    %jit3A_259 = arith.constant 32 : i32
    %max3A_260 = arith.maxsi %jit3A_258, %sub3A_257 : i32
    %min3A_261 = arith.minsi %jit3A_259, %max3A_260 : i32
    %gt3A_262 = arith.constant 0 : i32
    %gt3A_263 = arith.cmpi sgt, %min3A_261, %gt3A_262 : i32
    %convert_element_type3A_264 = arith.extui %gt3A_263 : i1 to i32
    %cond3A_265 = arith.constant 0 : i32
    %cond3A_266 = arith.cmpi ne, %convert_element_type3A_264, %cond3A_265 : i32
    scf.if %cond3A_266 {
      %dma_start3A_384 = arith.constant 0 : i32
      %dma_start3A_385 = arith.constant 0 : i32
      %dma_start3A_386 = tpu.memref_slice %arg6[%dma_start3A_384, %dma_start3A_385] : memref<32x64xi32, #tpu.memory_space<vmem>> -> memref<1x64xi32, #tpu.memory_space<vmem>>
      %dma_start3A_387 = tpu.memref_squeeze %dma_start3A_386 : memref<1x64xi32, #tpu.memory_space<vmem>> -> memref<64xi32, #tpu.memory_space<vmem>>
      %dma_start3A_388 = arith.constant 0 : i32
      %dma_start3A_389 = arith.constant 0 : i32
      %dma_start3A_390 = tpu.memref_slice %arg2[%dma_start3A_388, %dma_start3A_389] : memref<10000x128xf32, #tpu.memory_space<hbm>> -> memref<10000x128xf32, #tpu.memory_space<hbm>>
      tpu.enqueue_indirect_dma source(%dma_start3A_390 : memref<10000x128xf32, #tpu.memory_space<hbm>>) target(%arg10 : memref<64x128xf32, #tpu.memory_space<vmem>>) offsets(%dma_start3A_387 : memref<64xi32, #tpu.memory_space<vmem>>) semaphore(%arg17 : memref<!tpu.dma_semaphore, #tpu.memory_space<semaphore_mem>>)
    } else {
    }
    %gt3A_267 = arith.constant 1 : i32
    %gt3A_268 = arith.cmpi sgt, %min3A_261, %gt3A_267 : i32
    %convert_element_type3A_269 = arith.extui %gt3A_268 : i1 to i32
    %cond3A_270 = arith.constant 0 : i32
    %cond3A_271 = arith.cmpi ne, %convert_element_type3A_269, %cond3A_270 : i32
    scf.if %cond3A_271 {
      %dma_start3A_384 = arith.constant 1 : i32
      %dma_start3A_385 = arith.constant 0 : i32
      %dma_start3A_386 = tpu.memref_slice %arg6[%dma_start3A_384, %dma_start3A_385] : memref<32x64xi32, #tpu.memory_space<vmem>> -> memref<1x64xi32, #tpu.memory_space<vmem>>
      %dma_start3A_387 = tpu.memref_squeeze %dma_start3A_386 : memref<1x64xi32, #tpu.memory_space<vmem>> -> memref<64xi32, #tpu.memory_space<vmem>>
      %dma_start3A_388 = arith.constant 0 : i32
      %dma_start3A_389 = arith.constant 0 : i32
      %dma_start3A_390 = tpu.memref_slice %arg2[%dma_start3A_388, %dma_start3A_389] : memref<10000x128xf32, #tpu.memory_space<hbm>> -> memref<10000x128xf32, #tpu.memory_space<hbm>>
      tpu.enqueue_indirect_dma source(%dma_start3A_390 : memref<10000x128xf32, #tpu.memory_space<hbm>>) target(%arg11 : memref<64x128xf32, #tpu.memory_space<vmem>>) offsets(%dma_start3A_387 : memref<64xi32, #tpu.memory_space<vmem>>) semaphore(%arg18 : memref<!tpu.dma_semaphore, #tpu.memory_space<semaphore_mem>>)
    } else {
    }
    %gt3A_272 = arith.constant 2 : i32
    %gt3A_273 = arith.cmpi sgt, %min3A_261, %gt3A_272 : i32
    %convert_element_type3A_274 = arith.extui %gt3A_273 : i1 to i32
    %cond3A_275 = arith.constant 0 : i32
    %cond3A_276 = arith.cmpi ne, %convert_element_type3A_274, %cond3A_275 : i32
    scf.if %cond3A_276 {
      %dma_start3A_384 = arith.constant 2 : i32
      %dma_start3A_385 = arith.constant 0 : i32
      %dma_start3A_386 = tpu.memref_slice %arg6[%dma_start3A_384, %dma_start3A_385] : memref<32x64xi32, #tpu.memory_space<vmem>> -> memref<1x64xi32, #tpu.memory_space<vmem>>
      %dma_start3A_387 = tpu.memref_squeeze %dma_start3A_386 : memref<1x64xi32, #tpu.memory_space<vmem>> -> memref<64xi32, #tpu.memory_space<vmem>>
      %dma_start3A_388 = arith.constant 0 : i32
      %dma_start3A_389 = arith.constant 0 : i32
      %dma_start3A_390 = tpu.memref_slice %arg2[%dma_start3A_388, %dma_start3A_389] : memref<10000x128xf32, #tpu.memory_space<hbm>> -> memref<10000x128xf32, #tpu.memory_space<hbm>>
      tpu.enqueue_indirect_dma source(%dma_start3A_390 : memref<10000x128xf32, #tpu.memory_space<hbm>>) target(%arg12 : memref<64x128xf32, #tpu.memory_space<vmem>>) offsets(%dma_start3A_387 : memref<64xi32, #tpu.memory_space<vmem>>) semaphore(%arg19 : memref<!tpu.dma_semaphore, #tpu.memory_space<semaphore_mem>>)
    } else {
    }
    %gt3A_277 = arith.constant 3 : i32
    %gt3A_278 = arith.cmpi sgt, %min3A_261, %gt3A_277 : i32
    %convert_element_type3A_279 = arith.extui %gt3A_278 : i1 to i32
    %cond3A_280 = arith.constant 0 : i32
    %cond3A_281 = arith.cmpi ne, %convert_element_type3A_279, %cond3A_280 : i32
    scf.if %cond3A_281 {
      %dma_start3A_384 = arith.constant 3 : i32
      %dma_start3A_385 = arith.constant 0 : i32
      %dma_start3A_386 = tpu.memref_slice %arg6[%dma_start3A_384, %dma_start3A_385] : memref<32x64xi32, #tpu.memory_space<vmem>> -> memref<1x64xi32, #tpu.memory_space<vmem>>
      %dma_start3A_387 = tpu.memref_squeeze %dma_start3A_386 : memref<1x64xi32, #tpu.memory_space<vmem>> -> memref<64xi32, #tpu.memory_space<vmem>>
      %dma_start3A_388 = arith.constant 0 : i32
      %dma_start3A_389 = arith.constant 0 : i32
      %dma_start3A_390 = tpu.memref_slice %arg2[%dma_start3A_388, %dma_start3A_389] : memref<10000x128xf32, #tpu.memory_space<hbm>> -> memref<10000x128xf32, #tpu.memory_space<hbm>>
      tpu.enqueue_indirect_dma source(%dma_start3A_390 : memref<10000x128xf32, #tpu.memory_space<hbm>>) target(%arg13 : memref<64x128xf32, #tpu.memory_space<vmem>>) offsets(%dma_start3A_387 : memref<64xi32, #tpu.memory_space<vmem>>) semaphore(%arg20 : memref<!tpu.dma_semaphore, #tpu.memory_space<semaphore_mem>>)
    } else {
    }
    %scan3A_282 = arith.constant 0 : i32
    %scan3A_283 = arith.constant 0 : i32
    %scan3A_284 = arith.constant 8 : i32
    %scan3A_285 = arith.addi %scan3A_283, %scan3A_284 : i32
    %scan3A_286 = arith.constant 1 : i32
    scf.for %scan3A_384 = %scan3A_283 to %scan3A_285 step %scan3A_286  : i32 {
      %mul3A_385 = arith.constant 4 : i32
      %mul3A_386 = arith.muli %scan3A_384, %mul3A_385 : i32
      %add3A_387 = arith.constant 0 : i32
      %add3A_388 = arith.addi %mul3A_386, %add3A_387 : i32
      %lt3A = arith.cmpi slt, %add3A_388, %min3A_261 : i32
      %convert_element_type3A_389 = arith.extui %lt3A : i1 to i32
      %cond3A_390 = arith.constant 0 : i32
      %cond3A_391 = arith.cmpi ne, %convert_element_type3A_389, %cond3A_390 : i32
      scf.if %cond3A_391 {
        %dma_wait3A_416 = arith.constant 0 : i32
        %dma_wait3A_417 = tpu.memref_slice %arg6[%add3A_388, %dma_wait3A_416] : memref<32x64xi32, #tpu.memory_space<vmem>> -> memref<1x64xi32, #tpu.memory_space<vmem>>
        %dma_wait3A_418 = tpu.memref_squeeze %dma_wait3A_417 : memref<1x64xi32, #tpu.memory_space<vmem>> -> memref<64xi32, #tpu.memory_space<vmem>>
        %dma_wait3A_419 = arith.constant 0 : i32
        %dma_wait3A_420 = arith.constant 0 : i32
        %dma_wait3A_421 = tpu.memref_slice %arg2[%dma_wait3A_419, %dma_wait3A_420] : memref<10000x128xf32, #tpu.memory_space<hbm>> -> memref<10000x128xf32, #tpu.memory_space<hbm>>
        tpu.wait_indirect_dma semaphore(%arg17 : memref<!tpu.dma_semaphore, #tpu.memory_space<semaphore_mem>>) src(%dma_wait3A_421 : memref<10000x128xf32, #tpu.memory_space<hbm>>) dst(%arg10 : memref<64x128xf32, #tpu.memory_space<vmem>>)
        "tpu.region"() ({
          %run_scoped3A = tpu.sem_alloc : memref<!tpu.dma_semaphore, #tpu.memory_space<semaphore_mem>>
          %dma_start3A_428 = arith.constant 0 : i32
          %dma_start3A_429 = tpu.memref_slice %arg8[%add3A_388, %dma_start3A_428] : memref<32x64xi32, #tpu.memory_space<vmem>> -> memref<1x64xi32, #tpu.memory_space<vmem>>
          %dma_start3A_430 = tpu.memref_squeeze %dma_start3A_429 : memref<1x64xi32, #tpu.memory_space<vmem>> -> memref<64xi32, #tpu.memory_space<vmem>>
          %dma_start3A_431 = arith.constant 0 : i32
          %dma_start3A_432 = arith.constant 0 : i32
          %dma_start3A_433 = tpu.memref_slice %arg14[%dma_start3A_431, %dma_start3A_432] : memref<10112x128xf32, #tpu.memory_space<vmem_shared>> -> memref<10112x128xf32, #tpu.memory_space<vmem_shared>>
          tpu.enqueue_indirect_dma source(%arg10 : memref<64x128xf32, #tpu.memory_space<vmem>>) target(%dma_start3A_433 : memref<10112x128xf32, #tpu.memory_space<vmem_shared>>) offsets(%dma_start3A_430 : memref<64xi32, #tpu.memory_space<vmem>>) semaphore(%run_scoped3A : memref<!tpu.dma_semaphore, #tpu.memory_space<semaphore_mem>>) {add = true}
          %dma_wait3A_434 = arith.constant 0 : i32
          %dma_wait3A_435 = tpu.memref_slice %arg8[%add3A_388, %dma_wait3A_434] : memref<32x64xi32, #tpu.memory_space<vmem>> -> memref<1x64xi32, #tpu.memory_space<vmem>>
          %dma_wait3A_436 = tpu.memref_squeeze %dma_wait3A_435 : memref<1x64xi32, #tpu.memory_space<vmem>> -> memref<64xi32, #tpu.memory_space<vmem>>
          %dma_wait3A_437 = arith.constant 0 : i32
          %dma_wait3A_438 = arith.constant 0 : i32
          %dma_wait3A_439 = tpu.memref_slice %arg14[%dma_wait3A_437, %dma_wait3A_438] : memref<10112x128xf32, #tpu.memory_space<vmem_shared>> -> memref<10112x128xf32, #tpu.memory_space<vmem_shared>>
          tpu.wait_indirect_dma semaphore(%run_scoped3A : memref<!tpu.dma_semaphore, #tpu.memory_space<semaphore_mem>>) src(%arg10 : memref<64x128xf32, #tpu.memory_space<vmem>>) dst(%dma_wait3A_439 : memref<10112x128xf32, #tpu.memory_space<vmem_shared>>)
          tpu.yield
        }) : () -> ()
        %add3A_422 = arith.constant 4 : i32
        %add3A_423 = arith.addi %add3A_388, %add3A_422 : i32
        %lt3A_424 = arith.cmpi slt, %add3A_423, %min3A_261 : i32
        %convert_element_type3A_425 = arith.extui %lt3A_424 : i1 to i32
        %cond3A_426 = arith.constant 0 : i32
        %cond3A_427 = arith.cmpi ne, %convert_element_type3A_425, %cond3A_426 : i32
        scf.if %cond3A_427 {
          %add3A_428 = arith.constant 4 : i32
          %add3A_429 = arith.addi %add3A_388, %add3A_428 : i32
          %dma_start3A_430 = arith.constant 0 : i32
          %dma_start3A_431 = tpu.memref_slice %arg6[%add3A_429, %dma_start3A_430] : memref<32x64xi32, #tpu.memory_space<vmem>> -> memref<1x64xi32, #tpu.memory_space<vmem>>
          %dma_start3A_432 = tpu.memref_squeeze %dma_start3A_431 : memref<1x64xi32, #tpu.memory_space<vmem>> -> memref<64xi32, #tpu.memory_space<vmem>>
          %dma_start3A_433 = arith.constant 0 : i32
          %dma_start3A_434 = arith.constant 0 : i32
          %dma_start3A_435 = tpu.memref_slice %arg2[%dma_start3A_433, %dma_start3A_434] : memref<10000x128xf32, #tpu.memory_space<hbm>> -> memref<10000x128xf32, #tpu.memory_space<hbm>>
          tpu.enqueue_indirect_dma source(%dma_start3A_435 : memref<10000x128xf32, #tpu.memory_space<hbm>>) target(%arg10 : memref<64x128xf32, #tpu.memory_space<vmem>>) offsets(%dma_start3A_432 : memref<64xi32, #tpu.memory_space<vmem>>) semaphore(%arg17 : memref<!tpu.dma_semaphore, #tpu.memory_space<semaphore_mem>>)
        } else {
        }
      } else {
      }
      %mul3A_392 = arith.constant 4 : i32
      %mul3A_393 = arith.muli %scan3A_384, %mul3A_392 : i32
      %add3A_394 = arith.constant 1 : i32
      %add3A_395 = arith.addi %mul3A_393, %add3A_394 : i32
      %lt3A_396 = arith.cmpi slt, %add3A_395, %min3A_261 : i32
      %convert_element_type3A_397 = arith.extui %lt3A_396 : i1 to i32
      %cond3A_398 = arith.constant 0 : i32
      %cond3A_399 = arith.cmpi ne, %convert_element_type3A_397, %cond3A_398 : i32
      scf.if %cond3A_399 {
        %dma_wait3A_416 = arith.constant 0 : i32
        %dma_wait3A_417 = tpu.memref_slice %arg6[%add3A_395, %dma_wait3A_416] : memref<32x64xi32, #tpu.memory_space<vmem>> -> memref<1x64xi32, #tpu.memory_space<vmem>>
        %dma_wait3A_418 = tpu.memref_squeeze %dma_wait3A_417 : memref<1x64xi32, #tpu.memory_space<vmem>> -> memref<64xi32, #tpu.memory_space<vmem>>
        %dma_wait3A_419 = arith.constant 0 : i32
        %dma_wait3A_420 = arith.constant 0 : i32
        %dma_wait3A_421 = tpu.memref_slice %arg2[%dma_wait3A_419, %dma_wait3A_420] : memref<10000x128xf32, #tpu.memory_space<hbm>> -> memref<10000x128xf32, #tpu.memory_space<hbm>>
        tpu.wait_indirect_dma semaphore(%arg18 : memref<!tpu.dma_semaphore, #tpu.memory_space<semaphore_mem>>) src(%dma_wait3A_421 : memref<10000x128xf32, #tpu.memory_space<hbm>>) dst(%arg11 : memref<64x128xf32, #tpu.memory_space<vmem>>)
        "tpu.region"() ({
          %run_scoped3A = tpu.sem_alloc : memref<!tpu.dma_semaphore, #tpu.memory_space<semaphore_mem>>
          %dma_start3A_428 = arith.constant 0 : i32
          %dma_start3A_429 = tpu.memref_slice %arg8[%add3A_395, %dma_start3A_428] : memref<32x64xi32, #tpu.memory_space<vmem>> -> memref<1x64xi32, #tpu.memory_space<vmem>>
          %dma_start3A_430 = tpu.memref_squeeze %dma_start3A_429 : memref<1x64xi32, #tpu.memory_space<vmem>> -> memref<64xi32, #tpu.memory_space<vmem>>
          %dma_start3A_431 = arith.constant 0 : i32
          %dma_start3A_432 = arith.constant 0 : i32
          %dma_start3A_433 = tpu.memref_slice %arg14[%dma_start3A_431, %dma_start3A_432] : memref<10112x128xf32, #tpu.memory_space<vmem_shared>> -> memref<10112x128xf32, #tpu.memory_space<vmem_shared>>
          tpu.enqueue_indirect_dma source(%arg11 : memref<64x128xf32, #tpu.memory_space<vmem>>) target(%dma_start3A_433 : memref<10112x128xf32, #tpu.memory_space<vmem_shared>>) offsets(%dma_start3A_430 : memref<64xi32, #tpu.memory_space<vmem>>) semaphore(%run_scoped3A : memref<!tpu.dma_semaphore, #tpu.memory_space<semaphore_mem>>) {add = true}
          %dma_wait3A_434 = arith.constant 0 : i32
          %dma_wait3A_435 = tpu.memref_slice %arg8[%add3A_395, %dma_wait3A_434] : memref<32x64xi32, #tpu.memory_space<vmem>> -> memref<1x64xi32, #tpu.memory_space<vmem>>
          %dma_wait3A_436 = tpu.memref_squeeze %dma_wait3A_435 : memref<1x64xi32, #tpu.memory_space<vmem>> -> memref<64xi32, #tpu.memory_space<vmem>>
          %dma_wait3A_437 = arith.constant 0 : i32
          %dma_wait3A_438 = arith.constant 0 : i32
          %dma_wait3A_439 = tpu.memref_slice %arg14[%dma_wait3A_437, %dma_wait3A_438] : memref<10112x128xf32, #tpu.memory_space<vmem_shared>> -> memref<10112x128xf32, #tpu.memory_space<vmem_shared>>
          tpu.wait_indirect_dma semaphore(%run_scoped3A : memref<!tpu.dma_semaphore, #tpu.memory_space<semaphore_mem>>) src(%arg11 : memref<64x128xf32, #tpu.memory_space<vmem>>) dst(%dma_wait3A_439 : memref<10112x128xf32, #tpu.memory_space<vmem_shared>>)
          tpu.yield
        }) : () -> ()
        %add3A_422 = arith.constant 4 : i32
        %add3A_423 = arith.addi %add3A_395, %add3A_422 : i32
        %lt3A_424 = arith.cmpi slt, %add3A_423, %min3A_261 : i32
        %convert_element_type3A_425 = arith.extui %lt3A_424 : i1 to i32
        %cond3A_426 = arith.constant 0 : i32
        %cond3A_427 = arith.cmpi ne, %convert_element_type3A_425, %cond3A_426 : i32
        scf.if %cond3A_427 {
          %add3A_428 = arith.constant 4 : i32
          %add3A_429 = arith.addi %add3A_395, %add3A_428 : i32
          %dma_start3A_430 = arith.constant 0 : i32
          %dma_start3A_431 = tpu.memref_slice %arg6[%add3A_429, %dma_start3A_430] : memref<32x64xi32, #tpu.memory_space<vmem>> -> memref<1x64xi32, #tpu.memory_space<vmem>>
          %dma_start3A_432 = tpu.memref_squeeze %dma_start3A_431 : memref<1x64xi32, #tpu.memory_space<vmem>> -> memref<64xi32, #tpu.memory_space<vmem>>
          %dma_start3A_433 = arith.constant 0 : i32
          %dma_start3A_434 = arith.constant 0 : i32
          %dma_start3A_435 = tpu.memref_slice %arg2[%dma_start3A_433, %dma_start3A_434] : memref<10000x128xf32, #tpu.memory_space<hbm>> -> memref<10000x128xf32, #tpu.memory_space<hbm>>
          tpu.enqueue_indirect_dma source(%dma_start3A_435 : memref<10000x128xf32, #tpu.memory_space<hbm>>) target(%arg11 : memref<64x128xf32, #tpu.memory_space<vmem>>) offsets(%dma_start3A_432 : memref<64xi32, #tpu.memory_space<vmem>>) semaphore(%arg18 : memref<!tpu.dma_semaphore, #tpu.memory_space<semaphore_mem>>)
        } else {
        }
      } else {
      }
      %mul3A_400 = arith.constant 4 : i32
      %mul3A_401 = arith.muli %scan3A_384, %mul3A_400 : i32
      %add3A_402 = arith.constant 2 : i32
      %add3A_403 = arith.addi %mul3A_401, %add3A_402 : i32
      %lt3A_404 = arith.cmpi slt, %add3A_403, %min3A_261 : i32
      %convert_element_type3A_405 = arith.extui %lt3A_404 : i1 to i32
      %cond3A_406 = arith.constant 0 : i32
      %cond3A_407 = arith.cmpi ne, %convert_element_type3A_405, %cond3A_406 : i32
      scf.if %cond3A_407 {
        %dma_wait3A_416 = arith.constant 0 : i32
        %dma_wait3A_417 = tpu.memref_slice %arg6[%add3A_403, %dma_wait3A_416] : memref<32x64xi32, #tpu.memory_space<vmem>> -> memref<1x64xi32, #tpu.memory_space<vmem>>
        %dma_wait3A_418 = tpu.memref_squeeze %dma_wait3A_417 : memref<1x64xi32, #tpu.memory_space<vmem>> -> memref<64xi32, #tpu.memory_space<vmem>>
        %dma_wait3A_419 = arith.constant 0 : i32
        %dma_wait3A_420 = arith.constant 0 : i32
        %dma_wait3A_421 = tpu.memref_slice %arg2[%dma_wait3A_419, %dma_wait3A_420] : memref<10000x128xf32, #tpu.memory_space<hbm>> -> memref<10000x128xf32, #tpu.memory_space<hbm>>
        tpu.wait_indirect_dma semaphore(%arg19 : memref<!tpu.dma_semaphore, #tpu.memory_space<semaphore_mem>>) src(%dma_wait3A_421 : memref<10000x128xf32, #tpu.memory_space<hbm>>) dst(%arg12 : memref<64x128xf32, #tpu.memory_space<vmem>>)
        "tpu.region"() ({
          %run_scoped3A = tpu.sem_alloc : memref<!tpu.dma_semaphore, #tpu.memory_space<semaphore_mem>>
          %dma_start3A_428 = arith.constant 0 : i32
          %dma_start3A_429 = tpu.memref_slice %arg8[%add3A_403, %dma_start3A_428] : memref<32x64xi32, #tpu.memory_space<vmem>> -> memref<1x64xi32, #tpu.memory_space<vmem>>
          %dma_start3A_430 = tpu.memref_squeeze %dma_start3A_429 : memref<1x64xi32, #tpu.memory_space<vmem>> -> memref<64xi32, #tpu.memory_space<vmem>>
          %dma_start3A_431 = arith.constant 0 : i32
          %dma_start3A_432 = arith.constant 0 : i32
          %dma_start3A_433 = tpu.memref_slice %arg14[%dma_start3A_431, %dma_start3A_432] : memref<10112x128xf32, #tpu.memory_space<vmem_shared>> -> memref<10112x128xf32, #tpu.memory_space<vmem_shared>>
          tpu.enqueue_indirect_dma source(%arg12 : memref<64x128xf32, #tpu.memory_space<vmem>>) target(%dma_start3A_433 : memref<10112x128xf32, #tpu.memory_space<vmem_shared>>) offsets(%dma_start3A_430 : memref<64xi32, #tpu.memory_space<vmem>>) semaphore(%run_scoped3A : memref<!tpu.dma_semaphore, #tpu.memory_space<semaphore_mem>>) {add = true}
          %dma_wait3A_434 = arith.constant 0 : i32
          %dma_wait3A_435 = tpu.memref_slice %arg8[%add3A_403, %dma_wait3A_434] : memref<32x64xi32, #tpu.memory_space<vmem>> -> memref<1x64xi32, #tpu.memory_space<vmem>>
          %dma_wait3A_436 = tpu.memref_squeeze %dma_wait3A_435 : memref<1x64xi32, #tpu.memory_space<vmem>> -> memref<64xi32, #tpu.memory_space<vmem>>
          %dma_wait3A_437 = arith.constant 0 : i32
          %dma_wait3A_438 = arith.constant 0 : i32
          %dma_wait3A_439 = tpu.memref_slice %arg14[%dma_wait3A_437, %dma_wait3A_438] : memref<10112x128xf32, #tpu.memory_space<vmem_shared>> -> memref<10112x128xf32, #tpu.memory_space<vmem_shared>>
          tpu.wait_indirect_dma semaphore(%run_scoped3A : memref<!tpu.dma_semaphore, #tpu.memory_space<semaphore_mem>>) src(%arg12 : memref<64x128xf32, #tpu.memory_space<vmem>>) dst(%dma_wait3A_439 : memref<10112x128xf32, #tpu.memory_space<vmem_shared>>)
          tpu.yield
        }) : () -> ()
        %add3A_422 = arith.constant 4 : i32
        %add3A_423 = arith.addi %add3A_403, %add3A_422 : i32
        %lt3A_424 = arith.cmpi slt, %add3A_423, %min3A_261 : i32
        %convert_element_type3A_425 = arith.extui %lt3A_424 : i1 to i32
        %cond3A_426 = arith.constant 0 : i32
        %cond3A_427 = arith.cmpi ne, %convert_element_type3A_425, %cond3A_426 : i32
        scf.if %cond3A_427 {
          %add3A_428 = arith.constant 4 : i32
          %add3A_429 = arith.addi %add3A_403, %add3A_428 : i32
          %dma_start3A_430 = arith.constant 0 : i32
          %dma_start3A_431 = tpu.memref_slice %arg6[%add3A_429, %dma_start3A_430] : memref<32x64xi32, #tpu.memory_space<vmem>> -> memref<1x64xi32, #tpu.memory_space<vmem>>
          %dma_start3A_432 = tpu.memref_squeeze %dma_start3A_431 : memref<1x64xi32, #tpu.memory_space<vmem>> -> memref<64xi32, #tpu.memory_space<vmem>>
          %dma_start3A_433 = arith.constant 0 : i32
          %dma_start3A_434 = arith.constant 0 : i32
          %dma_start3A_435 = tpu.memref_slice %arg2[%dma_start3A_433, %dma_start3A_434] : memref<10000x128xf32, #tpu.memory_space<hbm>> -> memref<10000x128xf32, #tpu.memory_space<hbm>>
          tpu.enqueue_indirect_dma source(%dma_start3A_435 : memref<10000x128xf32, #tpu.memory_space<hbm>>) target(%arg12 : memref<64x128xf32, #tpu.memory_space<vmem>>) offsets(%dma_start3A_432 : memref<64xi32, #tpu.memory_space<vmem>>) semaphore(%arg19 : memref<!tpu.dma_semaphore, #tpu.memory_space<semaphore_mem>>)
        } else {
        }
      } else {
      }
      %mul3A_408 = arith.constant 4 : i32
      %mul3A_409 = arith.muli %scan3A_384, %mul3A_408 : i32
      %add3A_410 = arith.constant 3 : i32
      %add3A_411 = arith.addi %mul3A_409, %add3A_410 : i32
      %lt3A_412 = arith.cmpi slt, %add3A_411, %min3A_261 : i32
      %convert_element_type3A_413 = arith.extui %lt3A_412 : i1 to i32
      %cond3A_414 = arith.constant 0 : i32
      %cond3A_415 = arith.cmpi ne, %convert_element_type3A_413, %cond3A_414 : i32
      scf.if %cond3A_415 {
        %dma_wait3A_416 = arith.constant 0 : i32
        %dma_wait3A_417 = tpu.memref_slice %arg6[%add3A_411, %dma_wait3A_416] : memref<32x64xi32, #tpu.memory_space<vmem>> -> memref<1x64xi32, #tpu.memory_space<vmem>>
        %dma_wait3A_418 = tpu.memref_squeeze %dma_wait3A_417 : memref<1x64xi32, #tpu.memory_space<vmem>> -> memref<64xi32, #tpu.memory_space<vmem>>
        %dma_wait3A_419 = arith.constant 0 : i32
        %dma_wait3A_420 = arith.constant 0 : i32
        %dma_wait3A_421 = tpu.memref_slice %arg2[%dma_wait3A_419, %dma_wait3A_420] : memref<10000x128xf32, #tpu.memory_space<hbm>> -> memref<10000x128xf32, #tpu.memory_space<hbm>>
        tpu.wait_indirect_dma semaphore(%arg20 : memref<!tpu.dma_semaphore, #tpu.memory_space<semaphore_mem>>) src(%dma_wait3A_421 : memref<10000x128xf32, #tpu.memory_space<hbm>>) dst(%arg13 : memref<64x128xf32, #tpu.memory_space<vmem>>)
        "tpu.region"() ({
          %run_scoped3A = tpu.sem_alloc : memref<!tpu.dma_semaphore, #tpu.memory_space<semaphore_mem>>
          %dma_start3A_428 = arith.constant 0 : i32
          %dma_start3A_429 = tpu.memref_slice %arg8[%add3A_411, %dma_start3A_428] : memref<32x64xi32, #tpu.memory_space<vmem>> -> memref<1x64xi32, #tpu.memory_space<vmem>>
          %dma_start3A_430 = tpu.memref_squeeze %dma_start3A_429 : memref<1x64xi32, #tpu.memory_space<vmem>> -> memref<64xi32, #tpu.memory_space<vmem>>
          %dma_start3A_431 = arith.constant 0 : i32
          %dma_start3A_432 = arith.constant 0 : i32
          %dma_start3A_433 = tpu.memref_slice %arg14[%dma_start3A_431, %dma_start3A_432] : memref<10112x128xf32, #tpu.memory_space<vmem_shared>> -> memref<10112x128xf32, #tpu.memory_space<vmem_shared>>
          tpu.enqueue_indirect_dma source(%arg13 : memref<64x128xf32, #tpu.memory_space<vmem>>) target(%dma_start3A_433 : memref<10112x128xf32, #tpu.memory_space<vmem_shared>>) offsets(%dma_start3A_430 : memref<64xi32, #tpu.memory_space<vmem>>) semaphore(%run_scoped3A : memref<!tpu.dma_semaphore, #tpu.memory_space<semaphore_mem>>) {add = true}
          %dma_wait3A_434 = arith.constant 0 : i32
          %dma_wait3A_435 = tpu.memref_slice %arg8[%add3A_411, %dma_wait3A_434] : memref<32x64xi32, #tpu.memory_space<vmem>> -> memref<1x64xi32, #tpu.memory_space<vmem>>
          %dma_wait3A_436 = tpu.memref_squeeze %dma_wait3A_435 : memref<1x64xi32, #tpu.memory_space<vmem>> -> memref<64xi32, #tpu.memory_space<vmem>>
          %dma_wait3A_437 = arith.constant 0 : i32
          %dma_wait3A_438 = arith.constant 0 : i32
          %dma_wait3A_439 = tpu.memref_slice %arg14[%dma_wait3A_437, %dma_wait3A_438] : memref<10112x128xf32, #tpu.memory_space<vmem_shared>> -> memref<10112x128xf32, #tpu.memory_space<vmem_shared>>
          tpu.wait_indirect_dma semaphore(%run_scoped3A : memref<!tpu.dma_semaphore, #tpu.memory_space<semaphore_mem>>) src(%arg13 : memref<64x128xf32, #tpu.memory_space<vmem>>) dst(%dma_wait3A_439 : memref<10112x128xf32, #tpu.memory_space<vmem_shared>>)
          tpu.yield
        }) : () -> ()
        %add3A_422 = arith.constant 4 : i32
        %add3A_423 = arith.addi %add3A_411, %add3A_422 : i32
        %lt3A_424 = arith.cmpi slt, %add3A_423, %min3A_261 : i32
        %convert_element_type3A_425 = arith.extui %lt3A_424 : i1 to i32
        %cond3A_426 = arith.constant 0 : i32
        %cond3A_427 = arith.cmpi ne, %convert_element_type3A_425, %cond3A_426 : i32
        scf.if %cond3A_427 {
          %add3A_428 = arith.constant 4 : i32
          %add3A_429 = arith.addi %add3A_411, %add3A_428 : i32
          %dma_start3A_430 = arith.constant 0 : i32
          %dma_start3A_431 = tpu.memref_slice %arg6[%add3A_429, %dma_start3A_430] : memref<32x64xi32, #tpu.memory_space<vmem>> -> memref<1x64xi32, #tpu.memory_space<vmem>>
          %dma_start3A_432 = tpu.memref_squeeze %dma_start3A_431 : memref<1x64xi32, #tpu.memory_space<vmem>> -> memref<64xi32, #tpu.memory_space<vmem>>
          %dma_start3A_433 = arith.constant 0 : i32
          %dma_start3A_434 = arith.constant 0 : i32
          %dma_start3A_435 = tpu.memref_slice %arg2[%dma_start3A_433, %dma_start3A_434] : memref<10000x128xf32, #tpu.memory_space<hbm>> -> memref<10000x128xf32, #tpu.memory_space<hbm>>
          tpu.enqueue_indirect_dma source(%dma_start3A_435 : memref<10000x128xf32, #tpu.memory_space<hbm>>) target(%arg13 : memref<64x128xf32, #tpu.memory_space<vmem>>) offsets(%dma_start3A_432 : memref<64xi32, #tpu.memory_space<vmem>>) semaphore(%arg20 : memref<!tpu.dma_semaphore, #tpu.memory_space<semaphore_mem>>)
        } else {
        }
      } else {
      }
    }
    %scan3A_287 = arith.constant 8 : i32
    %add3A_288 = arith.constant 128 : i32
    %add3A_289 = arith.addi %mul3A_4, %add3A_288 : i32
    %dma_start3A_290 = arith.constant 0 : i32
    %dma_start3A_291 = tpu.memref_slice %arg3[%add3A_289, %dma_start3A_290] : memref<5120x64xi32, #tpu.memory_space<hbm>> -> memref<32x64xi32, #tpu.memory_space<hbm>>
    %dma_start3A_292 = arith.constant 0 : i32
    %dma_start3A_293 = tpu.memref_slice %arg3[%add3A_289, %dma_start3A_292] : memref<5120x64xi32, #tpu.memory_space<hbm>> -> memref<32x64xi32, #tpu.memory_space<hbm>>
    tpu.enqueue_dma source(%dma_start3A_293 : memref<32x64xi32, #tpu.memory_space<hbm>>) target(%arg6 : memref<32x64xi32, #tpu.memory_space<vmem>>) target_semaphore(%arg15 : memref<!tpu.dma_semaphore, #tpu.memory_space<semaphore_mem>>)
    %add3A_294 = arith.constant 128 : i32
    %add3A_295 = arith.addi %mul3A_4, %add3A_294 : i32
    %dma_start3A_296 = arith.constant 0 : i32
    %dma_start3A_297 = tpu.memref_slice %arg4[%add3A_295, %dma_start3A_296] : memref<5120x64xi32, #tpu.memory_space<hbm>> -> memref<32x64xi32, #tpu.memory_space<hbm>>
    %dma_start3A_298 = arith.constant 0 : i32
    %dma_start3A_299 = tpu.memref_slice %arg4[%add3A_295, %dma_start3A_298] : memref<5120x64xi32, #tpu.memory_space<hbm>> -> memref<32x64xi32, #tpu.memory_space<hbm>>
    tpu.enqueue_dma source(%dma_start3A_299 : memref<32x64xi32, #tpu.memory_space<hbm>>) target(%arg8 : memref<32x64xi32, #tpu.memory_space<vmem>>) target_semaphore(%arg15 : memref<!tpu.dma_semaphore, #tpu.memory_space<semaphore_mem>>)
    %dma_wait3A_300 = arith.constant 0 : i32
    %dma_wait3A_301 = tpu.memref_slice %arg3[%mul3A_4, %dma_wait3A_300] : memref<5120x64xi32, #tpu.memory_space<hbm>> -> memref<32x64xi32, #tpu.memory_space<hbm>>
    %dma_wait3A_302 = arith.constant 0 : i32
    %dma_wait3A_303 = tpu.memref_slice %arg3[%mul3A_4, %dma_wait3A_302] : memref<5120x64xi32, #tpu.memory_space<hbm>> -> memref<32x64xi32, #tpu.memory_space<hbm>>
    tpu.wait_dma2 semaphore(%arg16 : memref<!tpu.dma_semaphore, #tpu.memory_space<semaphore_mem>>) src(%dma_wait3A_303 : memref<32x64xi32, #tpu.memory_space<hbm>>) dst(%arg7 : memref<32x64xi32, #tpu.memory_space<vmem>>)
    %dma_wait3A_304 = arith.constant 0 : i32
    %dma_wait3A_305 = tpu.memref_slice %arg4[%mul3A_4, %dma_wait3A_304] : memref<5120x64xi32, #tpu.memory_space<hbm>> -> memref<32x64xi32, #tpu.memory_space<hbm>>
    %dma_wait3A_306 = arith.constant 0 : i32
    %dma_wait3A_307 = tpu.memref_slice %arg4[%mul3A_4, %dma_wait3A_306] : memref<5120x64xi32, #tpu.memory_space<hbm>> -> memref<32x64xi32, #tpu.memory_space<hbm>>
    tpu.wait_dma2 semaphore(%arg16 : memref<!tpu.dma_semaphore, #tpu.memory_space<semaphore_mem>>) src(%dma_wait3A_307 : memref<32x64xi32, #tpu.memory_space<hbm>>) dst(%arg9 : memref<32x64xi32, #tpu.memory_space<vmem>>)
    %sub3A_308 = arith.constant 96 : i32
    %sub3A_309 = arith.subi %min3A, %sub3A_308 : i32
    %jit3A_310 = arith.constant 0 : i32
    %jit3A_311 = arith.constant 32 : i32
    %max3A_312 = arith.maxsi %jit3A_310, %sub3A_309 : i32
    %min3A_313 = arith.minsi %jit3A_311, %max3A_312 : i32
    %gt3A_314 = arith.constant 0 : i32
    %gt3A_315 = arith.cmpi sgt, %min3A_313, %gt3A_314 : i32
    %convert_element_type3A_316 = arith.extui %gt3A_315 : i1 to i32
    %cond3A_317 = arith.constant 0 : i32
    %cond3A_318 = arith.cmpi ne, %convert_element_type3A_316, %cond3A_317 : i32
    scf.if %cond3A_318 {
      %dma_start3A_384 = arith.constant 0 : i32
      %dma_start3A_385 = arith.constant 0 : i32
      %dma_start3A_386 = tpu.memref_slice %arg7[%dma_start3A_384, %dma_start3A_385] : memref<32x64xi32, #tpu.memory_space<vmem>> -> memref<1x64xi32, #tpu.memory_space<vmem>>
      %dma_start3A_387 = tpu.memref_squeeze %dma_start3A_386 : memref<1x64xi32, #tpu.memory_space<vmem>> -> memref<64xi32, #tpu.memory_space<vmem>>
      %dma_start3A_388 = arith.constant 0 : i32
      %dma_start3A_389 = arith.constant 0 : i32
      %dma_start3A_390 = tpu.memref_slice %arg2[%dma_start3A_388, %dma_start3A_389] : memref<10000x128xf32, #tpu.memory_space<hbm>> -> memref<10000x128xf32, #tpu.memory_space<hbm>>
      tpu.enqueue_indirect_dma source(%dma_start3A_390 : memref<10000x128xf32, #tpu.memory_space<hbm>>) target(%arg10 : memref<64x128xf32, #tpu.memory_space<vmem>>) offsets(%dma_start3A_387 : memref<64xi32, #tpu.memory_space<vmem>>) semaphore(%arg17 : memref<!tpu.dma_semaphore, #tpu.memory_space<semaphore_mem>>)
    } else {
    }
    %gt3A_319 = arith.constant 1 : i32
    %gt3A_320 = arith.cmpi sgt, %min3A_313, %gt3A_319 : i32
    %convert_element_type3A_321 = arith.extui %gt3A_320 : i1 to i32
    %cond3A_322 = arith.constant 0 : i32
    %cond3A_323 = arith.cmpi ne, %convert_element_type3A_321, %cond3A_322 : i32
    scf.if %cond3A_323 {
      %dma_start3A_384 = arith.constant 1 : i32
      %dma_start3A_385 = arith.constant 0 : i32
      %dma_start3A_386 = tpu.memref_slice %arg7[%dma_start3A_384, %dma_start3A_385] : memref<32x64xi32, #tpu.memory_space<vmem>> -> memref<1x64xi32, #tpu.memory_space<vmem>>
      %dma_start3A_387 = tpu.memref_squeeze %dma_start3A_386 : memref<1x64xi32, #tpu.memory_space<vmem>> -> memref<64xi32, #tpu.memory_space<vmem>>
      %dma_start3A_388 = arith.constant 0 : i32
      %dma_start3A_389 = arith.constant 0 : i32
      %dma_start3A_390 = tpu.memref_slice %arg2[%dma_start3A_388, %dma_start3A_389] : memref<10000x128xf32, #tpu.memory_space<hbm>> -> memref<10000x128xf32, #tpu.memory_space<hbm>>
      tpu.enqueue_indirect_dma source(%dma_start3A_390 : memref<10000x128xf32, #tpu.memory_space<hbm>>) target(%arg11 : memref<64x128xf32, #tpu.memory_space<vmem>>) offsets(%dma_start3A_387 : memref<64xi32, #tpu.memory_space<vmem>>) semaphore(%arg18 : memref<!tpu.dma_semaphore, #tpu.memory_space<semaphore_mem>>)
    } else {
    }
    %gt3A_324 = arith.constant 2 : i32
    %gt3A_325 = arith.cmpi sgt, %min3A_313, %gt3A_324 : i32
    %convert_element_type3A_326 = arith.extui %gt3A_325 : i1 to i32
    %cond3A_327 = arith.constant 0 : i32
    %cond3A_328 = arith.cmpi ne, %convert_element_type3A_326, %cond3A_327 : i32
    scf.if %cond3A_328 {
      %dma_start3A_384 = arith.constant 2 : i32
      %dma_start3A_385 = arith.constant 0 : i32
      %dma_start3A_386 = tpu.memref_slice %arg7[%dma_start3A_384, %dma_start3A_385] : memref<32x64xi32, #tpu.memory_space<vmem>> -> memref<1x64xi32, #tpu.memory_space<vmem>>
      %dma_start3A_387 = tpu.memref_squeeze %dma_start3A_386 : memref<1x64xi32, #tpu.memory_space<vmem>> -> memref<64xi32, #tpu.memory_space<vmem>>
      %dma_start3A_388 = arith.constant 0 : i32
      %dma_start3A_389 = arith.constant 0 : i32
      %dma_start3A_390 = tpu.memref_slice %arg2[%dma_start3A_388, %dma_start3A_389] : memref<10000x128xf32, #tpu.memory_space<hbm>> -> memref<10000x128xf32, #tpu.memory_space<hbm>>
      tpu.enqueue_indirect_dma source(%dma_start3A_390 : memref<10000x128xf32, #tpu.memory_space<hbm>>) target(%arg12 : memref<64x128xf32, #tpu.memory_space<vmem>>) offsets(%dma_start3A_387 : memref<64xi32, #tpu.memory_space<vmem>>) semaphore(%arg19 : memref<!tpu.dma_semaphore, #tpu.memory_space<semaphore_mem>>)
    } else {
    }
    %gt3A_329 = arith.constant 3 : i32
    %gt3A_330 = arith.cmpi sgt, %min3A_313, %gt3A_329 : i32
    %convert_element_type3A_331 = arith.extui %gt3A_330 : i1 to i32
    %cond3A_332 = arith.constant 0 : i32
    %cond3A_333 = arith.cmpi ne, %convert_element_type3A_331, %cond3A_332 : i32
    scf.if %cond3A_333 {
      %dma_start3A_384 = arith.constant 3 : i32
      %dma_start3A_385 = arith.constant 0 : i32
      %dma_start3A_386 = tpu.memref_slice %arg7[%dma_start3A_384, %dma_start3A_385] : memref<32x64xi32, #tpu.memory_space<vmem>> -> memref<1x64xi32, #tpu.memory_space<vmem>>
      %dma_start3A_387 = tpu.memref_squeeze %dma_start3A_386 : memref<1x64xi32, #tpu.memory_space<vmem>> -> memref<64xi32, #tpu.memory_space<vmem>>
      %dma_start3A_388 = arith.constant 0 : i32
      %dma_start3A_389 = arith.constant 0 : i32
      %dma_start3A_390 = tpu.memref_slice %arg2[%dma_start3A_388, %dma_start3A_389] : memref<10000x128xf32, #tpu.memory_space<hbm>> -> memref<10000x128xf32, #tpu.memory_space<hbm>>
      tpu.enqueue_indirect_dma source(%dma_start3A_390 : memref<10000x128xf32, #tpu.memory_space<hbm>>) target(%arg13 : memref<64x128xf32, #tpu.memory_space<vmem>>) offsets(%dma_start3A_387 : memref<64xi32, #tpu.memory_space<vmem>>) semaphore(%arg20 : memref<!tpu.dma_semaphore, #tpu.memory_space<semaphore_mem>>)
    } else {
    }
    %scan3A_334 = arith.constant 0 : i32
    %scan3A_335 = arith.constant 0 : i32
    %scan3A_336 = arith.constant 8 : i32
    %scan3A_337 = arith.addi %scan3A_335, %scan3A_336 : i32
    %scan3A_338 = arith.constant 1 : i32
    scf.for %scan3A_384 = %scan3A_335 to %scan3A_337 step %scan3A_338  : i32 {
      %mul3A_385 = arith.constant 4 : i32
      %mul3A_386 = arith.muli %scan3A_384, %mul3A_385 : i32
      %add3A_387 = arith.constant 0 : i32
      %add3A_388 = arith.addi %mul3A_386, %add3A_387 : i32
      %lt3A = arith.cmpi slt, %add3A_388, %min3A_313 : i32
      %convert_element_type3A_389 = arith.extui %lt3A : i1 to i32
      %cond3A_390 = arith.constant 0 : i32
      %cond3A_391 = arith.cmpi ne, %convert_element_type3A_389, %cond3A_390 : i32
      scf.if %cond3A_391 {
        %dma_wait3A_416 = arith.constant 0 : i32
        %dma_wait3A_417 = tpu.memref_slice %arg7[%add3A_388, %dma_wait3A_416] : memref<32x64xi32, #tpu.memory_space<vmem>> -> memref<1x64xi32, #tpu.memory_space<vmem>>
        %dma_wait3A_418 = tpu.memref_squeeze %dma_wait3A_417 : memref<1x64xi32, #tpu.memory_space<vmem>> -> memref<64xi32, #tpu.memory_space<vmem>>
        %dma_wait3A_419 = arith.constant 0 : i32
        %dma_wait3A_420 = arith.constant 0 : i32
        %dma_wait3A_421 = tpu.memref_slice %arg2[%dma_wait3A_419, %dma_wait3A_420] : memref<10000x128xf32, #tpu.memory_space<hbm>> -> memref<10000x128xf32, #tpu.memory_space<hbm>>
        tpu.wait_indirect_dma semaphore(%arg17 : memref<!tpu.dma_semaphore, #tpu.memory_space<semaphore_mem>>) src(%dma_wait3A_421 : memref<10000x128xf32, #tpu.memory_space<hbm>>) dst(%arg10 : memref<64x128xf32, #tpu.memory_space<vmem>>)
        "tpu.region"() ({
          %run_scoped3A = tpu.sem_alloc : memref<!tpu.dma_semaphore, #tpu.memory_space<semaphore_mem>>
          %dma_start3A_428 = arith.constant 0 : i32
          %dma_start3A_429 = tpu.memref_slice %arg9[%add3A_388, %dma_start3A_428] : memref<32x64xi32, #tpu.memory_space<vmem>> -> memref<1x64xi32, #tpu.memory_space<vmem>>
          %dma_start3A_430 = tpu.memref_squeeze %dma_start3A_429 : memref<1x64xi32, #tpu.memory_space<vmem>> -> memref<64xi32, #tpu.memory_space<vmem>>
          %dma_start3A_431 = arith.constant 0 : i32
          %dma_start3A_432 = arith.constant 0 : i32
          %dma_start3A_433 = tpu.memref_slice %arg14[%dma_start3A_431, %dma_start3A_432] : memref<10112x128xf32, #tpu.memory_space<vmem_shared>> -> memref<10112x128xf32, #tpu.memory_space<vmem_shared>>
          tpu.enqueue_indirect_dma source(%arg10 : memref<64x128xf32, #tpu.memory_space<vmem>>) target(%dma_start3A_433 : memref<10112x128xf32, #tpu.memory_space<vmem_shared>>) offsets(%dma_start3A_430 : memref<64xi32, #tpu.memory_space<vmem>>) semaphore(%run_scoped3A : memref<!tpu.dma_semaphore, #tpu.memory_space<semaphore_mem>>) {add = true}
          %dma_wait3A_434 = arith.constant 0 : i32
          %dma_wait3A_435 = tpu.memref_slice %arg9[%add3A_388, %dma_wait3A_434] : memref<32x64xi32, #tpu.memory_space<vmem>> -> memref<1x64xi32, #tpu.memory_space<vmem>>
          %dma_wait3A_436 = tpu.memref_squeeze %dma_wait3A_435 : memref<1x64xi32, #tpu.memory_space<vmem>> -> memref<64xi32, #tpu.memory_space<vmem>>
          %dma_wait3A_437 = arith.constant 0 : i32
          %dma_wait3A_438 = arith.constant 0 : i32
          %dma_wait3A_439 = tpu.memref_slice %arg14[%dma_wait3A_437, %dma_wait3A_438] : memref<10112x128xf32, #tpu.memory_space<vmem_shared>> -> memref<10112x128xf32, #tpu.memory_space<vmem_shared>>
          tpu.wait_indirect_dma semaphore(%run_scoped3A : memref<!tpu.dma_semaphore, #tpu.memory_space<semaphore_mem>>) src(%arg10 : memref<64x128xf32, #tpu.memory_space<vmem>>) dst(%dma_wait3A_439 : memref<10112x128xf32, #tpu.memory_space<vmem_shared>>)
          tpu.yield
        }) : () -> ()
        %add3A_422 = arith.constant 4 : i32
        %add3A_423 = arith.addi %add3A_388, %add3A_422 : i32
        %lt3A_424 = arith.cmpi slt, %add3A_423, %min3A_313 : i32
        %convert_element_type3A_425 = arith.extui %lt3A_424 : i1 to i32
        %cond3A_426 = arith.constant 0 : i32
        %cond3A_427 = arith.cmpi ne, %convert_element_type3A_425, %cond3A_426 : i32
        scf.if %cond3A_427 {
          %add3A_428 = arith.constant 4 : i32
          %add3A_429 = arith.addi %add3A_388, %add3A_428 : i32
          %dma_start3A_430 = arith.constant 0 : i32
          %dma_start3A_431 = tpu.memref_slice %arg7[%add3A_429, %dma_start3A_430] : memref<32x64xi32, #tpu.memory_space<vmem>> -> memref<1x64xi32, #tpu.memory_space<vmem>>
          %dma_start3A_432 = tpu.memref_squeeze %dma_start3A_431 : memref<1x64xi32, #tpu.memory_space<vmem>> -> memref<64xi32, #tpu.memory_space<vmem>>
          %dma_start3A_433 = arith.constant 0 : i32
          %dma_start3A_434 = arith.constant 0 : i32
          %dma_start3A_435 = tpu.memref_slice %arg2[%dma_start3A_433, %dma_start3A_434] : memref<10000x128xf32, #tpu.memory_space<hbm>> -> memref<10000x128xf32, #tpu.memory_space<hbm>>
          tpu.enqueue_indirect_dma source(%dma_start3A_435 : memref<10000x128xf32, #tpu.memory_space<hbm>>) target(%arg10 : memref<64x128xf32, #tpu.memory_space<vmem>>) offsets(%dma_start3A_432 : memref<64xi32, #tpu.memory_space<vmem>>) semaphore(%arg17 : memref<!tpu.dma_semaphore, #tpu.memory_space<semaphore_mem>>)
        } else {
        }
      } else {
      }
      %mul3A_392 = arith.constant 4 : i32
      %mul3A_393 = arith.muli %scan3A_384, %mul3A_392 : i32
      %add3A_394 = arith.constant 1 : i32
      %add3A_395 = arith.addi %mul3A_393, %add3A_394 : i32
      %lt3A_396 = arith.cmpi slt, %add3A_395, %min3A_313 : i32
      %convert_element_type3A_397 = arith.extui %lt3A_396 : i1 to i32
      %cond3A_398 = arith.constant 0 : i32
      %cond3A_399 = arith.cmpi ne, %convert_element_type3A_397, %cond3A_398 : i32
      scf.if %cond3A_399 {
        %dma_wait3A_416 = arith.constant 0 : i32
        %dma_wait3A_417 = tpu.memref_slice %arg7[%add3A_395, %dma_wait3A_416] : memref<32x64xi32, #tpu.memory_space<vmem>> -> memref<1x64xi32, #tpu.memory_space<vmem>>
        %dma_wait3A_418 = tpu.memref_squeeze %dma_wait3A_417 : memref<1x64xi32, #tpu.memory_space<vmem>> -> memref<64xi32, #tpu.memory_space<vmem>>
        %dma_wait3A_419 = arith.constant 0 : i32
        %dma_wait3A_420 = arith.constant 0 : i32
        %dma_wait3A_421 = tpu.memref_slice %arg2[%dma_wait3A_419, %dma_wait3A_420] : memref<10000x128xf32, #tpu.memory_space<hbm>> -> memref<10000x128xf32, #tpu.memory_space<hbm>>
        tpu.wait_indirect_dma semaphore(%arg18 : memref<!tpu.dma_semaphore, #tpu.memory_space<semaphore_mem>>) src(%dma_wait3A_421 : memref<10000x128xf32, #tpu.memory_space<hbm>>) dst(%arg11 : memref<64x128xf32, #tpu.memory_space<vmem>>)
        "tpu.region"() ({
          %run_scoped3A = tpu.sem_alloc : memref<!tpu.dma_semaphore, #tpu.memory_space<semaphore_mem>>
          %dma_start3A_428 = arith.constant 0 : i32
          %dma_start3A_429 = tpu.memref_slice %arg9[%add3A_395, %dma_start3A_428] : memref<32x64xi32, #tpu.memory_space<vmem>> -> memref<1x64xi32, #tpu.memory_space<vmem>>
          %dma_start3A_430 = tpu.memref_squeeze %dma_start3A_429 : memref<1x64xi32, #tpu.memory_space<vmem>> -> memref<64xi32, #tpu.memory_space<vmem>>
          %dma_start3A_431 = arith.constant 0 : i32
          %dma_start3A_432 = arith.constant 0 : i32
          %dma_start3A_433 = tpu.memref_slice %arg14[%dma_start3A_431, %dma_start3A_432] : memref<10112x128xf32, #tpu.memory_space<vmem_shared>> -> memref<10112x128xf32, #tpu.memory_space<vmem_shared>>
          tpu.enqueue_indirect_dma source(%arg11 : memref<64x128xf32, #tpu.memory_space<vmem>>) target(%dma_start3A_433 : memref<10112x128xf32, #tpu.memory_space<vmem_shared>>) offsets(%dma_start3A_430 : memref<64xi32, #tpu.memory_space<vmem>>) semaphore(%run_scoped3A : memref<!tpu.dma_semaphore, #tpu.memory_space<semaphore_mem>>) {add = true}
          %dma_wait3A_434 = arith.constant 0 : i32
          %dma_wait3A_435 = tpu.memref_slice %arg9[%add3A_395, %dma_wait3A_434] : memref<32x64xi32, #tpu.memory_space<vmem>> -> memref<1x64xi32, #tpu.memory_space<vmem>>
          %dma_wait3A_436 = tpu.memref_squeeze %dma_wait3A_435 : memref<1x64xi32, #tpu.memory_space<vmem>> -> memref<64xi32, #tpu.memory_space<vmem>>
          %dma_wait3A_437 = arith.constant 0 : i32
          %dma_wait3A_438 = arith.constant 0 : i32
          %dma_wait3A_439 = tpu.memref_slice %arg14[%dma_wait3A_437, %dma_wait3A_438] : memref<10112x128xf32, #tpu.memory_space<vmem_shared>> -> memref<10112x128xf32, #tpu.memory_space<vmem_shared>>
          tpu.wait_indirect_dma semaphore(%run_scoped3A : memref<!tpu.dma_semaphore, #tpu.memory_space<semaphore_mem>>) src(%arg11 : memref<64x128xf32, #tpu.memory_space<vmem>>) dst(%dma_wait3A_439 : memref<10112x128xf32, #tpu.memory_space<vmem_shared>>)
          tpu.yield
        }) : () -> ()
        %add3A_422 = arith.constant 4 : i32
        %add3A_423 = arith.addi %add3A_395, %add3A_422 : i32
        %lt3A_424 = arith.cmpi slt, %add3A_423, %min3A_313 : i32
        %convert_element_type3A_425 = arith.extui %lt3A_424 : i1 to i32
        %cond3A_426 = arith.constant 0 : i32
        %cond3A_427 = arith.cmpi ne, %convert_element_type3A_425, %cond3A_426 : i32
        scf.if %cond3A_427 {
          %add3A_428 = arith.constant 4 : i32
          %add3A_429 = arith.addi %add3A_395, %add3A_428 : i32
          %dma_start3A_430 = arith.constant 0 : i32
          %dma_start3A_431 = tpu.memref_slice %arg7[%add3A_429, %dma_start3A_430] : memref<32x64xi32, #tpu.memory_space<vmem>> -> memref<1x64xi32, #tpu.memory_space<vmem>>
          %dma_start3A_432 = tpu.memref_squeeze %dma_start3A_431 : memref<1x64xi32, #tpu.memory_space<vmem>> -> memref<64xi32, #tpu.memory_space<vmem>>
          %dma_start3A_433 = arith.constant 0 : i32
          %dma_start3A_434 = arith.constant 0 : i32
          %dma_start3A_435 = tpu.memref_slice %arg2[%dma_start3A_433, %dma_start3A_434] : memref<10000x128xf32, #tpu.memory_space<hbm>> -> memref<10000x128xf32, #tpu.memory_space<hbm>>
          tpu.enqueue_indirect_dma source(%dma_start3A_435 : memref<10000x128xf32, #tpu.memory_space<hbm>>) target(%arg11 : memref<64x128xf32, #tpu.memory_space<vmem>>) offsets(%dma_start3A_432 : memref<64xi32, #tpu.memory_space<vmem>>) semaphore(%arg18 : memref<!tpu.dma_semaphore, #tpu.memory_space<semaphore_mem>>)
        } else {
        }
      } else {
      }
      %mul3A_400 = arith.constant 4 : i32
      %mul3A_401 = arith.muli %scan3A_384, %mul3A_400 : i32
      %add3A_402 = arith.constant 2 : i32
      %add3A_403 = arith.addi %mul3A_401, %add3A_402 : i32
      %lt3A_404 = arith.cmpi slt, %add3A_403, %min3A_313 : i32
      %convert_element_type3A_405 = arith.extui %lt3A_404 : i1 to i32
      %cond3A_406 = arith.constant 0 : i32
      %cond3A_407 = arith.cmpi ne, %convert_element_type3A_405, %cond3A_406 : i32
      scf.if %cond3A_407 {
        %dma_wait3A_416 = arith.constant 0 : i32
        %dma_wait3A_417 = tpu.memref_slice %arg7[%add3A_403, %dma_wait3A_416] : memref<32x64xi32, #tpu.memory_space<vmem>> -> memref<1x64xi32, #tpu.memory_space<vmem>>
        %dma_wait3A_418 = tpu.memref_squeeze %dma_wait3A_417 : memref<1x64xi32, #tpu.memory_space<vmem>> -> memref<64xi32, #tpu.memory_space<vmem>>
        %dma_wait3A_419 = arith.constant 0 : i32
        %dma_wait3A_420 = arith.constant 0 : i32
        %dma_wait3A_421 = tpu.memref_slice %arg2[%dma_wait3A_419, %dma_wait3A_420] : memref<10000x128xf32, #tpu.memory_space<hbm>> -> memref<10000x128xf32, #tpu.memory_space<hbm>>
        tpu.wait_indirect_dma semaphore(%arg19 : memref<!tpu.dma_semaphore, #tpu.memory_space<semaphore_mem>>) src(%dma_wait3A_421 : memref<10000x128xf32, #tpu.memory_space<hbm>>) dst(%arg12 : memref<64x128xf32, #tpu.memory_space<vmem>>)
        "tpu.region"() ({
          %run_scoped3A = tpu.sem_alloc : memref<!tpu.dma_semaphore, #tpu.memory_space<semaphore_mem>>
          %dma_start3A_428 = arith.constant 0 : i32
          %dma_start3A_429 = tpu.memref_slice %arg9[%add3A_403, %dma_start3A_428] : memref<32x64xi32, #tpu.memory_space<vmem>> -> memref<1x64xi32, #tpu.memory_space<vmem>>
          %dma_start3A_430 = tpu.memref_squeeze %dma_start3A_429 : memref<1x64xi32, #tpu.memory_space<vmem>> -> memref<64xi32, #tpu.memory_space<vmem>>
          %dma_start3A_431 = arith.constant 0 : i32
          %dma_start3A_432 = arith.constant 0 : i32
          %dma_start3A_433 = tpu.memref_slice %arg14[%dma_start3A_431, %dma_start3A_432] : memref<10112x128xf32, #tpu.memory_space<vmem_shared>> -> memref<10112x128xf32, #tpu.memory_space<vmem_shared>>
          tpu.enqueue_indirect_dma source(%arg12 : memref<64x128xf32, #tpu.memory_space<vmem>>) target(%dma_start3A_433 : memref<10112x128xf32, #tpu.memory_space<vmem_shared>>) offsets(%dma_start3A_430 : memref<64xi32, #tpu.memory_space<vmem>>) semaphore(%run_scoped3A : memref<!tpu.dma_semaphore, #tpu.memory_space<semaphore_mem>>) {add = true}
          %dma_wait3A_434 = arith.constant 0 : i32
          %dma_wait3A_435 = tpu.memref_slice %arg9[%add3A_403, %dma_wait3A_434] : memref<32x64xi32, #tpu.memory_space<vmem>> -> memref<1x64xi32, #tpu.memory_space<vmem>>
          %dma_wait3A_436 = tpu.memref_squeeze %dma_wait3A_435 : memref<1x64xi32, #tpu.memory_space<vmem>> -> memref<64xi32, #tpu.memory_space<vmem>>
          %dma_wait3A_437 = arith.constant 0 : i32
          %dma_wait3A_438 = arith.constant 0 : i32
          %dma_wait3A_439 = tpu.memref_slice %arg14[%dma_wait3A_437, %dma_wait3A_438] : memref<10112x128xf32, #tpu.memory_space<vmem_shared>> -> memref<10112x128xf32, #tpu.memory_space<vmem_shared>>
          tpu.wait_indirect_dma semaphore(%run_scoped3A : memref<!tpu.dma_semaphore, #tpu.memory_space<semaphore_mem>>) src(%arg12 : memref<64x128xf32, #tpu.memory_space<vmem>>) dst(%dma_wait3A_439 : memref<10112x128xf32, #tpu.memory_space<vmem_shared>>)
          tpu.yield
        }) : () -> ()
        %add3A_422 = arith.constant 4 : i32
        %add3A_423 = arith.addi %add3A_403, %add3A_422 : i32
        %lt3A_424 = arith.cmpi slt, %add3A_423, %min3A_313 : i32
        %convert_element_type3A_425 = arith.extui %lt3A_424 : i1 to i32
        %cond3A_426 = arith.constant 0 : i32
        %cond3A_427 = arith.cmpi ne, %convert_element_type3A_425, %cond3A_426 : i32
        scf.if %cond3A_427 {
          %add3A_428 = arith.constant 4 : i32
          %add3A_429 = arith.addi %add3A_403, %add3A_428 : i32
          %dma_start3A_430 = arith.constant 0 : i32
          %dma_start3A_431 = tpu.memref_slice %arg7[%add3A_429, %dma_start3A_430] : memref<32x64xi32, #tpu.memory_space<vmem>> -> memref<1x64xi32, #tpu.memory_space<vmem>>
          %dma_start3A_432 = tpu.memref_squeeze %dma_start3A_431 : memref<1x64xi32, #tpu.memory_space<vmem>> -> memref<64xi32, #tpu.memory_space<vmem>>
          %dma_start3A_433 = arith.constant 0 : i32
          %dma_start3A_434 = arith.constant 0 : i32
          %dma_start3A_435 = tpu.memref_slice %arg2[%dma_start3A_433, %dma_start3A_434] : memref<10000x128xf32, #tpu.memory_space<hbm>> -> memref<10000x128xf32, #tpu.memory_space<hbm>>
          tpu.enqueue_indirect_dma source(%dma_start3A_435 : memref<10000x128xf32, #tpu.memory_space<hbm>>) target(%arg12 : memref<64x128xf32, #tpu.memory_space<vmem>>) offsets(%dma_start3A_432 : memref<64xi32, #tpu.memory_space<vmem>>) semaphore(%arg19 : memref<!tpu.dma_semaphore, #tpu.memory_space<semaphore_mem>>)
        } else {
        }
      } else {
      }
      %mul3A_408 = arith.constant 4 : i32
      %mul3A_409 = arith.muli %scan3A_384, %mul3A_408 : i32
      %add3A_410 = arith.constant 3 : i32
      %add3A_411 = arith.addi %mul3A_409, %add3A_410 : i32
      %lt3A_412 = arith.cmpi slt, %add3A_411, %min3A_313 : i32
      %convert_element_type3A_413 = arith.extui %lt3A_412 : i1 to i32
      %cond3A_414 = arith.constant 0 : i32
      %cond3A_415 = arith.cmpi ne, %convert_element_type3A_413, %cond3A_414 : i32
      scf.if %cond3A_415 {
        %dma_wait3A_416 = arith.constant 0 : i32
        %dma_wait3A_417 = tpu.memref_slice %arg7[%add3A_411, %dma_wait3A_416] : memref<32x64xi32, #tpu.memory_space<vmem>> -> memref<1x64xi32, #tpu.memory_space<vmem>>
        %dma_wait3A_418 = tpu.memref_squeeze %dma_wait3A_417 : memref<1x64xi32, #tpu.memory_space<vmem>> -> memref<64xi32, #tpu.memory_space<vmem>>
        %dma_wait3A_419 = arith.constant 0 : i32
        %dma_wait3A_420 = arith.constant 0 : i32
        %dma_wait3A_421 = tpu.memref_slice %arg2[%dma_wait3A_419, %dma_wait3A_420] : memref<10000x128xf32, #tpu.memory_space<hbm>> -> memref<10000x128xf32, #tpu.memory_space<hbm>>
        tpu.wait_indirect_dma semaphore(%arg20 : memref<!tpu.dma_semaphore, #tpu.memory_space<semaphore_mem>>) src(%dma_wait3A_421 : memref<10000x128xf32, #tpu.memory_space<hbm>>) dst(%arg13 : memref<64x128xf32, #tpu.memory_space<vmem>>)
        "tpu.region"() ({
          %run_scoped3A = tpu.sem_alloc : memref<!tpu.dma_semaphore, #tpu.memory_space<semaphore_mem>>
          %dma_start3A_428 = arith.constant 0 : i32
          %dma_start3A_429 = tpu.memref_slice %arg9[%add3A_411, %dma_start3A_428] : memref<32x64xi32, #tpu.memory_space<vmem>> -> memref<1x64xi32, #tpu.memory_space<vmem>>
          %dma_start3A_430 = tpu.memref_squeeze %dma_start3A_429 : memref<1x64xi32, #tpu.memory_space<vmem>> -> memref<64xi32, #tpu.memory_space<vmem>>
          %dma_start3A_431 = arith.constant 0 : i32
          %dma_start3A_432 = arith.constant 0 : i32
          %dma_start3A_433 = tpu.memref_slice %arg14[%dma_start3A_431, %dma_start3A_432] : memref<10112x128xf32, #tpu.memory_space<vmem_shared>> -> memref<10112x128xf32, #tpu.memory_space<vmem_shared>>
          tpu.enqueue_indirect_dma source(%arg13 : memref<64x128xf32, #tpu.memory_space<vmem>>) target(%dma_start3A_433 : memref<10112x128xf32, #tpu.memory_space<vmem_shared>>) offsets(%dma_start3A_430 : memref<64xi32, #tpu.memory_space<vmem>>) semaphore(%run_scoped3A : memref<!tpu.dma_semaphore, #tpu.memory_space<semaphore_mem>>) {add = true}
          %dma_wait3A_434 = arith.constant 0 : i32
          %dma_wait3A_435 = tpu.memref_slice %arg9[%add3A_411, %dma_wait3A_434] : memref<32x64xi32, #tpu.memory_space<vmem>> -> memref<1x64xi32, #tpu.memory_space<vmem>>
          %dma_wait3A_436 = tpu.memref_squeeze %dma_wait3A_435 : memref<1x64xi32, #tpu.memory_space<vmem>> -> memref<64xi32, #tpu.memory_space<vmem>>
          %dma_wait3A_437 = arith.constant 0 : i32
          %dma_wait3A_438 = arith.constant 0 : i32
          %dma_wait3A_439 = tpu.memref_slice %arg14[%dma_wait3A_437, %dma_wait3A_438] : memref<10112x128xf32, #tpu.memory_space<vmem_shared>> -> memref<10112x128xf32, #tpu.memory_space<vmem_shared>>
          tpu.wait_indirect_dma semaphore(%run_scoped3A : memref<!tpu.dma_semaphore, #tpu.memory_space<semaphore_mem>>) src(%arg13 : memref<64x128xf32, #tpu.memory_space<vmem>>) dst(%dma_wait3A_439 : memref<10112x128xf32, #tpu.memory_space<vmem_shared>>)
          tpu.yield
        }) : () -> ()
        %add3A_422 = arith.constant 4 : i32
        %add3A_423 = arith.addi %add3A_411, %add3A_422 : i32
        %lt3A_424 = arith.cmpi slt, %add3A_423, %min3A_313 : i32
        %convert_element_type3A_425 = arith.extui %lt3A_424 : i1 to i32
        %cond3A_426 = arith.constant 0 : i32
        %cond3A_427 = arith.cmpi ne, %convert_element_type3A_425, %cond3A_426 : i32
        scf.if %cond3A_427 {
          %add3A_428 = arith.constant 4 : i32
          %add3A_429 = arith.addi %add3A_411, %add3A_428 : i32
          %dma_start3A_430 = arith.constant 0 : i32
          %dma_start3A_431 = tpu.memref_slice %arg7[%add3A_429, %dma_start3A_430] : memref<32x64xi32, #tpu.memory_space<vmem>> -> memref<1x64xi32, #tpu.memory_space<vmem>>
          %dma_start3A_432 = tpu.memref_squeeze %dma_start3A_431 : memref<1x64xi32, #tpu.memory_space<vmem>> -> memref<64xi32, #tpu.memory_space<vmem>>
          %dma_start3A_433 = arith.constant 0 : i32
          %dma_start3A_434 = arith.constant 0 : i32
          %dma_start3A_435 = tpu.memref_slice %arg2[%dma_start3A_433, %dma_start3A_434] : memref<10000x128xf32, #tpu.memory_space<hbm>> -> memref<10000x128xf32, #tpu.memory_space<hbm>>
          tpu.enqueue_indirect_dma source(%dma_start3A_435 : memref<10000x128xf32, #tpu.memory_space<hbm>>) target(%arg13 : memref<64x128xf32, #tpu.memory_space<vmem>>) offsets(%dma_start3A_432 : memref<64xi32, #tpu.memory_space<vmem>>) semaphore(%arg20 : memref<!tpu.dma_semaphore, #tpu.memory_space<semaphore_mem>>)
        } else {
        }
      } else {
      }
    }
    %scan3A_339 = arith.constant 8 : i32
    %dma_wait3A_340 = arith.constant 0 : i32
    %dma_wait3A_341 = tpu.memref_slice %arg3[%mul3A_4, %dma_wait3A_340] : memref<5120x64xi32, #tpu.memory_space<hbm>> -> memref<32x64xi32, #tpu.memory_space<hbm>>
    %dma_wait3A_342 = arith.constant 0 : i32
    %dma_wait3A_343 = tpu.memref_slice %arg3[%mul3A_4, %dma_wait3A_342] : memref<5120x64xi32, #tpu.memory_space<hbm>> -> memref<32x64xi32, #tpu.memory_space<hbm>>
    tpu.wait_dma2 semaphore(%arg15 : memref<!tpu.dma_semaphore, #tpu.memory_space<semaphore_mem>>) src(%dma_wait3A_343 : memref<32x64xi32, #tpu.memory_space<hbm>>) dst(%arg6 : memref<32x64xi32, #tpu.memory_space<vmem>>)
    %dma_wait3A_344 = arith.constant 0 : i32
    %dma_wait3A_345 = tpu.memref_slice %arg4[%mul3A_4, %dma_wait3A_344] : memref<5120x64xi32, #tpu.memory_space<hbm>> -> memref<32x64xi32, #tpu.memory_space<hbm>>
    %dma_wait3A_346 = arith.constant 0 : i32
    %dma_wait3A_347 = tpu.memref_slice %arg4[%mul3A_4, %dma_wait3A_346] : memref<5120x64xi32, #tpu.memory_space<hbm>> -> memref<32x64xi32, #tpu.memory_space<hbm>>
    tpu.wait_dma2 semaphore(%arg15 : memref<!tpu.dma_semaphore, #tpu.memory_space<semaphore_mem>>) src(%dma_wait3A_347 : memref<32x64xi32, #tpu.memory_space<hbm>>) dst(%arg8 : memref<32x64xi32, #tpu.memory_space<vmem>>)
    %sub3A_348 = arith.constant 128 : i32
    %sub3A_349 = arith.subi %min3A, %sub3A_348 : i32
    %jit3A_350 = arith.constant 0 : i32
    %jit3A_351 = arith.constant 32 : i32
    %max3A_352 = arith.maxsi %jit3A_350, %sub3A_349 : i32
    %min3A_353 = arith.minsi %jit3A_351, %max3A_352 : i32
    %gt3A_354 = arith.constant 0 : i32
    %gt3A_355 = arith.cmpi sgt, %min3A_353, %gt3A_354 : i32
    %convert_element_type3A_356 = arith.extui %gt3A_355 : i1 to i32
    %cond3A_357 = arith.constant 0 : i32
    %cond3A_358 = arith.cmpi ne, %convert_element_type3A_356, %cond3A_357 : i32
    scf.if %cond3A_358 {
      %dma_start3A_384 = arith.constant 0 : i32
      %dma_start3A_385 = arith.constant 0 : i32
      %dma_start3A_386 = tpu.memref_slice %arg6[%dma_start3A_384, %dma_start3A_385] : memref<32x64xi32, #tpu.memory_space<vmem>> -> memref<1x64xi32, #tpu.memory_space<vmem>>
      %dma_start3A_387 = tpu.memref_squeeze %dma_start3A_386 : memref<1x64xi32, #tpu.memory_space<vmem>> -> memref<64xi32, #tpu.memory_space<vmem>>
      %dma_start3A_388 = arith.constant 0 : i32
      %dma_start3A_389 = arith.constant 0 : i32
      %dma_start3A_390 = tpu.memref_slice %arg2[%dma_start3A_388, %dma_start3A_389] : memref<10000x128xf32, #tpu.memory_space<hbm>> -> memref<10000x128xf32, #tpu.memory_space<hbm>>
      tpu.enqueue_indirect_dma source(%dma_start3A_390 : memref<10000x128xf32, #tpu.memory_space<hbm>>) target(%arg10 : memref<64x128xf32, #tpu.memory_space<vmem>>) offsets(%dma_start3A_387 : memref<64xi32, #tpu.memory_space<vmem>>) semaphore(%arg17 : memref<!tpu.dma_semaphore, #tpu.memory_space<semaphore_mem>>)
    } else {
    }
    %gt3A_359 = arith.constant 1 : i32
    %gt3A_360 = arith.cmpi sgt, %min3A_353, %gt3A_359 : i32
    %convert_element_type3A_361 = arith.extui %gt3A_360 : i1 to i32
    %cond3A_362 = arith.constant 0 : i32
    %cond3A_363 = arith.cmpi ne, %convert_element_type3A_361, %cond3A_362 : i32
    scf.if %cond3A_363 {
      %dma_start3A_384 = arith.constant 1 : i32
      %dma_start3A_385 = arith.constant 0 : i32
      %dma_start3A_386 = tpu.memref_slice %arg6[%dma_start3A_384, %dma_start3A_385] : memref<32x64xi32, #tpu.memory_space<vmem>> -> memref<1x64xi32, #tpu.memory_space<vmem>>
      %dma_start3A_387 = tpu.memref_squeeze %dma_start3A_386 : memref<1x64xi32, #tpu.memory_space<vmem>> -> memref<64xi32, #tpu.memory_space<vmem>>
      %dma_start3A_388 = arith.constant 0 : i32
      %dma_start3A_389 = arith.constant 0 : i32
      %dma_start3A_390 = tpu.memref_slice %arg2[%dma_start3A_388, %dma_start3A_389] : memref<10000x128xf32, #tpu.memory_space<hbm>> -> memref<10000x128xf32, #tpu.memory_space<hbm>>
      tpu.enqueue_indirect_dma source(%dma_start3A_390 : memref<10000x128xf32, #tpu.memory_space<hbm>>) target(%arg11 : memref<64x128xf32, #tpu.memory_space<vmem>>) offsets(%dma_start3A_387 : memref<64xi32, #tpu.memory_space<vmem>>) semaphore(%arg18 : memref<!tpu.dma_semaphore, #tpu.memory_space<semaphore_mem>>)
    } else {
    }
    %gt3A_364 = arith.constant 2 : i32
    %gt3A_365 = arith.cmpi sgt, %min3A_353, %gt3A_364 : i32
    %convert_element_type3A_366 = arith.extui %gt3A_365 : i1 to i32
    %cond3A_367 = arith.constant 0 : i32
    %cond3A_368 = arith.cmpi ne, %convert_element_type3A_366, %cond3A_367 : i32
    scf.if %cond3A_368 {
      %dma_start3A_384 = arith.constant 2 : i32
      %dma_start3A_385 = arith.constant 0 : i32
      %dma_start3A_386 = tpu.memref_slice %arg6[%dma_start3A_384, %dma_start3A_385] : memref<32x64xi32, #tpu.memory_space<vmem>> -> memref<1x64xi32, #tpu.memory_space<vmem>>
      %dma_start3A_387 = tpu.memref_squeeze %dma_start3A_386 : memref<1x64xi32, #tpu.memory_space<vmem>> -> memref<64xi32, #tpu.memory_space<vmem>>
      %dma_start3A_388 = arith.constant 0 : i32
      %dma_start3A_389 = arith.constant 0 : i32
      %dma_start3A_390 = tpu.memref_slice %arg2[%dma_start3A_388, %dma_start3A_389] : memref<10000x128xf32, #tpu.memory_space<hbm>> -> memref<10000x128xf32, #tpu.memory_space<hbm>>
      tpu.enqueue_indirect_dma source(%dma_start3A_390 : memref<10000x128xf32, #tpu.memory_space<hbm>>) target(%arg12 : memref<64x128xf32, #tpu.memory_space<vmem>>) offsets(%dma_start3A_387 : memref<64xi32, #tpu.memory_space<vmem>>) semaphore(%arg19 : memref<!tpu.dma_semaphore, #tpu.memory_space<semaphore_mem>>)
    } else {
    }
    %gt3A_369 = arith.constant 3 : i32
    %gt3A_370 = arith.cmpi sgt, %min3A_353, %gt3A_369 : i32
    %convert_element_type3A_371 = arith.extui %gt3A_370 : i1 to i32
    %cond3A_372 = arith.constant 0 : i32
    %cond3A_373 = arith.cmpi ne, %convert_element_type3A_371, %cond3A_372 : i32
    scf.if %cond3A_373 {
      %dma_start3A_384 = arith.constant 3 : i32
      %dma_start3A_385 = arith.constant 0 : i32
      %dma_start3A_386 = tpu.memref_slice %arg6[%dma_start3A_384, %dma_start3A_385] : memref<32x64xi32, #tpu.memory_space<vmem>> -> memref<1x64xi32, #tpu.memory_space<vmem>>
      %dma_start3A_387 = tpu.memref_squeeze %dma_start3A_386 : memref<1x64xi32, #tpu.memory_space<vmem>> -> memref<64xi32, #tpu.memory_space<vmem>>
      %dma_start3A_388 = arith.constant 0 : i32
      %dma_start3A_389 = arith.constant 0 : i32
      %dma_start3A_390 = tpu.memref_slice %arg2[%dma_start3A_388, %dma_start3A_389] : memref<10000x128xf32, #tpu.memory_space<hbm>> -> memref<10000x128xf32, #tpu.memory_space<hbm>>
      tpu.enqueue_indirect_dma source(%dma_start3A_390 : memref<10000x128xf32, #tpu.memory_space<hbm>>) target(%arg13 : memref<64x128xf32, #tpu.memory_space<vmem>>) offsets(%dma_start3A_387 : memref<64xi32, #tpu.memory_space<vmem>>) semaphore(%arg20 : memref<!tpu.dma_semaphore, #tpu.memory_space<semaphore_mem>>)
    } else {
    }
    %scan3A_374 = arith.constant 0 : i32
    %scan3A_375 = arith.constant 0 : i32
    %scan3A_376 = arith.constant 8 : i32
    %scan3A_377 = arith.addi %scan3A_375, %scan3A_376 : i32
    %scan3A_378 = arith.constant 1 : i32
    scf.for %scan3A_384 = %scan3A_375 to %scan3A_377 step %scan3A_378  : i32 {
      %mul3A_385 = arith.constant 4 : i32
      %mul3A_386 = arith.muli %scan3A_384, %mul3A_385 : i32
      %add3A_387 = arith.constant 0 : i32
      %add3A_388 = arith.addi %mul3A_386, %add3A_387 : i32
      %lt3A = arith.cmpi slt, %add3A_388, %min3A_353 : i32
      %convert_element_type3A_389 = arith.extui %lt3A : i1 to i32
      %cond3A_390 = arith.constant 0 : i32
      %cond3A_391 = arith.cmpi ne, %convert_element_type3A_389, %cond3A_390 : i32
      scf.if %cond3A_391 {
        %dma_wait3A_416 = arith.constant 0 : i32
        %dma_wait3A_417 = tpu.memref_slice %arg6[%add3A_388, %dma_wait3A_416] : memref<32x64xi32, #tpu.memory_space<vmem>> -> memref<1x64xi32, #tpu.memory_space<vmem>>
        %dma_wait3A_418 = tpu.memref_squeeze %dma_wait3A_417 : memref<1x64xi32, #tpu.memory_space<vmem>> -> memref<64xi32, #tpu.memory_space<vmem>>
        %dma_wait3A_419 = arith.constant 0 : i32
        %dma_wait3A_420 = arith.constant 0 : i32
        %dma_wait3A_421 = tpu.memref_slice %arg2[%dma_wait3A_419, %dma_wait3A_420] : memref<10000x128xf32, #tpu.memory_space<hbm>> -> memref<10000x128xf32, #tpu.memory_space<hbm>>
        tpu.wait_indirect_dma semaphore(%arg17 : memref<!tpu.dma_semaphore, #tpu.memory_space<semaphore_mem>>) src(%dma_wait3A_421 : memref<10000x128xf32, #tpu.memory_space<hbm>>) dst(%arg10 : memref<64x128xf32, #tpu.memory_space<vmem>>)
        "tpu.region"() ({
          %run_scoped3A = tpu.sem_alloc : memref<!tpu.dma_semaphore, #tpu.memory_space<semaphore_mem>>
          %dma_start3A_428 = arith.constant 0 : i32
          %dma_start3A_429 = tpu.memref_slice %arg8[%add3A_388, %dma_start3A_428] : memref<32x64xi32, #tpu.memory_space<vmem>> -> memref<1x64xi32, #tpu.memory_space<vmem>>
          %dma_start3A_430 = tpu.memref_squeeze %dma_start3A_429 : memref<1x64xi32, #tpu.memory_space<vmem>> -> memref<64xi32, #tpu.memory_space<vmem>>
          %dma_start3A_431 = arith.constant 0 : i32
          %dma_start3A_432 = arith.constant 0 : i32
          %dma_start3A_433 = tpu.memref_slice %arg14[%dma_start3A_431, %dma_start3A_432] : memref<10112x128xf32, #tpu.memory_space<vmem_shared>> -> memref<10112x128xf32, #tpu.memory_space<vmem_shared>>
          tpu.enqueue_indirect_dma source(%arg10 : memref<64x128xf32, #tpu.memory_space<vmem>>) target(%dma_start3A_433 : memref<10112x128xf32, #tpu.memory_space<vmem_shared>>) offsets(%dma_start3A_430 : memref<64xi32, #tpu.memory_space<vmem>>) semaphore(%run_scoped3A : memref<!tpu.dma_semaphore, #tpu.memory_space<semaphore_mem>>) {add = true}
          %dma_wait3A_434 = arith.constant 0 : i32
          %dma_wait3A_435 = tpu.memref_slice %arg8[%add3A_388, %dma_wait3A_434] : memref<32x64xi32, #tpu.memory_space<vmem>> -> memref<1x64xi32, #tpu.memory_space<vmem>>
          %dma_wait3A_436 = tpu.memref_squeeze %dma_wait3A_435 : memref<1x64xi32, #tpu.memory_space<vmem>> -> memref<64xi32, #tpu.memory_space<vmem>>
          %dma_wait3A_437 = arith.constant 0 : i32
          %dma_wait3A_438 = arith.constant 0 : i32
          %dma_wait3A_439 = tpu.memref_slice %arg14[%dma_wait3A_437, %dma_wait3A_438] : memref<10112x128xf32, #tpu.memory_space<vmem_shared>> -> memref<10112x128xf32, #tpu.memory_space<vmem_shared>>
          tpu.wait_indirect_dma semaphore(%run_scoped3A : memref<!tpu.dma_semaphore, #tpu.memory_space<semaphore_mem>>) src(%arg10 : memref<64x128xf32, #tpu.memory_space<vmem>>) dst(%dma_wait3A_439 : memref<10112x128xf32, #tpu.memory_space<vmem_shared>>)
          tpu.yield
        }) : () -> ()
        %add3A_422 = arith.constant 4 : i32
        %add3A_423 = arith.addi %add3A_388, %add3A_422 : i32
        %lt3A_424 = arith.cmpi slt, %add3A_423, %min3A_353 : i32
        %convert_element_type3A_425 = arith.extui %lt3A_424 : i1 to i32
        %cond3A_426 = arith.constant 0 : i32
        %cond3A_427 = arith.cmpi ne, %convert_element_type3A_425, %cond3A_426 : i32
        scf.if %cond3A_427 {
          %add3A_428 = arith.constant 4 : i32
          %add3A_429 = arith.addi %add3A_388, %add3A_428 : i32
          %dma_start3A_430 = arith.constant 0 : i32
          %dma_start3A_431 = tpu.memref_slice %arg6[%add3A_429, %dma_start3A_430] : memref<32x64xi32, #tpu.memory_space<vmem>> -> memref<1x64xi32, #tpu.memory_space<vmem>>
          %dma_start3A_432 = tpu.memref_squeeze %dma_start3A_431 : memref<1x64xi32, #tpu.memory_space<vmem>> -> memref<64xi32, #tpu.memory_space<vmem>>
          %dma_start3A_433 = arith.constant 0 : i32
          %dma_start3A_434 = arith.constant 0 : i32
          %dma_start3A_435 = tpu.memref_slice %arg2[%dma_start3A_433, %dma_start3A_434] : memref<10000x128xf32, #tpu.memory_space<hbm>> -> memref<10000x128xf32, #tpu.memory_space<hbm>>
          tpu.enqueue_indirect_dma source(%dma_start3A_435 : memref<10000x128xf32, #tpu.memory_space<hbm>>) target(%arg10 : memref<64x128xf32, #tpu.memory_space<vmem>>) offsets(%dma_start3A_432 : memref<64xi32, #tpu.memory_space<vmem>>) semaphore(%arg17 : memref<!tpu.dma_semaphore, #tpu.memory_space<semaphore_mem>>)
        } else {
        }
      } else {
      }
      %mul3A_392 = arith.constant 4 : i32
      %mul3A_393 = arith.muli %scan3A_384, %mul3A_392 : i32
      %add3A_394 = arith.constant 1 : i32
      %add3A_395 = arith.addi %mul3A_393, %add3A_394 : i32
      %lt3A_396 = arith.cmpi slt, %add3A_395, %min3A_353 : i32
      %convert_element_type3A_397 = arith.extui %lt3A_396 : i1 to i32
      %cond3A_398 = arith.constant 0 : i32
      %cond3A_399 = arith.cmpi ne, %convert_element_type3A_397, %cond3A_398 : i32
      scf.if %cond3A_399 {
        %dma_wait3A_416 = arith.constant 0 : i32
        %dma_wait3A_417 = tpu.memref_slice %arg6[%add3A_395, %dma_wait3A_416] : memref<32x64xi32, #tpu.memory_space<vmem>> -> memref<1x64xi32, #tpu.memory_space<vmem>>
        %dma_wait3A_418 = tpu.memref_squeeze %dma_wait3A_417 : memref<1x64xi32, #tpu.memory_space<vmem>> -> memref<64xi32, #tpu.memory_space<vmem>>
        %dma_wait3A_419 = arith.constant 0 : i32
        %dma_wait3A_420 = arith.constant 0 : i32
        %dma_wait3A_421 = tpu.memref_slice %arg2[%dma_wait3A_419, %dma_wait3A_420] : memref<10000x128xf32, #tpu.memory_space<hbm>> -> memref<10000x128xf32, #tpu.memory_space<hbm>>
        tpu.wait_indirect_dma semaphore(%arg18 : memref<!tpu.dma_semaphore, #tpu.memory_space<semaphore_mem>>) src(%dma_wait3A_421 : memref<10000x128xf32, #tpu.memory_space<hbm>>) dst(%arg11 : memref<64x128xf32, #tpu.memory_space<vmem>>)
        "tpu.region"() ({
          %run_scoped3A = tpu.sem_alloc : memref<!tpu.dma_semaphore, #tpu.memory_space<semaphore_mem>>
          %dma_start3A_428 = arith.constant 0 : i32
          %dma_start3A_429 = tpu.memref_slice %arg8[%add3A_395, %dma_start3A_428] : memref<32x64xi32, #tpu.memory_space<vmem>> -> memref<1x64xi32, #tpu.memory_space<vmem>>
          %dma_start3A_430 = tpu.memref_squeeze %dma_start3A_429 : memref<1x64xi32, #tpu.memory_space<vmem>> -> memref<64xi32, #tpu.memory_space<vmem>>
          %dma_start3A_431 = arith.constant 0 : i32
          %dma_start3A_432 = arith.constant 0 : i32
          %dma_start3A_433 = tpu.memref_slice %arg14[%dma_start3A_431, %dma_start3A_432] : memref<10112x128xf32, #tpu.memory_space<vmem_shared>> -> memref<10112x128xf32, #tpu.memory_space<vmem_shared>>
          tpu.enqueue_indirect_dma source(%arg11 : memref<64x128xf32, #tpu.memory_space<vmem>>) target(%dma_start3A_433 : memref<10112x128xf32, #tpu.memory_space<vmem_shared>>) offsets(%dma_start3A_430 : memref<64xi32, #tpu.memory_space<vmem>>) semaphore(%run_scoped3A : memref<!tpu.dma_semaphore, #tpu.memory_space<semaphore_mem>>) {add = true}
          %dma_wait3A_434 = arith.constant 0 : i32
          %dma_wait3A_435 = tpu.memref_slice %arg8[%add3A_395, %dma_wait3A_434] : memref<32x64xi32, #tpu.memory_space<vmem>> -> memref<1x64xi32, #tpu.memory_space<vmem>>
          %dma_wait3A_436 = tpu.memref_squeeze %dma_wait3A_435 : memref<1x64xi32, #tpu.memory_space<vmem>> -> memref<64xi32, #tpu.memory_space<vmem>>
          %dma_wait3A_437 = arith.constant 0 : i32
          %dma_wait3A_438 = arith.constant 0 : i32
          %dma_wait3A_439 = tpu.memref_slice %arg14[%dma_wait3A_437, %dma_wait3A_438] : memref<10112x128xf32, #tpu.memory_space<vmem_shared>> -> memref<10112x128xf32, #tpu.memory_space<vmem_shared>>
          tpu.wait_indirect_dma semaphore(%run_scoped3A : memref<!tpu.dma_semaphore, #tpu.memory_space<semaphore_mem>>) src(%arg11 : memref<64x128xf32, #tpu.memory_space<vmem>>) dst(%dma_wait3A_439 : memref<10112x128xf32, #tpu.memory_space<vmem_shared>>)
          tpu.yield
        }) : () -> ()
        %add3A_422 = arith.constant 4 : i32
        %add3A_423 = arith.addi %add3A_395, %add3A_422 : i32
        %lt3A_424 = arith.cmpi slt, %add3A_423, %min3A_353 : i32
        %convert_element_type3A_425 = arith.extui %lt3A_424 : i1 to i32
        %cond3A_426 = arith.constant 0 : i32
        %cond3A_427 = arith.cmpi ne, %convert_element_type3A_425, %cond3A_426 : i32
        scf.if %cond3A_427 {
          %add3A_428 = arith.constant 4 : i32
          %add3A_429 = arith.addi %add3A_395, %add3A_428 : i32
          %dma_start3A_430 = arith.constant 0 : i32
          %dma_start3A_431 = tpu.memref_slice %arg6[%add3A_429, %dma_start3A_430] : memref<32x64xi32, #tpu.memory_space<vmem>> -> memref<1x64xi32, #tpu.memory_space<vmem>>
          %dma_start3A_432 = tpu.memref_squeeze %dma_start3A_431 : memref<1x64xi32, #tpu.memory_space<vmem>> -> memref<64xi32, #tpu.memory_space<vmem>>
          %dma_start3A_433 = arith.constant 0 : i32
          %dma_start3A_434 = arith.constant 0 : i32
          %dma_start3A_435 = tpu.memref_slice %arg2[%dma_start3A_433, %dma_start3A_434] : memref<10000x128xf32, #tpu.memory_space<hbm>> -> memref<10000x128xf32, #tpu.memory_space<hbm>>
          tpu.enqueue_indirect_dma source(%dma_start3A_435 : memref<10000x128xf32, #tpu.memory_space<hbm>>) target(%arg11 : memref<64x128xf32, #tpu.memory_space<vmem>>) offsets(%dma_start3A_432 : memref<64xi32, #tpu.memory_space<vmem>>) semaphore(%arg18 : memref<!tpu.dma_semaphore, #tpu.memory_space<semaphore_mem>>)
        } else {
        }
      } else {
      }
      %mul3A_400 = arith.constant 4 : i32
      %mul3A_401 = arith.muli %scan3A_384, %mul3A_400 : i32
      %add3A_402 = arith.constant 2 : i32
      %add3A_403 = arith.addi %mul3A_401, %add3A_402 : i32
      %lt3A_404 = arith.cmpi slt, %add3A_403, %min3A_353 : i32
      %convert_element_type3A_405 = arith.extui %lt3A_404 : i1 to i32
      %cond3A_406 = arith.constant 0 : i32
      %cond3A_407 = arith.cmpi ne, %convert_element_type3A_405, %cond3A_406 : i32
      scf.if %cond3A_407 {
        %dma_wait3A_416 = arith.constant 0 : i32
        %dma_wait3A_417 = tpu.memref_slice %arg6[%add3A_403, %dma_wait3A_416] : memref<32x64xi32, #tpu.memory_space<vmem>> -> memref<1x64xi32, #tpu.memory_space<vmem>>
        %dma_wait3A_418 = tpu.memref_squeeze %dma_wait3A_417 : memref<1x64xi32, #tpu.memory_space<vmem>> -> memref<64xi32, #tpu.memory_space<vmem>>
        %dma_wait3A_419 = arith.constant 0 : i32
        %dma_wait3A_420 = arith.constant 0 : i32
        %dma_wait3A_421 = tpu.memref_slice %arg2[%dma_wait3A_419, %dma_wait3A_420] : memref<10000x128xf32, #tpu.memory_space<hbm>> -> memref<10000x128xf32, #tpu.memory_space<hbm>>
        tpu.wait_indirect_dma semaphore(%arg19 : memref<!tpu.dma_semaphore, #tpu.memory_space<semaphore_mem>>) src(%dma_wait3A_421 : memref<10000x128xf32, #tpu.memory_space<hbm>>) dst(%arg12 : memref<64x128xf32, #tpu.memory_space<vmem>>)
        "tpu.region"() ({
          %run_scoped3A = tpu.sem_alloc : memref<!tpu.dma_semaphore, #tpu.memory_space<semaphore_mem>>
          %dma_start3A_428 = arith.constant 0 : i32
          %dma_start3A_429 = tpu.memref_slice %arg8[%add3A_403, %dma_start3A_428] : memref<32x64xi32, #tpu.memory_space<vmem>> -> memref<1x64xi32, #tpu.memory_space<vmem>>
          %dma_start3A_430 = tpu.memref_squeeze %dma_start3A_429 : memref<1x64xi32, #tpu.memory_space<vmem>> -> memref<64xi32, #tpu.memory_space<vmem>>
          %dma_start3A_431 = arith.constant 0 : i32
          %dma_start3A_432 = arith.constant 0 : i32
          %dma_start3A_433 = tpu.memref_slice %arg14[%dma_start3A_431, %dma_start3A_432] : memref<10112x128xf32, #tpu.memory_space<vmem_shared>> -> memref<10112x128xf32, #tpu.memory_space<vmem_shared>>
          tpu.enqueue_indirect_dma source(%arg12 : memref<64x128xf32, #tpu.memory_space<vmem>>) target(%dma_start3A_433 : memref<10112x128xf32, #tpu.memory_space<vmem_shared>>) offsets(%dma_start3A_430 : memref<64xi32, #tpu.memory_space<vmem>>) semaphore(%run_scoped3A : memref<!tpu.dma_semaphore, #tpu.memory_space<semaphore_mem>>) {add = true}
          %dma_wait3A_434 = arith.constant 0 : i32
          %dma_wait3A_435 = tpu.memref_slice %arg8[%add3A_403, %dma_wait3A_434] : memref<32x64xi32, #tpu.memory_space<vmem>> -> memref<1x64xi32, #tpu.memory_space<vmem>>
          %dma_wait3A_436 = tpu.memref_squeeze %dma_wait3A_435 : memref<1x64xi32, #tpu.memory_space<vmem>> -> memref<64xi32, #tpu.memory_space<vmem>>
          %dma_wait3A_437 = arith.constant 0 : i32
          %dma_wait3A_438 = arith.constant 0 : i32
          %dma_wait3A_439 = tpu.memref_slice %arg14[%dma_wait3A_437, %dma_wait3A_438] : memref<10112x128xf32, #tpu.memory_space<vmem_shared>> -> memref<10112x128xf32, #tpu.memory_space<vmem_shared>>
          tpu.wait_indirect_dma semaphore(%run_scoped3A : memref<!tpu.dma_semaphore, #tpu.memory_space<semaphore_mem>>) src(%arg12 : memref<64x128xf32, #tpu.memory_space<vmem>>) dst(%dma_wait3A_439 : memref<10112x128xf32, #tpu.memory_space<vmem_shared>>)
          tpu.yield
        }) : () -> ()
        %add3A_422 = arith.constant 4 : i32
        %add3A_423 = arith.addi %add3A_403, %add3A_422 : i32
        %lt3A_424 = arith.cmpi slt, %add3A_423, %min3A_353 : i32
        %convert_element_type3A_425 = arith.extui %lt3A_424 : i1 to i32
        %cond3A_426 = arith.constant 0 : i32
        %cond3A_427 = arith.cmpi ne, %convert_element_type3A_425, %cond3A_426 : i32
        scf.if %cond3A_427 {
          %add3A_428 = arith.constant 4 : i32
          %add3A_429 = arith.addi %add3A_403, %add3A_428 : i32
          %dma_start3A_430 = arith.constant 0 : i32
          %dma_start3A_431 = tpu.memref_slice %arg6[%add3A_429, %dma_start3A_430] : memref<32x64xi32, #tpu.memory_space<vmem>> -> memref<1x64xi32, #tpu.memory_space<vmem>>
          %dma_start3A_432 = tpu.memref_squeeze %dma_start3A_431 : memref<1x64xi32, #tpu.memory_space<vmem>> -> memref<64xi32, #tpu.memory_space<vmem>>
          %dma_start3A_433 = arith.constant 0 : i32
          %dma_start3A_434 = arith.constant 0 : i32
          %dma_start3A_435 = tpu.memref_slice %arg2[%dma_start3A_433, %dma_start3A_434] : memref<10000x128xf32, #tpu.memory_space<hbm>> -> memref<10000x128xf32, #tpu.memory_space<hbm>>
          tpu.enqueue_indirect_dma source(%dma_start3A_435 : memref<10000x128xf32, #tpu.memory_space<hbm>>) target(%arg12 : memref<64x128xf32, #tpu.memory_space<vmem>>) offsets(%dma_start3A_432 : memref<64xi32, #tpu.memory_space<vmem>>) semaphore(%arg19 : memref<!tpu.dma_semaphore, #tpu.memory_space<semaphore_mem>>)
        } else {
        }
      } else {
      }
      %mul3A_408 = arith.constant 4 : i32
      %mul3A_409 = arith.muli %scan3A_384, %mul3A_408 : i32
      %add3A_410 = arith.constant 3 : i32
      %add3A_411 = arith.addi %mul3A_409, %add3A_410 : i32
      %lt3A_412 = arith.cmpi slt, %add3A_411, %min3A_353 : i32
      %convert_element_type3A_413 = arith.extui %lt3A_412 : i1 to i32
      %cond3A_414 = arith.constant 0 : i32
      %cond3A_415 = arith.cmpi ne, %convert_element_type3A_413, %cond3A_414 : i32
      scf.if %cond3A_415 {
        %dma_wait3A_416 = arith.constant 0 : i32
        %dma_wait3A_417 = tpu.memref_slice %arg6[%add3A_411, %dma_wait3A_416] : memref<32x64xi32, #tpu.memory_space<vmem>> -> memref<1x64xi32, #tpu.memory_space<vmem>>
        %dma_wait3A_418 = tpu.memref_squeeze %dma_wait3A_417 : memref<1x64xi32, #tpu.memory_space<vmem>> -> memref<64xi32, #tpu.memory_space<vmem>>
        %dma_wait3A_419 = arith.constant 0 : i32
        %dma_wait3A_420 = arith.constant 0 : i32
        %dma_wait3A_421 = tpu.memref_slice %arg2[%dma_wait3A_419, %dma_wait3A_420] : memref<10000x128xf32, #tpu.memory_space<hbm>> -> memref<10000x128xf32, #tpu.memory_space<hbm>>
        tpu.wait_indirect_dma semaphore(%arg20 : memref<!tpu.dma_semaphore, #tpu.memory_space<semaphore_mem>>) src(%dma_wait3A_421 : memref<10000x128xf32, #tpu.memory_space<hbm>>) dst(%arg13 : memref<64x128xf32, #tpu.memory_space<vmem>>)
        "tpu.region"() ({
          %run_scoped3A = tpu.sem_alloc : memref<!tpu.dma_semaphore, #tpu.memory_space<semaphore_mem>>
          %dma_start3A_428 = arith.constant 0 : i32
          %dma_start3A_429 = tpu.memref_slice %arg8[%add3A_411, %dma_start3A_428] : memref<32x64xi32, #tpu.memory_space<vmem>> -> memref<1x64xi32, #tpu.memory_space<vmem>>
          %dma_start3A_430 = tpu.memref_squeeze %dma_start3A_429 : memref<1x64xi32, #tpu.memory_space<vmem>> -> memref<64xi32, #tpu.memory_space<vmem>>
          %dma_start3A_431 = arith.constant 0 : i32
          %dma_start3A_432 = arith.constant 0 : i32
          %dma_start3A_433 = tpu.memref_slice %arg14[%dma_start3A_431, %dma_start3A_432] : memref<10112x128xf32, #tpu.memory_space<vmem_shared>> -> memref<10112x128xf32, #tpu.memory_space<vmem_shared>>
          tpu.enqueue_indirect_dma source(%arg13 : memref<64x128xf32, #tpu.memory_space<vmem>>) target(%dma_start3A_433 : memref<10112x128xf32, #tpu.memory_space<vmem_shared>>) offsets(%dma_start3A_430 : memref<64xi32, #tpu.memory_space<vmem>>) semaphore(%run_scoped3A : memref<!tpu.dma_semaphore, #tpu.memory_space<semaphore_mem>>) {add = true}
          %dma_wait3A_434 = arith.constant 0 : i32
          %dma_wait3A_435 = tpu.memref_slice %arg8[%add3A_411, %dma_wait3A_434] : memref<32x64xi32, #tpu.memory_space<vmem>> -> memref<1x64xi32, #tpu.memory_space<vmem>>
          %dma_wait3A_436 = tpu.memref_squeeze %dma_wait3A_435 : memref<1x64xi32, #tpu.memory_space<vmem>> -> memref<64xi32, #tpu.memory_space<vmem>>
          %dma_wait3A_437 = arith.constant 0 : i32
          %dma_wait3A_438 = arith.constant 0 : i32
          %dma_wait3A_439 = tpu.memref_slice %arg14[%dma_wait3A_437, %dma_wait3A_438] : memref<10112x128xf32, #tpu.memory_space<vmem_shared>> -> memref<10112x128xf32, #tpu.memory_space<vmem_shared>>
          tpu.wait_indirect_dma semaphore(%run_scoped3A : memref<!tpu.dma_semaphore, #tpu.memory_space<semaphore_mem>>) src(%arg13 : memref<64x128xf32, #tpu.memory_space<vmem>>) dst(%dma_wait3A_439 : memref<10112x128xf32, #tpu.memory_space<vmem_shared>>)
          tpu.yield
        }) : () -> ()
        %add3A_422 = arith.constant 4 : i32
        %add3A_423 = arith.addi %add3A_411, %add3A_422 : i32
        %lt3A_424 = arith.cmpi slt, %add3A_423, %min3A_353 : i32
        %convert_element_type3A_425 = arith.extui %lt3A_424 : i1 to i32
        %cond3A_426 = arith.constant 0 : i32
        %cond3A_427 = arith.cmpi ne, %convert_element_type3A_425, %cond3A_426 : i32
        scf.if %cond3A_427 {
          %add3A_428 = arith.constant 4 : i32
          %add3A_429 = arith.addi %add3A_411, %add3A_428 : i32
          %dma_start3A_430 = arith.constant 0 : i32
          %dma_start3A_431 = tpu.memref_slice %arg6[%add3A_429, %dma_start3A_430] : memref<32x64xi32, #tpu.memory_space<vmem>> -> memref<1x64xi32, #tpu.memory_space<vmem>>
          %dma_start3A_432 = tpu.memref_squeeze %dma_start3A_431 : memref<1x64xi32, #tpu.memory_space<vmem>> -> memref<64xi32, #tpu.memory_space<vmem>>
          %dma_start3A_433 = arith.constant 0 : i32
          %dma_start3A_434 = arith.constant 0 : i32
          %dma_start3A_435 = tpu.memref_slice %arg2[%dma_start3A_433, %dma_start3A_434] : memref<10000x128xf32, #tpu.memory_space<hbm>> -> memref<10000x128xf32, #tpu.memory_space<hbm>>
          tpu.enqueue_indirect_dma source(%dma_start3A_435 : memref<10000x128xf32, #tpu.memory_space<hbm>>) target(%arg13 : memref<64x128xf32, #tpu.memory_space<vmem>>) offsets(%dma_start3A_432 : memref<64xi32, #tpu.memory_space<vmem>>) semaphore(%arg20 : memref<!tpu.dma_semaphore, #tpu.memory_space<semaphore_mem>>)
        } else {
        }
      } else {
      }
    }
    %scan3A_379 = arith.constant 8 : i32
    %barrier3A_380 = arith.constant 0 : index
    tpu.barrier barrier_id(%barrier3A_380)
    %mul3A_381 = arith.constant 10112 : i32
    %mul3A_382 = arith.muli %arg0, %mul3A_381 : i32
    %add3A_383 = arith.addi %mul3A_382, %mul3A_0 : i32
    "tpu.region"() ({
      %run_scoped3A = tpu.sem_alloc : memref<!tpu.dma_semaphore, #tpu.memory_space<semaphore_mem>>
      %dma_start3A_384 = arith.constant 0 : i32
      %dma_start3A_385 = tpu.memref_slice %arg5[%add3A_383, %dma_start3A_384] : memref<20224x128xf32, #tpu.memory_space<hbm>> -> memref<632x128xf32, #tpu.memory_space<hbm>>
      %dma_start3A_386 = arith.constant 0 : i32
      %dma_start3A_387 = tpu.memref_slice %arg14[%mul3A_0, %dma_start3A_386] : memref<10112x128xf32, #tpu.memory_space<vmem_shared>> -> memref<632x128xf32, #tpu.memory_space<vmem_shared>>
      tpu.enqueue_dma source(%dma_start3A_387 : memref<632x128xf32, #tpu.memory_space<vmem_shared>>) target(%dma_start3A_385 : memref<632x128xf32, #tpu.memory_space<hbm>>) target_semaphore(%run_scoped3A : memref<!tpu.dma_semaphore, #tpu.memory_space<semaphore_mem>>)
      %dma_wait3A_388 = arith.constant 0 : i32
      %dma_wait3A_389 = tpu.memref_slice %arg5[%add3A_383, %dma_wait3A_388] : memref<20224x128xf32, #tpu.memory_space<hbm>> -> memref<632x128xf32, #tpu.memory_space<hbm>>
      %dma_wait3A_390 = arith.constant 0 : i32
      %dma_wait3A_391 = tpu.memref_slice %arg14[%mul3A_0, %dma_wait3A_390] : memref<10112x128xf32, #tpu.memory_space<vmem_shared>> -> memref<632x128xf32, #tpu.memory_space<vmem_shared>>
      tpu.wait_dma2 semaphore(%run_scoped3A : memref<!tpu.dma_semaphore, #tpu.memory_space<semaphore_mem>>) src(%dma_wait3A_391 : memref<632x128xf32, #tpu.memory_space<vmem_shared>>) dst(%dma_wait3A_389 : memref<632x128xf32, #tpu.memory_space<hbm>>)
      tpu.yield
    }) : () -> ()
    return
  }
}

#map = affine_map<(d0, d1) -> (0, 0)>
module attributes {stable_mosaic.version = 14 : i64} {
  func.func @agg(%arg0: i32, %arg1: i32, %arg2: memref<10000x128xf32, #tpu.memory_space<hbm>>, %arg3: memref<5120x64xi32, #tpu.memory_space<hbm>>, %arg4: memref<5120x64xi32, #tpu.memory_space<hbm>>, %arg5: memref<20224x128xf32, #tpu.memory_space<hbm>>, %arg6: memref<32x64xi32, #tpu.memory_space<vmem>>, %arg7: memref<32x64xi32, #tpu.memory_space<vmem>>, %arg8: memref<32x64xi32, #tpu.memory_space<vmem>>, %arg9: memref<32x64xi32, #tpu.memory_space<vmem>>, %arg10: memref<64x128xf32, #tpu.memory_space<vmem>>, %arg11: memref<64x128xf32, #tpu.memory_space<vmem>>, %arg12: memref<64x128xf32, #tpu.memory_space<vmem>>, %arg13: memref<64x128xf32, #tpu.memory_space<vmem>>, %arg14: memref<10112x128xf32, #tpu.memory_space<vmem_shared>>, %arg15: memref<!tpu.dma_semaphore, #tpu.memory_space<semaphore_mem>>, %arg16: memref<!tpu.dma_semaphore, #tpu.memory_space<semaphore_mem>>, %arg17: memref<!tpu.dma_semaphore, #tpu.memory_space<semaphore_mem>>, %arg18: memref<!tpu.dma_semaphore, #tpu.memory_space<semaphore_mem>>, %arg19: memref<!tpu.dma_semaphore, #tpu.memory_space<semaphore_mem>>, %arg20: memref<!tpu.dma_semaphore, #tpu.memory_space<semaphore_mem>>) attributes {dimension_semantics = [#tpu.dimension_semantics<core_parallel>, #tpu.dimension_semantics<subcore_parallel>], iteration_bounds = array<i64: 2, 16>, scalar_prefetch = 0 : i64, scratch_operands = 15 : i64, tpu.core_type = #tpu.core_type<sc_vector_subcore>, window_params = [{transform_indices = #map}, {transform_indices = #map}, {transform_indices = #map}, {transform_indices = #map}]} {
    %mul3A = arith.constant 632 : i32
    %mul3A_0 = arith.muli %arg1, %mul3A : i32
    %mul3A_1 = arith.constant 16 : i32
    %mul3A_2 = arith.muli %arg0, %mul3A_1 : i32
    %add3A = arith.addi %mul3A_2, %arg1 : i32
    %mul3A_3 = arith.constant 160 : i32
    %mul3A_4 = arith.muli %add3A, %mul3A_3 : i32
    %sub3A = arith.constant 5000 : i32
    %sub3A_5 = arith.subi %sub3A, %mul3A_4 : i32
    %jit3A = arith.constant 0 : i32
    %jit3A_6 = arith.constant 160 : i32
    %max3A = arith.maxsi %jit3A, %sub3A_5 : i32
    %min3A = arith.minsi %jit3A_6, %max3A : i32
    %add3A_7 = arith.constant 0 : i32
    %add3A_8 = arith.addi %mul3A_4, %add3A_7 : i32
    %dma_start3A = arith.constant 0 : i32
    %dma_start3A_9 = tpu.memref_slice %arg3[%add3A_8, %dma_start3A] : memref<5120x64xi32, #tpu.memory_space<hbm>> -> memref<32x64xi32, #tpu.memory_space<hbm>>
    %dma_start3A_10 = arith.constant 0 : i32
    %dma_start3A_11 = tpu.memref_slice %arg3[%add3A_8, %dma_start3A_10] : memref<5120x64xi32, #tpu.memory_space<hbm>> -> memref<32x64xi32, #tpu.memory_space<hbm>>
    tpu.enqueue_dma source(%dma_start3A_11 : memref<32x64xi32, #tpu.memory_space<hbm>>) target(%arg6 : memref<32x64xi32, #tpu.memory_space<vmem>>) target_semaphore(%arg15 : memref<!tpu.dma_semaphore, #tpu.memory_space<semaphore_mem>>)
    %add3A_12 = arith.constant 0 : i32
    %add3A_13 = arith.addi %mul3A_4, %add3A_12 : i32
    %dma_start3A_14 = arith.constant 0 : i32
    %dma_start3A_15 = tpu.memref_slice %arg4[%add3A_13, %dma_start3A_14] : memref<5120x64xi32, #tpu.memory_space<hbm>> -> memref<32x64xi32, #tpu.memory_space<hbm>>
    %dma_start3A_16 = arith.constant 0 : i32
    %dma_start3A_17 = tpu.memref_slice %arg4[%add3A_13, %dma_start3A_16] : memref<5120x64xi32, #tpu.memory_space<hbm>> -> memref<32x64xi32, #tpu.memory_space<hbm>>
    tpu.enqueue_dma source(%dma_start3A_17 : memref<32x64xi32, #tpu.memory_space<hbm>>) target(%arg8 : memref<32x64xi32, #tpu.memory_space<vmem>>) target_semaphore(%arg15 : memref<!tpu.dma_semaphore, #tpu.memory_space<semaphore_mem>>)
    %add3A_18 = arith.constant 32 : i32
    %add3A_19 = arith.addi %mul3A_4, %add3A_18 : i32
    %dma_start3A_20 = arith.constant 0 : i32
    %dma_start3A_21 = tpu.memref_slice %arg3[%add3A_19, %dma_start3A_20] : memref<5120x64xi32, #tpu.memory_space<hbm>> -> memref<32x64xi32, #tpu.memory_space<hbm>>
    %dma_start3A_22 = arith.constant 0 : i32
    %dma_start3A_23 = tpu.memref_slice %arg3[%add3A_19, %dma_start3A_22] : memref<5120x64xi32, #tpu.memory_space<hbm>> -> memref<32x64xi32, #tpu.memory_space<hbm>>
    tpu.enqueue_dma source(%dma_start3A_23 : memref<32x64xi32, #tpu.memory_space<hbm>>) target(%arg7 : memref<32x64xi32, #tpu.memory_space<vmem>>) target_semaphore(%arg16 : memref<!tpu.dma_semaphore, #tpu.memory_space<semaphore_mem>>)
    %add3A_24 = arith.constant 32 : i32
    %add3A_25 = arith.addi %mul3A_4, %add3A_24 : i32
    %dma_start3A_26 = arith.constant 0 : i32
    %dma_start3A_27 = tpu.memref_slice %arg4[%add3A_25, %dma_start3A_26] : memref<5120x64xi32, #tpu.memory_space<hbm>> -> memref<32x64xi32, #tpu.memory_space<hbm>>
    %dma_start3A_28 = arith.constant 0 : i32
    %dma_start3A_29 = tpu.memref_slice %arg4[%add3A_25, %dma_start3A_28] : memref<5120x64xi32, #tpu.memory_space<hbm>> -> memref<32x64xi32, #tpu.memory_space<hbm>>
    tpu.enqueue_dma source(%dma_start3A_29 : memref<32x64xi32, #tpu.memory_space<hbm>>) target(%arg9 : memref<32x64xi32, #tpu.memory_space<vmem>>) target_semaphore(%arg16 : memref<!tpu.dma_semaphore, #tpu.memory_space<semaphore_mem>>)
    %broadcast_in_dim3A = arith.constant 0.000000e+00 : f32
    %broadcast_in_dim3A_30 = vector.broadcast %broadcast_in_dim3A : f32 to vector<16xf32>
    %scan3A = arith.constant 0 : i32
    %scan3A_31 = arith.constant 0 : i32
    %scan3A_32 = arith.constant 64 : i32
    %scan3A_33 = arith.addi %scan3A_31, %scan3A_32 : i32
    %scan3A_34 = arith.constant 1 : i32
    scf.for %scan3A_384 = %scan3A_31 to %scan3A_33 step %scan3A_34  : i32 {
      %swap3A = arith.index_cast %scan3A_384 : i32 to index
      %swap3A_385 = arith.constant 0 : index
      %swap3A_386 = tpu.vector_load %arg10[%swap3A, %swap3A_385] {strides = array<i32>} : memref<64x128xf32, #tpu.memory_space<vmem>>, vector<1x16xf32>,
      %swap3A_387 = vector.shape_cast %swap3A_386 : vector<1x16xf32> to vector<16xf32>
      %swap3A_388 = vector.shape_cast %broadcast_in_dim3A_30 : vector<16xf32> to vector<1x16xf32>
      tpu.vector_store %arg10[%swap3A, %swap3A_385], %swap3A_388 {strides = array<i32>} : memref<64x128xf32, #tpu.memory_space<vmem>>, vector<1x16xf32>,
      %swap3A_389 = arith.index_cast %scan3A_384 : i32 to index
      %swap3A_390 = arith.constant 16 : index
      %swap3A_391 = tpu.vector_load %arg10[%swap3A_389, %swap3A_390] {strides = array<i32>} : memref<64x128xf32, #tpu.memory_space<vmem>>, vector<1x16xf32>,
      %swap3A_392 = vector.shape_cast %swap3A_391 : vector<1x16xf32> to vector<16xf32>
      %swap3A_393 = vector.shape_cast %broadcast_in_dim3A_30 : vector<16xf32> to vector<1x16xf32>
      tpu.vector_store %arg10[%swap3A_389, %swap3A_390], %swap3A_393 {strides = array<i32>} : memref<64x128xf32, #tpu.memory_space<vmem>>, vector<1x16xf32>,
      %swap3A_394 = arith.index_cast %scan3A_384 : i32 to index
      %swap3A_395 = arith.constant 32 : index
      %swap3A_396 = tpu.vector_load %arg10[%swap3A_394, %swap3A_395] {strides = array<i32>} : memref<64x128xf32, #tpu.memory_space<vmem>>, vector<1x16xf32>,
      %swap3A_397 = vector.shape_cast %swap3A_396 : vector<1x16xf32> to vector<16xf32>
      %swap3A_398 = vector.shape_cast %broadcast_in_dim3A_30 : vector<16xf32> to vector<1x16xf32>
      tpu.vector_store %arg10[%swap3A_394, %swap3A_395], %swap3A_398 {strides = array<i32>} : memref<64x128xf32, #tpu.memory_space<vmem>>, vector<1x16xf32>,
      %swap3A_399 = arith.index_cast %scan3A_384 : i32 to index
      %swap3A_400 = arith.constant 48 : index
      %swap3A_401 = tpu.vector_load %arg10[%swap3A_399, %swap3A_400] {strides = array<i32>} : memref<64x128xf32, #tpu.memory_space<vmem>>, vector<1x16xf32>,
      %swap3A_402 = vector.shape_cast %swap3A_401 : vector<1x16xf32> to vector<16xf32>
      %swap3A_403 = vector.shape_cast %broadcast_in_dim3A_30 : vector<16xf32> to vector<1x16xf32>
      tpu.vector_store %arg10[%swap3A_399, %swap3A_400], %swap3A_403 {strides = array<i32>} : memref<64x128xf32, #tpu.memory_space<vmem>>, vector<1x16xf32>,
      %swap3A_404 = arith.index_cast %scan3A_384 : i32 to index
      %swap3A_405 = arith.constant 64 : index
      %swap3A_406 = tpu.vector_load %arg10[%swap3A_404, %swap3A_405] {strides = array<i32>} : memref<64x128xf32, #tpu.memory_space<vmem>>, vector<1x16xf32>,
      %swap3A_407 = vector.shape_cast %swap3A_406 : vector<1x16xf32> to vector<16xf32>
      %swap3A_408 = vector.shape_cast %broadcast_in_dim3A_30 : vector<16xf32> to vector<1x16xf32>
      tpu.vector_store %arg10[%swap3A_404, %swap3A_405], %swap3A_408 {strides = array<i32>} : memref<64x128xf32, #tpu.memory_space<vmem>>, vector<1x16xf32>,
      %swap3A_409 = arith.index_cast %scan3A_384 : i32 to index
      %swap3A_410 = arith.constant 80 : index
      %swap3A_411 = tpu.vector_load %arg10[%swap3A_409, %swap3A_410] {strides = array<i32>} : memref<64x128xf32, #tpu.memory_space<vmem>>, vector<1x16xf32>,
      %swap3A_412 = vector.shape_cast %swap3A_411 : vector<1x16xf32> to vector<16xf32>
      %swap3A_413 = vector.shape_cast %broadcast_in_dim3A_30 : vector<16xf32> to vector<1x16xf32>
      tpu.vector_store %arg10[%swap3A_409, %swap3A_410], %swap3A_413 {strides = array<i32>} : memref<64x128xf32, #tpu.memory_space<vmem>>, vector<1x16xf32>,
      %swap3A_414 = arith.index_cast %scan3A_384 : i32 to index
      %swap3A_415 = arith.constant 96 : index
      %swap3A_416 = tpu.vector_load %arg10[%swap3A_414, %swap3A_415] {strides = array<i32>} : memref<64x128xf32, #tpu.memory_space<vmem>>, vector<1x16xf32>,
      %swap3A_417 = vector.shape_cast %swap3A_416 : vector<1x16xf32> to vector<16xf32>
      %swap3A_418 = vector.shape_cast %broadcast_in_dim3A_30 : vector<16xf32> to vector<1x16xf32>
      tpu.vector_store %arg10[%swap3A_414, %swap3A_415], %swap3A_418 {strides = array<i32>} : memref<64x128xf32, #tpu.memory_space<vmem>>, vector<1x16xf32>,
      %swap3A_419 = arith.index_cast %scan3A_384 : i32 to index
      %swap3A_420 = arith.constant 112 : index
      %swap3A_421 = tpu.vector_load %arg10[%swap3A_419, %swap3A_420] {strides = array<i32>} : memref<64x128xf32, #tpu.memory_space<vmem>>, vector<1x16xf32>,
      %swap3A_422 = vector.shape_cast %swap3A_421 : vector<1x16xf32> to vector<16xf32>
      %swap3A_423 = vector.shape_cast %broadcast_in_dim3A_30 : vector<16xf32> to vector<1x16xf32>
      tpu.vector_store %arg10[%swap3A_419, %swap3A_420], %swap3A_423 {strides = array<i32>} : memref<64x128xf32, #tpu.memory_space<vmem>>, vector<1x16xf32>,
    }
    %scan3A_35 = arith.constant 64 : i32
    %add3A_36 = arith.constant 0 : i32
    %add3A_37 = arith.addi %mul3A_0, %add3A_36 : i32
    %dma_start3A_38 = arith.constant 0 : i32
    %dma_start3A_39 = tpu.memref_slice %arg14[%add3A_37, %dma_start3A_38] : memref<10112x128xf32, #tpu.memory_space<vmem_shared>> -> memref<64x128xf32, #tpu.memory_space<vmem_shared>>
    %dma_start3A_40 = arith.constant 0 : i32
    %dma_start3A_41 = tpu.memref_slice %arg14[%add3A_37, %dma_start3A_40] : memref<10112x128xf32, #tpu.memory_space<vmem_shared>> -> memref<64x128xf32, #tpu.memory_space<vmem_shared>>
    tpu.enqueue_dma source(%arg10 : memref<64x128xf32, #tpu.memory_space<vmem>>) target(%dma_start3A_41 : memref<64x128xf32, #tpu.memory_space<vmem_shared>>) target_semaphore(%arg17 : memref<!tpu.dma_semaphore, #tpu.memory_space<semaphore_mem>>)
    %add3A_42 = arith.constant 64 : i32
    %add3A_43 = arith.addi %mul3A_0, %add3A_42 : i32
    %dma_start3A_44 = arith.constant 0 : i32
    %dma_start3A_45 = tpu.memref_slice %arg14[%add3A_43, %dma_start3A_44] : memref<10112x128xf32, #tpu.memory_space<vmem_shared>> -> memref<64x128xf32, #tpu.memory_space<vmem_shared>>
    %dma_start3A_46 = arith.constant 0 : i32
    %dma_start3A_47 = tpu.memref_slice %arg14[%add3A_43, %dma_start3A_46] : memref<10112x128xf32, #tpu.memory_space<vmem_shared>> -> memref<64x128xf32, #tpu.memory_space<vmem_shared>>
    tpu.enqueue_dma source(%arg10 : memref<64x128xf32, #tpu.memory_space<vmem>>) target(%dma_start3A_47 : memref<64x128xf32, #tpu.memory_space<vmem_shared>>) target_semaphore(%arg17 : memref<!tpu.dma_semaphore, #tpu.memory_space<semaphore_mem>>)
    %add3A_48 = arith.constant 128 : i32
    %add3A_49 = arith.addi %mul3A_0, %add3A_48 : i32
    %dma_start3A_50 = arith.constant 0 : i32
    %dma_start3A_51 = tpu.memref_slice %arg14[%add3A_49, %dma_start3A_50] : memref<10112x128xf32, #tpu.memory_space<vmem_shared>> -> memref<64x128xf32, #tpu.memory_space<vmem_shared>>
    %dma_start3A_52 = arith.constant 0 : i32
    %dma_start3A_53 = tpu.memref_slice %arg14[%add3A_49, %dma_start3A_52] : memref<10112x128xf32, #tpu.memory_space<vmem_shared>> -> memref<64x128xf32, #tpu.memory_space<vmem_shared>>
    tpu.enqueue_dma source(%arg10 : memref<64x128xf32, #tpu.memory_space<vmem>>) target(%dma_start3A_53 : memref<64x128xf32, #tpu.memory_space<vmem_shared>>) target_semaphore(%arg17 : memref<!tpu.dma_semaphore, #tpu.memory_space<semaphore_mem>>)
    %add3A_54 = arith.constant 192 : i32
    %add3A_55 = arith.addi %mul3A_0, %add3A_54 : i32
    %dma_start3A_56 = arith.constant 0 : i32
    %dma_start3A_57 = tpu.memref_slice %arg14[%add3A_55, %dma_start3A_56] : memref<10112x128xf32, #tpu.memory_space<vmem_shared>> -> memref<64x128xf32, #tpu.memory_space<vmem_shared>>
    %dma_start3A_58 = arith.constant 0 : i32
    %dma_start3A_59 = tpu.memref_slice %arg14[%add3A_55, %dma_start3A_58] : memref<10112x128xf32, #tpu.memory_space<vmem_shared>> -> memref<64x128xf32, #tpu.memory_space<vmem_shared>>
    tpu.enqueue_dma source(%arg10 : memref<64x128xf32, #tpu.memory_space<vmem>>) target(%dma_start3A_59 : memref<64x128xf32, #tpu.memory_space<vmem_shared>>) target_semaphore(%arg17 : memref<!tpu.dma_semaphore, #tpu.memory_space<semaphore_mem>>)
    %add3A_60 = arith.constant 256 : i32
    %add3A_61 = arith.addi %mul3A_0, %add3A_60 : i32
    %dma_start3A_62 = arith.constant 0 : i32
    %dma_start3A_63 = tpu.memref_slice %arg14[%add3A_61, %dma_start3A_62] : memref<10112x128xf32, #tpu.memory_space<vmem_shared>> -> memref<64x128xf32, #tpu.memory_space<vmem_shared>>
    %dma_start3A_64 = arith.constant 0 : i32
    %dma_start3A_65 = tpu.memref_slice %arg14[%add3A_61, %dma_start3A_64] : memref<10112x128xf32, #tpu.memory_space<vmem_shared>> -> memref<64x128xf32, #tpu.memory_space<vmem_shared>>
    tpu.enqueue_dma source(%arg10 : memref<64x128xf32, #tpu.memory_space<vmem>>) target(%dma_start3A_65 : memref<64x128xf32, #tpu.memory_space<vmem_shared>>) target_semaphore(%arg17 : memref<!tpu.dma_semaphore, #tpu.memory_space<semaphore_mem>>)
    %add3A_66 = arith.constant 320 : i32
    %add3A_67 = arith.addi %mul3A_0, %add3A_66 : i32
    %dma_start3A_68 = arith.constant 0 : i32
    %dma_start3A_69 = tpu.memref_slice %arg14[%add3A_67, %dma_start3A_68] : memref<10112x128xf32, #tpu.memory_space<vmem_shared>> -> memref<64x128xf32, #tpu.memory_space<vmem_shared>>
    %dma_start3A_70 = arith.constant 0 : i32
    %dma_start3A_71 = tpu.memref_slice %arg14[%add3A_67, %dma_start3A_70] : memref<10112x128xf32, #tpu.memory_space<vmem_shared>> -> memref<64x128xf32, #tpu.memory_space<vmem_shared>>
    tpu.enqueue_dma source(%arg10 : memref<64x128xf32, #tpu.memory_space<vmem>>) target(%dma_start3A_71 : memref<64x128xf32, #tpu.memory_space<vmem_shared>>) target_semaphore(%arg17 : memref<!tpu.dma_semaphore, #tpu.memory_space<semaphore_mem>>)
    %add3A_72 = arith.constant 384 : i32
    %add3A_73 = arith.addi %mul3A_0, %add3A_72 : i32
    %dma_start3A_74 = arith.constant 0 : i32
    %dma_start3A_75 = tpu.memref_slice %arg14[%add3A_73, %dma_start3A_74] : memref<10112x128xf32, #tpu.memory_space<vmem_shared>> -> memref<64x128xf32, #tpu.memory_space<vmem_shared>>
    %dma_start3A_76 = arith.constant 0 : i32
    %dma_start3A_77 = tpu.memref_slice %arg14[%add3A_73, %dma_start3A_76] : memref<10112x128xf32, #tpu.memory_space<vmem_shared>> -> memref<64x128xf32, #tpu.memory_space<vmem_shared>>
    tpu.enqueue_dma source(%arg10 : memref<64x128xf32, #tpu.memory_space<vmem>>) target(%dma_start3A_77 : memref<64x128xf32, #tpu.memory_space<vmem_shared>>) target_semaphore(%arg17 : memref<!tpu.dma_semaphore, #tpu.memory_space<semaphore_mem>>)
    %add3A_78 = arith.constant 448 : i32
    %add3A_79 = arith.addi %mul3A_0, %add3A_78 : i32
    %dma_start3A_80 = arith.constant 0 : i32
    %dma_start3A_81 = tpu.memref_slice %arg14[%add3A_79, %dma_start3A_80] : memref<10112x128xf32, #tpu.memory_space<vmem_shared>> -> memref<64x128xf32, #tpu.memory_space<vmem_shared>>
    %dma_start3A_82 = arith.constant 0 : i32
    %dma_start3A_83 = tpu.memref_slice %arg14[%add3A_79, %dma_start3A_82] : memref<10112x128xf32, #tpu.memory_space<vmem_shared>> -> memref<64x128xf32, #tpu.memory_space<vmem_shared>>
    tpu.enqueue_dma source(%arg10 : memref<64x128xf32, #tpu.memory_space<vmem>>) target(%dma_start3A_83 : memref<64x128xf32, #tpu.memory_space<vmem_shared>>) target_semaphore(%arg17 : memref<!tpu.dma_semaphore, #tpu.memory_space<semaphore_mem>>)
    %add3A_84 = arith.constant 512 : i32
    %add3A_85 = arith.addi %mul3A_0, %add3A_84 : i32
    %dma_start3A_86 = arith.constant 0 : i32
    %dma_start3A_87 = tpu.memref_slice %arg14[%add3A_85, %dma_start3A_86] : memref<10112x128xf32, #tpu.memory_space<vmem_shared>> -> memref<64x128xf32, #tpu.memory_space<vmem_shared>>
    %dma_start3A_88 = arith.constant 0 : i32
    %dma_start3A_89 = tpu.memref_slice %arg14[%add3A_85, %dma_start3A_88] : memref<10112x128xf32, #tpu.memory_space<vmem_shared>> -> memref<64x128xf32, #tpu.memory_space<vmem_shared>>
    tpu.enqueue_dma source(%arg10 : memref<64x128xf32, #tpu.memory_space<vmem>>) target(%dma_start3A_89 : memref<64x128xf32, #tpu.memory_space<vmem_shared>>) target_semaphore(%arg17 : memref<!tpu.dma_semaphore, #tpu.memory_space<semaphore_mem>>)
    %add3A_90 = arith.constant 576 : i32
    %add3A_91 = arith.addi %mul3A_0, %add3A_90 : i32
    %dma_start3A_92 = arith.constant 0 : i32
    %dma_start3A_93 = arith.constant 0 : i32
    %dma_start3A_94 = tpu.memref_slice %arg10[%dma_start3A_92, %dma_start3A_93] : memref<64x128xf32, #tpu.memory_space<vmem>> -> memref<56x128xf32, #tpu.memory_space<vmem>>
    %dma_start3A_95 = arith.constant 0 : i32
    %dma_start3A_96 = tpu.memref_slice %arg14[%add3A_91, %dma_start3A_95] : memref<10112x128xf32, #tpu.memory_space<vmem_shared>> -> memref<56x128xf32, #tpu.memory_space<vmem_shared>>
    %dma_start3A_97 = arith.constant 0 : i32
    %dma_start3A_98 = tpu.memref_slice %arg14[%add3A_91, %dma_start3A_97] : memref<10112x128xf32, #tpu.memory_space<vmem_shared>> -> memref<56x128xf32, #tpu.memory_space<vmem_shared>>
    %dma_start3A_99 = arith.constant 0 : i32
    %dma_start3A_100 = arith.constant 0 : i32
    %dma_start3A_101 = tpu.memref_slice %arg10[%dma_start3A_99, %dma_start3A_100] : memref<64x128xf32, #tpu.memory_space<vmem>> -> memref<56x128xf32, #tpu.memory_space<vmem>>
    tpu.enqueue_dma source(%dma_start3A_101 : memref<56x128xf32, #tpu.memory_space<vmem>>) target(%dma_start3A_98 : memref<56x128xf32, #tpu.memory_space<vmem_shared>>) target_semaphore(%arg17 : memref<!tpu.dma_semaphore, #tpu.memory_space<semaphore_mem>>)
    %dma_wait3A = arith.constant 0 : i32
    %dma_wait3A_102 = tpu.memref_slice %arg14[%mul3A_0, %dma_wait3A] : memref<10112x128xf32, #tpu.memory_space<vmem_shared>> -> memref<64x128xf32, #tpu.memory_space<vmem_shared>>
    %dma_wait3A_103 = arith.constant 0 : i32
    %dma_wait3A_104 = tpu.memref_slice %arg14[%mul3A_0, %dma_wait3A_103] : memref<10112x128xf32, #tpu.memory_space<vmem_shared>> -> memref<64x128xf32, #tpu.memory_space<vmem_shared>>
    tpu.wait_dma2 semaphore(%arg17 : memref<!tpu.dma_semaphore, #tpu.memory_space<semaphore_mem>>) src(%arg10 : memref<64x128xf32, #tpu.memory_space<vmem>>) dst(%dma_wait3A_104 : memref<64x128xf32, #tpu.memory_space<vmem_shared>>)
    %dma_wait3A_105 = arith.constant 0 : i32
    %dma_wait3A_106 = tpu.memref_slice %arg14[%mul3A_0, %dma_wait3A_105] : memref<10112x128xf32, #tpu.memory_space<vmem_shared>> -> memref<64x128xf32, #tpu.memory_space<vmem_shared>>
    %dma_wait3A_107 = arith.constant 0 : i32
    %dma_wait3A_108 = tpu.memref_slice %arg14[%mul3A_0, %dma_wait3A_107] : memref<10112x128xf32, #tpu.memory_space<vmem_shared>> -> memref<64x128xf32, #tpu.memory_space<vmem_shared>>
    tpu.wait_dma2 semaphore(%arg17 : memref<!tpu.dma_semaphore, #tpu.memory_space<semaphore_mem>>) src(%arg10 : memref<64x128xf32, #tpu.memory_space<vmem>>) dst(%dma_wait3A_108 : memref<64x128xf32, #tpu.memory_space<vmem_shared>>)
    %dma_wait3A_109 = arith.constant 0 : i32
    %dma_wait3A_110 = tpu.memref_slice %arg14[%mul3A_0, %dma_wait3A_109] : memref<10112x128xf32, #tpu.memory_space<vmem_shared>> -> memref<64x128xf32, #tpu.memory_space<vmem_shared>>
    %dma_wait3A_111 = arith.constant 0 : i32
    %dma_wait3A_112 = tpu.memref_slice %arg14[%mul3A_0, %dma_wait3A_111] : memref<10112x128xf32, #tpu.memory_space<vmem_shared>> -> memref<64x128xf32, #tpu.memory_space<vmem_shared>>
    tpu.wait_dma2 semaphore(%arg17 : memref<!tpu.dma_semaphore, #tpu.memory_space<semaphore_mem>>) src(%arg10 : memref<64x128xf32, #tpu.memory_space<vmem>>) dst(%dma_wait3A_112 : memref<64x128xf32, #tpu.memory_space<vmem_shared>>)
    %dma_wait3A_113 = arith.constant 0 : i32
    %dma_wait3A_114 = tpu.memref_slice %arg14[%mul3A_0, %dma_wait3A_113] : memref<10112x128xf32, #tpu.memory_space<vmem_shared>> -> memref<64x128xf32, #tpu.memory_space<vmem_shared>>
    %dma_wait3A_115 = arith.constant 0 : i32
    %dma_wait3A_116 = tpu.memref_slice %arg14[%mul3A_0, %dma_wait3A_115] : memref<10112x128xf32, #tpu.memory_space<vmem_shared>> -> memref<64x128xf32, #tpu.memory_space<vmem_shared>>
    tpu.wait_dma2 semaphore(%arg17 : memref<!tpu.dma_semaphore, #tpu.memory_space<semaphore_mem>>) src(%arg10 : memref<64x128xf32, #tpu.memory_space<vmem>>) dst(%dma_wait3A_116 : memref<64x128xf32, #tpu.memory_space<vmem_shared>>)
    %dma_wait3A_117 = arith.constant 0 : i32
    %dma_wait3A_118 = tpu.memref_slice %arg14[%mul3A_0, %dma_wait3A_117] : memref<10112x128xf32, #tpu.memory_space<vmem_shared>> -> memref<64x128xf32, #tpu.memory_space<vmem_shared>>
    %dma_wait3A_119 = arith.constant 0 : i32
    %dma_wait3A_120 = tpu.memref_slice %arg14[%mul3A_0, %dma_wait3A_119] : memref<10112x128xf32, #tpu.memory_space<vmem_shared>> -> memref<64x128xf32, #tpu.memory_space<vmem_shared>>
    tpu.wait_dma2 semaphore(%arg17 : memref<!tpu.dma_semaphore, #tpu.memory_space<semaphore_mem>>) src(%arg10 : memref<64x128xf32, #tpu.memory_space<vmem>>) dst(%dma_wait3A_120 : memref<64x128xf32, #tpu.memory_space<vmem_shared>>)
    %dma_wait3A_121 = arith.constant 0 : i32
    %dma_wait3A_122 = tpu.memref_slice %arg14[%mul3A_0, %dma_wait3A_121] : memref<10112x128xf32, #tpu.memory_space<vmem_shared>> -> memref<64x128xf32, #tpu.memory_space<vmem_shared>>
    %dma_wait3A_123 = arith.constant 0 : i32
    %dma_wait3A_124 = tpu.memref_slice %arg14[%mul3A_0, %dma_wait3A_123] : memref<10112x128xf32, #tpu.memory_space<vmem_shared>> -> memref<64x128xf32, #tpu.memory_space<vmem_shared>>
    tpu.wait_dma2 semaphore(%arg17 : memref<!tpu.dma_semaphore, #tpu.memory_space<semaphore_mem>>) src(%arg10 : memref<64x128xf32, #tpu.memory_space<vmem>>) dst(%dma_wait3A_124 : memref<64x128xf32, #tpu.memory_space<vmem_shared>>)
    %dma_wait3A_125 = arith.constant 0 : i32
    %dma_wait3A_126 = tpu.memref_slice %arg14[%mul3A_0, %dma_wait3A_125] : memref<10112x128xf32, #tpu.memory_space<vmem_shared>> -> memref<64x128xf32, #tpu.memory_space<vmem_shared>>
    %dma_wait3A_127 = arith.constant 0 : i32
    %dma_wait3A_128 = tpu.memref_slice %arg14[%mul3A_0, %dma_wait3A_127] : memref<10112x128xf32, #tpu.memory_space<vmem_shared>> -> memref<64x128xf32, #tpu.memory_space<vmem_shared>>
    tpu.wait_dma2 semaphore(%arg17 : memref<!tpu.dma_semaphore, #tpu.memory_space<semaphore_mem>>) src(%arg10 : memref<64x128xf32, #tpu.memory_space<vmem>>) dst(%dma_wait3A_128 : memref<64x128xf32, #tpu.memory_space<vmem_shared>>)
    %dma_wait3A_129 = arith.constant 0 : i32
    %dma_wait3A_130 = tpu.memref_slice %arg14[%mul3A_0, %dma_wait3A_129] : memref<10112x128xf32, #tpu.memory_space<vmem_shared>> -> memref<64x128xf32, #tpu.memory_space<vmem_shared>>
    %dma_wait3A_131 = arith.constant 0 : i32
    %dma_wait3A_132 = tpu.memref_slice %arg14[%mul3A_0, %dma_wait3A_131] : memref<10112x128xf32, #tpu.memory_space<vmem_shared>> -> memref<64x128xf32, #tpu.memory_space<vmem_shared>>
    tpu.wait_dma2 semaphore(%arg17 : memref<!tpu.dma_semaphore, #tpu.memory_space<semaphore_mem>>) src(%arg10 : memref<64x128xf32, #tpu.memory_space<vmem>>) dst(%dma_wait3A_132 : memref<64x128xf32, #tpu.memory_space<vmem_shared>>)
    %dma_wait3A_133 = arith.constant 0 : i32
    %dma_wait3A_134 = tpu.memref_slice %arg14[%mul3A_0, %dma_wait3A_133] : memref<10112x128xf32, #tpu.memory_space<vmem_shared>> -> memref<64x128xf32, #tpu.memory_space<vmem_shared>>
    %dma_wait3A_135 = arith.constant 0 : i32
    %dma_wait3A_136 = tpu.memref_slice %arg14[%mul3A_0, %dma_wait3A_135] : memref<10112x128xf32, #tpu.memory_space<vmem_shared>> -> memref<64x128xf32, #tpu.memory_space<vmem_shared>>
    tpu.wait_dma2 semaphore(%arg17 : memref<!tpu.dma_semaphore, #tpu.memory_space<semaphore_mem>>) src(%arg10 : memref<64x128xf32, #tpu.memory_space<vmem>>) dst(%dma_wait3A_136 : memref<64x128xf32, #tpu.memory_space<vmem_shared>>)
    %dma_wait3A_137 = arith.constant 0 : i32
    %dma_wait3A_138 = arith.constant 0 : i32
    %dma_wait3A_139 = tpu.memref_slice %arg10[%dma_wait3A_137, %dma_wait3A_138] : memref<64x128xf32, #tpu.memory_space<vmem>> -> memref<56x128xf32, #tpu.memory_space<vmem>>
    %dma_wait3A_140 = arith.constant 0 : i32
    %dma_wait3A_141 = tpu.memref_slice %arg14[%mul3A_0, %dma_wait3A_140] : memref<10112x128xf32, #tpu.memory_space<vmem_shared>> -> memref<56x128xf32, #tpu.memory_space<vmem_shared>>
    %dma_wait3A_142 = arith.constant 0 : i32
    %dma_wait3A_143 = tpu.memref_slice %arg14[%mul3A_0, %dma_wait3A_142] : memref<10112x128xf32, #tpu.memory_space<vmem_shared>> -> memref<56x128xf32, #tpu.memory_space<vmem_shared>>
    %dma_wait3A_144 = arith.constant 0 : i32
    %dma_wait3A_145 = arith.constant 0 : i32
    %dma_wait3A_146 = tpu.memref_slice %arg10[%dma_wait3A_144, %dma_wait3A_145] : memref<64x128xf32, #tpu.memory_space<vmem>> -> memref<56x128xf32, #tpu.memory_space<vmem>>
    tpu.wait_dma2 semaphore(%arg17 : memref<!tpu.dma_semaphore, #tpu.memory_space<semaphore_mem>>) src(%dma_wait3A_146 : memref<56x128xf32, #tpu.memory_space<vmem>>) dst(%dma_wait3A_143 : memref<56x128xf32, #tpu.memory_space<vmem_shared>>)
    %barrier3A = arith.constant 0 : index
    tpu.barrier barrier_id(%barrier3A)
    %dma_wait3A_147 = arith.constant 0 : i32
    %dma_wait3A_148 = tpu.memref_slice %arg3[%mul3A_4, %dma_wait3A_147] : memref<5120x64xi32, #tpu.memory_space<hbm>> -> memref<32x64xi32, #tpu.memory_space<hbm>>
    %dma_wait3A_149 = arith.constant 0 : i32
    %dma_wait3A_150 = tpu.memref_slice %arg3[%mul3A_4, %dma_wait3A_149] : memref<5120x64xi32, #tpu.memory_space<hbm>> -> memref<32x64xi32, #tpu.memory_space<hbm>>
    tpu.wait_dma2 semaphore(%arg15 : memref<!tpu.dma_semaphore, #tpu.memory_space<semaphore_mem>>) src(%dma_wait3A_150 : memref<32x64xi32, #tpu.memory_space<hbm>>) dst(%arg6 : memref<32x64xi32, #tpu.memory_space<vmem>>)
    %dma_wait3A_151 = arith.constant 0 : i32
    %dma_wait3A_152 = tpu.memref_slice %arg4[%mul3A_4, %dma_wait3A_151] : memref<5120x64xi32, #tpu.memory_space<hbm>> -> memref<32x64xi32, #tpu.memory_space<hbm>>
    %dma_wait3A_153 = arith.constant 0 : i32
    %dma_wait3A_154 = tpu.memref_slice %arg4[%mul3A_4, %dma_wait3A_153] : memref<5120x64xi32, #tpu.memory_space<hbm>> -> memref<32x64xi32, #tpu.memory_space<hbm>>
    tpu.wait_dma2 semaphore(%arg15 : memref<!tpu.dma_semaphore, #tpu.memory_space<semaphore_mem>>) src(%dma_wait3A_154 : memref<32x64xi32, #tpu.memory_space<hbm>>) dst(%arg8 : memref<32x64xi32, #tpu.memory_space<vmem>>)
    %sub3A_155 = arith.constant 0 : i32
    %sub3A_156 = arith.subi %min3A, %sub3A_155 : i32
    %jit3A_157 = arith.constant 0 : i32
    %jit3A_158 = arith.constant 32 : i32
    %max3A_159 = arith.maxsi %jit3A_157, %sub3A_156 : i32
    %min3A_160 = arith.minsi %jit3A_158, %max3A_159 : i32
    %gt3A = arith.constant 0 : i32
    %gt3A_161 = arith.cmpi sgt, %min3A_160, %gt3A : i32
    %convert_element_type3A = arith.extui %gt3A_161 : i1 to i32
    %cond3A = arith.constant 0 : i32
    %cond3A_162 = arith.cmpi ne, %convert_element_type3A, %cond3A : i32
    scf.if %cond3A_162 {
      %dma_start3A_384 = arith.constant 0 : i32
      %dma_start3A_385 = arith.constant 0 : i32
      %dma_start3A_386 = tpu.memref_slice %arg6[%dma_start3A_384, %dma_start3A_385] : memref<32x64xi32, #tpu.memory_space<vmem>> -> memref<1x64xi32, #tpu.memory_space<vmem>>
      %dma_start3A_387 = tpu.memref_squeeze %dma_start3A_386 : memref<1x64xi32, #tpu.memory_space<vmem>> -> memref<64xi32, #tpu.memory_space<vmem>>
      %dma_start3A_388 = arith.constant 0 : i32
      %dma_start3A_389 = arith.constant 0 : i32
      %dma_start3A_390 = tpu.memref_slice %arg2[%dma_start3A_388, %dma_start3A_389] : memref<10000x128xf32, #tpu.memory_space<hbm>> -> memref<10000x128xf32, #tpu.memory_space<hbm>>
      tpu.enqueue_indirect_dma source(%dma_start3A_390 : memref<10000x128xf32, #tpu.memory_space<hbm>>) target(%arg10 : memref<64x128xf32, #tpu.memory_space<vmem>>) offsets(%dma_start3A_387 : memref<64xi32, #tpu.memory_space<vmem>>) semaphore(%arg17 : memref<!tpu.dma_semaphore, #tpu.memory_space<semaphore_mem>>)
    } else {
    }
    %gt3A_163 = arith.constant 1 : i32
    %gt3A_164 = arith.cmpi sgt, %min3A_160, %gt3A_163 : i32
    %convert_element_type3A_165 = arith.extui %gt3A_164 : i1 to i32
    %cond3A_166 = arith.constant 0 : i32
    %cond3A_167 = arith.cmpi ne, %convert_element_type3A_165, %cond3A_166 : i32
    scf.if %cond3A_167 {
      %dma_start3A_384 = arith.constant 1 : i32
      %dma_start3A_385 = arith.constant 0 : i32
      %dma_start3A_386 = tpu.memref_slice %arg6[%dma_start3A_384, %dma_start3A_385] : memref<32x64xi32, #tpu.memory_space<vmem>> -> memref<1x64xi32, #tpu.memory_space<vmem>>
      %dma_start3A_387 = tpu.memref_squeeze %dma_start3A_386 : memref<1x64xi32, #tpu.memory_space<vmem>> -> memref<64xi32, #tpu.memory_space<vmem>>
      %dma_start3A_388 = arith.constant 0 : i32
      %dma_start3A_389 = arith.constant 0 : i32
      %dma_start3A_390 = tpu.memref_slice %arg2[%dma_start3A_388, %dma_start3A_389] : memref<10000x128xf32, #tpu.memory_space<hbm>> -> memref<10000x128xf32, #tpu.memory_space<hbm>>
      tpu.enqueue_indirect_dma source(%dma_start3A_390 : memref<10000x128xf32, #tpu.memory_space<hbm>>) target(%arg11 : memref<64x128xf32, #tpu.memory_space<vmem>>) offsets(%dma_start3A_387 : memref<64xi32, #tpu.memory_space<vmem>>) semaphore(%arg18 : memref<!tpu.dma_semaphore, #tpu.memory_space<semaphore_mem>>)
    } else {
    }
    %gt3A_168 = arith.constant 2 : i32
    %gt3A_169 = arith.cmpi sgt, %min3A_160, %gt3A_168 : i32
    %convert_element_type3A_170 = arith.extui %gt3A_169 : i1 to i32
    %cond3A_171 = arith.constant 0 : i32
    %cond3A_172 = arith.cmpi ne, %convert_element_type3A_170, %cond3A_171 : i32
    scf.if %cond3A_172 {
      %dma_start3A_384 = arith.constant 2 : i32
      %dma_start3A_385 = arith.constant 0 : i32
      %dma_start3A_386 = tpu.memref_slice %arg6[%dma_start3A_384, %dma_start3A_385] : memref<32x64xi32, #tpu.memory_space<vmem>> -> memref<1x64xi32, #tpu.memory_space<vmem>>
      %dma_start3A_387 = tpu.memref_squeeze %dma_start3A_386 : memref<1x64xi32, #tpu.memory_space<vmem>> -> memref<64xi32, #tpu.memory_space<vmem>>
      %dma_start3A_388 = arith.constant 0 : i32
      %dma_start3A_389 = arith.constant 0 : i32
      %dma_start3A_390 = tpu.memref_slice %arg2[%dma_start3A_388, %dma_start3A_389] : memref<10000x128xf32, #tpu.memory_space<hbm>> -> memref<10000x128xf32, #tpu.memory_space<hbm>>
      tpu.enqueue_indirect_dma source(%dma_start3A_390 : memref<10000x128xf32, #tpu.memory_space<hbm>>) target(%arg12 : memref<64x128xf32, #tpu.memory_space<vmem>>) offsets(%dma_start3A_387 : memref<64xi32, #tpu.memory_space<vmem>>) semaphore(%arg19 : memref<!tpu.dma_semaphore, #tpu.memory_space<semaphore_mem>>)
    } else {
    }
    %gt3A_173 = arith.constant 3 : i32
    %gt3A_174 = arith.cmpi sgt, %min3A_160, %gt3A_173 : i32
    %convert_element_type3A_175 = arith.extui %gt3A_174 : i1 to i32
    %cond3A_176 = arith.constant 0 : i32
    %cond3A_177 = arith.cmpi ne, %convert_element_type3A_175, %cond3A_176 : i32
    scf.if %cond3A_177 {
      %dma_start3A_384 = arith.constant 3 : i32
      %dma_start3A_385 = arith.constant 0 : i32
      %dma_start3A_386 = tpu.memref_slice %arg6[%dma_start3A_384, %dma_start3A_385] : memref<32x64xi32, #tpu.memory_space<vmem>> -> memref<1x64xi32, #tpu.memory_space<vmem>>
      %dma_start3A_387 = tpu.memref_squeeze %dma_start3A_386 : memref<1x64xi32, #tpu.memory_space<vmem>> -> memref<64xi32, #tpu.memory_space<vmem>>
      %dma_start3A_388 = arith.constant 0 : i32
      %dma_start3A_389 = arith.constant 0 : i32
      %dma_start3A_390 = tpu.memref_slice %arg2[%dma_start3A_388, %dma_start3A_389] : memref<10000x128xf32, #tpu.memory_space<hbm>> -> memref<10000x128xf32, #tpu.memory_space<hbm>>
      tpu.enqueue_indirect_dma source(%dma_start3A_390 : memref<10000x128xf32, #tpu.memory_space<hbm>>) target(%arg13 : memref<64x128xf32, #tpu.memory_space<vmem>>) offsets(%dma_start3A_387 : memref<64xi32, #tpu.memory_space<vmem>>) semaphore(%arg20 : memref<!tpu.dma_semaphore, #tpu.memory_space<semaphore_mem>>)
    } else {
    }
    %scan3A_178 = arith.constant 0 : i32
    %scan3A_179 = arith.constant 0 : i32
    %scan3A_180 = arith.constant 8 : i32
    %scan3A_181 = arith.addi %scan3A_179, %scan3A_180 : i32
    %scan3A_182 = arith.constant 1 : i32
    scf.for %scan3A_384 = %scan3A_179 to %scan3A_181 step %scan3A_182  : i32 {
      %mul3A_385 = arith.constant 4 : i32
      %mul3A_386 = arith.muli %scan3A_384, %mul3A_385 : i32
      %add3A_387 = arith.constant 0 : i32
      %add3A_388 = arith.addi %mul3A_386, %add3A_387 : i32
      %lt3A = arith.cmpi slt, %add3A_388, %min3A_160 : i32
      %convert_element_type3A_389 = arith.extui %lt3A : i1 to i32
      %cond3A_390 = arith.constant 0 : i32
      %cond3A_391 = arith.cmpi ne, %convert_element_type3A_389, %cond3A_390 : i32
      scf.if %cond3A_391 {
        %dma_wait3A_416 = arith.constant 0 : i32
        %dma_wait3A_417 = tpu.memref_slice %arg6[%add3A_388, %dma_wait3A_416] : memref<32x64xi32, #tpu.memory_space<vmem>> -> memref<1x64xi32, #tpu.memory_space<vmem>>
        %dma_wait3A_418 = tpu.memref_squeeze %dma_wait3A_417 : memref<1x64xi32, #tpu.memory_space<vmem>> -> memref<64xi32, #tpu.memory_space<vmem>>
        %dma_wait3A_419 = arith.constant 0 : i32
        %dma_wait3A_420 = arith.constant 0 : i32
        %dma_wait3A_421 = tpu.memref_slice %arg2[%dma_wait3A_419, %dma_wait3A_420] : memref<10000x128xf32, #tpu.memory_space<hbm>> -> memref<10000x128xf32, #tpu.memory_space<hbm>>
        tpu.wait_indirect_dma semaphore(%arg17 : memref<!tpu.dma_semaphore, #tpu.memory_space<semaphore_mem>>) src(%dma_wait3A_421 : memref<10000x128xf32, #tpu.memory_space<hbm>>) dst(%arg10 : memref<64x128xf32, #tpu.memory_space<vmem>>)
        "tpu.region"() ({
          %run_scoped3A = tpu.sem_alloc : memref<!tpu.dma_semaphore, #tpu.memory_space<semaphore_mem>>
          %dma_start3A_428 = arith.constant 0 : i32
          %dma_start3A_429 = tpu.memref_slice %arg8[%add3A_388, %dma_start3A_428] : memref<32x64xi32, #tpu.memory_space<vmem>> -> memref<1x64xi32, #tpu.memory_space<vmem>>
          %dma_start3A_430 = tpu.memref_squeeze %dma_start3A_429 : memref<1x64xi32, #tpu.memory_space<vmem>> -> memref<64xi32, #tpu.memory_space<vmem>>
          %dma_start3A_431 = arith.constant 0 : i32
          %dma_start3A_432 = arith.constant 0 : i32
          %dma_start3A_433 = tpu.memref_slice %arg14[%dma_start3A_431, %dma_start3A_432] : memref<10112x128xf32, #tpu.memory_space<vmem_shared>> -> memref<10112x128xf32, #tpu.memory_space<vmem_shared>>
          tpu.enqueue_indirect_dma source(%arg10 : memref<64x128xf32, #tpu.memory_space<vmem>>) target(%dma_start3A_433 : memref<10112x128xf32, #tpu.memory_space<vmem_shared>>) offsets(%dma_start3A_430 : memref<64xi32, #tpu.memory_space<vmem>>) semaphore(%run_scoped3A : memref<!tpu.dma_semaphore, #tpu.memory_space<semaphore_mem>>) {add = true}
          %dma_wait3A_434 = arith.constant 0 : i32
          %dma_wait3A_435 = tpu.memref_slice %arg8[%add3A_388, %dma_wait3A_434] : memref<32x64xi32, #tpu.memory_space<vmem>> -> memref<1x64xi32, #tpu.memory_space<vmem>>
          %dma_wait3A_436 = tpu.memref_squeeze %dma_wait3A_435 : memref<1x64xi32, #tpu.memory_space<vmem>> -> memref<64xi32, #tpu.memory_space<vmem>>
          %dma_wait3A_437 = arith.constant 0 : i32
          %dma_wait3A_438 = arith.constant 0 : i32
          %dma_wait3A_439 = tpu.memref_slice %arg14[%dma_wait3A_437, %dma_wait3A_438] : memref<10112x128xf32, #tpu.memory_space<vmem_shared>> -> memref<10112x128xf32, #tpu.memory_space<vmem_shared>>
          tpu.wait_indirect_dma semaphore(%run_scoped3A : memref<!tpu.dma_semaphore, #tpu.memory_space<semaphore_mem>>) src(%arg10 : memref<64x128xf32, #tpu.memory_space<vmem>>) dst(%dma_wait3A_439 : memref<10112x128xf32, #tpu.memory_space<vmem_shared>>)
          tpu.yield
        }) : () -> ()
        %add3A_422 = arith.constant 4 : i32
        %add3A_423 = arith.addi %add3A_388, %add3A_422 : i32
        %lt3A_424 = arith.cmpi slt, %add3A_423, %min3A_160 : i32
        %convert_element_type3A_425 = arith.extui %lt3A_424 : i1 to i32
        %cond3A_426 = arith.constant 0 : i32
        %cond3A_427 = arith.cmpi ne, %convert_element_type3A_425, %cond3A_426 : i32
        scf.if %cond3A_427 {
          %add3A_428 = arith.constant 4 : i32
          %add3A_429 = arith.addi %add3A_388, %add3A_428 : i32
          %dma_start3A_430 = arith.constant 0 : i32
          %dma_start3A_431 = tpu.memref_slice %arg6[%add3A_429, %dma_start3A_430] : memref<32x64xi32, #tpu.memory_space<vmem>> -> memref<1x64xi32, #tpu.memory_space<vmem>>
          %dma_start3A_432 = tpu.memref_squeeze %dma_start3A_431 : memref<1x64xi32, #tpu.memory_space<vmem>> -> memref<64xi32, #tpu.memory_space<vmem>>
          %dma_start3A_433 = arith.constant 0 : i32
          %dma_start3A_434 = arith.constant 0 : i32
          %dma_start3A_435 = tpu.memref_slice %arg2[%dma_start3A_433, %dma_start3A_434] : memref<10000x128xf32, #tpu.memory_space<hbm>> -> memref<10000x128xf32, #tpu.memory_space<hbm>>
          tpu.enqueue_indirect_dma source(%dma_start3A_435 : memref<10000x128xf32, #tpu.memory_space<hbm>>) target(%arg10 : memref<64x128xf32, #tpu.memory_space<vmem>>) offsets(%dma_start3A_432 : memref<64xi32, #tpu.memory_space<vmem>>) semaphore(%arg17 : memref<!tpu.dma_semaphore, #tpu.memory_space<semaphore_mem>>)
        } else {
        }
      } else {
      }
      %mul3A_392 = arith.constant 4 : i32
      %mul3A_393 = arith.muli %scan3A_384, %mul3A_392 : i32
      %add3A_394 = arith.constant 1 : i32
      %add3A_395 = arith.addi %mul3A_393, %add3A_394 : i32
      %lt3A_396 = arith.cmpi slt, %add3A_395, %min3A_160 : i32
      %convert_element_type3A_397 = arith.extui %lt3A_396 : i1 to i32
      %cond3A_398 = arith.constant 0 : i32
      %cond3A_399 = arith.cmpi ne, %convert_element_type3A_397, %cond3A_398 : i32
      scf.if %cond3A_399 {
        %dma_wait3A_416 = arith.constant 0 : i32
        %dma_wait3A_417 = tpu.memref_slice %arg6[%add3A_395, %dma_wait3A_416] : memref<32x64xi32, #tpu.memory_space<vmem>> -> memref<1x64xi32, #tpu.memory_space<vmem>>
        %dma_wait3A_418 = tpu.memref_squeeze %dma_wait3A_417 : memref<1x64xi32, #tpu.memory_space<vmem>> -> memref<64xi32, #tpu.memory_space<vmem>>
        %dma_wait3A_419 = arith.constant 0 : i32
        %dma_wait3A_420 = arith.constant 0 : i32
        %dma_wait3A_421 = tpu.memref_slice %arg2[%dma_wait3A_419, %dma_wait3A_420] : memref<10000x128xf32, #tpu.memory_space<hbm>> -> memref<10000x128xf32, #tpu.memory_space<hbm>>
        tpu.wait_indirect_dma semaphore(%arg18 : memref<!tpu.dma_semaphore, #tpu.memory_space<semaphore_mem>>) src(%dma_wait3A_421 : memref<10000x128xf32, #tpu.memory_space<hbm>>) dst(%arg11 : memref<64x128xf32, #tpu.memory_space<vmem>>)
        "tpu.region"() ({
          %run_scoped3A = tpu.sem_alloc : memref<!tpu.dma_semaphore, #tpu.memory_space<semaphore_mem>>
          %dma_start3A_428 = arith.constant 0 : i32
          %dma_start3A_429 = tpu.memref_slice %arg8[%add3A_395, %dma_start3A_428] : memref<32x64xi32, #tpu.memory_space<vmem>> -> memref<1x64xi32, #tpu.memory_space<vmem>>
          %dma_start3A_430 = tpu.memref_squeeze %dma_start3A_429 : memref<1x64xi32, #tpu.memory_space<vmem>> -> memref<64xi32, #tpu.memory_space<vmem>>
          %dma_start3A_431 = arith.constant 0 : i32
          %dma_start3A_432 = arith.constant 0 : i32
          %dma_start3A_433 = tpu.memref_slice %arg14[%dma_start3A_431, %dma_start3A_432] : memref<10112x128xf32, #tpu.memory_space<vmem_shared>> -> memref<10112x128xf32, #tpu.memory_space<vmem_shared>>
          tpu.enqueue_indirect_dma source(%arg11 : memref<64x128xf32, #tpu.memory_space<vmem>>) target(%dma_start3A_433 : memref<10112x128xf32, #tpu.memory_space<vmem_shared>>) offsets(%dma_start3A_430 : memref<64xi32, #tpu.memory_space<vmem>>) semaphore(%run_scoped3A : memref<!tpu.dma_semaphore, #tpu.memory_space<semaphore_mem>>) {add = true}
          %dma_wait3A_434 = arith.constant 0 : i32
          %dma_wait3A_435 = tpu.memref_slice %arg8[%add3A_395, %dma_wait3A_434] : memref<32x64xi32, #tpu.memory_space<vmem>> -> memref<1x64xi32, #tpu.memory_space<vmem>>
          %dma_wait3A_436 = tpu.memref_squeeze %dma_wait3A_435 : memref<1x64xi32, #tpu.memory_space<vmem>> -> memref<64xi32, #tpu.memory_space<vmem>>
          %dma_wait3A_437 = arith.constant 0 : i32
          %dma_wait3A_438 = arith.constant 0 : i32
          %dma_wait3A_439 = tpu.memref_slice %arg14[%dma_wait3A_437, %dma_wait3A_438] : memref<10112x128xf32, #tpu.memory_space<vmem_shared>> -> memref<10112x128xf32, #tpu.memory_space<vmem_shared>>
          tpu.wait_indirect_dma semaphore(%run_scoped3A : memref<!tpu.dma_semaphore, #tpu.memory_space<semaphore_mem>>) src(%arg11 : memref<64x128xf32, #tpu.memory_space<vmem>>) dst(%dma_wait3A_439 : memref<10112x128xf32, #tpu.memory_space<vmem_shared>>)
          tpu.yield
        }) : () -> ()
        %add3A_422 = arith.constant 4 : i32
        %add3A_423 = arith.addi %add3A_395, %add3A_422 : i32
        %lt3A_424 = arith.cmpi slt, %add3A_423, %min3A_160 : i32
        %convert_element_type3A_425 = arith.extui %lt3A_424 : i1 to i32
        %cond3A_426 = arith.constant 0 : i32
        %cond3A_427 = arith.cmpi ne, %convert_element_type3A_425, %cond3A_426 : i32
        scf.if %cond3A_427 {
          %add3A_428 = arith.constant 4 : i32
          %add3A_429 = arith.addi %add3A_395, %add3A_428 : i32
          %dma_start3A_430 = arith.constant 0 : i32
          %dma_start3A_431 = tpu.memref_slice %arg6[%add3A_429, %dma_start3A_430] : memref<32x64xi32, #tpu.memory_space<vmem>> -> memref<1x64xi32, #tpu.memory_space<vmem>>
          %dma_start3A_432 = tpu.memref_squeeze %dma_start3A_431 : memref<1x64xi32, #tpu.memory_space<vmem>> -> memref<64xi32, #tpu.memory_space<vmem>>
          %dma_start3A_433 = arith.constant 0 : i32
          %dma_start3A_434 = arith.constant 0 : i32
          %dma_start3A_435 = tpu.memref_slice %arg2[%dma_start3A_433, %dma_start3A_434] : memref<10000x128xf32, #tpu.memory_space<hbm>> -> memref<10000x128xf32, #tpu.memory_space<hbm>>
          tpu.enqueue_indirect_dma source(%dma_start3A_435 : memref<10000x128xf32, #tpu.memory_space<hbm>>) target(%arg11 : memref<64x128xf32, #tpu.memory_space<vmem>>) offsets(%dma_start3A_432 : memref<64xi32, #tpu.memory_space<vmem>>) semaphore(%arg18 : memref<!tpu.dma_semaphore, #tpu.memory_space<semaphore_mem>>)
        } else {
        }
      } else {
      }
      %mul3A_400 = arith.constant 4 : i32
      %mul3A_401 = arith.muli %scan3A_384, %mul3A_400 : i32
      %add3A_402 = arith.constant 2 : i32
      %add3A_403 = arith.addi %mul3A_401, %add3A_402 : i32
      %lt3A_404 = arith.cmpi slt, %add3A_403, %min3A_160 : i32
      %convert_element_type3A_405 = arith.extui %lt3A_404 : i1 to i32
      %cond3A_406 = arith.constant 0 : i32
      %cond3A_407 = arith.cmpi ne, %convert_element_type3A_405, %cond3A_406 : i32
      scf.if %cond3A_407 {
        %dma_wait3A_416 = arith.constant 0 : i32
        %dma_wait3A_417 = tpu.memref_slice %arg6[%add3A_403, %dma_wait3A_416] : memref<32x64xi32, #tpu.memory_space<vmem>> -> memref<1x64xi32, #tpu.memory_space<vmem>>
        %dma_wait3A_418 = tpu.memref_squeeze %dma_wait3A_417 : memref<1x64xi32, #tpu.memory_space<vmem>> -> memref<64xi32, #tpu.memory_space<vmem>>
        %dma_wait3A_419 = arith.constant 0 : i32
        %dma_wait3A_420 = arith.constant 0 : i32
        %dma_wait3A_421 = tpu.memref_slice %arg2[%dma_wait3A_419, %dma_wait3A_420] : memref<10000x128xf32, #tpu.memory_space<hbm>> -> memref<10000x128xf32, #tpu.memory_space<hbm>>
        tpu.wait_indirect_dma semaphore(%arg19 : memref<!tpu.dma_semaphore, #tpu.memory_space<semaphore_mem>>) src(%dma_wait3A_421 : memref<10000x128xf32, #tpu.memory_space<hbm>>) dst(%arg12 : memref<64x128xf32, #tpu.memory_space<vmem>>)
        "tpu.region"() ({
          %run_scoped3A = tpu.sem_alloc : memref<!tpu.dma_semaphore, #tpu.memory_space<semaphore_mem>>
          %dma_start3A_428 = arith.constant 0 : i32
          %dma_start3A_429 = tpu.memref_slice %arg8[%add3A_403, %dma_start3A_428] : memref<32x64xi32, #tpu.memory_space<vmem>> -> memref<1x64xi32, #tpu.memory_space<vmem>>
          %dma_start3A_430 = tpu.memref_squeeze %dma_start3A_429 : memref<1x64xi32, #tpu.memory_space<vmem>> -> memref<64xi32, #tpu.memory_space<vmem>>
          %dma_start3A_431 = arith.constant 0 : i32
          %dma_start3A_432 = arith.constant 0 : i32
          %dma_start3A_433 = tpu.memref_slice %arg14[%dma_start3A_431, %dma_start3A_432] : memref<10112x128xf32, #tpu.memory_space<vmem_shared>> -> memref<10112x128xf32, #tpu.memory_space<vmem_shared>>
          tpu.enqueue_indirect_dma source(%arg12 : memref<64x128xf32, #tpu.memory_space<vmem>>) target(%dma_start3A_433 : memref<10112x128xf32, #tpu.memory_space<vmem_shared>>) offsets(%dma_start3A_430 : memref<64xi32, #tpu.memory_space<vmem>>) semaphore(%run_scoped3A : memref<!tpu.dma_semaphore, #tpu.memory_space<semaphore_mem>>) {add = true}
          %dma_wait3A_434 = arith.constant 0 : i32
          %dma_wait3A_435 = tpu.memref_slice %arg8[%add3A_403, %dma_wait3A_434] : memref<32x64xi32, #tpu.memory_space<vmem>> -> memref<1x64xi32, #tpu.memory_space<vmem>>
          %dma_wait3A_436 = tpu.memref_squeeze %dma_wait3A_435 : memref<1x64xi32, #tpu.memory_space<vmem>> -> memref<64xi32, #tpu.memory_space<vmem>>
          %dma_wait3A_437 = arith.constant 0 : i32
          %dma_wait3A_438 = arith.constant 0 : i32
          %dma_wait3A_439 = tpu.memref_slice %arg14[%dma_wait3A_437, %dma_wait3A_438] : memref<10112x128xf32, #tpu.memory_space<vmem_shared>> -> memref<10112x128xf32, #tpu.memory_space<vmem_shared>>
          tpu.wait_indirect_dma semaphore(%run_scoped3A : memref<!tpu.dma_semaphore, #tpu.memory_space<semaphore_mem>>) src(%arg12 : memref<64x128xf32, #tpu.memory_space<vmem>>) dst(%dma_wait3A_439 : memref<10112x128xf32, #tpu.memory_space<vmem_shared>>)
          tpu.yield
        }) : () -> ()
        %add3A_422 = arith.constant 4 : i32
        %add3A_423 = arith.addi %add3A_403, %add3A_422 : i32
        %lt3A_424 = arith.cmpi slt, %add3A_423, %min3A_160 : i32
        %convert_element_type3A_425 = arith.extui %lt3A_424 : i1 to i32
        %cond3A_426 = arith.constant 0 : i32
        %cond3A_427 = arith.cmpi ne, %convert_element_type3A_425, %cond3A_426 : i32
        scf.if %cond3A_427 {
          %add3A_428 = arith.constant 4 : i32
          %add3A_429 = arith.addi %add3A_403, %add3A_428 : i32
          %dma_start3A_430 = arith.constant 0 : i32
          %dma_start3A_431 = tpu.memref_slice %arg6[%add3A_429, %dma_start3A_430] : memref<32x64xi32, #tpu.memory_space<vmem>> -> memref<1x64xi32, #tpu.memory_space<vmem>>
          %dma_start3A_432 = tpu.memref_squeeze %dma_start3A_431 : memref<1x64xi32, #tpu.memory_space<vmem>> -> memref<64xi32, #tpu.memory_space<vmem>>
          %dma_start3A_433 = arith.constant 0 : i32
          %dma_start3A_434 = arith.constant 0 : i32
          %dma_start3A_435 = tpu.memref_slice %arg2[%dma_start3A_433, %dma_start3A_434] : memref<10000x128xf32, #tpu.memory_space<hbm>> -> memref<10000x128xf32, #tpu.memory_space<hbm>>
          tpu.enqueue_indirect_dma source(%dma_start3A_435 : memref<10000x128xf32, #tpu.memory_space<hbm>>) target(%arg12 : memref<64x128xf32, #tpu.memory_space<vmem>>) offsets(%dma_start3A_432 : memref<64xi32, #tpu.memory_space<vmem>>) semaphore(%arg19 : memref<!tpu.dma_semaphore, #tpu.memory_space<semaphore_mem>>)
        } else {
        }
      } else {
      }
      %mul3A_408 = arith.constant 4 : i32
      %mul3A_409 = arith.muli %scan3A_384, %mul3A_408 : i32
      %add3A_410 = arith.constant 3 : i32
      %add3A_411 = arith.addi %mul3A_409, %add3A_410 : i32
      %lt3A_412 = arith.cmpi slt, %add3A_411, %min3A_160 : i32
      %convert_element_type3A_413 = arith.extui %lt3A_412 : i1 to i32
      %cond3A_414 = arith.constant 0 : i32
      %cond3A_415 = arith.cmpi ne, %convert_element_type3A_413, %cond3A_414 : i32
      scf.if %cond3A_415 {
        %dma_wait3A_416 = arith.constant 0 : i32
        %dma_wait3A_417 = tpu.memref_slice %arg6[%add3A_411, %dma_wait3A_416] : memref<32x64xi32, #tpu.memory_space<vmem>> -> memref<1x64xi32, #tpu.memory_space<vmem>>
        %dma_wait3A_418 = tpu.memref_squeeze %dma_wait3A_417 : memref<1x64xi32, #tpu.memory_space<vmem>> -> memref<64xi32, #tpu.memory_space<vmem>>
        %dma_wait3A_419 = arith.constant 0 : i32
        %dma_wait3A_420 = arith.constant 0 : i32
        %dma_wait3A_421 = tpu.memref_slice %arg2[%dma_wait3A_419, %dma_wait3A_420] : memref<10000x128xf32, #tpu.memory_space<hbm>> -> memref<10000x128xf32, #tpu.memory_space<hbm>>
        tpu.wait_indirect_dma semaphore(%arg20 : memref<!tpu.dma_semaphore, #tpu.memory_space<semaphore_mem>>) src(%dma_wait3A_421 : memref<10000x128xf32, #tpu.memory_space<hbm>>) dst(%arg13 : memref<64x128xf32, #tpu.memory_space<vmem>>)
        "tpu.region"() ({
          %run_scoped3A = tpu.sem_alloc : memref<!tpu.dma_semaphore, #tpu.memory_space<semaphore_mem>>
          %dma_start3A_428 = arith.constant 0 : i32
          %dma_start3A_429 = tpu.memref_slice %arg8[%add3A_411, %dma_start3A_428] : memref<32x64xi32, #tpu.memory_space<vmem>> -> memref<1x64xi32, #tpu.memory_space<vmem>>
          %dma_start3A_430 = tpu.memref_squeeze %dma_start3A_429 : memref<1x64xi32, #tpu.memory_space<vmem>> -> memref<64xi32, #tpu.memory_space<vmem>>
          %dma_start3A_431 = arith.constant 0 : i32
          %dma_start3A_432 = arith.constant 0 : i32
          %dma_start3A_433 = tpu.memref_slice %arg14[%dma_start3A_431, %dma_start3A_432] : memref<10112x128xf32, #tpu.memory_space<vmem_shared>> -> memref<10112x128xf32, #tpu.memory_space<vmem_shared>>
          tpu.enqueue_indirect_dma source(%arg13 : memref<64x128xf32, #tpu.memory_space<vmem>>) target(%dma_start3A_433 : memref<10112x128xf32, #tpu.memory_space<vmem_shared>>) offsets(%dma_start3A_430 : memref<64xi32, #tpu.memory_space<vmem>>) semaphore(%run_scoped3A : memref<!tpu.dma_semaphore, #tpu.memory_space<semaphore_mem>>) {add = true}
          %dma_wait3A_434 = arith.constant 0 : i32
          %dma_wait3A_435 = tpu.memref_slice %arg8[%add3A_411, %dma_wait3A_434] : memref<32x64xi32, #tpu.memory_space<vmem>> -> memref<1x64xi32, #tpu.memory_space<vmem>>
          %dma_wait3A_436 = tpu.memref_squeeze %dma_wait3A_435 : memref<1x64xi32, #tpu.memory_space<vmem>> -> memref<64xi32, #tpu.memory_space<vmem>>
          %dma_wait3A_437 = arith.constant 0 : i32
          %dma_wait3A_438 = arith.constant 0 : i32
          %dma_wait3A_439 = tpu.memref_slice %arg14[%dma_wait3A_437, %dma_wait3A_438] : memref<10112x128xf32, #tpu.memory_space<vmem_shared>> -> memref<10112x128xf32, #tpu.memory_space<vmem_shared>>
          tpu.wait_indirect_dma semaphore(%run_scoped3A : memref<!tpu.dma_semaphore, #tpu.memory_space<semaphore_mem>>) src(%arg13 : memref<64x128xf32, #tpu.memory_space<vmem>>) dst(%dma_wait3A_439 : memref<10112x128xf32, #tpu.memory_space<vmem_shared>>)
          tpu.yield
        }) : () -> ()
        %add3A_422 = arith.constant 4 : i32
        %add3A_423 = arith.addi %add3A_411, %add3A_422 : i32
        %lt3A_424 = arith.cmpi slt, %add3A_423, %min3A_160 : i32
        %convert_element_type3A_425 = arith.extui %lt3A_424 : i1 to i32
        %cond3A_426 = arith.constant 0 : i32
        %cond3A_427 = arith.cmpi ne, %convert_element_type3A_425, %cond3A_426 : i32
        scf.if %cond3A_427 {
          %add3A_428 = arith.constant 4 : i32
          %add3A_429 = arith.addi %add3A_411, %add3A_428 : i32
          %dma_start3A_430 = arith.constant 0 : i32
          %dma_start3A_431 = tpu.memref_slice %arg6[%add3A_429, %dma_start3A_430] : memref<32x64xi32, #tpu.memory_space<vmem>> -> memref<1x64xi32, #tpu.memory_space<vmem>>
          %dma_start3A_432 = tpu.memref_squeeze %dma_start3A_431 : memref<1x64xi32, #tpu.memory_space<vmem>> -> memref<64xi32, #tpu.memory_space<vmem>>
          %dma_start3A_433 = arith.constant 0 : i32
          %dma_start3A_434 = arith.constant 0 : i32
          %dma_start3A_435 = tpu.memref_slice %arg2[%dma_start3A_433, %dma_start3A_434] : memref<10000x128xf32, #tpu.memory_space<hbm>> -> memref<10000x128xf32, #tpu.memory_space<hbm>>
          tpu.enqueue_indirect_dma source(%dma_start3A_435 : memref<10000x128xf32, #tpu.memory_space<hbm>>) target(%arg13 : memref<64x128xf32, #tpu.memory_space<vmem>>) offsets(%dma_start3A_432 : memref<64xi32, #tpu.memory_space<vmem>>) semaphore(%arg20 : memref<!tpu.dma_semaphore, #tpu.memory_space<semaphore_mem>>)
        } else {
        }
      } else {
      }
    }
    %scan3A_183 = arith.constant 8 : i32
    %add3A_184 = arith.constant 64 : i32
    %add3A_185 = arith.addi %mul3A_4, %add3A_184 : i32
    %dma_start3A_186 = arith.constant 0 : i32
    %dma_start3A_187 = tpu.memref_slice %arg3[%add3A_185, %dma_start3A_186] : memref<5120x64xi32, #tpu.memory_space<hbm>> -> memref<32x64xi32, #tpu.memory_space<hbm>>
    %dma_start3A_188 = arith.constant 0 : i32
    %dma_start3A_189 = tpu.memref_slice %arg3[%add3A_185, %dma_start3A_188] : memref<5120x64xi32, #tpu.memory_space<hbm>> -> memref<32x64xi32, #tpu.memory_space<hbm>>
    tpu.enqueue_dma source(%dma_start3A_189 : memref<32x64xi32, #tpu.memory_space<hbm>>) target(%arg6 : memref<32x64xi32, #tpu.memory_space<vmem>>) target_semaphore(%arg15 : memref<!tpu.dma_semaphore, #tpu.memory_space<semaphore_mem>>)
    %add3A_190 = arith.constant 64 : i32
    %add3A_191 = arith.addi %mul3A_4, %add3A_190 : i32
    %dma_start3A_192 = arith.constant 0 : i32
    %dma_start3A_193 = tpu.memref_slice %arg4[%add3A_191, %dma_start3A_192] : memref<5120x64xi32, #tpu.memory_space<hbm>> -> memref<32x64xi32, #tpu.memory_space<hbm>>
    %dma_start3A_194 = arith.constant 0 : i32
    %dma_start3A_195 = tpu.memref_slice %arg4[%add3A_191, %dma_start3A_194] : memref<5120x64xi32, #tpu.memory_space<hbm>> -> memref<32x64xi32, #tpu.memory_space<hbm>>
    tpu.enqueue_dma source(%dma_start3A_195 : memref<32x64xi32, #tpu.memory_space<hbm>>) target(%arg8 : memref<32x64xi32, #tpu.memory_space<vmem>>) target_semaphore(%arg15 : memref<!tpu.dma_semaphore, #tpu.memory_space<semaphore_mem>>)
    %dma_wait3A_196 = arith.constant 0 : i32
    %dma_wait3A_197 = tpu.memref_slice %arg3[%mul3A_4, %dma_wait3A_196] : memref<5120x64xi32, #tpu.memory_space<hbm>> -> memref<32x64xi32, #tpu.memory_space<hbm>>
    %dma_wait3A_198 = arith.constant 0 : i32
    %dma_wait3A_199 = tpu.memref_slice %arg3[%mul3A_4, %dma_wait3A_198] : memref<5120x64xi32, #tpu.memory_space<hbm>> -> memref<32x64xi32, #tpu.memory_space<hbm>>
    tpu.wait_dma2 semaphore(%arg16 : memref<!tpu.dma_semaphore, #tpu.memory_space<semaphore_mem>>) src(%dma_wait3A_199 : memref<32x64xi32, #tpu.memory_space<hbm>>) dst(%arg7 : memref<32x64xi32, #tpu.memory_space<vmem>>)
    %dma_wait3A_200 = arith.constant 0 : i32
    %dma_wait3A_201 = tpu.memref_slice %arg4[%mul3A_4, %dma_wait3A_200] : memref<5120x64xi32, #tpu.memory_space<hbm>> -> memref<32x64xi32, #tpu.memory_space<hbm>>
    %dma_wait3A_202 = arith.constant 0 : i32
    %dma_wait3A_203 = tpu.memref_slice %arg4[%mul3A_4, %dma_wait3A_202] : memref<5120x64xi32, #tpu.memory_space<hbm>> -> memref<32x64xi32, #tpu.memory_space<hbm>>
    tpu.wait_dma2 semaphore(%arg16 : memref<!tpu.dma_semaphore, #tpu.memory_space<semaphore_mem>>) src(%dma_wait3A_203 : memref<32x64xi32, #tpu.memory_space<hbm>>) dst(%arg9 : memref<32x64xi32, #tpu.memory_space<vmem>>)
    %sub3A_204 = arith.constant 32 : i32
    %sub3A_205 = arith.subi %min3A, %sub3A_204 : i32
    %jit3A_206 = arith.constant 0 : i32
    %jit3A_207 = arith.constant 32 : i32
    %max3A_208 = arith.maxsi %jit3A_206, %sub3A_205 : i32
    %min3A_209 = arith.minsi %jit3A_207, %max3A_208 : i32
    %gt3A_210 = arith.constant 0 : i32
    %gt3A_211 = arith.cmpi sgt, %min3A_209, %gt3A_210 : i32
    %convert_element_type3A_212 = arith.extui %gt3A_211 : i1 to i32
    %cond3A_213 = arith.constant 0 : i32
    %cond3A_214 = arith.cmpi ne, %convert_element_type3A_212, %cond3A_213 : i32
    scf.if %cond3A_214 {
      %dma_start3A_384 = arith.constant 0 : i32
      %dma_start3A_385 = arith.constant 0 : i32
      %dma_start3A_386 = tpu.memref_slice %arg7[%dma_start3A_384, %dma_start3A_385] : memref<32x64xi32, #tpu.memory_space<vmem>> -> memref<1x64xi32, #tpu.memory_space<vmem>>
      %dma_start3A_387 = tpu.memref_squeeze %dma_start3A_386 : memref<1x64xi32, #tpu.memory_space<vmem>> -> memref<64xi32, #tpu.memory_space<vmem>>
      %dma_start3A_388 = arith.constant 0 : i32
      %dma_start3A_389 = arith.constant 0 : i32
      %dma_start3A_390 = tpu.memref_slice %arg2[%dma_start3A_388, %dma_start3A_389] : memref<10000x128xf32, #tpu.memory_space<hbm>> -> memref<10000x128xf32, #tpu.memory_space<hbm>>
      tpu.enqueue_indirect_dma source(%dma_start3A_390 : memref<10000x128xf32, #tpu.memory_space<hbm>>) target(%arg10 : memref<64x128xf32, #tpu.memory_space<vmem>>) offsets(%dma_start3A_387 : memref<64xi32, #tpu.memory_space<vmem>>) semaphore(%arg17 : memref<!tpu.dma_semaphore, #tpu.memory_space<semaphore_mem>>)
    } else {
    }
    %gt3A_215 = arith.constant 1 : i32
    %gt3A_216 = arith.cmpi sgt, %min3A_209, %gt3A_215 : i32
    %convert_element_type3A_217 = arith.extui %gt3A_216 : i1 to i32
    %cond3A_218 = arith.constant 0 : i32
    %cond3A_219 = arith.cmpi ne, %convert_element_type3A_217, %cond3A_218 : i32
    scf.if %cond3A_219 {
      %dma_start3A_384 = arith.constant 1 : i32
      %dma_start3A_385 = arith.constant 0 : i32
      %dma_start3A_386 = tpu.memref_slice %arg7[%dma_start3A_384, %dma_start3A_385] : memref<32x64xi32, #tpu.memory_space<vmem>> -> memref<1x64xi32, #tpu.memory_space<vmem>>
      %dma_start3A_387 = tpu.memref_squeeze %dma_start3A_386 : memref<1x64xi32, #tpu.memory_space<vmem>> -> memref<64xi32, #tpu.memory_space<vmem>>
      %dma_start3A_388 = arith.constant 0 : i32
      %dma_start3A_389 = arith.constant 0 : i32
      %dma_start3A_390 = tpu.memref_slice %arg2[%dma_start3A_388, %dma_start3A_389] : memref<10000x128xf32, #tpu.memory_space<hbm>> -> memref<10000x128xf32, #tpu.memory_space<hbm>>
      tpu.enqueue_indirect_dma source(%dma_start3A_390 : memref<10000x128xf32, #tpu.memory_space<hbm>>) target(%arg11 : memref<64x128xf32, #tpu.memory_space<vmem>>) offsets(%dma_start3A_387 : memref<64xi32, #tpu.memory_space<vmem>>) semaphore(%arg18 : memref<!tpu.dma_semaphore, #tpu.memory_space<semaphore_mem>>)
    } else {
    }
    %gt3A_220 = arith.constant 2 : i32
    %gt3A_221 = arith.cmpi sgt, %min3A_209, %gt3A_220 : i32
    %convert_element_type3A_222 = arith.extui %gt3A_221 : i1 to i32
    %cond3A_223 = arith.constant 0 : i32
    %cond3A_224 = arith.cmpi ne, %convert_element_type3A_222, %cond3A_223 : i32
    scf.if %cond3A_224 {
      %dma_start3A_384 = arith.constant 2 : i32
      %dma_start3A_385 = arith.constant 0 : i32
      %dma_start3A_386 = tpu.memref_slice %arg7[%dma_start3A_384, %dma_start3A_385] : memref<32x64xi32, #tpu.memory_space<vmem>> -> memref<1x64xi32, #tpu.memory_space<vmem>>
      %dma_start3A_387 = tpu.memref_squeeze %dma_start3A_386 : memref<1x64xi32, #tpu.memory_space<vmem>> -> memref<64xi32, #tpu.memory_space<vmem>>
      %dma_start3A_388 = arith.constant 0 : i32
      %dma_start3A_389 = arith.constant 0 : i32
      %dma_start3A_390 = tpu.memref_slice %arg2[%dma_start3A_388, %dma_start3A_389] : memref<10000x128xf32, #tpu.memory_space<hbm>> -> memref<10000x128xf32, #tpu.memory_space<hbm>>
      tpu.enqueue_indirect_dma source(%dma_start3A_390 : memref<10000x128xf32, #tpu.memory_space<hbm>>) target(%arg12 : memref<64x128xf32, #tpu.memory_space<vmem>>) offsets(%dma_start3A_387 : memref<64xi32, #tpu.memory_space<vmem>>) semaphore(%arg19 : memref<!tpu.dma_semaphore, #tpu.memory_space<semaphore_mem>>)
    } else {
    }
    %gt3A_225 = arith.constant 3 : i32
    %gt3A_226 = arith.cmpi sgt, %min3A_209, %gt3A_225 : i32
    %convert_element_type3A_227 = arith.extui %gt3A_226 : i1 to i32
    %cond3A_228 = arith.constant 0 : i32
    %cond3A_229 = arith.cmpi ne, %convert_element_type3A_227, %cond3A_228 : i32
    scf.if %cond3A_229 {
      %dma_start3A_384 = arith.constant 3 : i32
      %dma_start3A_385 = arith.constant 0 : i32
      %dma_start3A_386 = tpu.memref_slice %arg7[%dma_start3A_384, %dma_start3A_385] : memref<32x64xi32, #tpu.memory_space<vmem>> -> memref<1x64xi32, #tpu.memory_space<vmem>>
      %dma_start3A_387 = tpu.memref_squeeze %dma_start3A_386 : memref<1x64xi32, #tpu.memory_space<vmem>> -> memref<64xi32, #tpu.memory_space<vmem>>
      %dma_start3A_388 = arith.constant 0 : i32
      %dma_start3A_389 = arith.constant 0 : i32
      %dma_start3A_390 = tpu.memref_slice %arg2[%dma_start3A_388, %dma_start3A_389] : memref<10000x128xf32, #tpu.memory_space<hbm>> -> memref<10000x128xf32, #tpu.memory_space<hbm>>
      tpu.enqueue_indirect_dma source(%dma_start3A_390 : memref<10000x128xf32, #tpu.memory_space<hbm>>) target(%arg13 : memref<64x128xf32, #tpu.memory_space<vmem>>) offsets(%dma_start3A_387 : memref<64xi32, #tpu.memory_space<vmem>>) semaphore(%arg20 : memref<!tpu.dma_semaphore, #tpu.memory_space<semaphore_mem>>)
    } else {
    }
    %scan3A_230 = arith.constant 0 : i32
    %scan3A_231 = arith.constant 0 : i32
    %scan3A_232 = arith.constant 8 : i32
    %scan3A_233 = arith.addi %scan3A_231, %scan3A_232 : i32
    %scan3A_234 = arith.constant 1 : i32
    scf.for %scan3A_384 = %scan3A_231 to %scan3A_233 step %scan3A_234  : i32 {
      %mul3A_385 = arith.constant 4 : i32
      %mul3A_386 = arith.muli %scan3A_384, %mul3A_385 : i32
      %add3A_387 = arith.constant 0 : i32
      %add3A_388 = arith.addi %mul3A_386, %add3A_387 : i32
      %lt3A = arith.cmpi slt, %add3A_388, %min3A_209 : i32
      %convert_element_type3A_389 = arith.extui %lt3A : i1 to i32
      %cond3A_390 = arith.constant 0 : i32
      %cond3A_391 = arith.cmpi ne, %convert_element_type3A_389, %cond3A_390 : i32
      scf.if %cond3A_391 {
        %dma_wait3A_416 = arith.constant 0 : i32
        %dma_wait3A_417 = tpu.memref_slice %arg7[%add3A_388, %dma_wait3A_416] : memref<32x64xi32, #tpu.memory_space<vmem>> -> memref<1x64xi32, #tpu.memory_space<vmem>>
        %dma_wait3A_418 = tpu.memref_squeeze %dma_wait3A_417 : memref<1x64xi32, #tpu.memory_space<vmem>> -> memref<64xi32, #tpu.memory_space<vmem>>
        %dma_wait3A_419 = arith.constant 0 : i32
        %dma_wait3A_420 = arith.constant 0 : i32
        %dma_wait3A_421 = tpu.memref_slice %arg2[%dma_wait3A_419, %dma_wait3A_420] : memref<10000x128xf32, #tpu.memory_space<hbm>> -> memref<10000x128xf32, #tpu.memory_space<hbm>>
        tpu.wait_indirect_dma semaphore(%arg17 : memref<!tpu.dma_semaphore, #tpu.memory_space<semaphore_mem>>) src(%dma_wait3A_421 : memref<10000x128xf32, #tpu.memory_space<hbm>>) dst(%arg10 : memref<64x128xf32, #tpu.memory_space<vmem>>)
        "tpu.region"() ({
          %run_scoped3A = tpu.sem_alloc : memref<!tpu.dma_semaphore, #tpu.memory_space<semaphore_mem>>
          %dma_start3A_428 = arith.constant 0 : i32
          %dma_start3A_429 = tpu.memref_slice %arg9[%add3A_388, %dma_start3A_428] : memref<32x64xi32, #tpu.memory_space<vmem>> -> memref<1x64xi32, #tpu.memory_space<vmem>>
          %dma_start3A_430 = tpu.memref_squeeze %dma_start3A_429 : memref<1x64xi32, #tpu.memory_space<vmem>> -> memref<64xi32, #tpu.memory_space<vmem>>
          %dma_start3A_431 = arith.constant 0 : i32
          %dma_start3A_432 = arith.constant 0 : i32
          %dma_start3A_433 = tpu.memref_slice %arg14[%dma_start3A_431, %dma_start3A_432] : memref<10112x128xf32, #tpu.memory_space<vmem_shared>> -> memref<10112x128xf32, #tpu.memory_space<vmem_shared>>
          tpu.enqueue_indirect_dma source(%arg10 : memref<64x128xf32, #tpu.memory_space<vmem>>) target(%dma_start3A_433 : memref<10112x128xf32, #tpu.memory_space<vmem_shared>>) offsets(%dma_start3A_430 : memref<64xi32, #tpu.memory_space<vmem>>) semaphore(%run_scoped3A : memref<!tpu.dma_semaphore, #tpu.memory_space<semaphore_mem>>) {add = true}
          %dma_wait3A_434 = arith.constant 0 : i32
          %dma_wait3A_435 = tpu.memref_slice %arg9[%add3A_388, %dma_wait3A_434] : memref<32x64xi32, #tpu.memory_space<vmem>> -> memref<1x64xi32, #tpu.memory_space<vmem>>
          %dma_wait3A_436 = tpu.memref_squeeze %dma_wait3A_435 : memref<1x64xi32, #tpu.memory_space<vmem>> -> memref<64xi32, #tpu.memory_space<vmem>>
          %dma_wait3A_437 = arith.constant 0 : i32
          %dma_wait3A_438 = arith.constant 0 : i32
          %dma_wait3A_439 = tpu.memref_slice %arg14[%dma_wait3A_437, %dma_wait3A_438] : memref<10112x128xf32, #tpu.memory_space<vmem_shared>> -> memref<10112x128xf32, #tpu.memory_space<vmem_shared>>
          tpu.wait_indirect_dma semaphore(%run_scoped3A : memref<!tpu.dma_semaphore, #tpu.memory_space<semaphore_mem>>) src(%arg10 : memref<64x128xf32, #tpu.memory_space<vmem>>) dst(%dma_wait3A_439 : memref<10112x128xf32, #tpu.memory_space<vmem_shared>>)
          tpu.yield
        }) : () -> ()
        %add3A_422 = arith.constant 4 : i32
        %add3A_423 = arith.addi %add3A_388, %add3A_422 : i32
        %lt3A_424 = arith.cmpi slt, %add3A_423, %min3A_209 : i32
        %convert_element_type3A_425 = arith.extui %lt3A_424 : i1 to i32
        %cond3A_426 = arith.constant 0 : i32
        %cond3A_427 = arith.cmpi ne, %convert_element_type3A_425, %cond3A_426 : i32
        scf.if %cond3A_427 {
          %add3A_428 = arith.constant 4 : i32
          %add3A_429 = arith.addi %add3A_388, %add3A_428 : i32
          %dma_start3A_430 = arith.constant 0 : i32
          %dma_start3A_431 = tpu.memref_slice %arg7[%add3A_429, %dma_start3A_430] : memref<32x64xi32, #tpu.memory_space<vmem>> -> memref<1x64xi32, #tpu.memory_space<vmem>>
          %dma_start3A_432 = tpu.memref_squeeze %dma_start3A_431 : memref<1x64xi32, #tpu.memory_space<vmem>> -> memref<64xi32, #tpu.memory_space<vmem>>
          %dma_start3A_433 = arith.constant 0 : i32
          %dma_start3A_434 = arith.constant 0 : i32
          %dma_start3A_435 = tpu.memref_slice %arg2[%dma_start3A_433, %dma_start3A_434] : memref<10000x128xf32, #tpu.memory_space<hbm>> -> memref<10000x128xf32, #tpu.memory_space<hbm>>
          tpu.enqueue_indirect_dma source(%dma_start3A_435 : memref<10000x128xf32, #tpu.memory_space<hbm>>) target(%arg10 : memref<64x128xf32, #tpu.memory_space<vmem>>) offsets(%dma_start3A_432 : memref<64xi32, #tpu.memory_space<vmem>>) semaphore(%arg17 : memref<!tpu.dma_semaphore, #tpu.memory_space<semaphore_mem>>)
        } else {
        }
      } else {
      }
      %mul3A_392 = arith.constant 4 : i32
      %mul3A_393 = arith.muli %scan3A_384, %mul3A_392 : i32
      %add3A_394 = arith.constant 1 : i32
      %add3A_395 = arith.addi %mul3A_393, %add3A_394 : i32
      %lt3A_396 = arith.cmpi slt, %add3A_395, %min3A_209 : i32
      %convert_element_type3A_397 = arith.extui %lt3A_396 : i1 to i32
      %cond3A_398 = arith.constant 0 : i32
      %cond3A_399 = arith.cmpi ne, %convert_element_type3A_397, %cond3A_398 : i32
      scf.if %cond3A_399 {
        %dma_wait3A_416 = arith.constant 0 : i32
        %dma_wait3A_417 = tpu.memref_slice %arg7[%add3A_395, %dma_wait3A_416] : memref<32x64xi32, #tpu.memory_space<vmem>> -> memref<1x64xi32, #tpu.memory_space<vmem>>
        %dma_wait3A_418 = tpu.memref_squeeze %dma_wait3A_417 : memref<1x64xi32, #tpu.memory_space<vmem>> -> memref<64xi32, #tpu.memory_space<vmem>>
        %dma_wait3A_419 = arith.constant 0 : i32
        %dma_wait3A_420 = arith.constant 0 : i32
        %dma_wait3A_421 = tpu.memref_slice %arg2[%dma_wait3A_419, %dma_wait3A_420] : memref<10000x128xf32, #tpu.memory_space<hbm>> -> memref<10000x128xf32, #tpu.memory_space<hbm>>
        tpu.wait_indirect_dma semaphore(%arg18 : memref<!tpu.dma_semaphore, #tpu.memory_space<semaphore_mem>>) src(%dma_wait3A_421 : memref<10000x128xf32, #tpu.memory_space<hbm>>) dst(%arg11 : memref<64x128xf32, #tpu.memory_space<vmem>>)
        "tpu.region"() ({
          %run_scoped3A = tpu.sem_alloc : memref<!tpu.dma_semaphore, #tpu.memory_space<semaphore_mem>>
          %dma_start3A_428 = arith.constant 0 : i32
          %dma_start3A_429 = tpu.memref_slice %arg9[%add3A_395, %dma_start3A_428] : memref<32x64xi32, #tpu.memory_space<vmem>> -> memref<1x64xi32, #tpu.memory_space<vmem>>
          %dma_start3A_430 = tpu.memref_squeeze %dma_start3A_429 : memref<1x64xi32, #tpu.memory_space<vmem>> -> memref<64xi32, #tpu.memory_space<vmem>>
          %dma_start3A_431 = arith.constant 0 : i32
          %dma_start3A_432 = arith.constant 0 : i32
          %dma_start3A_433 = tpu.memref_slice %arg14[%dma_start3A_431, %dma_start3A_432] : memref<10112x128xf32, #tpu.memory_space<vmem_shared>> -> memref<10112x128xf32, #tpu.memory_space<vmem_shared>>
          tpu.enqueue_indirect_dma source(%arg11 : memref<64x128xf32, #tpu.memory_space<vmem>>) target(%dma_start3A_433 : memref<10112x128xf32, #tpu.memory_space<vmem_shared>>) offsets(%dma_start3A_430 : memref<64xi32, #tpu.memory_space<vmem>>) semaphore(%run_scoped3A : memref<!tpu.dma_semaphore, #tpu.memory_space<semaphore_mem>>) {add = true}
          %dma_wait3A_434 = arith.constant 0 : i32
          %dma_wait3A_435 = tpu.memref_slice %arg9[%add3A_395, %dma_wait3A_434] : memref<32x64xi32, #tpu.memory_space<vmem>> -> memref<1x64xi32, #tpu.memory_space<vmem>>
          %dma_wait3A_436 = tpu.memref_squeeze %dma_wait3A_435 : memref<1x64xi32, #tpu.memory_space<vmem>> -> memref<64xi32, #tpu.memory_space<vmem>>
          %dma_wait3A_437 = arith.constant 0 : i32
          %dma_wait3A_438 = arith.constant 0 : i32
          %dma_wait3A_439 = tpu.memref_slice %arg14[%dma_wait3A_437, %dma_wait3A_438] : memref<10112x128xf32, #tpu.memory_space<vmem_shared>> -> memref<10112x128xf32, #tpu.memory_space<vmem_shared>>
          tpu.wait_indirect_dma semaphore(%run_scoped3A : memref<!tpu.dma_semaphore, #tpu.memory_space<semaphore_mem>>) src(%arg11 : memref<64x128xf32, #tpu.memory_space<vmem>>) dst(%dma_wait3A_439 : memref<10112x128xf32, #tpu.memory_space<vmem_shared>>)
          tpu.yield
        }) : () -> ()
        %add3A_422 = arith.constant 4 : i32
        %add3A_423 = arith.addi %add3A_395, %add3A_422 : i32
        %lt3A_424 = arith.cmpi slt, %add3A_423, %min3A_209 : i32
        %convert_element_type3A_425 = arith.extui %lt3A_424 : i1 to i32
        %cond3A_426 = arith.constant 0 : i32
        %cond3A_427 = arith.cmpi ne, %convert_element_type3A_425, %cond3A_426 : i32
        scf.if %cond3A_427 {
          %add3A_428 = arith.constant 4 : i32
          %add3A_429 = arith.addi %add3A_395, %add3A_428 : i32
          %dma_start3A_430 = arith.constant 0 : i32
          %dma_start3A_431 = tpu.memref_slice %arg7[%add3A_429, %dma_start3A_430] : memref<32x64xi32, #tpu.memory_space<vmem>> -> memref<1x64xi32, #tpu.memory_space<vmem>>
          %dma_start3A_432 = tpu.memref_squeeze %dma_start3A_431 : memref<1x64xi32, #tpu.memory_space<vmem>> -> memref<64xi32, #tpu.memory_space<vmem>>
          %dma_start3A_433 = arith.constant 0 : i32
          %dma_start3A_434 = arith.constant 0 : i32
          %dma_start3A_435 = tpu.memref_slice %arg2[%dma_start3A_433, %dma_start3A_434] : memref<10000x128xf32, #tpu.memory_space<hbm>> -> memref<10000x128xf32, #tpu.memory_space<hbm>>
          tpu.enqueue_indirect_dma source(%dma_start3A_435 : memref<10000x128xf32, #tpu.memory_space<hbm>>) target(%arg11 : memref<64x128xf32, #tpu.memory_space<vmem>>) offsets(%dma_start3A_432 : memref<64xi32, #tpu.memory_space<vmem>>) semaphore(%arg18 : memref<!tpu.dma_semaphore, #tpu.memory_space<semaphore_mem>>)
        } else {
        }
      } else {
      }
      %mul3A_400 = arith.constant 4 : i32
      %mul3A_401 = arith.muli %scan3A_384, %mul3A_400 : i32
      %add3A_402 = arith.constant 2 : i32
      %add3A_403 = arith.addi %mul3A_401, %add3A_402 : i32
      %lt3A_404 = arith.cmpi slt, %add3A_403, %min3A_209 : i32
      %convert_element_type3A_405 = arith.extui %lt3A_404 : i1 to i32
      %cond3A_406 = arith.constant 0 : i32
      %cond3A_407 = arith.cmpi ne, %convert_element_type3A_405, %cond3A_406 : i32
      scf.if %cond3A_407 {
        %dma_wait3A_416 = arith.constant 0 : i32
        %dma_wait3A_417 = tpu.memref_slice %arg7[%add3A_403, %dma_wait3A_416] : memref<32x64xi32, #tpu.memory_space<vmem>> -> memref<1x64xi32, #tpu.memory_space<vmem>>
        %dma_wait3A_418 = tpu.memref_squeeze %dma_wait3A_417 : memref<1x64xi32, #tpu.memory_space<vmem>> -> memref<64xi32, #tpu.memory_space<vmem>>
        %dma_wait3A_419 = arith.constant 0 : i32
        %dma_wait3A_420 = arith.constant 0 : i32
        %dma_wait3A_421 = tpu.memref_slice %arg2[%dma_wait3A_419, %dma_wait3A_420] : memref<10000x128xf32, #tpu.memory_space<hbm>> -> memref<10000x128xf32, #tpu.memory_space<hbm>>
        tpu.wait_indirect_dma semaphore(%arg19 : memref<!tpu.dma_semaphore, #tpu.memory_space<semaphore_mem>>) src(%dma_wait3A_421 : memref<10000x128xf32, #tpu.memory_space<hbm>>) dst(%arg12 : memref<64x128xf32, #tpu.memory_space<vmem>>)
        "tpu.region"() ({
          %run_scoped3A = tpu.sem_alloc : memref<!tpu.dma_semaphore, #tpu.memory_space<semaphore_mem>>
          %dma_start3A_428 = arith.constant 0 : i32
          %dma_start3A_429 = tpu.memref_slice %arg9[%add3A_403, %dma_start3A_428] : memref<32x64xi32, #tpu.memory_space<vmem>> -> memref<1x64xi32, #tpu.memory_space<vmem>>
          %dma_start3A_430 = tpu.memref_squeeze %dma_start3A_429 : memref<1x64xi32, #tpu.memory_space<vmem>> -> memref<64xi32, #tpu.memory_space<vmem>>
          %dma_start3A_431 = arith.constant 0 : i32
          %dma_start3A_432 = arith.constant 0 : i32
          %dma_start3A_433 = tpu.memref_slice %arg14[%dma_start3A_431, %dma_start3A_432] : memref<10112x128xf32, #tpu.memory_space<vmem_shared>> -> memref<10112x128xf32, #tpu.memory_space<vmem_shared>>
          tpu.enqueue_indirect_dma source(%arg12 : memref<64x128xf32, #tpu.memory_space<vmem>>) target(%dma_start3A_433 : memref<10112x128xf32, #tpu.memory_space<vmem_shared>>) offsets(%dma_start3A_430 : memref<64xi32, #tpu.memory_space<vmem>>) semaphore(%run_scoped3A : memref<!tpu.dma_semaphore, #tpu.memory_space<semaphore_mem>>) {add = true}
          %dma_wait3A_434 = arith.constant 0 : i32
          %dma_wait3A_435 = tpu.memref_slice %arg9[%add3A_403, %dma_wait3A_434] : memref<32x64xi32, #tpu.memory_space<vmem>> -> memref<1x64xi32, #tpu.memory_space<vmem>>
          %dma_wait3A_436 = tpu.memref_squeeze %dma_wait3A_435 : memref<1x64xi32, #tpu.memory_space<vmem>> -> memref<64xi32, #tpu.memory_space<vmem>>
          %dma_wait3A_437 = arith.constant 0 : i32
          %dma_wait3A_438 = arith.constant 0 : i32
          %dma_wait3A_439 = tpu.memref_slice %arg14[%dma_wait3A_437, %dma_wait3A_438] : memref<10112x128xf32, #tpu.memory_space<vmem_shared>> -> memref<10112x128xf32, #tpu.memory_space<vmem_shared>>
          tpu.wait_indirect_dma semaphore(%run_scoped3A : memref<!tpu.dma_semaphore, #tpu.memory_space<semaphore_mem>>) src(%arg12 : memref<64x128xf32, #tpu.memory_space<vmem>>) dst(%dma_wait3A_439 : memref<10112x128xf32, #tpu.memory_space<vmem_shared>>)
          tpu.yield
        }) : () -> ()
        %add3A_422 = arith.constant 4 : i32
        %add3A_423 = arith.addi %add3A_403, %add3A_422 : i32
        %lt3A_424 = arith.cmpi slt, %add3A_423, %min3A_209 : i32
        %convert_element_type3A_425 = arith.extui %lt3A_424 : i1 to i32
        %cond3A_426 = arith.constant 0 : i32
        %cond3A_427 = arith.cmpi ne, %convert_element_type3A_425, %cond3A_426 : i32
        scf.if %cond3A_427 {
          %add3A_428 = arith.constant 4 : i32
          %add3A_429 = arith.addi %add3A_403, %add3A_428 : i32
          %dma_start3A_430 = arith.constant 0 : i32
          %dma_start3A_431 = tpu.memref_slice %arg7[%add3A_429, %dma_start3A_430] : memref<32x64xi32, #tpu.memory_space<vmem>> -> memref<1x64xi32, #tpu.memory_space<vmem>>
          %dma_start3A_432 = tpu.memref_squeeze %dma_start3A_431 : memref<1x64xi32, #tpu.memory_space<vmem>> -> memref<64xi32, #tpu.memory_space<vmem>>
          %dma_start3A_433 = arith.constant 0 : i32
          %dma_start3A_434 = arith.constant 0 : i32
          %dma_start3A_435 = tpu.memref_slice %arg2[%dma_start3A_433, %dma_start3A_434] : memref<10000x128xf32, #tpu.memory_space<hbm>> -> memref<10000x128xf32, #tpu.memory_space<hbm>>
          tpu.enqueue_indirect_dma source(%dma_start3A_435 : memref<10000x128xf32, #tpu.memory_space<hbm>>) target(%arg12 : memref<64x128xf32, #tpu.memory_space<vmem>>) offsets(%dma_start3A_432 : memref<64xi32, #tpu.memory_space<vmem>>) semaphore(%arg19 : memref<!tpu.dma_semaphore, #tpu.memory_space<semaphore_mem>>)
        } else {
        }
      } else {
      }
      %mul3A_408 = arith.constant 4 : i32
      %mul3A_409 = arith.muli %scan3A_384, %mul3A_408 : i32
      %add3A_410 = arith.constant 3 : i32
      %add3A_411 = arith.addi %mul3A_409, %add3A_410 : i32
      %lt3A_412 = arith.cmpi slt, %add3A_411, %min3A_209 : i32
      %convert_element_type3A_413 = arith.extui %lt3A_412 : i1 to i32
      %cond3A_414 = arith.constant 0 : i32
      %cond3A_415 = arith.cmpi ne, %convert_element_type3A_413, %cond3A_414 : i32
      scf.if %cond3A_415 {
        %dma_wait3A_416 = arith.constant 0 : i32
        %dma_wait3A_417 = tpu.memref_slice %arg7[%add3A_411, %dma_wait3A_416] : memref<32x64xi32, #tpu.memory_space<vmem>> -> memref<1x64xi32, #tpu.memory_space<vmem>>
        %dma_wait3A_418 = tpu.memref_squeeze %dma_wait3A_417 : memref<1x64xi32, #tpu.memory_space<vmem>> -> memref<64xi32, #tpu.memory_space<vmem>>
        %dma_wait3A_419 = arith.constant 0 : i32
        %dma_wait3A_420 = arith.constant 0 : i32
        %dma_wait3A_421 = tpu.memref_slice %arg2[%dma_wait3A_419, %dma_wait3A_420] : memref<10000x128xf32, #tpu.memory_space<hbm>> -> memref<10000x128xf32, #tpu.memory_space<hbm>>
        tpu.wait_indirect_dma semaphore(%arg20 : memref<!tpu.dma_semaphore, #tpu.memory_space<semaphore_mem>>) src(%dma_wait3A_421 : memref<10000x128xf32, #tpu.memory_space<hbm>>) dst(%arg13 : memref<64x128xf32, #tpu.memory_space<vmem>>)
        "tpu.region"() ({
          %run_scoped3A = tpu.sem_alloc : memref<!tpu.dma_semaphore, #tpu.memory_space<semaphore_mem>>
          %dma_start3A_428 = arith.constant 0 : i32
          %dma_start3A_429 = tpu.memref_slice %arg9[%add3A_411, %dma_start3A_428] : memref<32x64xi32, #tpu.memory_space<vmem>> -> memref<1x64xi32, #tpu.memory_space<vmem>>
          %dma_start3A_430 = tpu.memref_squeeze %dma_start3A_429 : memref<1x64xi32, #tpu.memory_space<vmem>> -> memref<64xi32, #tpu.memory_space<vmem>>
          %dma_start3A_431 = arith.constant 0 : i32
          %dma_start3A_432 = arith.constant 0 : i32
          %dma_start3A_433 = tpu.memref_slice %arg14[%dma_start3A_431, %dma_start3A_432] : memref<10112x128xf32, #tpu.memory_space<vmem_shared>> -> memref<10112x128xf32, #tpu.memory_space<vmem_shared>>
          tpu.enqueue_indirect_dma source(%arg13 : memref<64x128xf32, #tpu.memory_space<vmem>>) target(%dma_start3A_433 : memref<10112x128xf32, #tpu.memory_space<vmem_shared>>) offsets(%dma_start3A_430 : memref<64xi32, #tpu.memory_space<vmem>>) semaphore(%run_scoped3A : memref<!tpu.dma_semaphore, #tpu.memory_space<semaphore_mem>>) {add = true}
          %dma_wait3A_434 = arith.constant 0 : i32
          %dma_wait3A_435 = tpu.memref_slice %arg9[%add3A_411, %dma_wait3A_434] : memref<32x64xi32, #tpu.memory_space<vmem>> -> memref<1x64xi32, #tpu.memory_space<vmem>>
          %dma_wait3A_436 = tpu.memref_squeeze %dma_wait3A_435 : memref<1x64xi32, #tpu.memory_space<vmem>> -> memref<64xi32, #tpu.memory_space<vmem>>
          %dma_wait3A_437 = arith.constant 0 : i32
          %dma_wait3A_438 = arith.constant 0 : i32
          %dma_wait3A_439 = tpu.memref_slice %arg14[%dma_wait3A_437, %dma_wait3A_438] : memref<10112x128xf32, #tpu.memory_space<vmem_shared>> -> memref<10112x128xf32, #tpu.memory_space<vmem_shared>>
          tpu.wait_indirect_dma semaphore(%run_scoped3A : memref<!tpu.dma_semaphore, #tpu.memory_space<semaphore_mem>>) src(%arg13 : memref<64x128xf32, #tpu.memory_space<vmem>>) dst(%dma_wait3A_439 : memref<10112x128xf32, #tpu.memory_space<vmem_shared>>)
          tpu.yield
        }) : () -> ()
        %add3A_422 = arith.constant 4 : i32
        %add3A_423 = arith.addi %add3A_411, %add3A_422 : i32
        %lt3A_424 = arith.cmpi slt, %add3A_423, %min3A_209 : i32
        %convert_element_type3A_425 = arith.extui %lt3A_424 : i1 to i32
        %cond3A_426 = arith.constant 0 : i32
        %cond3A_427 = arith.cmpi ne, %convert_element_type3A_425, %cond3A_426 : i32
        scf.if %cond3A_427 {
          %add3A_428 = arith.constant 4 : i32
          %add3A_429 = arith.addi %add3A_411, %add3A_428 : i32
          %dma_start3A_430 = arith.constant 0 : i32
          %dma_start3A_431 = tpu.memref_slice %arg7[%add3A_429, %dma_start3A_430] : memref<32x64xi32, #tpu.memory_space<vmem>> -> memref<1x64xi32, #tpu.memory_space<vmem>>
          %dma_start3A_432 = tpu.memref_squeeze %dma_start3A_431 : memref<1x64xi32, #tpu.memory_space<vmem>> -> memref<64xi32, #tpu.memory_space<vmem>>
          %dma_start3A_433 = arith.constant 0 : i32
          %dma_start3A_434 = arith.constant 0 : i32
          %dma_start3A_435 = tpu.memref_slice %arg2[%dma_start3A_433, %dma_start3A_434] : memref<10000x128xf32, #tpu.memory_space<hbm>> -> memref<10000x128xf32, #tpu.memory_space<hbm>>
          tpu.enqueue_indirect_dma source(%dma_start3A_435 : memref<10000x128xf32, #tpu.memory_space<hbm>>) target(%arg13 : memref<64x128xf32, #tpu.memory_space<vmem>>) offsets(%dma_start3A_432 : memref<64xi32, #tpu.memory_space<vmem>>) semaphore(%arg20 : memref<!tpu.dma_semaphore, #tpu.memory_space<semaphore_mem>>)
        } else {
        }
      } else {
      }
    }
    %scan3A_235 = arith.constant 8 : i32
    %add3A_236 = arith.constant 96 : i32
    %add3A_237 = arith.addi %mul3A_4, %add3A_236 : i32
    %dma_start3A_238 = arith.constant 0 : i32
    %dma_start3A_239 = tpu.memref_slice %arg3[%add3A_237, %dma_start3A_238] : memref<5120x64xi32, #tpu.memory_space<hbm>> -> memref<32x64xi32, #tpu.memory_space<hbm>>
    %dma_start3A_240 = arith.constant 0 : i32
    %dma_start3A_241 = tpu.memref_slice %arg3[%add3A_237, %dma_start3A_240] : memref<5120x64xi32, #tpu.memory_space<hbm>> -> memref<32x64xi32, #tpu.memory_space<hbm>>
    tpu.enqueue_dma source(%dma_start3A_241 : memref<32x64xi32, #tpu.memory_space<hbm>>) target(%arg7 : memref<32x64xi32, #tpu.memory_space<vmem>>) target_semaphore(%arg16 : memref<!tpu.dma_semaphore, #tpu.memory_space<semaphore_mem>>)
    %add3A_242 = arith.constant 96 : i32
    %add3A_243 = arith.addi %mul3A_4, %add3A_242 : i32
    %dma_start3A_244 = arith.constant 0 : i32
    %dma_start3A_245 = tpu.memref_slice %arg4[%add3A_243, %dma_start3A_244] : memref<5120x64xi32, #tpu.memory_space<hbm>> -> memref<32x64xi32, #tpu.memory_space<hbm>>
    %dma_start3A_246 = arith.constant 0 : i32
    %dma_start3A_247 = tpu.memref_slice %arg4[%add3A_243, %dma_start3A_246] : memref<5120x64xi32, #tpu.memory_space<hbm>> -> memref<32x64xi32, #tpu.memory_space<hbm>>
    tpu.enqueue_dma source(%dma_start3A_247 : memref<32x64xi32, #tpu.memory_space<hbm>>) target(%arg9 : memref<32x64xi32, #tpu.memory_space<vmem>>) target_semaphore(%arg16 : memref<!tpu.dma_semaphore, #tpu.memory_space<semaphore_mem>>)
    %dma_wait3A_248 = arith.constant 0 : i32
    %dma_wait3A_249 = tpu.memref_slice %arg3[%mul3A_4, %dma_wait3A_248] : memref<5120x64xi32, #tpu.memory_space<hbm>> -> memref<32x64xi32, #tpu.memory_space<hbm>>
    %dma_wait3A_250 = arith.constant 0 : i32
    %dma_wait3A_251 = tpu.memref_slice %arg3[%mul3A_4, %dma_wait3A_250] : memref<5120x64xi32, #tpu.memory_space<hbm>> -> memref<32x64xi32, #tpu.memory_space<hbm>>
    tpu.wait_dma2 semaphore(%arg15 : memref<!tpu.dma_semaphore, #tpu.memory_space<semaphore_mem>>) src(%dma_wait3A_251 : memref<32x64xi32, #tpu.memory_space<hbm>>) dst(%arg6 : memref<32x64xi32, #tpu.memory_space<vmem>>)
    %dma_wait3A_252 = arith.constant 0 : i32
    %dma_wait3A_253 = tpu.memref_slice %arg4[%mul3A_4, %dma_wait3A_252] : memref<5120x64xi32, #tpu.memory_space<hbm>> -> memref<32x64xi32, #tpu.memory_space<hbm>>
    %dma_wait3A_254 = arith.constant 0 : i32
    %dma_wait3A_255 = tpu.memref_slice %arg4[%mul3A_4, %dma_wait3A_254] : memref<5120x64xi32, #tpu.memory_space<hbm>> -> memref<32x64xi32, #tpu.memory_space<hbm>>
    tpu.wait_dma2 semaphore(%arg15 : memref<!tpu.dma_semaphore, #tpu.memory_space<semaphore_mem>>) src(%dma_wait3A_255 : memref<32x64xi32, #tpu.memory_space<hbm>>) dst(%arg8 : memref<32x64xi32, #tpu.memory_space<vmem>>)
    %sub3A_256 = arith.constant 64 : i32
    %sub3A_257 = arith.subi %min3A, %sub3A_256 : i32
    %jit3A_258 = arith.constant 0 : i32
    %jit3A_259 = arith.constant 32 : i32
    %max3A_260 = arith.maxsi %jit3A_258, %sub3A_257 : i32
    %min3A_261 = arith.minsi %jit3A_259, %max3A_260 : i32
    %gt3A_262 = arith.constant 0 : i32
    %gt3A_263 = arith.cmpi sgt, %min3A_261, %gt3A_262 : i32
    %convert_element_type3A_264 = arith.extui %gt3A_263 : i1 to i32
    %cond3A_265 = arith.constant 0 : i32
    %cond3A_266 = arith.cmpi ne, %convert_element_type3A_264, %cond3A_265 : i32
    scf.if %cond3A_266 {
      %dma_start3A_384 = arith.constant 0 : i32
      %dma_start3A_385 = arith.constant 0 : i32
      %dma_start3A_386 = tpu.memref_slice %arg6[%dma_start3A_384, %dma_start3A_385] : memref<32x64xi32, #tpu.memory_space<vmem>> -> memref<1x64xi32, #tpu.memory_space<vmem>>
      %dma_start3A_387 = tpu.memref_squeeze %dma_start3A_386 : memref<1x64xi32, #tpu.memory_space<vmem>> -> memref<64xi32, #tpu.memory_space<vmem>>
      %dma_start3A_388 = arith.constant 0 : i32
      %dma_start3A_389 = arith.constant 0 : i32
      %dma_start3A_390 = tpu.memref_slice %arg2[%dma_start3A_388, %dma_start3A_389] : memref<10000x128xf32, #tpu.memory_space<hbm>> -> memref<10000x128xf32, #tpu.memory_space<hbm>>
      tpu.enqueue_indirect_dma source(%dma_start3A_390 : memref<10000x128xf32, #tpu.memory_space<hbm>>) target(%arg10 : memref<64x128xf32, #tpu.memory_space<vmem>>) offsets(%dma_start3A_387 : memref<64xi32, #tpu.memory_space<vmem>>) semaphore(%arg17 : memref<!tpu.dma_semaphore, #tpu.memory_space<semaphore_mem>>)
    } else {
    }
    %gt3A_267 = arith.constant 1 : i32
    %gt3A_268 = arith.cmpi sgt, %min3A_261, %gt3A_267 : i32
    %convert_element_type3A_269 = arith.extui %gt3A_268 : i1 to i32
    %cond3A_270 = arith.constant 0 : i32
    %cond3A_271 = arith.cmpi ne, %convert_element_type3A_269, %cond3A_270 : i32
    scf.if %cond3A_271 {
      %dma_start3A_384 = arith.constant 1 : i32
      %dma_start3A_385 = arith.constant 0 : i32
      %dma_start3A_386 = tpu.memref_slice %arg6[%dma_start3A_384, %dma_start3A_385] : memref<32x64xi32, #tpu.memory_space<vmem>> -> memref<1x64xi32, #tpu.memory_space<vmem>>
      %dma_start3A_387 = tpu.memref_squeeze %dma_start3A_386 : memref<1x64xi32, #tpu.memory_space<vmem>> -> memref<64xi32, #tpu.memory_space<vmem>>
      %dma_start3A_388 = arith.constant 0 : i32
      %dma_start3A_389 = arith.constant 0 : i32
      %dma_start3A_390 = tpu.memref_slice %arg2[%dma_start3A_388, %dma_start3A_389] : memref<10000x128xf32, #tpu.memory_space<hbm>> -> memref<10000x128xf32, #tpu.memory_space<hbm>>
      tpu.enqueue_indirect_dma source(%dma_start3A_390 : memref<10000x128xf32, #tpu.memory_space<hbm>>) target(%arg11 : memref<64x128xf32, #tpu.memory_space<vmem>>) offsets(%dma_start3A_387 : memref<64xi32, #tpu.memory_space<vmem>>) semaphore(%arg18 : memref<!tpu.dma_semaphore, #tpu.memory_space<semaphore_mem>>)
    } else {
    }
    %gt3A_272 = arith.constant 2 : i32
    %gt3A_273 = arith.cmpi sgt, %min3A_261, %gt3A_272 : i32
    %convert_element_type3A_274 = arith.extui %gt3A_273 : i1 to i32
    %cond3A_275 = arith.constant 0 : i32
    %cond3A_276 = arith.cmpi ne, %convert_element_type3A_274, %cond3A_275 : i32
    scf.if %cond3A_276 {
      %dma_start3A_384 = arith.constant 2 : i32
      %dma_start3A_385 = arith.constant 0 : i32
      %dma_start3A_386 = tpu.memref_slice %arg6[%dma_start3A_384, %dma_start3A_385] : memref<32x64xi32, #tpu.memory_space<vmem>> -> memref<1x64xi32, #tpu.memory_space<vmem>>
      %dma_start3A_387 = tpu.memref_squeeze %dma_start3A_386 : memref<1x64xi32, #tpu.memory_space<vmem>> -> memref<64xi32, #tpu.memory_space<vmem>>
      %dma_start3A_388 = arith.constant 0 : i32
      %dma_start3A_389 = arith.constant 0 : i32
      %dma_start3A_390 = tpu.memref_slice %arg2[%dma_start3A_388, %dma_start3A_389] : memref<10000x128xf32, #tpu.memory_space<hbm>> -> memref<10000x128xf32, #tpu.memory_space<hbm>>
      tpu.enqueue_indirect_dma source(%dma_start3A_390 : memref<10000x128xf32, #tpu.memory_space<hbm>>) target(%arg12 : memref<64x128xf32, #tpu.memory_space<vmem>>) offsets(%dma_start3A_387 : memref<64xi32, #tpu.memory_space<vmem>>) semaphore(%arg19 : memref<!tpu.dma_semaphore, #tpu.memory_space<semaphore_mem>>)
    } else {
    }
    %gt3A_277 = arith.constant 3 : i32
    %gt3A_278 = arith.cmpi sgt, %min3A_261, %gt3A_277 : i32
    %convert_element_type3A_279 = arith.extui %gt3A_278 : i1 to i32
    %cond3A_280 = arith.constant 0 : i32
    %cond3A_281 = arith.cmpi ne, %convert_element_type3A_279, %cond3A_280 : i32
    scf.if %cond3A_281 {
      %dma_start3A_384 = arith.constant 3 : i32
      %dma_start3A_385 = arith.constant 0 : i32
      %dma_start3A_386 = tpu.memref_slice %arg6[%dma_start3A_384, %dma_start3A_385] : memref<32x64xi32, #tpu.memory_space<vmem>> -> memref<1x64xi32, #tpu.memory_space<vmem>>
      %dma_start3A_387 = tpu.memref_squeeze %dma_start3A_386 : memref<1x64xi32, #tpu.memory_space<vmem>> -> memref<64xi32, #tpu.memory_space<vmem>>
      %dma_start3A_388 = arith.constant 0 : i32
      %dma_start3A_389 = arith.constant 0 : i32
      %dma_start3A_390 = tpu.memref_slice %arg2[%dma_start3A_388, %dma_start3A_389] : memref<10000x128xf32, #tpu.memory_space<hbm>> -> memref<10000x128xf32, #tpu.memory_space<hbm>>
      tpu.enqueue_indirect_dma source(%dma_start3A_390 : memref<10000x128xf32, #tpu.memory_space<hbm>>) target(%arg13 : memref<64x128xf32, #tpu.memory_space<vmem>>) offsets(%dma_start3A_387 : memref<64xi32, #tpu.memory_space<vmem>>) semaphore(%arg20 : memref<!tpu.dma_semaphore, #tpu.memory_space<semaphore_mem>>)
    } else {
    }
    %scan3A_282 = arith.constant 0 : i32
    %scan3A_283 = arith.constant 0 : i32
    %scan3A_284 = arith.constant 8 : i32
    %scan3A_285 = arith.addi %scan3A_283, %scan3A_284 : i32
    %scan3A_286 = arith.constant 1 : i32
    scf.for %scan3A_384 = %scan3A_283 to %scan3A_285 step %scan3A_286  : i32 {
      %mul3A_385 = arith.constant 4 : i32
      %mul3A_386 = arith.muli %scan3A_384, %mul3A_385 : i32
      %add3A_387 = arith.constant 0 : i32
      %add3A_388 = arith.addi %mul3A_386, %add3A_387 : i32
      %lt3A = arith.cmpi slt, %add3A_388, %min3A_261 : i32
      %convert_element_type3A_389 = arith.extui %lt3A : i1 to i32
      %cond3A_390 = arith.constant 0 : i32
      %cond3A_391 = arith.cmpi ne, %convert_element_type3A_389, %cond3A_390 : i32
      scf.if %cond3A_391 {
        %dma_wait3A_416 = arith.constant 0 : i32
        %dma_wait3A_417 = tpu.memref_slice %arg6[%add3A_388, %dma_wait3A_416] : memref<32x64xi32, #tpu.memory_space<vmem>> -> memref<1x64xi32, #tpu.memory_space<vmem>>
        %dma_wait3A_418 = tpu.memref_squeeze %dma_wait3A_417 : memref<1x64xi32, #tpu.memory_space<vmem>> -> memref<64xi32, #tpu.memory_space<vmem>>
        %dma_wait3A_419 = arith.constant 0 : i32
        %dma_wait3A_420 = arith.constant 0 : i32
        %dma_wait3A_421 = tpu.memref_slice %arg2[%dma_wait3A_419, %dma_wait3A_420] : memref<10000x128xf32, #tpu.memory_space<hbm>> -> memref<10000x128xf32, #tpu.memory_space<hbm>>
        tpu.wait_indirect_dma semaphore(%arg17 : memref<!tpu.dma_semaphore, #tpu.memory_space<semaphore_mem>>) src(%dma_wait3A_421 : memref<10000x128xf32, #tpu.memory_space<hbm>>) dst(%arg10 : memref<64x128xf32, #tpu.memory_space<vmem>>)
        "tpu.region"() ({
          %run_scoped3A = tpu.sem_alloc : memref<!tpu.dma_semaphore, #tpu.memory_space<semaphore_mem>>
          %dma_start3A_428 = arith.constant 0 : i32
          %dma_start3A_429 = tpu.memref_slice %arg8[%add3A_388, %dma_start3A_428] : memref<32x64xi32, #tpu.memory_space<vmem>> -> memref<1x64xi32, #tpu.memory_space<vmem>>
          %dma_start3A_430 = tpu.memref_squeeze %dma_start3A_429 : memref<1x64xi32, #tpu.memory_space<vmem>> -> memref<64xi32, #tpu.memory_space<vmem>>
          %dma_start3A_431 = arith.constant 0 : i32
          %dma_start3A_432 = arith.constant 0 : i32
          %dma_start3A_433 = tpu.memref_slice %arg14[%dma_start3A_431, %dma_start3A_432] : memref<10112x128xf32, #tpu.memory_space<vmem_shared>> -> memref<10112x128xf32, #tpu.memory_space<vmem_shared>>
          tpu.enqueue_indirect_dma source(%arg10 : memref<64x128xf32, #tpu.memory_space<vmem>>) target(%dma_start3A_433 : memref<10112x128xf32, #tpu.memory_space<vmem_shared>>) offsets(%dma_start3A_430 : memref<64xi32, #tpu.memory_space<vmem>>) semaphore(%run_scoped3A : memref<!tpu.dma_semaphore, #tpu.memory_space<semaphore_mem>>) {add = true}
          %dma_wait3A_434 = arith.constant 0 : i32
          %dma_wait3A_435 = tpu.memref_slice %arg8[%add3A_388, %dma_wait3A_434] : memref<32x64xi32, #tpu.memory_space<vmem>> -> memref<1x64xi32, #tpu.memory_space<vmem>>
          %dma_wait3A_436 = tpu.memref_squeeze %dma_wait3A_435 : memref<1x64xi32, #tpu.memory_space<vmem>> -> memref<64xi32, #tpu.memory_space<vmem>>
          %dma_wait3A_437 = arith.constant 0 : i32
          %dma_wait3A_438 = arith.constant 0 : i32
          %dma_wait3A_439 = tpu.memref_slice %arg14[%dma_wait3A_437, %dma_wait3A_438] : memref<10112x128xf32, #tpu.memory_space<vmem_shared>> -> memref<10112x128xf32, #tpu.memory_space<vmem_shared>>
          tpu.wait_indirect_dma semaphore(%run_scoped3A : memref<!tpu.dma_semaphore, #tpu.memory_space<semaphore_mem>>) src(%arg10 : memref<64x128xf32, #tpu.memory_space<vmem>>) dst(%dma_wait3A_439 : memref<10112x128xf32, #tpu.memory_space<vmem_shared>>)
          tpu.yield
        }) : () -> ()
        %add3A_422 = arith.constant 4 : i32
        %add3A_423 = arith.addi %add3A_388, %add3A_422 : i32
        %lt3A_424 = arith.cmpi slt, %add3A_423, %min3A_261 : i32
        %convert_element_type3A_425 = arith.extui %lt3A_424 : i1 to i32
        %cond3A_426 = arith.constant 0 : i32
        %cond3A_427 = arith.cmpi ne, %convert_element_type3A_425, %cond3A_426 : i32
        scf.if %cond3A_427 {
          %add3A_428 = arith.constant 4 : i32
          %add3A_429 = arith.addi %add3A_388, %add3A_428 : i32
          %dma_start3A_430 = arith.constant 0 : i32
          %dma_start3A_431 = tpu.memref_slice %arg6[%add3A_429, %dma_start3A_430] : memref<32x64xi32, #tpu.memory_space<vmem>> -> memref<1x64xi32, #tpu.memory_space<vmem>>
          %dma_start3A_432 = tpu.memref_squeeze %dma_start3A_431 : memref<1x64xi32, #tpu.memory_space<vmem>> -> memref<64xi32, #tpu.memory_space<vmem>>
          %dma_start3A_433 = arith.constant 0 : i32
          %dma_start3A_434 = arith.constant 0 : i32
          %dma_start3A_435 = tpu.memref_slice %arg2[%dma_start3A_433, %dma_start3A_434] : memref<10000x128xf32, #tpu.memory_space<hbm>> -> memref<10000x128xf32, #tpu.memory_space<hbm>>
          tpu.enqueue_indirect_dma source(%dma_start3A_435 : memref<10000x128xf32, #tpu.memory_space<hbm>>) target(%arg10 : memref<64x128xf32, #tpu.memory_space<vmem>>) offsets(%dma_start3A_432 : memref<64xi32, #tpu.memory_space<vmem>>) semaphore(%arg17 : memref<!tpu.dma_semaphore, #tpu.memory_space<semaphore_mem>>)
        } else {
        }
      } else {
      }
      %mul3A_392 = arith.constant 4 : i32
      %mul3A_393 = arith.muli %scan3A_384, %mul3A_392 : i32
      %add3A_394 = arith.constant 1 : i32
      %add3A_395 = arith.addi %mul3A_393, %add3A_394 : i32
      %lt3A_396 = arith.cmpi slt, %add3A_395, %min3A_261 : i32
      %convert_element_type3A_397 = arith.extui %lt3A_396 : i1 to i32
      %cond3A_398 = arith.constant 0 : i32
      %cond3A_399 = arith.cmpi ne, %convert_element_type3A_397, %cond3A_398 : i32
      scf.if %cond3A_399 {
        %dma_wait3A_416 = arith.constant 0 : i32
        %dma_wait3A_417 = tpu.memref_slice %arg6[%add3A_395, %dma_wait3A_416] : memref<32x64xi32, #tpu.memory_space<vmem>> -> memref<1x64xi32, #tpu.memory_space<vmem>>
        %dma_wait3A_418 = tpu.memref_squeeze %dma_wait3A_417 : memref<1x64xi32, #tpu.memory_space<vmem>> -> memref<64xi32, #tpu.memory_space<vmem>>
        %dma_wait3A_419 = arith.constant 0 : i32
        %dma_wait3A_420 = arith.constant 0 : i32
        %dma_wait3A_421 = tpu.memref_slice %arg2[%dma_wait3A_419, %dma_wait3A_420] : memref<10000x128xf32, #tpu.memory_space<hbm>> -> memref<10000x128xf32, #tpu.memory_space<hbm>>
        tpu.wait_indirect_dma semaphore(%arg18 : memref<!tpu.dma_semaphore, #tpu.memory_space<semaphore_mem>>) src(%dma_wait3A_421 : memref<10000x128xf32, #tpu.memory_space<hbm>>) dst(%arg11 : memref<64x128xf32, #tpu.memory_space<vmem>>)
        "tpu.region"() ({
          %run_scoped3A = tpu.sem_alloc : memref<!tpu.dma_semaphore, #tpu.memory_space<semaphore_mem>>
          %dma_start3A_428 = arith.constant 0 : i32
          %dma_start3A_429 = tpu.memref_slice %arg8[%add3A_395, %dma_start3A_428] : memref<32x64xi32, #tpu.memory_space<vmem>> -> memref<1x64xi32, #tpu.memory_space<vmem>>
          %dma_start3A_430 = tpu.memref_squeeze %dma_start3A_429 : memref<1x64xi32, #tpu.memory_space<vmem>> -> memref<64xi32, #tpu.memory_space<vmem>>
          %dma_start3A_431 = arith.constant 0 : i32
          %dma_start3A_432 = arith.constant 0 : i32
          %dma_start3A_433 = tpu.memref_slice %arg14[%dma_start3A_431, %dma_start3A_432] : memref<10112x128xf32, #tpu.memory_space<vmem_shared>> -> memref<10112x128xf32, #tpu.memory_space<vmem_shared>>
          tpu.enqueue_indirect_dma source(%arg11 : memref<64x128xf32, #tpu.memory_space<vmem>>) target(%dma_start3A_433 : memref<10112x128xf32, #tpu.memory_space<vmem_shared>>) offsets(%dma_start3A_430 : memref<64xi32, #tpu.memory_space<vmem>>) semaphore(%run_scoped3A : memref<!tpu.dma_semaphore, #tpu.memory_space<semaphore_mem>>) {add = true}
          %dma_wait3A_434 = arith.constant 0 : i32
          %dma_wait3A_435 = tpu.memref_slice %arg8[%add3A_395, %dma_wait3A_434] : memref<32x64xi32, #tpu.memory_space<vmem>> -> memref<1x64xi32, #tpu.memory_space<vmem>>
          %dma_wait3A_436 = tpu.memref_squeeze %dma_wait3A_435 : memref<1x64xi32, #tpu.memory_space<vmem>> -> memref<64xi32, #tpu.memory_space<vmem>>
          %dma_wait3A_437 = arith.constant 0 : i32
          %dma_wait3A_438 = arith.constant 0 : i32
          %dma_wait3A_439 = tpu.memref_slice %arg14[%dma_wait3A_437, %dma_wait3A_438] : memref<10112x128xf32, #tpu.memory_space<vmem_shared>> -> memref<10112x128xf32, #tpu.memory_space<vmem_shared>>
          tpu.wait_indirect_dma semaphore(%run_scoped3A : memref<!tpu.dma_semaphore, #tpu.memory_space<semaphore_mem>>) src(%arg11 : memref<64x128xf32, #tpu.memory_space<vmem>>) dst(%dma_wait3A_439 : memref<10112x128xf32, #tpu.memory_space<vmem_shared>>)
          tpu.yield
        }) : () -> ()
        %add3A_422 = arith.constant 4 : i32
        %add3A_423 = arith.addi %add3A_395, %add3A_422 : i32
        %lt3A_424 = arith.cmpi slt, %add3A_423, %min3A_261 : i32
        %convert_element_type3A_425 = arith.extui %lt3A_424 : i1 to i32
        %cond3A_426 = arith.constant 0 : i32
        %cond3A_427 = arith.cmpi ne, %convert_element_type3A_425, %cond3A_426 : i32
        scf.if %cond3A_427 {
          %add3A_428 = arith.constant 4 : i32
          %add3A_429 = arith.addi %add3A_395, %add3A_428 : i32
          %dma_start3A_430 = arith.constant 0 : i32
          %dma_start3A_431 = tpu.memref_slice %arg6[%add3A_429, %dma_start3A_430] : memref<32x64xi32, #tpu.memory_space<vmem>> -> memref<1x64xi32, #tpu.memory_space<vmem>>
          %dma_start3A_432 = tpu.memref_squeeze %dma_start3A_431 : memref<1x64xi32, #tpu.memory_space<vmem>> -> memref<64xi32, #tpu.memory_space<vmem>>
          %dma_start3A_433 = arith.constant 0 : i32
          %dma_start3A_434 = arith.constant 0 : i32
          %dma_start3A_435 = tpu.memref_slice %arg2[%dma_start3A_433, %dma_start3A_434] : memref<10000x128xf32, #tpu.memory_space<hbm>> -> memref<10000x128xf32, #tpu.memory_space<hbm>>
          tpu.enqueue_indirect_dma source(%dma_start3A_435 : memref<10000x128xf32, #tpu.memory_space<hbm>>) target(%arg11 : memref<64x128xf32, #tpu.memory_space<vmem>>) offsets(%dma_start3A_432 : memref<64xi32, #tpu.memory_space<vmem>>) semaphore(%arg18 : memref<!tpu.dma_semaphore, #tpu.memory_space<semaphore_mem>>)
        } else {
        }
      } else {
      }
      %mul3A_400 = arith.constant 4 : i32
      %mul3A_401 = arith.muli %scan3A_384, %mul3A_400 : i32
      %add3A_402 = arith.constant 2 : i32
      %add3A_403 = arith.addi %mul3A_401, %add3A_402 : i32
      %lt3A_404 = arith.cmpi slt, %add3A_403, %min3A_261 : i32
      %convert_element_type3A_405 = arith.extui %lt3A_404 : i1 to i32
      %cond3A_406 = arith.constant 0 : i32
      %cond3A_407 = arith.cmpi ne, %convert_element_type3A_405, %cond3A_406 : i32
      scf.if %cond3A_407 {
        %dma_wait3A_416 = arith.constant 0 : i32
        %dma_wait3A_417 = tpu.memref_slice %arg6[%add3A_403, %dma_wait3A_416] : memref<32x64xi32, #tpu.memory_space<vmem>> -> memref<1x64xi32, #tpu.memory_space<vmem>>
        %dma_wait3A_418 = tpu.memref_squeeze %dma_wait3A_417 : memref<1x64xi32, #tpu.memory_space<vmem>> -> memref<64xi32, #tpu.memory_space<vmem>>
        %dma_wait3A_419 = arith.constant 0 : i32
        %dma_wait3A_420 = arith.constant 0 : i32
        %dma_wait3A_421 = tpu.memref_slice %arg2[%dma_wait3A_419, %dma_wait3A_420] : memref<10000x128xf32, #tpu.memory_space<hbm>> -> memref<10000x128xf32, #tpu.memory_space<hbm>>
        tpu.wait_indirect_dma semaphore(%arg19 : memref<!tpu.dma_semaphore, #tpu.memory_space<semaphore_mem>>) src(%dma_wait3A_421 : memref<10000x128xf32, #tpu.memory_space<hbm>>) dst(%arg12 : memref<64x128xf32, #tpu.memory_space<vmem>>)
        "tpu.region"() ({
          %run_scoped3A = tpu.sem_alloc : memref<!tpu.dma_semaphore, #tpu.memory_space<semaphore_mem>>
          %dma_start3A_428 = arith.constant 0 : i32
          %dma_start3A_429 = tpu.memref_slice %arg8[%add3A_403, %dma_start3A_428] : memref<32x64xi32, #tpu.memory_space<vmem>> -> memref<1x64xi32, #tpu.memory_space<vmem>>
          %dma_start3A_430 = tpu.memref_squeeze %dma_start3A_429 : memref<1x64xi32, #tpu.memory_space<vmem>> -> memref<64xi32, #tpu.memory_space<vmem>>
          %dma_start3A_431 = arith.constant 0 : i32
          %dma_start3A_432 = arith.constant 0 : i32
          %dma_start3A_433 = tpu.memref_slice %arg14[%dma_start3A_431, %dma_start3A_432] : memref<10112x128xf32, #tpu.memory_space<vmem_shared>> -> memref<10112x128xf32, #tpu.memory_space<vmem_shared>>
          tpu.enqueue_indirect_dma source(%arg12 : memref<64x128xf32, #tpu.memory_space<vmem>>) target(%dma_start3A_433 : memref<10112x128xf32, #tpu.memory_space<vmem_shared>>) offsets(%dma_start3A_430 : memref<64xi32, #tpu.memory_space<vmem>>) semaphore(%run_scoped3A : memref<!tpu.dma_semaphore, #tpu.memory_space<semaphore_mem>>) {add = true}
          %dma_wait3A_434 = arith.constant 0 : i32
          %dma_wait3A_435 = tpu.memref_slice %arg8[%add3A_403, %dma_wait3A_434] : memref<32x64xi32, #tpu.memory_space<vmem>> -> memref<1x64xi32, #tpu.memory_space<vmem>>
          %dma_wait3A_436 = tpu.memref_squeeze %dma_wait3A_435 : memref<1x64xi32, #tpu.memory_space<vmem>> -> memref<64xi32, #tpu.memory_space<vmem>>
          %dma_wait3A_437 = arith.constant 0 : i32
          %dma_wait3A_438 = arith.constant 0 : i32
          %dma_wait3A_439 = tpu.memref_slice %arg14[%dma_wait3A_437, %dma_wait3A_438] : memref<10112x128xf32, #tpu.memory_space<vmem_shared>> -> memref<10112x128xf32, #tpu.memory_space<vmem_shared>>
          tpu.wait_indirect_dma semaphore(%run_scoped3A : memref<!tpu.dma_semaphore, #tpu.memory_space<semaphore_mem>>) src(%arg12 : memref<64x128xf32, #tpu.memory_space<vmem>>) dst(%dma_wait3A_439 : memref<10112x128xf32, #tpu.memory_space<vmem_shared>>)
          tpu.yield
        }) : () -> ()
        %add3A_422 = arith.constant 4 : i32
        %add3A_423 = arith.addi %add3A_403, %add3A_422 : i32
        %lt3A_424 = arith.cmpi slt, %add3A_423, %min3A_261 : i32
        %convert_element_type3A_425 = arith.extui %lt3A_424 : i1 to i32
        %cond3A_426 = arith.constant 0 : i32
        %cond3A_427 = arith.cmpi ne, %convert_element_type3A_425, %cond3A_426 : i32
        scf.if %cond3A_427 {
          %add3A_428 = arith.constant 4 : i32
          %add3A_429 = arith.addi %add3A_403, %add3A_428 : i32
          %dma_start3A_430 = arith.constant 0 : i32
          %dma_start3A_431 = tpu.memref_slice %arg6[%add3A_429, %dma_start3A_430] : memref<32x64xi32, #tpu.memory_space<vmem>> -> memref<1x64xi32, #tpu.memory_space<vmem>>
          %dma_start3A_432 = tpu.memref_squeeze %dma_start3A_431 : memref<1x64xi32, #tpu.memory_space<vmem>> -> memref<64xi32, #tpu.memory_space<vmem>>
          %dma_start3A_433 = arith.constant 0 : i32
          %dma_start3A_434 = arith.constant 0 : i32
          %dma_start3A_435 = tpu.memref_slice %arg2[%dma_start3A_433, %dma_start3A_434] : memref<10000x128xf32, #tpu.memory_space<hbm>> -> memref<10000x128xf32, #tpu.memory_space<hbm>>
          tpu.enqueue_indirect_dma source(%dma_start3A_435 : memref<10000x128xf32, #tpu.memory_space<hbm>>) target(%arg12 : memref<64x128xf32, #tpu.memory_space<vmem>>) offsets(%dma_start3A_432 : memref<64xi32, #tpu.memory_space<vmem>>) semaphore(%arg19 : memref<!tpu.dma_semaphore, #tpu.memory_space<semaphore_mem>>)
        } else {
        }
      } else {
      }
      %mul3A_408 = arith.constant 4 : i32
      %mul3A_409 = arith.muli %scan3A_384, %mul3A_408 : i32
      %add3A_410 = arith.constant 3 : i32
      %add3A_411 = arith.addi %mul3A_409, %add3A_410 : i32
      %lt3A_412 = arith.cmpi slt, %add3A_411, %min3A_261 : i32
      %convert_element_type3A_413 = arith.extui %lt3A_412 : i1 to i32
      %cond3A_414 = arith.constant 0 : i32
      %cond3A_415 = arith.cmpi ne, %convert_element_type3A_413, %cond3A_414 : i32
      scf.if %cond3A_415 {
        %dma_wait3A_416 = arith.constant 0 : i32
        %dma_wait3A_417 = tpu.memref_slice %arg6[%add3A_411, %dma_wait3A_416] : memref<32x64xi32, #tpu.memory_space<vmem>> -> memref<1x64xi32, #tpu.memory_space<vmem>>
        %dma_wait3A_418 = tpu.memref_squeeze %dma_wait3A_417 : memref<1x64xi32, #tpu.memory_space<vmem>> -> memref<64xi32, #tpu.memory_space<vmem>>
        %dma_wait3A_419 = arith.constant 0 : i32
        %dma_wait3A_420 = arith.constant 0 : i32
        %dma_wait3A_421 = tpu.memref_slice %arg2[%dma_wait3A_419, %dma_wait3A_420] : memref<10000x128xf32, #tpu.memory_space<hbm>> -> memref<10000x128xf32, #tpu.memory_space<hbm>>
        tpu.wait_indirect_dma semaphore(%arg20 : memref<!tpu.dma_semaphore, #tpu.memory_space<semaphore_mem>>) src(%dma_wait3A_421 : memref<10000x128xf32, #tpu.memory_space<hbm>>) dst(%arg13 : memref<64x128xf32, #tpu.memory_space<vmem>>)
        "tpu.region"() ({
          %run_scoped3A = tpu.sem_alloc : memref<!tpu.dma_semaphore, #tpu.memory_space<semaphore_mem>>
          %dma_start3A_428 = arith.constant 0 : i32
          %dma_start3A_429 = tpu.memref_slice %arg8[%add3A_411, %dma_start3A_428] : memref<32x64xi32, #tpu.memory_space<vmem>> -> memref<1x64xi32, #tpu.memory_space<vmem>>
          %dma_start3A_430 = tpu.memref_squeeze %dma_start3A_429 : memref<1x64xi32, #tpu.memory_space<vmem>> -> memref<64xi32, #tpu.memory_space<vmem>>
          %dma_start3A_431 = arith.constant 0 : i32
          %dma_start3A_432 = arith.constant 0 : i32
          %dma_start3A_433 = tpu.memref_slice %arg14[%dma_start3A_431, %dma_start3A_432] : memref<10112x128xf32, #tpu.memory_space<vmem_shared>> -> memref<10112x128xf32, #tpu.memory_space<vmem_shared>>
          tpu.enqueue_indirect_dma source(%arg13 : memref<64x128xf32, #tpu.memory_space<vmem>>) target(%dma_start3A_433 : memref<10112x128xf32, #tpu.memory_space<vmem_shared>>) offsets(%dma_start3A_430 : memref<64xi32, #tpu.memory_space<vmem>>) semaphore(%run_scoped3A : memref<!tpu.dma_semaphore, #tpu.memory_space<semaphore_mem>>) {add = true}
          %dma_wait3A_434 = arith.constant 0 : i32
          %dma_wait3A_435 = tpu.memref_slice %arg8[%add3A_411, %dma_wait3A_434] : memref<32x64xi32, #tpu.memory_space<vmem>> -> memref<1x64xi32, #tpu.memory_space<vmem>>
          %dma_wait3A_436 = tpu.memref_squeeze %dma_wait3A_435 : memref<1x64xi32, #tpu.memory_space<vmem>> -> memref<64xi32, #tpu.memory_space<vmem>>
          %dma_wait3A_437 = arith.constant 0 : i32
          %dma_wait3A_438 = arith.constant 0 : i32
          %dma_wait3A_439 = tpu.memref_slice %arg14[%dma_wait3A_437, %dma_wait3A_438] : memref<10112x128xf32, #tpu.memory_space<vmem_shared>> -> memref<10112x128xf32, #tpu.memory_space<vmem_shared>>
          tpu.wait_indirect_dma semaphore(%run_scoped3A : memref<!tpu.dma_semaphore, #tpu.memory_space<semaphore_mem>>) src(%arg13 : memref<64x128xf32, #tpu.memory_space<vmem>>) dst(%dma_wait3A_439 : memref<10112x128xf32, #tpu.memory_space<vmem_shared>>)
          tpu.yield
        }) : () -> ()
        %add3A_422 = arith.constant 4 : i32
        %add3A_423 = arith.addi %add3A_411, %add3A_422 : i32
        %lt3A_424 = arith.cmpi slt, %add3A_423, %min3A_261 : i32
        %convert_element_type3A_425 = arith.extui %lt3A_424 : i1 to i32
        %cond3A_426 = arith.constant 0 : i32
        %cond3A_427 = arith.cmpi ne, %convert_element_type3A_425, %cond3A_426 : i32
        scf.if %cond3A_427 {
          %add3A_428 = arith.constant 4 : i32
          %add3A_429 = arith.addi %add3A_411, %add3A_428 : i32
          %dma_start3A_430 = arith.constant 0 : i32
          %dma_start3A_431 = tpu.memref_slice %arg6[%add3A_429, %dma_start3A_430] : memref<32x64xi32, #tpu.memory_space<vmem>> -> memref<1x64xi32, #tpu.memory_space<vmem>>
          %dma_start3A_432 = tpu.memref_squeeze %dma_start3A_431 : memref<1x64xi32, #tpu.memory_space<vmem>> -> memref<64xi32, #tpu.memory_space<vmem>>
          %dma_start3A_433 = arith.constant 0 : i32
          %dma_start3A_434 = arith.constant 0 : i32
          %dma_start3A_435 = tpu.memref_slice %arg2[%dma_start3A_433, %dma_start3A_434] : memref<10000x128xf32, #tpu.memory_space<hbm>> -> memref<10000x128xf32, #tpu.memory_space<hbm>>
          tpu.enqueue_indirect_dma source(%dma_start3A_435 : memref<10000x128xf32, #tpu.memory_space<hbm>>) target(%arg13 : memref<64x128xf32, #tpu.memory_space<vmem>>) offsets(%dma_start3A_432 : memref<64xi32, #tpu.memory_space<vmem>>) semaphore(%arg20 : memref<!tpu.dma_semaphore, #tpu.memory_space<semaphore_mem>>)
        } else {
        }
      } else {
      }
    }
    %scan3A_287 = arith.constant 8 : i32
    %add3A_288 = arith.constant 128 : i32
    %add3A_289 = arith.addi %mul3A_4, %add3A_288 : i32
    %dma_start3A_290 = arith.constant 0 : i32
    %dma_start3A_291 = tpu.memref_slice %arg3[%add3A_289, %dma_start3A_290] : memref<5120x64xi32, #tpu.memory_space<hbm>> -> memref<32x64xi32, #tpu.memory_space<hbm>>
    %dma_start3A_292 = arith.constant 0 : i32
    %dma_start3A_293 = tpu.memref_slice %arg3[%add3A_289, %dma_start3A_292] : memref<5120x64xi32, #tpu.memory_space<hbm>> -> memref<32x64xi32, #tpu.memory_space<hbm>>
    tpu.enqueue_dma source(%dma_start3A_293 : memref<32x64xi32, #tpu.memory_space<hbm>>) target(%arg6 : memref<32x64xi32, #tpu.memory_space<vmem>>) target_semaphore(%arg15 : memref<!tpu.dma_semaphore, #tpu.memory_space<semaphore_mem>>)
    %add3A_294 = arith.constant 128 : i32
    %add3A_295 = arith.addi %mul3A_4, %add3A_294 : i32
    %dma_start3A_296 = arith.constant 0 : i32
    %dma_start3A_297 = tpu.memref_slice %arg4[%add3A_295, %dma_start3A_296] : memref<5120x64xi32, #tpu.memory_space<hbm>> -> memref<32x64xi32, #tpu.memory_space<hbm>>
    %dma_start3A_298 = arith.constant 0 : i32
    %dma_start3A_299 = tpu.memref_slice %arg4[%add3A_295, %dma_start3A_298] : memref<5120x64xi32, #tpu.memory_space<hbm>> -> memref<32x64xi32, #tpu.memory_space<hbm>>
    tpu.enqueue_dma source(%dma_start3A_299 : memref<32x64xi32, #tpu.memory_space<hbm>>) target(%arg8 : memref<32x64xi32, #tpu.memory_space<vmem>>) target_semaphore(%arg15 : memref<!tpu.dma_semaphore, #tpu.memory_space<semaphore_mem>>)
    %dma_wait3A_300 = arith.constant 0 : i32
    %dma_wait3A_301 = tpu.memref_slice %arg3[%mul3A_4, %dma_wait3A_300] : memref<5120x64xi32, #tpu.memory_space<hbm>> -> memref<32x64xi32, #tpu.memory_space<hbm>>
    %dma_wait3A_302 = arith.constant 0 : i32
    %dma_wait3A_303 = tpu.memref_slice %arg3[%mul3A_4, %dma_wait3A_302] : memref<5120x64xi32, #tpu.memory_space<hbm>> -> memref<32x64xi32, #tpu.memory_space<hbm>>
    tpu.wait_dma2 semaphore(%arg16 : memref<!tpu.dma_semaphore, #tpu.memory_space<semaphore_mem>>) src(%dma_wait3A_303 : memref<32x64xi32, #tpu.memory_space<hbm>>) dst(%arg7 : memref<32x64xi32, #tpu.memory_space<vmem>>)
    %dma_wait3A_304 = arith.constant 0 : i32
    %dma_wait3A_305 = tpu.memref_slice %arg4[%mul3A_4, %dma_wait3A_304] : memref<5120x64xi32, #tpu.memory_space<hbm>> -> memref<32x64xi32, #tpu.memory_space<hbm>>
    %dma_wait3A_306 = arith.constant 0 : i32
    %dma_wait3A_307 = tpu.memref_slice %arg4[%mul3A_4, %dma_wait3A_306] : memref<5120x64xi32, #tpu.memory_space<hbm>> -> memref<32x64xi32, #tpu.memory_space<hbm>>
    tpu.wait_dma2 semaphore(%arg16 : memref<!tpu.dma_semaphore, #tpu.memory_space<semaphore_mem>>) src(%dma_wait3A_307 : memref<32x64xi32, #tpu.memory_space<hbm>>) dst(%arg9 : memref<32x64xi32, #tpu.memory_space<vmem>>)
    %sub3A_308 = arith.constant 96 : i32
    %sub3A_309 = arith.subi %min3A, %sub3A_308 : i32
    %jit3A_310 = arith.constant 0 : i32
    %jit3A_311 = arith.constant 32 : i32
    %max3A_312 = arith.maxsi %jit3A_310, %sub3A_309 : i32
    %min3A_313 = arith.minsi %jit3A_311, %max3A_312 : i32
    %gt3A_314 = arith.constant 0 : i32
    %gt3A_315 = arith.cmpi sgt, %min3A_313, %gt3A_314 : i32
    %convert_element_type3A_316 = arith.extui %gt3A_315 : i1 to i32
    %cond3A_317 = arith.constant 0 : i32
    %cond3A_318 = arith.cmpi ne, %convert_element_type3A_316, %cond3A_317 : i32
    scf.if %cond3A_318 {
      %dma_start3A_384 = arith.constant 0 : i32
      %dma_start3A_385 = arith.constant 0 : i32
      %dma_start3A_386 = tpu.memref_slice %arg7[%dma_start3A_384, %dma_start3A_385] : memref<32x64xi32, #tpu.memory_space<vmem>> -> memref<1x64xi32, #tpu.memory_space<vmem>>
      %dma_start3A_387 = tpu.memref_squeeze %dma_start3A_386 : memref<1x64xi32, #tpu.memory_space<vmem>> -> memref<64xi32, #tpu.memory_space<vmem>>
      %dma_start3A_388 = arith.constant 0 : i32
      %dma_start3A_389 = arith.constant 0 : i32
      %dma_start3A_390 = tpu.memref_slice %arg2[%dma_start3A_388, %dma_start3A_389] : memref<10000x128xf32, #tpu.memory_space<hbm>> -> memref<10000x128xf32, #tpu.memory_space<hbm>>
      tpu.enqueue_indirect_dma source(%dma_start3A_390 : memref<10000x128xf32, #tpu.memory_space<hbm>>) target(%arg10 : memref<64x128xf32, #tpu.memory_space<vmem>>) offsets(%dma_start3A_387 : memref<64xi32, #tpu.memory_space<vmem>>) semaphore(%arg17 : memref<!tpu.dma_semaphore, #tpu.memory_space<semaphore_mem>>)
    } else {
    }
    %gt3A_319 = arith.constant 1 : i32
    %gt3A_320 = arith.cmpi sgt, %min3A_313, %gt3A_319 : i32
    %convert_element_type3A_321 = arith.extui %gt3A_320 : i1 to i32
    %cond3A_322 = arith.constant 0 : i32
    %cond3A_323 = arith.cmpi ne, %convert_element_type3A_321, %cond3A_322 : i32
    scf.if %cond3A_323 {
      %dma_start3A_384 = arith.constant 1 : i32
      %dma_start3A_385 = arith.constant 0 : i32
      %dma_start3A_386 = tpu.memref_slice %arg7[%dma_start3A_384, %dma_start3A_385] : memref<32x64xi32, #tpu.memory_space<vmem>> -> memref<1x64xi32, #tpu.memory_space<vmem>>
      %dma_start3A_387 = tpu.memref_squeeze %dma_start3A_386 : memref<1x64xi32, #tpu.memory_space<vmem>> -> memref<64xi32, #tpu.memory_space<vmem>>
      %dma_start3A_388 = arith.constant 0 : i32
      %dma_start3A_389 = arith.constant 0 : i32
      %dma_start3A_390 = tpu.memref_slice %arg2[%dma_start3A_388, %dma_start3A_389] : memref<10000x128xf32, #tpu.memory_space<hbm>> -> memref<10000x128xf32, #tpu.memory_space<hbm>>
      tpu.enqueue_indirect_dma source(%dma_start3A_390 : memref<10000x128xf32, #tpu.memory_space<hbm>>) target(%arg11 : memref<64x128xf32, #tpu.memory_space<vmem>>) offsets(%dma_start3A_387 : memref<64xi32, #tpu.memory_space<vmem>>) semaphore(%arg18 : memref<!tpu.dma_semaphore, #tpu.memory_space<semaphore_mem>>)
    } else {
    }
    %gt3A_324 = arith.constant 2 : i32
    %gt3A_325 = arith.cmpi sgt, %min3A_313, %gt3A_324 : i32
    %convert_element_type3A_326 = arith.extui %gt3A_325 : i1 to i32
    %cond3A_327 = arith.constant 0 : i32
    %cond3A_328 = arith.cmpi ne, %convert_element_type3A_326, %cond3A_327 : i32
    scf.if %cond3A_328 {
      %dma_start3A_384 = arith.constant 2 : i32
      %dma_start3A_385 = arith.constant 0 : i32
      %dma_start3A_386 = tpu.memref_slice %arg7[%dma_start3A_384, %dma_start3A_385] : memref<32x64xi32, #tpu.memory_space<vmem>> -> memref<1x64xi32, #tpu.memory_space<vmem>>
      %dma_start3A_387 = tpu.memref_squeeze %dma_start3A_386 : memref<1x64xi32, #tpu.memory_space<vmem>> -> memref<64xi32, #tpu.memory_space<vmem>>
      %dma_start3A_388 = arith.constant 0 : i32
      %dma_start3A_389 = arith.constant 0 : i32
      %dma_start3A_390 = tpu.memref_slice %arg2[%dma_start3A_388, %dma_start3A_389] : memref<10000x128xf32, #tpu.memory_space<hbm>> -> memref<10000x128xf32, #tpu.memory_space<hbm>>
      tpu.enqueue_indirect_dma source(%dma_start3A_390 : memref<10000x128xf32, #tpu.memory_space<hbm>>) target(%arg12 : memref<64x128xf32, #tpu.memory_space<vmem>>) offsets(%dma_start3A_387 : memref<64xi32, #tpu.memory_space<vmem>>) semaphore(%arg19 : memref<!tpu.dma_semaphore, #tpu.memory_space<semaphore_mem>>)
    } else {
    }
    %gt3A_329 = arith.constant 3 : i32
    %gt3A_330 = arith.cmpi sgt, %min3A_313, %gt3A_329 : i32
    %convert_element_type3A_331 = arith.extui %gt3A_330 : i1 to i32
    %cond3A_332 = arith.constant 0 : i32
    %cond3A_333 = arith.cmpi ne, %convert_element_type3A_331, %cond3A_332 : i32
    scf.if %cond3A_333 {
      %dma_start3A_384 = arith.constant 3 : i32
      %dma_start3A_385 = arith.constant 0 : i32
      %dma_start3A_386 = tpu.memref_slice %arg7[%dma_start3A_384, %dma_start3A_385] : memref<32x64xi32, #tpu.memory_space<vmem>> -> memref<1x64xi32, #tpu.memory_space<vmem>>
      %dma_start3A_387 = tpu.memref_squeeze %dma_start3A_386 : memref<1x64xi32, #tpu.memory_space<vmem>> -> memref<64xi32, #tpu.memory_space<vmem>>
      %dma_start3A_388 = arith.constant 0 : i32
      %dma_start3A_389 = arith.constant 0 : i32
      %dma_start3A_390 = tpu.memref_slice %arg2[%dma_start3A_388, %dma_start3A_389] : memref<10000x128xf32, #tpu.memory_space<hbm>> -> memref<10000x128xf32, #tpu.memory_space<hbm>>
      tpu.enqueue_indirect_dma source(%dma_start3A_390 : memref<10000x128xf32, #tpu.memory_space<hbm>>) target(%arg13 : memref<64x128xf32, #tpu.memory_space<vmem>>) offsets(%dma_start3A_387 : memref<64xi32, #tpu.memory_space<vmem>>) semaphore(%arg20 : memref<!tpu.dma_semaphore, #tpu.memory_space<semaphore_mem>>)
    } else {
    }
    %scan3A_334 = arith.constant 0 : i32
    %scan3A_335 = arith.constant 0 : i32
    %scan3A_336 = arith.constant 8 : i32
    %scan3A_337 = arith.addi %scan3A_335, %scan3A_336 : i32
    %scan3A_338 = arith.constant 1 : i32
    scf.for %scan3A_384 = %scan3A_335 to %scan3A_337 step %scan3A_338  : i32 {
      %mul3A_385 = arith.constant 4 : i32
      %mul3A_386 = arith.muli %scan3A_384, %mul3A_385 : i32
      %add3A_387 = arith.constant 0 : i32
      %add3A_388 = arith.addi %mul3A_386, %add3A_387 : i32
      %lt3A = arith.cmpi slt, %add3A_388, %min3A_313 : i32
      %convert_element_type3A_389 = arith.extui %lt3A : i1 to i32
      %cond3A_390 = arith.constant 0 : i32
      %cond3A_391 = arith.cmpi ne, %convert_element_type3A_389, %cond3A_390 : i32
      scf.if %cond3A_391 {
        %dma_wait3A_416 = arith.constant 0 : i32
        %dma_wait3A_417 = tpu.memref_slice %arg7[%add3A_388, %dma_wait3A_416] : memref<32x64xi32, #tpu.memory_space<vmem>> -> memref<1x64xi32, #tpu.memory_space<vmem>>
        %dma_wait3A_418 = tpu.memref_squeeze %dma_wait3A_417 : memref<1x64xi32, #tpu.memory_space<vmem>> -> memref<64xi32, #tpu.memory_space<vmem>>
        %dma_wait3A_419 = arith.constant 0 : i32
        %dma_wait3A_420 = arith.constant 0 : i32
        %dma_wait3A_421 = tpu.memref_slice %arg2[%dma_wait3A_419, %dma_wait3A_420] : memref<10000x128xf32, #tpu.memory_space<hbm>> -> memref<10000x128xf32, #tpu.memory_space<hbm>>
        tpu.wait_indirect_dma semaphore(%arg17 : memref<!tpu.dma_semaphore, #tpu.memory_space<semaphore_mem>>) src(%dma_wait3A_421 : memref<10000x128xf32, #tpu.memory_space<hbm>>) dst(%arg10 : memref<64x128xf32, #tpu.memory_space<vmem>>)
        "tpu.region"() ({
          %run_scoped3A = tpu.sem_alloc : memref<!tpu.dma_semaphore, #tpu.memory_space<semaphore_mem>>
          %dma_start3A_428 = arith.constant 0 : i32
          %dma_start3A_429 = tpu.memref_slice %arg9[%add3A_388, %dma_start3A_428] : memref<32x64xi32, #tpu.memory_space<vmem>> -> memref<1x64xi32, #tpu.memory_space<vmem>>
          %dma_start3A_430 = tpu.memref_squeeze %dma_start3A_429 : memref<1x64xi32, #tpu.memory_space<vmem>> -> memref<64xi32, #tpu.memory_space<vmem>>
          %dma_start3A_431 = arith.constant 0 : i32
          %dma_start3A_432 = arith.constant 0 : i32
          %dma_start3A_433 = tpu.memref_slice %arg14[%dma_start3A_431, %dma_start3A_432] : memref<10112x128xf32, #tpu.memory_space<vmem_shared>> -> memref<10112x128xf32, #tpu.memory_space<vmem_shared>>
          tpu.enqueue_indirect_dma source(%arg10 : memref<64x128xf32, #tpu.memory_space<vmem>>) target(%dma_start3A_433 : memref<10112x128xf32, #tpu.memory_space<vmem_shared>>) offsets(%dma_start3A_430 : memref<64xi32, #tpu.memory_space<vmem>>) semaphore(%run_scoped3A : memref<!tpu.dma_semaphore, #tpu.memory_space<semaphore_mem>>) {add = true}
          %dma_wait3A_434 = arith.constant 0 : i32
          %dma_wait3A_435 = tpu.memref_slice %arg9[%add3A_388, %dma_wait3A_434] : memref<32x64xi32, #tpu.memory_space<vmem>> -> memref<1x64xi32, #tpu.memory_space<vmem>>
          %dma_wait3A_436 = tpu.memref_squeeze %dma_wait3A_435 : memref<1x64xi32, #tpu.memory_space<vmem>> -> memref<64xi32, #tpu.memory_space<vmem>>
          %dma_wait3A_437 = arith.constant 0 : i32
          %dma_wait3A_438 = arith.constant 0 : i32
          %dma_wait3A_439 = tpu.memref_slice %arg14[%dma_wait3A_437, %dma_wait3A_438] : memref<10112x128xf32, #tpu.memory_space<vmem_shared>> -> memref<10112x128xf32, #tpu.memory_space<vmem_shared>>
          tpu.wait_indirect_dma semaphore(%run_scoped3A : memref<!tpu.dma_semaphore, #tpu.memory_space<semaphore_mem>>) src(%arg10 : memref<64x128xf32, #tpu.memory_space<vmem>>) dst(%dma_wait3A_439 : memref<10112x128xf32, #tpu.memory_space<vmem_shared>>)
          tpu.yield
        }) : () -> ()
        %add3A_422 = arith.constant 4 : i32
        %add3A_423 = arith.addi %add3A_388, %add3A_422 : i32
        %lt3A_424 = arith.cmpi slt, %add3A_423, %min3A_313 : i32
        %convert_element_type3A_425 = arith.extui %lt3A_424 : i1 to i32
        %cond3A_426 = arith.constant 0 : i32
        %cond3A_427 = arith.cmpi ne, %convert_element_type3A_425, %cond3A_426 : i32
        scf.if %cond3A_427 {
          %add3A_428 = arith.constant 4 : i32
          %add3A_429 = arith.addi %add3A_388, %add3A_428 : i32
          %dma_start3A_430 = arith.constant 0 : i32
          %dma_start3A_431 = tpu.memref_slice %arg7[%add3A_429, %dma_start3A_430] : memref<32x64xi32, #tpu.memory_space<vmem>> -> memref<1x64xi32, #tpu.memory_space<vmem>>
          %dma_start3A_432 = tpu.memref_squeeze %dma_start3A_431 : memref<1x64xi32, #tpu.memory_space<vmem>> -> memref<64xi32, #tpu.memory_space<vmem>>
          %dma_start3A_433 = arith.constant 0 : i32
          %dma_start3A_434 = arith.constant 0 : i32
          %dma_start3A_435 = tpu.memref_slice %arg2[%dma_start3A_433, %dma_start3A_434] : memref<10000x128xf32, #tpu.memory_space<hbm>> -> memref<10000x128xf32, #tpu.memory_space<hbm>>
          tpu.enqueue_indirect_dma source(%dma_start3A_435 : memref<10000x128xf32, #tpu.memory_space<hbm>>) target(%arg10 : memref<64x128xf32, #tpu.memory_space<vmem>>) offsets(%dma_start3A_432 : memref<64xi32, #tpu.memory_space<vmem>>) semaphore(%arg17 : memref<!tpu.dma_semaphore, #tpu.memory_space<semaphore_mem>>)
        } else {
        }
      } else {
      }
      %mul3A_392 = arith.constant 4 : i32
      %mul3A_393 = arith.muli %scan3A_384, %mul3A_392 : i32
      %add3A_394 = arith.constant 1 : i32
      %add3A_395 = arith.addi %mul3A_393, %add3A_394 : i32
      %lt3A_396 = arith.cmpi slt, %add3A_395, %min3A_313 : i32
      %convert_element_type3A_397 = arith.extui %lt3A_396 : i1 to i32
      %cond3A_398 = arith.constant 0 : i32
      %cond3A_399 = arith.cmpi ne, %convert_element_type3A_397, %cond3A_398 : i32
      scf.if %cond3A_399 {
        %dma_wait3A_416 = arith.constant 0 : i32
        %dma_wait3A_417 = tpu.memref_slice %arg7[%add3A_395, %dma_wait3A_416] : memref<32x64xi32, #tpu.memory_space<vmem>> -> memref<1x64xi32, #tpu.memory_space<vmem>>
        %dma_wait3A_418 = tpu.memref_squeeze %dma_wait3A_417 : memref<1x64xi32, #tpu.memory_space<vmem>> -> memref<64xi32, #tpu.memory_space<vmem>>
        %dma_wait3A_419 = arith.constant 0 : i32
        %dma_wait3A_420 = arith.constant 0 : i32
        %dma_wait3A_421 = tpu.memref_slice %arg2[%dma_wait3A_419, %dma_wait3A_420] : memref<10000x128xf32, #tpu.memory_space<hbm>> -> memref<10000x128xf32, #tpu.memory_space<hbm>>
        tpu.wait_indirect_dma semaphore(%arg18 : memref<!tpu.dma_semaphore, #tpu.memory_space<semaphore_mem>>) src(%dma_wait3A_421 : memref<10000x128xf32, #tpu.memory_space<hbm>>) dst(%arg11 : memref<64x128xf32, #tpu.memory_space<vmem>>)
        "tpu.region"() ({
          %run_scoped3A = tpu.sem_alloc : memref<!tpu.dma_semaphore, #tpu.memory_space<semaphore_mem>>
          %dma_start3A_428 = arith.constant 0 : i32
          %dma_start3A_429 = tpu.memref_slice %arg9[%add3A_395, %dma_start3A_428] : memref<32x64xi32, #tpu.memory_space<vmem>> -> memref<1x64xi32, #tpu.memory_space<vmem>>
          %dma_start3A_430 = tpu.memref_squeeze %dma_start3A_429 : memref<1x64xi32, #tpu.memory_space<vmem>> -> memref<64xi32, #tpu.memory_space<vmem>>
          %dma_start3A_431 = arith.constant 0 : i32
          %dma_start3A_432 = arith.constant 0 : i32
          %dma_start3A_433 = tpu.memref_slice %arg14[%dma_start3A_431, %dma_start3A_432] : memref<10112x128xf32, #tpu.memory_space<vmem_shared>> -> memref<10112x128xf32, #tpu.memory_space<vmem_shared>>
          tpu.enqueue_indirect_dma source(%arg11 : memref<64x128xf32, #tpu.memory_space<vmem>>) target(%dma_start3A_433 : memref<10112x128xf32, #tpu.memory_space<vmem_shared>>) offsets(%dma_start3A_430 : memref<64xi32, #tpu.memory_space<vmem>>) semaphore(%run_scoped3A : memref<!tpu.dma_semaphore, #tpu.memory_space<semaphore_mem>>) {add = true}
          %dma_wait3A_434 = arith.constant 0 : i32
          %dma_wait3A_435 = tpu.memref_slice %arg9[%add3A_395, %dma_wait3A_434] : memref<32x64xi32, #tpu.memory_space<vmem>> -> memref<1x64xi32, #tpu.memory_space<vmem>>
          %dma_wait3A_436 = tpu.memref_squeeze %dma_wait3A_435 : memref<1x64xi32, #tpu.memory_space<vmem>> -> memref<64xi32, #tpu.memory_space<vmem>>
          %dma_wait3A_437 = arith.constant 0 : i32
          %dma_wait3A_438 = arith.constant 0 : i32
          %dma_wait3A_439 = tpu.memref_slice %arg14[%dma_wait3A_437, %dma_wait3A_438] : memref<10112x128xf32, #tpu.memory_space<vmem_shared>> -> memref<10112x128xf32, #tpu.memory_space<vmem_shared>>
          tpu.wait_indirect_dma semaphore(%run_scoped3A : memref<!tpu.dma_semaphore, #tpu.memory_space<semaphore_mem>>) src(%arg11 : memref<64x128xf32, #tpu.memory_space<vmem>>) dst(%dma_wait3A_439 : memref<10112x128xf32, #tpu.memory_space<vmem_shared>>)
          tpu.yield
        }) : () -> ()
        %add3A_422 = arith.constant 4 : i32
        %add3A_423 = arith.addi %add3A_395, %add3A_422 : i32
        %lt3A_424 = arith.cmpi slt, %add3A_423, %min3A_313 : i32
        %convert_element_type3A_425 = arith.extui %lt3A_424 : i1 to i32
        %cond3A_426 = arith.constant 0 : i32
        %cond3A_427 = arith.cmpi ne, %convert_element_type3A_425, %cond3A_426 : i32
        scf.if %cond3A_427 {
          %add3A_428 = arith.constant 4 : i32
          %add3A_429 = arith.addi %add3A_395, %add3A_428 : i32
          %dma_start3A_430 = arith.constant 0 : i32
          %dma_start3A_431 = tpu.memref_slice %arg7[%add3A_429, %dma_start3A_430] : memref<32x64xi32, #tpu.memory_space<vmem>> -> memref<1x64xi32, #tpu.memory_space<vmem>>
          %dma_start3A_432 = tpu.memref_squeeze %dma_start3A_431 : memref<1x64xi32, #tpu.memory_space<vmem>> -> memref<64xi32, #tpu.memory_space<vmem>>
          %dma_start3A_433 = arith.constant 0 : i32
          %dma_start3A_434 = arith.constant 0 : i32
          %dma_start3A_435 = tpu.memref_slice %arg2[%dma_start3A_433, %dma_start3A_434] : memref<10000x128xf32, #tpu.memory_space<hbm>> -> memref<10000x128xf32, #tpu.memory_space<hbm>>
          tpu.enqueue_indirect_dma source(%dma_start3A_435 : memref<10000x128xf32, #tpu.memory_space<hbm>>) target(%arg11 : memref<64x128xf32, #tpu.memory_space<vmem>>) offsets(%dma_start3A_432 : memref<64xi32, #tpu.memory_space<vmem>>) semaphore(%arg18 : memref<!tpu.dma_semaphore, #tpu.memory_space<semaphore_mem>>)
        } else {
        }
      } else {
      }
      %mul3A_400 = arith.constant 4 : i32
      %mul3A_401 = arith.muli %scan3A_384, %mul3A_400 : i32
      %add3A_402 = arith.constant 2 : i32
      %add3A_403 = arith.addi %mul3A_401, %add3A_402 : i32
      %lt3A_404 = arith.cmpi slt, %add3A_403, %min3A_313 : i32
      %convert_element_type3A_405 = arith.extui %lt3A_404 : i1 to i32
      %cond3A_406 = arith.constant 0 : i32
      %cond3A_407 = arith.cmpi ne, %convert_element_type3A_405, %cond3A_406 : i32
      scf.if %cond3A_407 {
        %dma_wait3A_416 = arith.constant 0 : i32
        %dma_wait3A_417 = tpu.memref_slice %arg7[%add3A_403, %dma_wait3A_416] : memref<32x64xi32, #tpu.memory_space<vmem>> -> memref<1x64xi32, #tpu.memory_space<vmem>>
        %dma_wait3A_418 = tpu.memref_squeeze %dma_wait3A_417 : memref<1x64xi32, #tpu.memory_space<vmem>> -> memref<64xi32, #tpu.memory_space<vmem>>
        %dma_wait3A_419 = arith.constant 0 : i32
        %dma_wait3A_420 = arith.constant 0 : i32
        %dma_wait3A_421 = tpu.memref_slice %arg2[%dma_wait3A_419, %dma_wait3A_420] : memref<10000x128xf32, #tpu.memory_space<hbm>> -> memref<10000x128xf32, #tpu.memory_space<hbm>>
        tpu.wait_indirect_dma semaphore(%arg19 : memref<!tpu.dma_semaphore, #tpu.memory_space<semaphore_mem>>) src(%dma_wait3A_421 : memref<10000x128xf32, #tpu.memory_space<hbm>>) dst(%arg12 : memref<64x128xf32, #tpu.memory_space<vmem>>)
        "tpu.region"() ({
          %run_scoped3A = tpu.sem_alloc : memref<!tpu.dma_semaphore, #tpu.memory_space<semaphore_mem>>
          %dma_start3A_428 = arith.constant 0 : i32
          %dma_start3A_429 = tpu.memref_slice %arg9[%add3A_403, %dma_start3A_428] : memref<32x64xi32, #tpu.memory_space<vmem>> -> memref<1x64xi32, #tpu.memory_space<vmem>>
          %dma_start3A_430 = tpu.memref_squeeze %dma_start3A_429 : memref<1x64xi32, #tpu.memory_space<vmem>> -> memref<64xi32, #tpu.memory_space<vmem>>
          %dma_start3A_431 = arith.constant 0 : i32
          %dma_start3A_432 = arith.constant 0 : i32
          %dma_start3A_433 = tpu.memref_slice %arg14[%dma_start3A_431, %dma_start3A_432] : memref<10112x128xf32, #tpu.memory_space<vmem_shared>> -> memref<10112x128xf32, #tpu.memory_space<vmem_shared>>
          tpu.enqueue_indirect_dma source(%arg12 : memref<64x128xf32, #tpu.memory_space<vmem>>) target(%dma_start3A_433 : memref<10112x128xf32, #tpu.memory_space<vmem_shared>>) offsets(%dma_start3A_430 : memref<64xi32, #tpu.memory_space<vmem>>) semaphore(%run_scoped3A : memref<!tpu.dma_semaphore, #tpu.memory_space<semaphore_mem>>) {add = true}
          %dma_wait3A_434 = arith.constant 0 : i32
          %dma_wait3A_435 = tpu.memref_slice %arg9[%add3A_403, %dma_wait3A_434] : memref<32x64xi32, #tpu.memory_space<vmem>> -> memref<1x64xi32, #tpu.memory_space<vmem>>
          %dma_wait3A_436 = tpu.memref_squeeze %dma_wait3A_435 : memref<1x64xi32, #tpu.memory_space<vmem>> -> memref<64xi32, #tpu.memory_space<vmem>>
          %dma_wait3A_437 = arith.constant 0 : i32
          %dma_wait3A_438 = arith.constant 0 : i32
          %dma_wait3A_439 = tpu.memref_slice %arg14[%dma_wait3A_437, %dma_wait3A_438] : memref<10112x128xf32, #tpu.memory_space<vmem_shared>> -> memref<10112x128xf32, #tpu.memory_space<vmem_shared>>
          tpu.wait_indirect_dma semaphore(%run_scoped3A : memref<!tpu.dma_semaphore, #tpu.memory_space<semaphore_mem>>) src(%arg12 : memref<64x128xf32, #tpu.memory_space<vmem>>) dst(%dma_wait3A_439 : memref<10112x128xf32, #tpu.memory_space<vmem_shared>>)
          tpu.yield
        }) : () -> ()
        %add3A_422 = arith.constant 4 : i32
        %add3A_423 = arith.addi %add3A_403, %add3A_422 : i32
        %lt3A_424 = arith.cmpi slt, %add3A_423, %min3A_313 : i32
        %convert_element_type3A_425 = arith.extui %lt3A_424 : i1 to i32
        %cond3A_426 = arith.constant 0 : i32
        %cond3A_427 = arith.cmpi ne, %convert_element_type3A_425, %cond3A_426 : i32
        scf.if %cond3A_427 {
          %add3A_428 = arith.constant 4 : i32
          %add3A_429 = arith.addi %add3A_403, %add3A_428 : i32
          %dma_start3A_430 = arith.constant 0 : i32
          %dma_start3A_431 = tpu.memref_slice %arg7[%add3A_429, %dma_start3A_430] : memref<32x64xi32, #tpu.memory_space<vmem>> -> memref<1x64xi32, #tpu.memory_space<vmem>>
          %dma_start3A_432 = tpu.memref_squeeze %dma_start3A_431 : memref<1x64xi32, #tpu.memory_space<vmem>> -> memref<64xi32, #tpu.memory_space<vmem>>
          %dma_start3A_433 = arith.constant 0 : i32
          %dma_start3A_434 = arith.constant 0 : i32
          %dma_start3A_435 = tpu.memref_slice %arg2[%dma_start3A_433, %dma_start3A_434] : memref<10000x128xf32, #tpu.memory_space<hbm>> -> memref<10000x128xf32, #tpu.memory_space<hbm>>
          tpu.enqueue_indirect_dma source(%dma_start3A_435 : memref<10000x128xf32, #tpu.memory_space<hbm>>) target(%arg12 : memref<64x128xf32, #tpu.memory_space<vmem>>) offsets(%dma_start3A_432 : memref<64xi32, #tpu.memory_space<vmem>>) semaphore(%arg19 : memref<!tpu.dma_semaphore, #tpu.memory_space<semaphore_mem>>)
        } else {
        }
      } else {
      }
      %mul3A_408 = arith.constant 4 : i32
      %mul3A_409 = arith.muli %scan3A_384, %mul3A_408 : i32
      %add3A_410 = arith.constant 3 : i32
      %add3A_411 = arith.addi %mul3A_409, %add3A_410 : i32
      %lt3A_412 = arith.cmpi slt, %add3A_411, %min3A_313 : i32
      %convert_element_type3A_413 = arith.extui %lt3A_412 : i1 to i32
      %cond3A_414 = arith.constant 0 : i32
      %cond3A_415 = arith.cmpi ne, %convert_element_type3A_413, %cond3A_414 : i32
      scf.if %cond3A_415 {
        %dma_wait3A_416 = arith.constant 0 : i32
        %dma_wait3A_417 = tpu.memref_slice %arg7[%add3A_411, %dma_wait3A_416] : memref<32x64xi32, #tpu.memory_space<vmem>> -> memref<1x64xi32, #tpu.memory_space<vmem>>
        %dma_wait3A_418 = tpu.memref_squeeze %dma_wait3A_417 : memref<1x64xi32, #tpu.memory_space<vmem>> -> memref<64xi32, #tpu.memory_space<vmem>>
        %dma_wait3A_419 = arith.constant 0 : i32
        %dma_wait3A_420 = arith.constant 0 : i32
        %dma_wait3A_421 = tpu.memref_slice %arg2[%dma_wait3A_419, %dma_wait3A_420] : memref<10000x128xf32, #tpu.memory_space<hbm>> -> memref<10000x128xf32, #tpu.memory_space<hbm>>
        tpu.wait_indirect_dma semaphore(%arg20 : memref<!tpu.dma_semaphore, #tpu.memory_space<semaphore_mem>>) src(%dma_wait3A_421 : memref<10000x128xf32, #tpu.memory_space<hbm>>) dst(%arg13 : memref<64x128xf32, #tpu.memory_space<vmem>>)
        "tpu.region"() ({
          %run_scoped3A = tpu.sem_alloc : memref<!tpu.dma_semaphore, #tpu.memory_space<semaphore_mem>>
          %dma_start3A_428 = arith.constant 0 : i32
          %dma_start3A_429 = tpu.memref_slice %arg9[%add3A_411, %dma_start3A_428] : memref<32x64xi32, #tpu.memory_space<vmem>> -> memref<1x64xi32, #tpu.memory_space<vmem>>
          %dma_start3A_430 = tpu.memref_squeeze %dma_start3A_429 : memref<1x64xi32, #tpu.memory_space<vmem>> -> memref<64xi32, #tpu.memory_space<vmem>>
          %dma_start3A_431 = arith.constant 0 : i32
          %dma_start3A_432 = arith.constant 0 : i32
          %dma_start3A_433 = tpu.memref_slice %arg14[%dma_start3A_431, %dma_start3A_432] : memref<10112x128xf32, #tpu.memory_space<vmem_shared>> -> memref<10112x128xf32, #tpu.memory_space<vmem_shared>>
          tpu.enqueue_indirect_dma source(%arg13 : memref<64x128xf32, #tpu.memory_space<vmem>>) target(%dma_start3A_433 : memref<10112x128xf32, #tpu.memory_space<vmem_shared>>) offsets(%dma_start3A_430 : memref<64xi32, #tpu.memory_space<vmem>>) semaphore(%run_scoped3A : memref<!tpu.dma_semaphore, #tpu.memory_space<semaphore_mem>>) {add = true}
          %dma_wait3A_434 = arith.constant 0 : i32
          %dma_wait3A_435 = tpu.memref_slice %arg9[%add3A_411, %dma_wait3A_434] : memref<32x64xi32, #tpu.memory_space<vmem>> -> memref<1x64xi32, #tpu.memory_space<vmem>>
          %dma_wait3A_436 = tpu.memref_squeeze %dma_wait3A_435 : memref<1x64xi32, #tpu.memory_space<vmem>> -> memref<64xi32, #tpu.memory_space<vmem>>
          %dma_wait3A_437 = arith.constant 0 : i32
          %dma_wait3A_438 = arith.constant 0 : i32
          %dma_wait3A_439 = tpu.memref_slice %arg14[%dma_wait3A_437, %dma_wait3A_438] : memref<10112x128xf32, #tpu.memory_space<vmem_shared>> -> memref<10112x128xf32, #tpu.memory_space<vmem_shared>>
          tpu.wait_indirect_dma semaphore(%run_scoped3A : memref<!tpu.dma_semaphore, #tpu.memory_space<semaphore_mem>>) src(%arg13 : memref<64x128xf32, #tpu.memory_space<vmem>>) dst(%dma_wait3A_439 : memref<10112x128xf32, #tpu.memory_space<vmem_shared>>)
          tpu.yield
        }) : () -> ()
        %add3A_422 = arith.constant 4 : i32
        %add3A_423 = arith.addi %add3A_411, %add3A_422 : i32
        %lt3A_424 = arith.cmpi slt, %add3A_423, %min3A_313 : i32
        %convert_element_type3A_425 = arith.extui %lt3A_424 : i1 to i32
        %cond3A_426 = arith.constant 0 : i32
        %cond3A_427 = arith.cmpi ne, %convert_element_type3A_425, %cond3A_426 : i32
        scf.if %cond3A_427 {
          %add3A_428 = arith.constant 4 : i32
          %add3A_429 = arith.addi %add3A_411, %add3A_428 : i32
          %dma_start3A_430 = arith.constant 0 : i32
          %dma_start3A_431 = tpu.memref_slice %arg7[%add3A_429, %dma_start3A_430] : memref<32x64xi32, #tpu.memory_space<vmem>> -> memref<1x64xi32, #tpu.memory_space<vmem>>
          %dma_start3A_432 = tpu.memref_squeeze %dma_start3A_431 : memref<1x64xi32, #tpu.memory_space<vmem>> -> memref<64xi32, #tpu.memory_space<vmem>>
          %dma_start3A_433 = arith.constant 0 : i32
          %dma_start3A_434 = arith.constant 0 : i32
          %dma_start3A_435 = tpu.memref_slice %arg2[%dma_start3A_433, %dma_start3A_434] : memref<10000x128xf32, #tpu.memory_space<hbm>> -> memref<10000x128xf32, #tpu.memory_space<hbm>>
          tpu.enqueue_indirect_dma source(%dma_start3A_435 : memref<10000x128xf32, #tpu.memory_space<hbm>>) target(%arg13 : memref<64x128xf32, #tpu.memory_space<vmem>>) offsets(%dma_start3A_432 : memref<64xi32, #tpu.memory_space<vmem>>) semaphore(%arg20 : memref<!tpu.dma_semaphore, #tpu.memory_space<semaphore_mem>>)
        } else {
        }
      } else {
      }
    }
    %scan3A_339 = arith.constant 8 : i32
    %dma_wait3A_340 = arith.constant 0 : i32
    %dma_wait3A_341 = tpu.memref_slice %arg3[%mul3A_4, %dma_wait3A_340] : memref<5120x64xi32, #tpu.memory_space<hbm>> -> memref<32x64xi32, #tpu.memory_space<hbm>>
    %dma_wait3A_342 = arith.constant 0 : i32
    %dma_wait3A_343 = tpu.memref_slice %arg3[%mul3A_4, %dma_wait3A_342] : memref<5120x64xi32, #tpu.memory_space<hbm>> -> memref<32x64xi32, #tpu.memory_space<hbm>>
    tpu.wait_dma2 semaphore(%arg15 : memref<!tpu.dma_semaphore, #tpu.memory_space<semaphore_mem>>) src(%dma_wait3A_343 : memref<32x64xi32, #tpu.memory_space<hbm>>) dst(%arg6 : memref<32x64xi32, #tpu.memory_space<vmem>>)
    %dma_wait3A_344 = arith.constant 0 : i32
    %dma_wait3A_345 = tpu.memref_slice %arg4[%mul3A_4, %dma_wait3A_344] : memref<5120x64xi32, #tpu.memory_space<hbm>> -> memref<32x64xi32, #tpu.memory_space<hbm>>
    %dma_wait3A_346 = arith.constant 0 : i32
    %dma_wait3A_347 = tpu.memref_slice %arg4[%mul3A_4, %dma_wait3A_346] : memref<5120x64xi32, #tpu.memory_space<hbm>> -> memref<32x64xi32, #tpu.memory_space<hbm>>
    tpu.wait_dma2 semaphore(%arg15 : memref<!tpu.dma_semaphore, #tpu.memory_space<semaphore_mem>>) src(%dma_wait3A_347 : memref<32x64xi32, #tpu.memory_space<hbm>>) dst(%arg8 : memref<32x64xi32, #tpu.memory_space<vmem>>)
    %sub3A_348 = arith.constant 128 : i32
    %sub3A_349 = arith.subi %min3A, %sub3A_348 : i32
    %jit3A_350 = arith.constant 0 : i32
    %jit3A_351 = arith.constant 32 : i32
    %max3A_352 = arith.maxsi %jit3A_350, %sub3A_349 : i32
    %min3A_353 = arith.minsi %jit3A_351, %max3A_352 : i32
    %gt3A_354 = arith.constant 0 : i32
    %gt3A_355 = arith.cmpi sgt, %min3A_353, %gt3A_354 : i32
    %convert_element_type3A_356 = arith.extui %gt3A_355 : i1 to i32
    %cond3A_357 = arith.constant 0 : i32
    %cond3A_358 = arith.cmpi ne, %convert_element_type3A_356, %cond3A_357 : i32
    scf.if %cond3A_358 {
      %dma_start3A_384 = arith.constant 0 : i32
      %dma_start3A_385 = arith.constant 0 : i32
      %dma_start3A_386 = tpu.memref_slice %arg6[%dma_start3A_384, %dma_start3A_385] : memref<32x64xi32, #tpu.memory_space<vmem>> -> memref<1x64xi32, #tpu.memory_space<vmem>>
      %dma_start3A_387 = tpu.memref_squeeze %dma_start3A_386 : memref<1x64xi32, #tpu.memory_space<vmem>> -> memref<64xi32, #tpu.memory_space<vmem>>
      %dma_start3A_388 = arith.constant 0 : i32
      %dma_start3A_389 = arith.constant 0 : i32
      %dma_start3A_390 = tpu.memref_slice %arg2[%dma_start3A_388, %dma_start3A_389] : memref<10000x128xf32, #tpu.memory_space<hbm>> -> memref<10000x128xf32, #tpu.memory_space<hbm>>
      tpu.enqueue_indirect_dma source(%dma_start3A_390 : memref<10000x128xf32, #tpu.memory_space<hbm>>) target(%arg10 : memref<64x128xf32, #tpu.memory_space<vmem>>) offsets(%dma_start3A_387 : memref<64xi32, #tpu.memory_space<vmem>>) semaphore(%arg17 : memref<!tpu.dma_semaphore, #tpu.memory_space<semaphore_mem>>)
    } else {
    }
    %gt3A_359 = arith.constant 1 : i32
    %gt3A_360 = arith.cmpi sgt, %min3A_353, %gt3A_359 : i32
    %convert_element_type3A_361 = arith.extui %gt3A_360 : i1 to i32
    %cond3A_362 = arith.constant 0 : i32
    %cond3A_363 = arith.cmpi ne, %convert_element_type3A_361, %cond3A_362 : i32
    scf.if %cond3A_363 {
      %dma_start3A_384 = arith.constant 1 : i32
      %dma_start3A_385 = arith.constant 0 : i32
      %dma_start3A_386 = tpu.memref_slice %arg6[%dma_start3A_384, %dma_start3A_385] : memref<32x64xi32, #tpu.memory_space<vmem>> -> memref<1x64xi32, #tpu.memory_space<vmem>>
      %dma_start3A_387 = tpu.memref_squeeze %dma_start3A_386 : memref<1x64xi32, #tpu.memory_space<vmem>> -> memref<64xi32, #tpu.memory_space<vmem>>
      %dma_start3A_388 = arith.constant 0 : i32
      %dma_start3A_389 = arith.constant 0 : i32
      %dma_start3A_390 = tpu.memref_slice %arg2[%dma_start3A_388, %dma_start3A_389] : memref<10000x128xf32, #tpu.memory_space<hbm>> -> memref<10000x128xf32, #tpu.memory_space<hbm>>
      tpu.enqueue_indirect_dma source(%dma_start3A_390 : memref<10000x128xf32, #tpu.memory_space<hbm>>) target(%arg11 : memref<64x128xf32, #tpu.memory_space<vmem>>) offsets(%dma_start3A_387 : memref<64xi32, #tpu.memory_space<vmem>>) semaphore(%arg18 : memref<!tpu.dma_semaphore, #tpu.memory_space<semaphore_mem>>)
    } else {
    }
    %gt3A_364 = arith.constant 2 : i32
    %gt3A_365 = arith.cmpi sgt, %min3A_353, %gt3A_364 : i32
    %convert_element_type3A_366 = arith.extui %gt3A_365 : i1 to i32
    %cond3A_367 = arith.constant 0 : i32
    %cond3A_368 = arith.cmpi ne, %convert_element_type3A_366, %cond3A_367 : i32
    scf.if %cond3A_368 {
      %dma_start3A_384 = arith.constant 2 : i32
      %dma_start3A_385 = arith.constant 0 : i32
      %dma_start3A_386 = tpu.memref_slice %arg6[%dma_start3A_384, %dma_start3A_385] : memref<32x64xi32, #tpu.memory_space<vmem>> -> memref<1x64xi32, #tpu.memory_space<vmem>>
      %dma_start3A_387 = tpu.memref_squeeze %dma_start3A_386 : memref<1x64xi32, #tpu.memory_space<vmem>> -> memref<64xi32, #tpu.memory_space<vmem>>
      %dma_start3A_388 = arith.constant 0 : i32
      %dma_start3A_389 = arith.constant 0 : i32
      %dma_start3A_390 = tpu.memref_slice %arg2[%dma_start3A_388, %dma_start3A_389] : memref<10000x128xf32, #tpu.memory_space<hbm>> -> memref<10000x128xf32, #tpu.memory_space<hbm>>
      tpu.enqueue_indirect_dma source(%dma_start3A_390 : memref<10000x128xf32, #tpu.memory_space<hbm>>) target(%arg12 : memref<64x128xf32, #tpu.memory_space<vmem>>) offsets(%dma_start3A_387 : memref<64xi32, #tpu.memory_space<vmem>>) semaphore(%arg19 : memref<!tpu.dma_semaphore, #tpu.memory_space<semaphore_mem>>)
    } else {
    }
    %gt3A_369 = arith.constant 3 : i32
    %gt3A_370 = arith.cmpi sgt, %min3A_353, %gt3A_369 : i32
    %convert_element_type3A_371 = arith.extui %gt3A_370 : i1 to i32
    %cond3A_372 = arith.constant 0 : i32
    %cond3A_373 = arith.cmpi ne, %convert_element_type3A_371, %cond3A_372 : i32
    scf.if %cond3A_373 {
      %dma_start3A_384 = arith.constant 3 : i32
      %dma_start3A_385 = arith.constant 0 : i32
      %dma_start3A_386 = tpu.memref_slice %arg6[%dma_start3A_384, %dma_start3A_385] : memref<32x64xi32, #tpu.memory_space<vmem>> -> memref<1x64xi32, #tpu.memory_space<vmem>>
      %dma_start3A_387 = tpu.memref_squeeze %dma_start3A_386 : memref<1x64xi32, #tpu.memory_space<vmem>> -> memref<64xi32, #tpu.memory_space<vmem>>
      %dma_start3A_388 = arith.constant 0 : i32
      %dma_start3A_389 = arith.constant 0 : i32
      %dma_start3A_390 = tpu.memref_slice %arg2[%dma_start3A_388, %dma_start3A_389] : memref<10000x128xf32, #tpu.memory_space<hbm>> -> memref<10000x128xf32, #tpu.memory_space<hbm>>
      tpu.enqueue_indirect_dma source(%dma_start3A_390 : memref<10000x128xf32, #tpu.memory_space<hbm>>) target(%arg13 : memref<64x128xf32, #tpu.memory_space<vmem>>) offsets(%dma_start3A_387 : memref<64xi32, #tpu.memory_space<vmem>>) semaphore(%arg20 : memref<!tpu.dma_semaphore, #tpu.memory_space<semaphore_mem>>)
    } else {
    }
    %scan3A_374 = arith.constant 0 : i32
    %scan3A_375 = arith.constant 0 : i32
    %scan3A_376 = arith.constant 8 : i32
    %scan3A_377 = arith.addi %scan3A_375, %scan3A_376 : i32
    %scan3A_378 = arith.constant 1 : i32
    scf.for %scan3A_384 = %scan3A_375 to %scan3A_377 step %scan3A_378  : i32 {
      %mul3A_385 = arith.constant 4 : i32
      %mul3A_386 = arith.muli %scan3A_384, %mul3A_385 : i32
      %add3A_387 = arith.constant 0 : i32
      %add3A_388 = arith.addi %mul3A_386, %add3A_387 : i32
      %lt3A = arith.cmpi slt, %add3A_388, %min3A_353 : i32
      %convert_element_type3A_389 = arith.extui %lt3A : i1 to i32
      %cond3A_390 = arith.constant 0 : i32
      %cond3A_391 = arith.cmpi ne, %convert_element_type3A_389, %cond3A_390 : i32
      scf.if %cond3A_391 {
        %dma_wait3A_416 = arith.constant 0 : i32
        %dma_wait3A_417 = tpu.memref_slice %arg6[%add3A_388, %dma_wait3A_416] : memref<32x64xi32, #tpu.memory_space<vmem>> -> memref<1x64xi32, #tpu.memory_space<vmem>>
        %dma_wait3A_418 = tpu.memref_squeeze %dma_wait3A_417 : memref<1x64xi32, #tpu.memory_space<vmem>> -> memref<64xi32, #tpu.memory_space<vmem>>
        %dma_wait3A_419 = arith.constant 0 : i32
        %dma_wait3A_420 = arith.constant 0 : i32
        %dma_wait3A_421 = tpu.memref_slice %arg2[%dma_wait3A_419, %dma_wait3A_420] : memref<10000x128xf32, #tpu.memory_space<hbm>> -> memref<10000x128xf32, #tpu.memory_space<hbm>>
        tpu.wait_indirect_dma semaphore(%arg17 : memref<!tpu.dma_semaphore, #tpu.memory_space<semaphore_mem>>) src(%dma_wait3A_421 : memref<10000x128xf32, #tpu.memory_space<hbm>>) dst(%arg10 : memref<64x128xf32, #tpu.memory_space<vmem>>)
        "tpu.region"() ({
          %run_scoped3A = tpu.sem_alloc : memref<!tpu.dma_semaphore, #tpu.memory_space<semaphore_mem>>
          %dma_start3A_428 = arith.constant 0 : i32
          %dma_start3A_429 = tpu.memref_slice %arg8[%add3A_388, %dma_start3A_428] : memref<32x64xi32, #tpu.memory_space<vmem>> -> memref<1x64xi32, #tpu.memory_space<vmem>>
          %dma_start3A_430 = tpu.memref_squeeze %dma_start3A_429 : memref<1x64xi32, #tpu.memory_space<vmem>> -> memref<64xi32, #tpu.memory_space<vmem>>
          %dma_start3A_431 = arith.constant 0 : i32
          %dma_start3A_432 = arith.constant 0 : i32
          %dma_start3A_433 = tpu.memref_slice %arg14[%dma_start3A_431, %dma_start3A_432] : memref<10112x128xf32, #tpu.memory_space<vmem_shared>> -> memref<10112x128xf32, #tpu.memory_space<vmem_shared>>
          tpu.enqueue_indirect_dma source(%arg10 : memref<64x128xf32, #tpu.memory_space<vmem>>) target(%dma_start3A_433 : memref<10112x128xf32, #tpu.memory_space<vmem_shared>>) offsets(%dma_start3A_430 : memref<64xi32, #tpu.memory_space<vmem>>) semaphore(%run_scoped3A : memref<!tpu.dma_semaphore, #tpu.memory_space<semaphore_mem>>) {add = true}
          %dma_wait3A_434 = arith.constant 0 : i32
          %dma_wait3A_435 = tpu.memref_slice %arg8[%add3A_388, %dma_wait3A_434] : memref<32x64xi32, #tpu.memory_space<vmem>> -> memref<1x64xi32, #tpu.memory_space<vmem>>
          %dma_wait3A_436 = tpu.memref_squeeze %dma_wait3A_435 : memref<1x64xi32, #tpu.memory_space<vmem>> -> memref<64xi32, #tpu.memory_space<vmem>>
          %dma_wait3A_437 = arith.constant 0 : i32
          %dma_wait3A_438 = arith.constant 0 : i32
          %dma_wait3A_439 = tpu.memref_slice %arg14[%dma_wait3A_437, %dma_wait3A_438] : memref<10112x128xf32, #tpu.memory_space<vmem_shared>> -> memref<10112x128xf32, #tpu.memory_space<vmem_shared>>
          tpu.wait_indirect_dma semaphore(%run_scoped3A : memref<!tpu.dma_semaphore, #tpu.memory_space<semaphore_mem>>) src(%arg10 : memref<64x128xf32, #tpu.memory_space<vmem>>) dst(%dma_wait3A_439 : memref<10112x128xf32, #tpu.memory_space<vmem_shared>>)
          tpu.yield
        }) : () -> ()
        %add3A_422 = arith.constant 4 : i32
        %add3A_423 = arith.addi %add3A_388, %add3A_422 : i32
        %lt3A_424 = arith.cmpi slt, %add3A_423, %min3A_353 : i32
        %convert_element_type3A_425 = arith.extui %lt3A_424 : i1 to i32
        %cond3A_426 = arith.constant 0 : i32
        %cond3A_427 = arith.cmpi ne, %convert_element_type3A_425, %cond3A_426 : i32
        scf.if %cond3A_427 {
          %add3A_428 = arith.constant 4 : i32
          %add3A_429 = arith.addi %add3A_388, %add3A_428 : i32
          %dma_start3A_430 = arith.constant 0 : i32
          %dma_start3A_431 = tpu.memref_slice %arg6[%add3A_429, %dma_start3A_430] : memref<32x64xi32, #tpu.memory_space<vmem>> -> memref<1x64xi32, #tpu.memory_space<vmem>>
          %dma_start3A_432 = tpu.memref_squeeze %dma_start3A_431 : memref<1x64xi32, #tpu.memory_space<vmem>> -> memref<64xi32, #tpu.memory_space<vmem>>
          %dma_start3A_433 = arith.constant 0 : i32
          %dma_start3A_434 = arith.constant 0 : i32
          %dma_start3A_435 = tpu.memref_slice %arg2[%dma_start3A_433, %dma_start3A_434] : memref<10000x128xf32, #tpu.memory_space<hbm>> -> memref<10000x128xf32, #tpu.memory_space<hbm>>
          tpu.enqueue_indirect_dma source(%dma_start3A_435 : memref<10000x128xf32, #tpu.memory_space<hbm>>) target(%arg10 : memref<64x128xf32, #tpu.memory_space<vmem>>) offsets(%dma_start3A_432 : memref<64xi32, #tpu.memory_space<vmem>>) semaphore(%arg17 : memref<!tpu.dma_semaphore, #tpu.memory_space<semaphore_mem>>)
        } else {
        }
      } else {
      }
      %mul3A_392 = arith.constant 4 : i32
      %mul3A_393 = arith.muli %scan3A_384, %mul3A_392 : i32
      %add3A_394 = arith.constant 1 : i32
      %add3A_395 = arith.addi %mul3A_393, %add3A_394 : i32
      %lt3A_396 = arith.cmpi slt, %add3A_395, %min3A_353 : i32
      %convert_element_type3A_397 = arith.extui %lt3A_396 : i1 to i32
      %cond3A_398 = arith.constant 0 : i32
      %cond3A_399 = arith.cmpi ne, %convert_element_type3A_397, %cond3A_398 : i32
      scf.if %cond3A_399 {
        %dma_wait3A_416 = arith.constant 0 : i32
        %dma_wait3A_417 = tpu.memref_slice %arg6[%add3A_395, %dma_wait3A_416] : memref<32x64xi32, #tpu.memory_space<vmem>> -> memref<1x64xi32, #tpu.memory_space<vmem>>
        %dma_wait3A_418 = tpu.memref_squeeze %dma_wait3A_417 : memref<1x64xi32, #tpu.memory_space<vmem>> -> memref<64xi32, #tpu.memory_space<vmem>>
        %dma_wait3A_419 = arith.constant 0 : i32
        %dma_wait3A_420 = arith.constant 0 : i32
        %dma_wait3A_421 = tpu.memref_slice %arg2[%dma_wait3A_419, %dma_wait3A_420] : memref<10000x128xf32, #tpu.memory_space<hbm>> -> memref<10000x128xf32, #tpu.memory_space<hbm>>
        tpu.wait_indirect_dma semaphore(%arg18 : memref<!tpu.dma_semaphore, #tpu.memory_space<semaphore_mem>>) src(%dma_wait3A_421 : memref<10000x128xf32, #tpu.memory_space<hbm>>) dst(%arg11 : memref<64x128xf32, #tpu.memory_space<vmem>>)
        "tpu.region"() ({
          %run_scoped3A = tpu.sem_alloc : memref<!tpu.dma_semaphore, #tpu.memory_space<semaphore_mem>>
          %dma_start3A_428 = arith.constant 0 : i32
          %dma_start3A_429 = tpu.memref_slice %arg8[%add3A_395, %dma_start3A_428] : memref<32x64xi32, #tpu.memory_space<vmem>> -> memref<1x64xi32, #tpu.memory_space<vmem>>
          %dma_start3A_430 = tpu.memref_squeeze %dma_start3A_429 : memref<1x64xi32, #tpu.memory_space<vmem>> -> memref<64xi32, #tpu.memory_space<vmem>>
          %dma_start3A_431 = arith.constant 0 : i32
          %dma_start3A_432 = arith.constant 0 : i32
          %dma_start3A_433 = tpu.memref_slice %arg14[%dma_start3A_431, %dma_start3A_432] : memref<10112x128xf32, #tpu.memory_space<vmem_shared>> -> memref<10112x128xf32, #tpu.memory_space<vmem_shared>>
          tpu.enqueue_indirect_dma source(%arg11 : memref<64x128xf32, #tpu.memory_space<vmem>>) target(%dma_start3A_433 : memref<10112x128xf32, #tpu.memory_space<vmem_shared>>) offsets(%dma_start3A_430 : memref<64xi32, #tpu.memory_space<vmem>>) semaphore(%run_scoped3A : memref<!tpu.dma_semaphore, #tpu.memory_space<semaphore_mem>>) {add = true}
          %dma_wait3A_434 = arith.constant 0 : i32
          %dma_wait3A_435 = tpu.memref_slice %arg8[%add3A_395, %dma_wait3A_434] : memref<32x64xi32, #tpu.memory_space<vmem>> -> memref<1x64xi32, #tpu.memory_space<vmem>>
          %dma_wait3A_436 = tpu.memref_squeeze %dma_wait3A_435 : memref<1x64xi32, #tpu.memory_space<vmem>> -> memref<64xi32, #tpu.memory_space<vmem>>
          %dma_wait3A_437 = arith.constant 0 : i32
          %dma_wait3A_438 = arith.constant 0 : i32
          %dma_wait3A_439 = tpu.memref_slice %arg14[%dma_wait3A_437, %dma_wait3A_438] : memref<10112x128xf32, #tpu.memory_space<vmem_shared>> -> memref<10112x128xf32, #tpu.memory_space<vmem_shared>>
          tpu.wait_indirect_dma semaphore(%run_scoped3A : memref<!tpu.dma_semaphore, #tpu.memory_space<semaphore_mem>>) src(%arg11 : memref<64x128xf32, #tpu.memory_space<vmem>>) dst(%dma_wait3A_439 : memref<10112x128xf32, #tpu.memory_space<vmem_shared>>)
          tpu.yield
        }) : () -> ()
        %add3A_422 = arith.constant 4 : i32
        %add3A_423 = arith.addi %add3A_395, %add3A_422 : i32
        %lt3A_424 = arith.cmpi slt, %add3A_423, %min3A_353 : i32
        %convert_element_type3A_425 = arith.extui %lt3A_424 : i1 to i32
        %cond3A_426 = arith.constant 0 : i32
        %cond3A_427 = arith.cmpi ne, %convert_element_type3A_425, %cond3A_426 : i32
        scf.if %cond3A_427 {
          %add3A_428 = arith.constant 4 : i32
          %add3A_429 = arith.addi %add3A_395, %add3A_428 : i32
          %dma_start3A_430 = arith.constant 0 : i32
          %dma_start3A_431 = tpu.memref_slice %arg6[%add3A_429, %dma_start3A_430] : memref<32x64xi32, #tpu.memory_space<vmem>> -> memref<1x64xi32, #tpu.memory_space<vmem>>
          %dma_start3A_432 = tpu.memref_squeeze %dma_start3A_431 : memref<1x64xi32, #tpu.memory_space<vmem>> -> memref<64xi32, #tpu.memory_space<vmem>>
          %dma_start3A_433 = arith.constant 0 : i32
          %dma_start3A_434 = arith.constant 0 : i32
          %dma_start3A_435 = tpu.memref_slice %arg2[%dma_start3A_433, %dma_start3A_434] : memref<10000x128xf32, #tpu.memory_space<hbm>> -> memref<10000x128xf32, #tpu.memory_space<hbm>>
          tpu.enqueue_indirect_dma source(%dma_start3A_435 : memref<10000x128xf32, #tpu.memory_space<hbm>>) target(%arg11 : memref<64x128xf32, #tpu.memory_space<vmem>>) offsets(%dma_start3A_432 : memref<64xi32, #tpu.memory_space<vmem>>) semaphore(%arg18 : memref<!tpu.dma_semaphore, #tpu.memory_space<semaphore_mem>>)
        } else {
        }
      } else {
      }
      %mul3A_400 = arith.constant 4 : i32
      %mul3A_401 = arith.muli %scan3A_384, %mul3A_400 : i32
      %add3A_402 = arith.constant 2 : i32
      %add3A_403 = arith.addi %mul3A_401, %add3A_402 : i32
      %lt3A_404 = arith.cmpi slt, %add3A_403, %min3A_353 : i32
      %convert_element_type3A_405 = arith.extui %lt3A_404 : i1 to i32
      %cond3A_406 = arith.constant 0 : i32
      %cond3A_407 = arith.cmpi ne, %convert_element_type3A_405, %cond3A_406 : i32
      scf.if %cond3A_407 {
        %dma_wait3A_416 = arith.constant 0 : i32
        %dma_wait3A_417 = tpu.memref_slice %arg6[%add3A_403, %dma_wait3A_416] : memref<32x64xi32, #tpu.memory_space<vmem>> -> memref<1x64xi32, #tpu.memory_space<vmem>>
        %dma_wait3A_418 = tpu.memref_squeeze %dma_wait3A_417 : memref<1x64xi32, #tpu.memory_space<vmem>> -> memref<64xi32, #tpu.memory_space<vmem>>
        %dma_wait3A_419 = arith.constant 0 : i32
        %dma_wait3A_420 = arith.constant 0 : i32
        %dma_wait3A_421 = tpu.memref_slice %arg2[%dma_wait3A_419, %dma_wait3A_420] : memref<10000x128xf32, #tpu.memory_space<hbm>> -> memref<10000x128xf32, #tpu.memory_space<hbm>>
        tpu.wait_indirect_dma semaphore(%arg19 : memref<!tpu.dma_semaphore, #tpu.memory_space<semaphore_mem>>) src(%dma_wait3A_421 : memref<10000x128xf32, #tpu.memory_space<hbm>>) dst(%arg12 : memref<64x128xf32, #tpu.memory_space<vmem>>)
        "tpu.region"() ({
          %run_scoped3A = tpu.sem_alloc : memref<!tpu.dma_semaphore, #tpu.memory_space<semaphore_mem>>
          %dma_start3A_428 = arith.constant 0 : i32
          %dma_start3A_429 = tpu.memref_slice %arg8[%add3A_403, %dma_start3A_428] : memref<32x64xi32, #tpu.memory_space<vmem>> -> memref<1x64xi32, #tpu.memory_space<vmem>>
          %dma_start3A_430 = tpu.memref_squeeze %dma_start3A_429 : memref<1x64xi32, #tpu.memory_space<vmem>> -> memref<64xi32, #tpu.memory_space<vmem>>
          %dma_start3A_431 = arith.constant 0 : i32
          %dma_start3A_432 = arith.constant 0 : i32
          %dma_start3A_433 = tpu.memref_slice %arg14[%dma_start3A_431, %dma_start3A_432] : memref<10112x128xf32, #tpu.memory_space<vmem_shared>> -> memref<10112x128xf32, #tpu.memory_space<vmem_shared>>
          tpu.enqueue_indirect_dma source(%arg12 : memref<64x128xf32, #tpu.memory_space<vmem>>) target(%dma_start3A_433 : memref<10112x128xf32, #tpu.memory_space<vmem_shared>>) offsets(%dma_start3A_430 : memref<64xi32, #tpu.memory_space<vmem>>) semaphore(%run_scoped3A : memref<!tpu.dma_semaphore, #tpu.memory_space<semaphore_mem>>) {add = true}
          %dma_wait3A_434 = arith.constant 0 : i32
          %dma_wait3A_435 = tpu.memref_slice %arg8[%add3A_403, %dma_wait3A_434] : memref<32x64xi32, #tpu.memory_space<vmem>> -> memref<1x64xi32, #tpu.memory_space<vmem>>
          %dma_wait3A_436 = tpu.memref_squeeze %dma_wait3A_435 : memref<1x64xi32, #tpu.memory_space<vmem>> -> memref<64xi32, #tpu.memory_space<vmem>>
          %dma_wait3A_437 = arith.constant 0 : i32
          %dma_wait3A_438 = arith.constant 0 : i32
          %dma_wait3A_439 = tpu.memref_slice %arg14[%dma_wait3A_437, %dma_wait3A_438] : memref<10112x128xf32, #tpu.memory_space<vmem_shared>> -> memref<10112x128xf32, #tpu.memory_space<vmem_shared>>
          tpu.wait_indirect_dma semaphore(%run_scoped3A : memref<!tpu.dma_semaphore, #tpu.memory_space<semaphore_mem>>) src(%arg12 : memref<64x128xf32, #tpu.memory_space<vmem>>) dst(%dma_wait3A_439 : memref<10112x128xf32, #tpu.memory_space<vmem_shared>>)
          tpu.yield
        }) : () -> ()
        %add3A_422 = arith.constant 4 : i32
        %add3A_423 = arith.addi %add3A_403, %add3A_422 : i32
        %lt3A_424 = arith.cmpi slt, %add3A_423, %min3A_353 : i32
        %convert_element_type3A_425 = arith.extui %lt3A_424 : i1 to i32
        %cond3A_426 = arith.constant 0 : i32
        %cond3A_427 = arith.cmpi ne, %convert_element_type3A_425, %cond3A_426 : i32
        scf.if %cond3A_427 {
          %add3A_428 = arith.constant 4 : i32
          %add3A_429 = arith.addi %add3A_403, %add3A_428 : i32
          %dma_start3A_430 = arith.constant 0 : i32
          %dma_start3A_431 = tpu.memref_slice %arg6[%add3A_429, %dma_start3A_430] : memref<32x64xi32, #tpu.memory_space<vmem>> -> memref<1x64xi32, #tpu.memory_space<vmem>>
          %dma_start3A_432 = tpu.memref_squeeze %dma_start3A_431 : memref<1x64xi32, #tpu.memory_space<vmem>> -> memref<64xi32, #tpu.memory_space<vmem>>
          %dma_start3A_433 = arith.constant 0 : i32
          %dma_start3A_434 = arith.constant 0 : i32
          %dma_start3A_435 = tpu.memref_slice %arg2[%dma_start3A_433, %dma_start3A_434] : memref<10000x128xf32, #tpu.memory_space<hbm>> -> memref<10000x128xf32, #tpu.memory_space<hbm>>
          tpu.enqueue_indirect_dma source(%dma_start3A_435 : memref<10000x128xf32, #tpu.memory_space<hbm>>) target(%arg12 : memref<64x128xf32, #tpu.memory_space<vmem>>) offsets(%dma_start3A_432 : memref<64xi32, #tpu.memory_space<vmem>>) semaphore(%arg19 : memref<!tpu.dma_semaphore, #tpu.memory_space<semaphore_mem>>)
        } else {
        }
      } else {
      }
      %mul3A_408 = arith.constant 4 : i32
      %mul3A_409 = arith.muli %scan3A_384, %mul3A_408 : i32
      %add3A_410 = arith.constant 3 : i32
      %add3A_411 = arith.addi %mul3A_409, %add3A_410 : i32
      %lt3A_412 = arith.cmpi slt, %add3A_411, %min3A_353 : i32
      %convert_element_type3A_413 = arith.extui %lt3A_412 : i1 to i32
      %cond3A_414 = arith.constant 0 : i32
      %cond3A_415 = arith.cmpi ne, %convert_element_type3A_413, %cond3A_414 : i32
      scf.if %cond3A_415 {
        %dma_wait3A_416 = arith.constant 0 : i32
        %dma_wait3A_417 = tpu.memref_slice %arg6[%add3A_411, %dma_wait3A_416] : memref<32x64xi32, #tpu.memory_space<vmem>> -> memref<1x64xi32, #tpu.memory_space<vmem>>
        %dma_wait3A_418 = tpu.memref_squeeze %dma_wait3A_417 : memref<1x64xi32, #tpu.memory_space<vmem>> -> memref<64xi32, #tpu.memory_space<vmem>>
        %dma_wait3A_419 = arith.constant 0 : i32
        %dma_wait3A_420 = arith.constant 0 : i32
        %dma_wait3A_421 = tpu.memref_slice %arg2[%dma_wait3A_419, %dma_wait3A_420] : memref<10000x128xf32, #tpu.memory_space<hbm>> -> memref<10000x128xf32, #tpu.memory_space<hbm>>
        tpu.wait_indirect_dma semaphore(%arg20 : memref<!tpu.dma_semaphore, #tpu.memory_space<semaphore_mem>>) src(%dma_wait3A_421 : memref<10000x128xf32, #tpu.memory_space<hbm>>) dst(%arg13 : memref<64x128xf32, #tpu.memory_space<vmem>>)
        "tpu.region"() ({
          %run_scoped3A = tpu.sem_alloc : memref<!tpu.dma_semaphore, #tpu.memory_space<semaphore_mem>>
          %dma_start3A_428 = arith.constant 0 : i32
          %dma_start3A_429 = tpu.memref_slice %arg8[%add3A_411, %dma_start3A_428] : memref<32x64xi32, #tpu.memory_space<vmem>> -> memref<1x64xi32, #tpu.memory_space<vmem>>
          %dma_start3A_430 = tpu.memref_squeeze %dma_start3A_429 : memref<1x64xi32, #tpu.memory_space<vmem>> -> memref<64xi32, #tpu.memory_space<vmem>>
          %dma_start3A_431 = arith.constant 0 : i32
          %dma_start3A_432 = arith.constant 0 : i32
          %dma_start3A_433 = tpu.memref_slice %arg14[%dma_start3A_431, %dma_start3A_432] : memref<10112x128xf32, #tpu.memory_space<vmem_shared>> -> memref<10112x128xf32, #tpu.memory_space<vmem_shared>>
          tpu.enqueue_indirect_dma source(%arg13 : memref<64x128xf32, #tpu.memory_space<vmem>>) target(%dma_start3A_433 : memref<10112x128xf32, #tpu.memory_space<vmem_shared>>) offsets(%dma_start3A_430 : memref<64xi32, #tpu.memory_space<vmem>>) semaphore(%run_scoped3A : memref<!tpu.dma_semaphore, #tpu.memory_space<semaphore_mem>>) {add = true}
          %dma_wait3A_434 = arith.constant 0 : i32
          %dma_wait3A_435 = tpu.memref_slice %arg8[%add3A_411, %dma_wait3A_434] : memref<32x64xi32, #tpu.memory_space<vmem>> -> memref<1x64xi32, #tpu.memory_space<vmem>>
          %dma_wait3A_436 = tpu.memref_squeeze %dma_wait3A_435 : memref<1x64xi32, #tpu.memory_space<vmem>> -> memref<64xi32, #tpu.memory_space<vmem>>
          %dma_wait3A_437 = arith.constant 0 : i32
          %dma_wait3A_438 = arith.constant 0 : i32
          %dma_wait3A_439 = tpu.memref_slice %arg14[%dma_wait3A_437, %dma_wait3A_438] : memref<10112x128xf32, #tpu.memory_space<vmem_shared>> -> memref<10112x128xf32, #tpu.memory_space<vmem_shared>>
          tpu.wait_indirect_dma semaphore(%run_scoped3A : memref<!tpu.dma_semaphore, #tpu.memory_space<semaphore_mem>>) src(%arg13 : memref<64x128xf32, #tpu.memory_space<vmem>>) dst(%dma_wait3A_439 : memref<10112x128xf32, #tpu.memory_space<vmem_shared>>)
          tpu.yield
        }) : () -> ()
        %add3A_422 = arith.constant 4 : i32
        %add3A_423 = arith.addi %add3A_411, %add3A_422 : i32
        %lt3A_424 = arith.cmpi slt, %add3A_423, %min3A_353 : i32
        %convert_element_type3A_425 = arith.extui %lt3A_424 : i1 to i32
        %cond3A_426 = arith.constant 0 : i32
        %cond3A_427 = arith.cmpi ne, %convert_element_type3A_425, %cond3A_426 : i32
        scf.if %cond3A_427 {
          %add3A_428 = arith.constant 4 : i32
          %add3A_429 = arith.addi %add3A_411, %add3A_428 : i32
          %dma_start3A_430 = arith.constant 0 : i32
          %dma_start3A_431 = tpu.memref_slice %arg6[%add3A_429, %dma_start3A_430] : memref<32x64xi32, #tpu.memory_space<vmem>> -> memref<1x64xi32, #tpu.memory_space<vmem>>
          %dma_start3A_432 = tpu.memref_squeeze %dma_start3A_431 : memref<1x64xi32, #tpu.memory_space<vmem>> -> memref<64xi32, #tpu.memory_space<vmem>>
          %dma_start3A_433 = arith.constant 0 : i32
          %dma_start3A_434 = arith.constant 0 : i32
          %dma_start3A_435 = tpu.memref_slice %arg2[%dma_start3A_433, %dma_start3A_434] : memref<10000x128xf32, #tpu.memory_space<hbm>> -> memref<10000x128xf32, #tpu.memory_space<hbm>>
          tpu.enqueue_indirect_dma source(%dma_start3A_435 : memref<10000x128xf32, #tpu.memory_space<hbm>>) target(%arg13 : memref<64x128xf32, #tpu.memory_space<vmem>>) offsets(%dma_start3A_432 : memref<64xi32, #tpu.memory_space<vmem>>) semaphore(%arg20 : memref<!tpu.dma_semaphore, #tpu.memory_space<semaphore_mem>>)
        } else {
        }
      } else {
      }
    }
    %scan3A_379 = arith.constant 8 : i32
    %barrier3A_380 = arith.constant 0 : index
    tpu.barrier barrier_id(%barrier3A_380)
    %mul3A_381 = arith.constant 10112 : i32
    %mul3A_382 = arith.muli %arg0, %mul3A_381 : i32
    %add3A_383 = arith.addi %mul3A_382, %mul3A_0 : i32
    "tpu.region"() ({
      %run_scoped3A = tpu.sem_alloc : memref<!tpu.dma_semaphore, #tpu.memory_space<semaphore_mem>>
      %dma_start3A_384 = arith.constant 0 : i32
      %dma_start3A_385 = tpu.memref_slice %arg5[%add3A_383, %dma_start3A_384] : memref<20224x128xf32, #tpu.memory_space<hbm>> -> memref<632x128xf32, #tpu.memory_space<hbm>>
      %dma_start3A_386 = arith.constant 0 : i32
      %dma_start3A_387 = tpu.memref_slice %arg14[%mul3A_0, %dma_start3A_386] : memref<10112x128xf32, #tpu.memory_space<vmem_shared>> -> memref<632x128xf32, #tpu.memory_space<vmem_shared>>
      tpu.enqueue_dma source(%dma_start3A_387 : memref<632x128xf32, #tpu.memory_space<vmem_shared>>) target(%dma_start3A_385 : memref<632x128xf32, #tpu.memory_space<hbm>>) target_semaphore(%run_scoped3A : memref<!tpu.dma_semaphore, #tpu.memory_space<semaphore_mem>>)
      %dma_wait3A_388 = arith.constant 0 : i32
      %dma_wait3A_389 = tpu.memref_slice %arg5[%add3A_383, %dma_wait3A_388] : memref<20224x128xf32, #tpu.memory_space<hbm>> -> memref<632x128xf32, #tpu.memory_space<hbm>>
      %dma_wait3A_390 = arith.constant 0 : i32
      %dma_wait3A_391 = tpu.memref_slice %arg14[%mul3A_0, %dma_wait3A_390] : memref<10112x128xf32, #tpu.memory_space<vmem_shared>> -> memref<632x128xf32, #tpu.memory_space<vmem_shared>>
      tpu.wait_dma2 semaphore(%run_scoped3A : memref<!tpu.dma_semaphore, #tpu.memory_space<semaphore_mem>>) src(%dma_wait3A_391 : memref<632x128xf32, #tpu.memory_space<vmem_shared>>) dst(%dma_wait3A_389 : memref<632x128xf32, #tpu.memory_space<hbm>>)
      tpu.yield
    }) : () -> ()
    return
  }
}

module attributes {stable_mosaic.version = 14 : i64} {
  func.func @body(%arg0: i32, %arg1: memref<1x2000x128xf32, #tpu.memory_space<vmem>>, %arg2: memref<1x2000x128xf32, #tpu.memory_space<vmem>>, %arg3: memref<128x128xf32, #tpu.memory_space<vmem>>, %arg4: memref<1x128xf32, #tpu.memory_space<vmem>>, %arg5: memref<2000x128xf32, #tpu.memory_space<vmem>>) attributes {dimension_semantics = [#tpu.dimension_semantics<arbitrary>], iteration_bounds = array<i64: 5>, scalar_prefetch = 0 : i64, scratch_operands = 0 : i64, tpu.core_type = #tpu.core_type<tc>, window_params = [{transform_indices = @transform_0, window_bounds = array<i64: 1, 2000, 128>}, {transform_indices = @transform_1, window_bounds = array<i64: 1, 2000, 128>}, {pipeline_mode = #tpu.pipeline_mode<synchronous>, transform_indices = @transform_2, window_bounds = array<i64: 128, 128>}, {pipeline_mode = #tpu.pipeline_mode<synchronous>, transform_indices = @transform_3, window_bounds = array<i64: 1, 128>}, {transform_indices = @transform_4, window_bounds = array<i64: 2000, 128>}]} {
    %get3A = arith.constant 0 : index
    %get3A_0 = arith.constant 0 : index
    %get3A_1 = arith.constant 0 : index
    %get3A_2 = vector.load %arg1[%get3A, %get3A_0, %get3A_1] : memref<1x2000x128xf32, #tpu.memory_space<vmem>>, vector<1x2000x128xf32>
    %get3A_3 = vector.shape_cast %get3A_2 : vector<1x2000x128xf32> to vector<2000x128xf32>
    %get3A_4 = arith.constant 0 : index
    %get3A_5 = arith.constant 0 : index
    %get3A_6 = arith.constant 0 : index
    %get3A_7 = vector.load %arg2[%get3A_4, %get3A_5, %get3A_6] : memref<1x2000x128xf32, #tpu.memory_space<vmem>>, vector<1x2000x128xf32>
    %get3A_8 = vector.shape_cast %get3A_7 : vector<1x2000x128xf32> to vector<2000x128xf32>
    %add3A = arith.addf %get3A_3, %get3A_8 : vector<2000x128xf32>
    %get3A_9 = arith.constant 0 : index
    %get3A_10 = arith.constant 0 : index
    %get3A_11 = vector.load %arg3[%get3A_9, %get3A_10] : memref<128x128xf32, #tpu.memory_space<vmem>>, vector<128x128xf32>
    %dot_general3A = arith.constant dense<0.000000e+00> : vector<2000x128xf32>
    %dot_general3A_12 = tpu.matmul %add3A, %get3A_11, %dot_general3A {dimension_numbers = #tpu.dot_dimension_numbers<[1], [0], [0], [1], [0, 0, 1, 1], [], []>, transpose_lhs_hint = false} : vector<2000x128xf32>, vector<128x128xf32>, vector<2000x128xf32> -> vector<2000x128xf32>
    %get3A_13 = arith.constant 0 : index
    %get3A_14 = arith.constant 0 : index
    %get3A_15 = vector.load %arg4[%get3A_13, %get3A_14] : memref<1x128xf32, #tpu.memory_space<vmem>>, vector<1x128xf32>
    %add3A_16 = vector.broadcast %get3A_15 : vector<1x128xf32> to vector<2000x128xf32>
    %add3A_17 = arith.addf %dot_general3A_12, %add3A_16 : vector<2000x128xf32>
    %max3A = arith.constant 0.000000e+00 : f32
    %max3A_18 = vector.broadcast %max3A : f32 to vector<2000x128xf32>
    %max3A_19 = arith.maximumf %add3A_17, %max3A_18 : vector<2000x128xf32>
    %swap3A = arith.constant 0 : index
    %swap3A_20 = arith.constant 0 : index
    %swap3A_21 = vector.load %arg5[%swap3A, %swap3A_20] : memref<2000x128xf32, #tpu.memory_space<vmem>>, vector<2000x128xf32>
    tpu.vector_store %arg5[%swap3A, %swap3A_20], %max3A_19 {strides = array<i32>} : memref<2000x128xf32, #tpu.memory_space<vmem>>, vector<2000x128xf32>,
    return
  }
  func.func @transform_0(%arg0: i32) -> (i32, i32, i32) {
    %c0_i32 = arith.constant 0 : i32
    %c0_i32_0 = arith.constant 0 : i32
    %c0_i32_1 = arith.constant 0 : i32
    return %c0_i32, %arg0, %c0_i32_0 : i32, i32, i32
  }
  func.func @transform_1(%arg0: i32) -> (i32, i32, i32) {
    %c1_i32 = arith.constant 1 : i32
    %c0_i32 = arith.constant 0 : i32
    %c0_i32_0 = arith.constant 0 : i32
    return %c1_i32, %arg0, %c0_i32 : i32, i32, i32
  }
  func.func @transform_2(%arg0: i32) -> (i32, i32) {
    %c0_i32 = arith.constant 0 : i32
    %c0_i32_0 = arith.constant 0 : i32
    %c0_i32_1 = arith.constant 0 : i32
    return %c0_i32, %c0_i32_0 : i32, i32
  }
  func.func @transform_3(%arg0: i32) -> (i32, i32) {
    %c0_i32 = arith.constant 0 : i32
    %c0_i32_0 = arith.constant 0 : i32
    %c0_i32_1 = arith.constant 0 : i32
    return %c0_i32, %c0_i32_0 : i32, i32
  }
  func.func @transform_4(%arg0: i32) -> (i32, i32) {
    %c0_i32 = arith.constant 0 : i32
    %c0_i32_0 = arith.constant 0 : i32
    return %arg0, %c0_i32 : i32, i32
  }
}

module attributes {stable_mosaic.version = 14 : i64} {
  func.func @body(%arg0: i32, %arg1: memref<1x2000x128xf32, #tpu.memory_space<vmem>>, %arg2: memref<1x2000x128xf32, #tpu.memory_space<vmem>>, %arg3: memref<128x128xf32, #tpu.memory_space<vmem>>, %arg4: memref<1x128xf32, #tpu.memory_space<vmem>>, %arg5: memref<2000x128xf32, #tpu.memory_space<vmem>>) attributes {dimension_semantics = [#tpu.dimension_semantics<arbitrary>], iteration_bounds = array<i64: 5>, scalar_prefetch = 0 : i64, scratch_operands = 0 : i64, tpu.core_type = #tpu.core_type<tc>, window_params = [{transform_indices = @transform_0, window_bounds = array<i64: 1, 2000, 128>}, {transform_indices = @transform_1, window_bounds = array<i64: 1, 2000, 128>}, {pipeline_mode = #tpu.pipeline_mode<synchronous>, transform_indices = @transform_2, window_bounds = array<i64: 128, 128>}, {pipeline_mode = #tpu.pipeline_mode<synchronous>, transform_indices = @transform_3, window_bounds = array<i64: 1, 128>}, {transform_indices = @transform_4, window_bounds = array<i64: 2000, 128>}]} {
    %get3A = arith.constant 0 : index
    %get3A_0 = arith.constant 0 : index
    %get3A_1 = arith.constant 0 : index
    %get3A_2 = vector.load %arg1[%get3A, %get3A_0, %get3A_1] : memref<1x2000x128xf32, #tpu.memory_space<vmem>>, vector<1x2000x128xf32>
    %get3A_3 = vector.shape_cast %get3A_2 : vector<1x2000x128xf32> to vector<2000x128xf32>
    %get3A_4 = arith.constant 0 : index
    %get3A_5 = arith.constant 0 : index
    %get3A_6 = arith.constant 0 : index
    %get3A_7 = vector.load %arg2[%get3A_4, %get3A_5, %get3A_6] : memref<1x2000x128xf32, #tpu.memory_space<vmem>>, vector<1x2000x128xf32>
    %get3A_8 = vector.shape_cast %get3A_7 : vector<1x2000x128xf32> to vector<2000x128xf32>
    %add3A = arith.addf %get3A_3, %get3A_8 : vector<2000x128xf32>
    %get3A_9 = arith.constant 0 : index
    %get3A_10 = arith.constant 0 : index
    %get3A_11 = vector.load %arg3[%get3A_9, %get3A_10] : memref<128x128xf32, #tpu.memory_space<vmem>>, vector<128x128xf32>
    %dot_general3A = arith.constant dense<0.000000e+00> : vector<2000x128xf32>
    %dot_general3A_12 = tpu.matmul %add3A, %get3A_11, %dot_general3A {dimension_numbers = #tpu.dot_dimension_numbers<[1], [0], [0], [1], [0, 0, 1, 1], [], []>, transpose_lhs_hint = false} : vector<2000x128xf32>, vector<128x128xf32>, vector<2000x128xf32> -> vector<2000x128xf32>
    %get3A_13 = arith.constant 0 : index
    %get3A_14 = arith.constant 0 : index
    %get3A_15 = vector.load %arg4[%get3A_13, %get3A_14] : memref<1x128xf32, #tpu.memory_space<vmem>>, vector<1x128xf32>
    %add3A_16 = vector.broadcast %get3A_15 : vector<1x128xf32> to vector<2000x128xf32>
    %add3A_17 = arith.addf %dot_general3A_12, %add3A_16 : vector<2000x128xf32>
    %swap3A = arith.constant 0 : index
    %swap3A_18 = arith.constant 0 : index
    %swap3A_19 = vector.load %arg5[%swap3A, %swap3A_18] : memref<2000x128xf32, #tpu.memory_space<vmem>>, vector<2000x128xf32>
    tpu.vector_store %arg5[%swap3A, %swap3A_18], %add3A_17 {strides = array<i32>} : memref<2000x128xf32, #tpu.memory_space<vmem>>, vector<2000x128xf32>,
    return
  }
  func.func @transform_0(%arg0: i32) -> (i32, i32, i32) {
    %c0_i32 = arith.constant 0 : i32
    %c0_i32_0 = arith.constant 0 : i32
    %c0_i32_1 = arith.constant 0 : i32
    return %c0_i32, %arg0, %c0_i32_0 : i32, i32, i32
  }
  func.func @transform_1(%arg0: i32) -> (i32, i32, i32) {
    %c1_i32 = arith.constant 1 : i32
    %c0_i32 = arith.constant 0 : i32
    %c0_i32_0 = arith.constant 0 : i32
    return %c1_i32, %arg0, %c0_i32 : i32, i32, i32
  }
  func.func @transform_2(%arg0: i32) -> (i32, i32) {
    %c0_i32 = arith.constant 0 : i32
    %c0_i32_0 = arith.constant 0 : i32
    %c0_i32_1 = arith.constant 0 : i32
    return %c0_i32, %c0_i32_0 : i32, i32
  }
  func.func @transform_3(%arg0: i32) -> (i32, i32) {
    %c0_i32 = arith.constant 0 : i32
    %c0_i32_0 = arith.constant 0 : i32
    %c0_i32_1 = arith.constant 0 : i32
    return %c0_i32, %c0_i32_0 : i32, i32
  }
  func.func @transform_4(%arg0: i32) -> (i32, i32) {
    %c0_i32 = arith.constant 0 : i32
    %c0_i32_0 = arith.constant 0 : i32
    return %arg0, %c0_i32 : i32, i32
  }
}

</mosaic_0001>

<sc_bundles>
// kernel: kernel.6.cloned.1.call-start
scs
__scs_entry_jumppad:
0x0: {  	(pc) =	sbr.rel $0x88, $3  }
0x1: {  	(tag) =	ssettag $0x0;
	lr =	simm.s32 $0x1  }
0x2: {  	[smem:$0x3F9B] =	sst lr;
	_ =	strace $0xD0000000  }
0x3: {  	_ = 	snop  }
0x4: {  	_ = 	snop  }
0x5: {  	_ = 	snop  }
0x6: {  	_ = 	snop  }
0x7: {  	_ = 	snop  }
__scs_overlays_trampoline_lowered:
0x8: {  	[smem:$0x3FAA] =	sst s0  }
0x9: {  	[smem:$0x3FAB] =	sst s1  }
0xa: {  	[smem:$0x3FAC] =	sst s2  }
0xb: {  	[smem:$0x3FAD] =	sst s3  }
0xc: {  	[smem:$0x3FAE] =	sst s4  }
0xd: {  	[smem:$0x3FAF] =	sst s5  }
0xe: {  	[smem:$0x3FB0] =	sst s6  }
0xf: {  	[smem:$0x3FB1] =	sst s7  }
0x10: {  	[smem:$0x3FB2] =	sst s8  }
0x11: {  	[smem:$0x3FB3] =	sst s9;
	s0 =	simm.s32 @!p0 $0x0  }
0x12: {  	s1 =	sld [smem:$0x3F99];
	s0 =	simm.s32 @p0 $0x1  }
0x13: {  	[smem:$0x3FB4] =	sst s0;
	s0 =	simm.s32 @!p1 $0x0  }
0x14: {  	s2 =	sld [smem:$0x3F98];
	s0 =	simm.s32 @p1 $0x1  }
0x15: {  	[smem:$0x3FB5] =	sst s0;
	s0 =	simm.s32 @!p2 $0x0  }
0x16: {  	s3 =	sld [smem:$0x3FDB];
	s0 =	simm.s32 @p2 $0x1  }
0x17: {  	s4 =	simm.s32 $0x1BF5;
	[smem:$0x3FB7] =	sst s0  }
0x18: {  	s0 =	sld [smem:$0x3F9A];
	_ =	swait.ge [sflag:s4], $0x0  }
0x19: {  	s7 =	sld [smem:$0x3F9B]  }
0x1a: {  	s8 =	sadd.s32 $0xFFFFE003, lr  }
0x1b: {  	s9 =	sadd.s32 $0xFFFFFEF7, lr;
	s5 =	simm.s32 $0xFFFFFFFF;
	p2 =	slt.u32 s8, $0xFFFFF086  }
0x1c: {  	p1 =	slt.u32 s9, $0xF7A;
	s5 =	simm.s32 @!p2 $0x0  }
0x1d: {  	s5 =	simm.s32 @p1 $0x1;
	p0 =	seq.s32 s7, s2  }
0x1e: {  	s7 =	smul.u32 @!p0 $0xF7A, s2;
	p2 =	seq.s32 @!p0 s5, $0x0  }
0x1f: {  	s9 =	smul.u32 $0xF7A, s1;
	s8 =	simm.s32 @!p0 $0x1BF5;
	p2 =	por !p2, p0  }
0x20: {  	[sflag:s8] =	ssyncset.s32 @!p0 $0xFFFFF086;
	s6 =	sadd.s32 @!p0 s3, s7;
	s7 =	simm.s32 @!p0 $0x108  }
0x21: {  	s3 =	sadd.s32 s3, s9;
	s6 =	sadd.s32 @!p0 $0x88, s6;
	s7 =	simm.s32 @p2 $0x1082  }
0x22: {  	[simem:s7], [sflag:s8] =	dma.local @!p0 [hbm:s6], $0xF7A  }
0x23: {  	s9 =	sor.u32 $0xD0000000, s2;
	s6 =	simm.s32 $0x108;
	_ =	swait.ge @!p0 [sflag:s8], $0x0  }
0x24: {  	s3 =	sadd.s32 $0x88, s3;
	s6 =	simm.s32 @!p1 $0x1082;
	[sflag:s4] =	ssyncset.s32 $0xFFFFF086  }
0x25: {  	[simem:s6], [sflag:s4] =	dma.local [hbm:s3], $0xF7A  }
0x26: {  	[smem:$0x3F9B] =	sst s1;
	(tag) =	ssettag s2;
	_ =	strace s9  }
0x27: {  	s1 =	sld [smem:$0x3FAB]  }
0x28: {  	s2 =	sld [smem:$0x3FAC]  }
0x29: {  	s4 =	sld [smem:$0x3FAE]  }
0x2a: {  	p0 =	seq.s32 s5, $0x0;
	s5 =	sld [smem:$0x3FAF]  }
0x2b: {  	s6 =	sld [smem:$0x3FB0]  }
0x2c: {  	s7 =	sld [smem:$0x3FB1]  }
0x2d: {  	s3 =	simm.s32 $0x108;
	s8 =	sld [smem:$0x3FB2]  }
0x2e: {  	s3 =	simm.s32 @!p0 $0x1082;
	s9 =	sld [smem:$0x3FB3]  }
0x2f: {  	lr =	sadd.s32 s0, s3;
	s0 =	sld [smem:$0x3FAA]  }
0x30: {  	s3 =	sld [smem:$0x3FAD]  }
0x31: {  	[smem:$0x3FB6] =	sst s10  }
0x32: {  	s10 =	sld [smem:$0x3FB4];
	_ =	sdelay $0x3  }
0x33: {  	p0 =	seq.s32 s10, $0x1;
	s10 =	sld [smem:$0x3FB6];
	_ =	sdelay $0x3  }
0x34: {  	[smem:$0x3FB6] =	sst s10  }
0x35: {  	s10 =	sld [smem:$0x3FB5];
	_ =	sdelay $0x3  }
0x36: {  	p1 =	seq.s32 s10, $0x1;
	s10 =	sld [smem:$0x3FB6];
	_ =	sdelay $0x3  }
0x37: {  	[smem:$0x3FB6] =	sst s10  }
0x38: {  	s10 =	sld [smem:$0x3FB7]  }
0x39: {  	_ = 	snop;
	(pc) =	sbr.ind lr, $3  }
0x3a: {  	_ = 	snop  }
0x3b: {  	_ = 	snop  }
0x3c: {  	p2 =	seq.s32 s10, $0x1;
	s10 =	sld [smem:$0x3FB6]  }
0x3d: {  	_ =	shalt  }
0x3e: {  	_ =	shalt  }
0x3f: {  	_ =	shalt  }
0x40: {  	_ =	shalt  }
0x41: {  	_ =	shalt  }
0x42: {  	_ =	shalt  }
0x43: {  	_ =	shalt  }
0x44: {  	_ =	shalt  }
0x45: {  	_ =	shalt  }
0x46: {  	_ =	shalt  }
0x47: {  	_ =	shalt  }
0x48: {  	_ =	shalt  }
0x49: {  	_ =	shalt  }
0x4a: {  	_ =	shalt  }
0x4b: {  	_ =	shalt  }
0x4c: {  	_ =	shalt  }
0x4d: {  	_ =	shalt  }
0x4e: {  	_ =	shalt  }
0x4f: {  	_ =	shalt  }
0x50: {  	_ =	shalt  }
0x51: {  	_ =	shalt  }
0x52: {  	_ =	shalt  }
0x53: {  	_ =	shalt  }
0x54: {  	_ =	shalt  }
0x55: {  	_ =	shalt  }
0x56: {  	_ =	shalt  }
0x57: {  	_ =	shalt  }
0x58: {  	_ =	shalt  }
0x59: {  	_ =	shalt  }
0x5a: {  	_ =	shalt  }
0x5b: {  	_ =	shalt  }
0x5c: {  	_ =	shalt  }
0x5d: {  	_ =	shalt  }
0x5e: {  	_ =	shalt  }
0x5f: {  	_ =	shalt  }
0x60: {  	_ =	shalt  }
0x61: {  	_ =	shalt  }
0x62: {  	_ =	shalt  }
0x63: {  	_ =	shalt  }
0x64: {  	_ =	shalt  }
0x65: {  	_ =	shalt  }
0x66: {  	_ =	shalt  }
0x67: {  	_ =	shalt  }
0x68: {  	_ =	shalt  }
0x69: {  	_ =	shalt  }
0x6a: {  	_ =	shalt  }
0x6b: {  	_ =	shalt  }
0x6c: {  	_ =	shalt  }
0x6d: {  	_ =	shalt  }
0x6e: {  	_ =	shalt  }
0x6f: {  	_ =	shalt  }
0x70: {  	_ =	shalt  }
0x71: {  	_ =	shalt  }
0x72: {  	_ =	shalt  }
0x73: {  	_ =	shalt  }
0x74: {  	_ =	shalt  }
0x75: {  	_ =	shalt  }
0x76: {  	_ =	shalt  }
0x77: {  	_ =	shalt  }
0x78: {  	_ =	shalt  }
0x79: {  	_ =	shalt  }
0x7a: {  	_ =	shalt  }
0x7b: {  	_ =	shalt  }
0x7c: {  	_ =	shalt  }
0x7d: {  	_ =	shalt  }
0x7e: {  	_ =	shalt  }
0x7f: {  	_ =	shalt  }
0x80: {  	_ =	shalt  }
0x81: {  	_ =	shalt  }
0x82: {  	_ =	shalt  }
0x83: {  	_ =	shalt  }
0x84: {  	_ =	shalt  }
0x85: {  	_ =	shalt  }
0x86: {  	_ =	shalt  }
0x87: {  	_ =	shalt  }
.Lfunc_end0:
.L_simem_size_0:
called_computation_lowered:
.L_overlay_start_0:
0x88: {  	s2 =	sld [smem:$0x3FD9]  }
0x89: {  	s3 =	sld [smem:$0x3FFE];
	_ =	sdelay $0x1  }
0x8a: {  	s1 =	srdreg.scid  }
0x8b: {  	s0 =	sand.u32 $0x1, s1  }
0x8c: {  	s17 =	sshll.u32 s0, $0xA;
	s2 =	sadd.s32 s3, s2  }
0x8d: {  	s2 =	sadd.s32 s2, s17  }
0x8e: {  	[smem:$0x3FC2] =	sst s2  }
0x8f: {  	_ = 	snop  }
0x90: {  	s2 =	sld [smem:$0x3FC9];
	(tm) =	ssettm $0x1  }
0x91: {  	s18 =	sld [smem:$0x3FFB];
	_ =	sdelay $0x3  }
0x92: {  	_ =	strace s18  }
0x93: {  	s3 =	sld [smem:$0x3FFC];
	_ =	sdelay $0x3  }
0x94: {  	_ =	strace s3  }
0x95: {  	s3 =	sld [smem:$0x3FFD];
	_ =	sdelay $0x3  }
0x96: {  	_ =	strace s3  }
0x97: {  	_ =	strace $0x8FFFFFFF  }
0x98: {  	s19 =	sld [smem:$0x3FDB];
	_ =	sdelay $0x1  }
0x99: {  	s4 =	simm.s32 $_scs_section_size  }
0x9a: {  	s5 =	simm.s32 $_size__tile_overlayer_lowered;
	s6 =	simm.s32 $_tile_overlayer_lowered  }
0x9b: {  	s22 =	simm.s32 $0x1BFF;
	s21 =	sshll.u32 s6, $0x1;
	s3 =	sadd.s32 s4, s19  }
0x9c: {  	s7 =	simm.s32 $0x0;
	s20 =	sshll.u32 s5, $0x1;
	s5 =	sadd.s32 s21, s3  }
0x9d: {  	[timem:s7], [sflag:s22] =	dma.local [hbm:s5], s20  }
0x9e: {  	_ =	swait.ge [sflag:s22], s20  }
0x9f: {  	s4 =	ssub.s32 $0x0, s20;
	[sflag:s22] =	ssyncset.done $0x0  }
0xa0: {  	[sflag:s22] =	ssyncadd.s32 s4;
	_ =	sdelay $0x1  }
0xa1: {  	s23 =	simm.s32 $0x1B8B  }
0xa2: {  	_ =	swait.ge [sflag:s23], $0x1  }
0xa3: {  	[sflag:s23] =	ssyncset.done $0x0  }
0xa4: {  	s25 =	simm.s32 $0x1B8E;
	s24 =	sld [smem:$0x3FFE];
	[sflag:s23] =	ssyncadd.s32 $0xFFFFFFFF  }
0xa5: {  	s26 =	simm.s32 $execute0_lowered;
	[smem:$0x3FD2] =	sst s25  }
0xa6: {  	s5 =	sshll.u32 s26, $0x1;
	_ =	strace $0x80000046;
	[dreg:$0x1] =	wrdreg $0xFFFFFFFF  }
0xa7: {  	s28 =	simm.s32 $_size_execute0_lowered;
	s3 =	sadd.s32 s3, s5;
	[dreg:$0x0] =	wrdreg $0x0  }
0xa8: {  	s5 =	sshll.u32 s28, $0x1;
	[dreg:$0x2] =	wrdreg s3  }
0xa9: {  	[dreg:$0x3] =	wrdreg s5  }
0xaa: {  	[dreg:$0x4] =	wrdreg $0xC0  }
0xab: {  	_ =	task [dreg:s7], $0x5FFFF  }
0xac: {  	[dreg:$0x1] =	wrdreg $0xFFFFFFFF  }
0xad: {  	[dreg:$0x0] =	wrdreg $0x60  }
0xae: {  	[dreg:$0x2] =	wrdreg s2  }
0xaf: {  	[dreg:$0x3] =	wrdreg s24  }
0xb0: {  	[dreg:$0x4] =	wrdreg $0xC0000  }
0xb1: {  	[dreg:$0x5] =	wrdreg $0x9  }
0xb2: {  	_ =	task.clear_ibuf [dreg:s7], $0x6FFFF;
	_ =	strace $0x90000046  }
0xb3: {  	s29 =	simm.s32 $0x9;
	_ =	strace $0x80000048  }
0xb4: {  	_ =	swait.ge [sflag:s29], $0x1  }
0xb5: {  	[sflag:s29] =	ssyncadd.s32 $0xFFFFFFFF  }
0xb6: {  	_ =	strace $0x90000048  }
0xb7: {  	_ =	sfence  }
0xb8: {  	s30 =	sld [smem:$0x0];
	_ =	sdelay $0x2  }
0xb9: {  	s31 =	sshll.u32 s1, $0xD;
	s1 =	sshrl.u32 s1, $0x2  }
0xba: {  	s3 =	sand.u32 $0x4000, s31;
	s1 =	sadd.s32 s1, s30  }
0xbb: {  	s0 =	sor.u32 s3, s0;
	s1 =	sshll.u32 s1, $0x11  }
0xbc: {  	s0 =	sor.u32 s1, s0  }
0xbd: {  	s0 =	sadd.s32 $0x8F2B, s0  }
0xbe: {  	[sflag:s0] =	ssyncadd.remote.s32 $0x1  }
0xbf: {  	_ =	sfence.sel $0xFFFF  }
0xc0: {  	[dreg:$0x0] =	wrdreg $0xFFFFFFFF;
	(pc) =	sbr.abs _section_cstart, $3  }
0xc1: {  	[dreg:$0x1] =	wrdreg $0xFFFFFFFF  }
0xc2: {  	_ =	task.clear_ibuf [dreg:s7], $0x2FFFF;
	_ =	strace $0x9FFFFFFF  }
0xc3: {  	(tm) =	ssettm $0x7FFFFFFF  }
tec
execute0_lowered:
.L_overlay_start_1:
0x0: {  	(tag) =	ssettag $0x1  }
0x1: {  	s1 =	rddreg [dreg:$0x0]  }
0x2: {  	s0 =	rddreg [dreg:$0x1]  }
0x3: {  	s3 =	rddreg [dreg:$0x2]  }
0x4: {  	s2 =	srdreg.scid;
	s4 =	stileid.u32  }
0x5: {  	s6 =	simm.s32 $0x0;
	s2 =	sand.u32 $0x1, s2;
	s5 =	smul.u32 $0x2780, s4  }
0x6: {  	[smem:$0x7FF] =	sst s6;
	s9 =	sadd.s32 $0x14E00, s0;
	s12 =	smul.u32 $0x4F000, s4  }
0x7: {  	s10 =	sadd.s32 $0xE00, s0;
	s23 =	smul.u32 $0x27800, s2;
	s7 =	sshll.u32 s2, $0x4  }
0x8: {  	_ =	strace $0x80000047;
	s2 =	ssub.s32 $0x2, s2;
	s7 =	sor.u32 s4, s7  }
0x9: {  	s11 =	sshrl.u32 s2, $0x1;
	s28 =	sshrl.u32 s12, $0x2;
	s6 =	smul.u32 $0xFFFFFF60, s7  }
0xa: {  	s5 =	sadd.s32 s5, s23;
	s24 =	smul.u32 $0xA00, s7;
	s4 =	sadd.s32 s28, s3  }
0xb: {  	s8 =	smul.u32 $0x5000, s7;
	s22 =	sadd.s32 $0x8000, s4;
	[dreg:$0x7] =	wrdreg s4  }
0xc: {  	s2 =	ssub.s32 s2, s11;
	s28 =	sadd.s32 $0xC000, s4;
	[dreg:$0x12] =	wrdreg s22  }
0xd: {  	s0 =	sadd.s32 s5, s0;
	s26 =	sadd.s32 s9, s24;
	[dreg:$0x16] =	wrdreg s28  }
0xe: {  	s25 =	sshrl.u32 s8, $0x3;
	s29 =	sadd.s32 s10, s24;
	[dreg:$0x4] =	wrdreg s26  }
0xf: {  	s8 =	sadd.s32 $0x2000, s4;
	s0 =	sadd.s32 $0x28E00, s0;
	[dreg:$0x5] =	wrdreg s29  }
0x10: {  	s13 =	sadd.s32 $0x200, s25;
	[dreg:$0x9] =	wrdreg s8;
	s12 =	sadd.s32 $0x400, s25  }
0x11: {  	s8 =	sadd.s32 $0x4000, s4;
	s16 =	sadd.s32 $0x600, s25;
	[dreg:$0x13] =	wrdreg s0  }
0x12: {  	s11 =	sadd.s32 $0x800, s25;
	s25 =	smax.u32 s2, $0x1;
	[dreg:$0xa] =	wrdreg s8  }
0x13: {  	s26 =	sadd.s32 $0xA000, s4;
	[dreg:$0x14] =	wrdreg s25  }
0x14: {  	p0 =	slt.s32 s6, $0xFFFFED18;
	s29 =	sadd.s32 $0xE000, s4;
	[dreg:$0x15] =	wrdreg s26  }
0x15: {  	s6 =	simm.s32 @!p0 $0xFFFFED18;
	s30 =	sadd.s32 s9, s13;
	[dreg:$0x17] =	wrdreg s29  }
0x16: {  	p0 =	seq.s32 s7, $0x1F;
	s31 =	sadd.s32 s10, s13;
	[dreg:$0x6] =	wrdreg s30  }
0x17: {  	s6 =	sadd.s32 $0x1388, s6;
	s13 =	sadd.s32 $0x6000, s4;
	[dreg:$0x8] =	wrdreg s31  }
0x18: {  	s14 =	sadd.s32 s9, s12;
	s5 =	sadd.s32 s10, s12;
	[dreg:$0xb] =	wrdreg s13  }
0x19: {  	s17 =	sadd.s32 s9, s16;
	s18 =	sadd.s32 s10, s16;
	[dreg:$0xc] =	wrdreg s14  }
0x1a: {  	s20 =	sadd.s32 s9, s11;
	s21 =	sadd.s32 s10, s11;
	[dreg:$0xd] =	wrdreg s5  }
0x1b: {  	s9 =	simm.s32 $0x1;
	s10 =	simm.s32 $0x40;
	[dreg:$0xe] =	wrdreg s17  }
0x1c: {  	s11 =	simm.s32 $0x6000;
	s12 =	simm.s32 $0x8000;
	[dreg:$0xf] =	wrdreg s18  }
0x1d: {  	s16 =	simm.s32 $0x5;
	s15 =	smin.u32 s6, $0x40;
	[dreg:$0x10] =	wrdreg s20  }
0x1e: {  	s19 =	smax.u32 s6, $0x40;
	[dreg:$0x11] =	wrdreg s21;
	s24 =	smax.u32 s6, $0x60  }
0x1f: {  	p1 =	slt.u32 s6, $0x81;
	s6 =	smax.u32 s6, $0x80;
	s30 =	sadd.s32 $0x10000, s4  }
0x20: {  	s31 =	sadd.s32 $0x12000, s4;
	s13 =	simm.s32 $0xA000;
	s14 =	simm.s32 $0x7  }
0x21: {  	s17 =	simm.s32 $0x6;
	s18 =	simm.s32 $0x2;
	s20 =	sadd.s32 $0xFFFFFFE0, s15  }
0x22: {  	s23 =	smin.u32 s19, $0x60;
	s5 =	smin.u32 s24, $0x80;
	[dreg:$0x18] =	wrdreg s30  }
0x23: {  	s7 =	simm.s32 @!p1 $0x0;
	[dreg:$0x19] =	wrdreg s31;
	s15 =	simm.s32 $0x4  }
0x24: {  	s19 =	simm.s32 $0x0;
	s21 =	sadd.s32 $0xFFFFFFC0, s23;
	s7 =	simm.s32 @p1 $0x1  }
0x25: {  	s22 =	sadd.s32 $0xFFFFFFA0, s5;
	s23 =	sadd.s32 $0xFFFFFF80, s6;
	s6 =	simm.s32 $0x4000  }
0x26: {  	v0 =	vimm.f32 $0.0e+00;
	[smem:$0x7FD] =	sst s7;
	p2 =	seq.s32 s21, $0x0;
	s7 =	simm.s32 $0x3  }
.LBB2_1:
0x27: {  	s2 =	rddreg [dreg:$0x4]  }
0x28: {  	s0 =	simm.s32 $0x0;
	s26 =	rddreg [dreg:$0x5]  }
0x29: {  	[tilespmem:s0], [sflag:$0x1] =	stream.linear.gather [hbm4b:s2+s0], $0x1000, $0x38;
	[tilespmem:$0x1FC00] =	vst v63  }
0x2a: {  	s5 =	simm.s32 $0x2000;
	s28 =	rddreg [dreg:$0x6]  }
0x2b: {  	[tilespmem:s5], [sflag:$0x1] =	stream.linear.gather [hbm4b:s26+s0], $0x1000, $0x38;
	[tilespmem:$0x1FC00] =	vst v63  }
0x2c: {  	s29 =	simm.s32 $0x1000;
	s30 =	rddreg [dreg:$0x8]  }
0x2d: {  	[tilespmem:s29], [sflag:$0x2] =	stream.linear.gather [hbm4b:s28+s0], $0x1000, $0x38;
	[tilespmem:$0x1FC00] =	vst v63  }
0x2e: {  	s31 =	simm.s32 $0x3000;
	s24 =	simm.s32 $0x200;
	s5 =	simm.s32 $0x0  }
0x2f: {  	[tilespmem:s31], [sflag:$0x2] =	stream.linear.gather [hbm4b:s30+s0], $0x1000, $0x38;
	[tilespmem:$0x1FC00] =	vst v63  }
.LBB2_2:
0x30: {  	p1 =	sne.s32 s24, $0x7E00;
	[tilespmem:s5+$0x4070] =	vst v0  }
0x31: {  	[tilespmem:s5+$0x4000] =	vst v0  }
0x32: {  	[tilespmem:s5+$0x4010] =	vst v0  }
.Ltmp0:
0x33: {  	[tilespmem:s5+$0x4020] =	vst v0;
	(pc) =	sbr.rel @p1 .LBB2_2-.Ltmp0, $4  }
0x34: {  	[tilespmem:s5+$0x4030] =	vst v0  }
0x35: {  	[tilespmem:s5+$0x4040] =	vst v0  }
0x36: {  	[tilespmem:s5+$0x4050] =	vst v0  }
0x37: {  	[tilespmem:s5+$0x4060] =	vst v0;
	s5 =	sshra.s32 s24, $0x2;
	s24 =	sadd.s32 $0x200, s24  }
0x38: {  	[tilespmem:s5+$0x4070] =	vst v0  }
0x39: {  	[tilespmem:s5+$0x4000] =	vst v0  }
0x3a: {  	[tilespmem:s5+$0x4010] =	vst v0  }
0x3b: {  	[tilespmem:s5+$0x4020] =	vst v0  }
0x3c: {  	[tilespmem:s5+$0x4030] =	vst v0  }
0x3d: {  	[tilespmem:s5+$0x4040] =	vst v0  }
0x3e: {  	[tilespmem:s5+$0x4050] =	vst v0  }
0x3f: {  	[tilespmem:s5+$0x4060] =	vst v0  }
0x40: {  	[spmem:s4] =	stream.linear.scatter [tilespmem:s6], [sflag:$0x3], $0x2000, $0x38;
	[tilespmem:$0x1FC00] =	vst v63  }
0x41: {  	s0 =	rddreg [dreg:$0x9]  }
0x42: {  	[spmem:s0] =	stream.linear.scatter [tilespmem:s6], [sflag:$0x3], $0x2000, $0x38;
	[tilespmem:$0x1FC00] =	vst v63  }
0x43: {  	s8 =	rddreg [dreg:$0xa]  }
0x44: {  	[spmem:s8] =	stream.linear.scatter [tilespmem:s6], [sflag:$0x3], $0x2000, $0x38;
	[tilespmem:$0x1FC00] =	vst v63  }
0x45: {  	s24 =	rddreg [dreg:$0xb]  }
0x46: {  	[spmem:s24] =	stream.linear.scatter [tilespmem:s6], [sflag:$0x3], $0x2000, $0x38;
	[tilespmem:$0x1FC00] =	vst v63  }
0x47: {  	s25 =	rddreg [dreg:$0x12]  }
0x48: {  	[spmem:s25] =	stream.linear.scatter [tilespmem:s6], [sflag:$0x3], $0x2000, $0x38;
	[tilespmem:$0x1FC00] =	vst v63  }
0x49: {  	s26 =	rddreg [dreg:$0x15]  }
0x4a: {  	[spmem:s26] =	stream.linear.scatter [tilespmem:s6], [sflag:$0x3], $0x2000, $0x38;
	[tilespmem:$0x1FC00] =	vst v63  }
0x4b: {  	s28 =	rddreg [dreg:$0x16]  }
0x4c: {  	[spmem:s28] =	stream.linear.scatter [tilespmem:s6], [sflag:$0x3], $0x2000, $0x38;
	[tilespmem:$0x1FC00] =	vst v63  }
0x4d: {  	s29 =	rddreg [dreg:$0x17]  }
0x4e: {  	[spmem:s29] =	stream.linear.scatter [tilespmem:s6], [sflag:$0x3], $0x2000, $0x38;
	[tilespmem:$0x1FC00] =	vst v63  }
0x4f: {  	s30 =	rddreg [dreg:$0x18]  }
0x50: {  	[spmem:s30] =	stream.linear.scatter [tilespmem:s6], [sflag:$0x3], $0x2000, $0x38;
	[tilespmem:$0x1FC00] =	vst v63  }
0x51: {  	s31 =	rddreg [dreg:$0x19]  }
0x52: {  	[spmem:s31] =	stream.linear.scatter [tilespmem:s6], [sflag:$0x3], $0x1C00, $0x38;
	[tilespmem:$0x1FC00] =	vst v63  }
0x53: {  	_ =	swait.ge [sflag:s7], $0x2000  }
0x54: {  	[sflag:s7] =	ssyncset.done $0x0  }
0x55: {  	[sflag:s7] =	ssyncadd.s32 $0xFFFFE000  }
0x56: {  	_ =	swait.ge [sflag:s7], $0x2000  }
0x57: {  	[sflag:s7] =	ssyncset.done $0x0  }
0x58: {  	[sflag:s7] =	ssyncadd.s32 $0xFFFFE000  }
0x59: {  	_ =	swait.ge [sflag:s7], $0x2000  }
0x5a: {  	[sflag:s7] =	ssyncset.done $0x0  }
0x5b: {  	[sflag:s7] =	ssyncadd.s32 $0xFFFFE000  }
0x5c: {  	_ =	swait.ge [sflag:s7], $0x2000  }
0x5d: {  	[sflag:s7] =	ssyncset.done $0x0  }
0x5e: {  	[sflag:s7] =	ssyncadd.s32 $0xFFFFE000  }
0x5f: {  	_ =	swait.ge [sflag:s7], $0x2000  }
0x60: {  	[sflag:s7] =	ssyncset.done $0x0  }
0x61: {  	[sflag:s7] =	ssyncadd.s32 $0xFFFFE000  }
0x62: {  	_ =	swait.ge [sflag:s7], $0x2000  }
0x63: {  	[sflag:s7] =	ssyncset.done $0x0  }
0x64: {  	[sflag:s7] =	ssyncadd.s32 $0xFFFFE000  }
0x65: {  	_ =	swait.ge [sflag:s7], $0x2000  }
0x66: {  	[sflag:s7] =	ssyncset.done $0x0  }
0x67: {  	[sflag:s7] =	ssyncadd.s32 $0xFFFFE000  }
0x68: {  	_ =	swait.ge [sflag:s7], $0x2000  }
0x69: {  	[sflag:s7] =	ssyncset.done $0x0  }
0x6a: {  	[sflag:s7] =	ssyncadd.s32 $0xFFFFE000  }
0x6b: {  	_ =	swait.ge [sflag:s7], $0x2000  }
0x6c: {  	[sflag:s7] =	ssyncset.done $0x0  }
0x6d: {  	[sflag:s7] =	ssyncadd.s32 $0xFFFFE000  }
0x6e: {  	_ =	swait.ge [sflag:s7], $0x1C00  }
0x6f: {  	[sflag:s7] =	ssyncset.done $0x0  }
0x70: {  	[sflag:s7] =	ssyncadd.s32 $0xFFFFE400  }
0x71: {  	[bflag:$0x0] =	sbarrier.arrive $0xFFFF  }
0x72: {  	_ =	swait.ge [sflag:s9], $0x1000  }
0x73: {  	[sflag:s9] =	ssyncset.done $0x0  }
0x74: {  	[sflag:s9] =	ssyncadd.s32 $0xFFFFF000  }
0x75: {  	_ =	swait.ge [sflag:s9], $0x1000  }
0x76: {  	[sflag:s9] =	ssyncset.done $0x0  }
0x77: {  	s2 =	simm.s32 $0x0;
	[sflag:s9] =	ssyncadd.s32 $0xFFFFF000  }
0x78: {  	[tilespmem:s6], [sflag:$0x3] =	stream.indirect.gather [hbm4b:s1+s10], $0x80, s2, s10, $0xb8;
	[tilespmem:$0x1FC00] =	vst v63  }
0x79: {  	s4 =	simm.s32 $0x80  }
0x7a: {  	[tilespmem:s11], [sflag:$0x4] =	stream.indirect.gather [hbm4b:s1+s10], $0x80, s4, s10, $0xb8;
	[tilespmem:$0x1FC00] =	vst v63  }
0x7b: {  	s5 =	simm.s32 $0x100  }
0x7c: {  	[tilespmem:s12], [sflag:$0x5] =	stream.indirect.gather [hbm4b:s1+s10], $0x80, s5, s10, $0xb8;
	[tilespmem:$0x1FC00] =	vst v63  }
0x7d: {  	s8 =	simm.s32 $0x180  }
0x7e: {  	[tilespmem:s13], [sflag:$0x6] =	stream.indirect.gather [hbm4b:s1+s10], $0x80, s8, s10, $0xb8;
	[tilespmem:$0x1FC00] =	vst v63  }
0x7f: {  	_ =	swait.ge [sflag:s7], $0x2000  }
0x80: {  	[sflag:s7] =	ssyncset.done $0x0  }
0x81: {  	s24 =	simm.s32 $0x2000;
	[sflag:s7] =	ssyncadd.s32 $0xFFFFE000  }
0x82: {  	[spmem:s3] =	stream.indirect.scatter.add.f32 [tilespmem:s6], [sflag:$0x7], $0x80, s24, s10, $0xb8;
	[tilespmem:$0x1FC00] =	vst v63  }
0x83: {  	_ =	swait.ge [sflag:s14], $0x2000  }
0x84: {  	[sflag:s14] =	ssyncset.done $0x0  }
0x85: {  	s25 =	simm.s32 $0x200;
	[sflag:s14] =	ssyncadd.s32 $0xFFFFE000  }
0x86: {  	[tilespmem:s6], [sflag:$0x3] =	stream.indirect.gather [hbm4b:s1+s10], $0x80, s25, s10, $0xb8;
	[tilespmem:$0x1FC00] =	vst v63  }
0x87: {  	_ =	swait.ge [sflag:s15], $0x2000  }
0x88: {  	[sflag:s15] =	ssyncset.done $0x0  }
0x89: {  	s26 =	simm.s32 $0x2080;
	[sflag:s15] =	ssyncadd.s32 $0xFFFFE000  }
0x8a: {  	[spmem:s3] =	stream.indirect.scatter.add.f32 [tilespmem:s11], [sflag:$0x7], $0x80, s26, s10, $0xb8;
	[tilespmem:$0x1FC00] =	vst v63  }
0x8b: {  	_ =	swait.ge [sflag:s14], $0x2000  }
0x8c: {  	[sflag:s14] =	ssyncset.done $0x0  }
0x8d: {  	s28 =	simm.s32 $0x280;
	[sflag:s14] =	ssyncadd.s32 $0xFFFFE000  }
0x8e: {  	[tilespmem:s11], [sflag:$0x4] =	stream.indirect.gather [hbm4b:s1+s10], $0x80, s28, s10, $0xb8;
	[tilespmem:$0x1FC00] =	vst v63  }
0x8f: {  	_ =	swait.ge [sflag:s16], $0x2000  }
0x90: {  	[sflag:s16] =	ssyncset.done $0x0  }
0x91: {  	s29 =	simm.s32 $0x2100;
	[sflag:s16] =	ssyncadd.s32 $0xFFFFE000  }
0x92: {  	[spmem:s3] =	stream.indirect.scatter.add.f32 [tilespmem:s12], [sflag:$0x7], $0x80, s29, s10, $0xb8;
	[tilespmem:$0x1FC00] =	vst v63  }
0x93: {  	_ =	swait.ge [sflag:s14], $0x2000  }
0x94: {  	[sflag:s14] =	ssyncset.done $0x0  }
0x95: {  	s30 =	simm.s32 $0x300;
	[sflag:s14] =	ssyncadd.s32 $0xFFFFE000  }
0x96: {  	[tilespmem:s12], [sflag:$0x5] =	stream.indirect.gather [hbm4b:s1+s10], $0x80, s30, s10, $0xb8;
	[tilespmem:$0x1FC00] =	vst v63  }
0x97: {  	_ =	swait.ge [sflag:s17], $0x2000  }
0x98: {  	[sflag:s17] =	ssyncset.done $0x0  }
0x99: {  	s31 =	simm.s32 $0x2180;
	[sflag:s17] =	ssyncadd.s32 $0xFFFFE000  }
0x9a: {  	[spmem:s3] =	stream.indirect.scatter.add.f32 [tilespmem:s13], [sflag:$0x7], $0x80, s31, s10, $0xb8;
	[tilespmem:$0x1FC00] =	vst v63  }
0x9b: {  	_ =	swait.ge [sflag:s14], $0x2000  }
0x9c: {  	[sflag:s14] =	ssyncset.done $0x0  }
0x9d: {  	s5 =	simm.s32 $0x800;
	s24 =	simm.s32 $0x380;
	[sflag:s14] =	ssyncadd.s32 $0xFFFFE000  }
.LBB2_4:
0x9e: {  	[tilespmem:s13], [sflag:$0x6] =	stream.indirect.gather [hbm4b:s1+s10], $0x80, s24, s10, $0xb8;
	[tilespmem:$0x1FC00] =	vst v63  }
0x9f: {  	s24 =	smov.u32 s5  }
0xa0: {  	p3 =	sne.s32 s5, $0x3000;
	s5 =	sadd.s32 $0x800, s5;
	_ =	swait.ge [sflag:s7], $0x2000  }
0xa1: {  	s24 =	sshra.s32 s24, $0x2;
	[sflag:s7] =	ssyncset.done $0x0  }
0xa2: {  	s25 =	sadd.s32 $0x2000, s24;
	[sflag:s7] =	ssyncadd.s32 $0xFFFFE000  }
0xa3: {  	[spmem:s3] =	stream.indirect.scatter.add.f32 [tilespmem:s6], [sflag:$0x7], $0x80, s25, s10, $0xb8;
	[tilespmem:$0x1FC00] =	vst v63  }
0xa4: {  	_ =	swait.ge [sflag:s14], $0x2000  }
0xa5: {  	[sflag:s14] =	ssyncset.done $0x0  }
0xa6: {  	s25 =	sadd.s32 $0x200, s24;
	[sflag:s14] =	ssyncadd.s32 $0xFFFFE000  }
0xa7: {  	[tilespmem:s6], [sflag:$0x3] =	stream.indirect.gather [hbm4b:s1+s10], $0x80, s25, s10, $0xb8;
	[tilespmem:$0x1FC00] =	vst v63  }
0xa8: {  	_ =	swait.ge [sflag:s15], $0x2000  }
0xa9: {  	[sflag:s15] =	ssyncset.done $0x0  }
0xaa: {  	s25 =	sadd.s32 $0x2080, s24;
	[sflag:s15] =	ssyncadd.s32 $0xFFFFE000  }
0xab: {  	[spmem:s3] =	stream.indirect.scatter.add.f32 [tilespmem:s11], [sflag:$0x7], $0x80, s25, s10, $0xb8;
	[tilespmem:$0x1FC00] =	vst v63  }
0xac: {  	_ =	swait.ge [sflag:s14], $0x2000  }
0xad: {  	[sflag:s14] =	ssyncset.done $0x0  }
0xae: {  	s25 =	sadd.s32 $0x280, s24;
	[sflag:s14] =	ssyncadd.s32 $0xFFFFE000  }
0xaf: {  	[tilespmem:s11], [sflag:$0x4] =	stream.indirect.gather [hbm4b:s1+s10], $0x80, s25, s10, $0xb8;
	[tilespmem:$0x1FC00] =	vst v63  }
0xb0: {  	_ =	swait.ge [sflag:s16], $0x2000  }
0xb1: {  	[sflag:s16] =	ssyncset.done $0x0  }
0xb2: {  	s25 =	sadd.s32 $0x2100, s24;
	[sflag:s16] =	ssyncadd.s32 $0xFFFFE000  }
0xb3: {  	[spmem:s3] =	stream.indirect.scatter.add.f32 [tilespmem:s12], [sflag:$0x7], $0x80, s25, s10, $0xb8;
	[tilespmem:$0x1FC00] =	vst v63  }
0xb4: {  	_ =	swait.ge [sflag:s14], $0x2000  }
0xb5: {  	[sflag:s14] =	ssyncset.done $0x0  }
0xb6: {  	s25 =	sadd.s32 $0x300, s24;
	[sflag:s14] =	ssyncadd.s32 $0xFFFFE000  }
0xb7: {  	[tilespmem:s12], [sflag:$0x5] =	stream.indirect.gather [hbm4b:s1+s10], $0x80, s25, s10, $0xb8;
	[tilespmem:$0x1FC00] =	vst v63  }
0xb8: {  	_ =	swait.ge [sflag:s17], $0x2000  }
0xb9: {  	[sflag:s17] =	ssyncset.done $0x0  }
.Ltmp1:
0xba: {  	s25 =	sadd.s32 $0x2180, s24;
	[sflag:s17] =	ssyncadd.s32 $0xFFFFE000;
	(pc) =	sbr.rel @p3 .LBB2_4-.Ltmp1, $4  }
0xbb: {  	[spmem:s3] =	stream.indirect.scatter.add.f32 [tilespmem:s13], [sflag:$0x7], $0x80, s25, s10, $0xb8;
	[tilespmem:$0x1FC00] =	vst v63  }
0xbc: {  	_ =	swait.ge [sflag:s14], $0x2000  }
0xbd: {  	[sflag:s14] =	ssyncset.done $0x0  }
0xbe: {  	s24 =	sadd.s32 $0x380, s24;
	[sflag:s14] =	ssyncadd.s32 $0xFFFFE000  }
0xbf: {  	[tilespmem:s13], [sflag:$0x6] =	stream.indirect.gather [hbm4b:s1+s10], $0x80, s24, s10, $0xb8;
	[tilespmem:$0x1FC00] =	vst v63  }
0xc0: {  	_ =	swait.ge [sflag:s7], $0x2000  }
0xc1: {  	[sflag:s7] =	ssyncset.done $0x0  }
0xc2: {  	s0 =	simm.s32 $0x2E00;
	[sflag:s7] =	ssyncadd.s32 $0xFFFFE000  }
0xc3: {  	[spmem:s3] =	stream.indirect.scatter.add.f32 [tilespmem:s6], [sflag:$0x7], $0x80, s0, s10, $0xb8;
	[tilespmem:$0x1FC00] =	vst v63  }
0xc4: {  	_ =	swait.ge [sflag:s14], $0x2000  }
0xc5: {  	[sflag:s14] =	ssyncset.done $0x0  }
0xc6: {  	[sflag:s14] =	ssyncadd.s32 $0xFFFFE000  }
0xc7: {  	_ =	swait.ge [sflag:s15], $0x2000  }
0xc8: {  	[sflag:s15] =	ssyncset.done $0x0  }
0xc9: {  	s4 =	simm.s32 $0x2E80;
	[sflag:s15] =	ssyncadd.s32 $0xFFFFE000  }
0xca: {  	[spmem:s3] =	stream.indirect.scatter.add.f32 [tilespmem:s11], [sflag:$0x7], $0x80, s4, s10, $0xb8;
	[tilespmem:$0x1FC00] =	vst v63  }
0xcb: {  	_ =	swait.ge [sflag:s14], $0x2000  }
0xcc: {  	[sflag:s14] =	ssyncset.done $0x0  }
0xcd: {  	[sflag:s14] =	ssyncadd.s32 $0xFFFFE000  }
0xce: {  	_ =	swait.ge [sflag:s16], $0x2000  }
0xcf: {  	[sflag:s16] =	ssyncset.done $0x0  }
0xd0: {  	s5 =	simm.s32 $0x2F00;
	[sflag:s16] =	ssyncadd.s32 $0xFFFFE000  }
0xd1: {  	[spmem:s3] =	stream.indirect.scatter.add.f32 [tilespmem:s12], [sflag:$0x7], $0x80, s5, s10, $0xb8;
	[tilespmem:$0x1FC00] =	vst v63  }
0xd2: {  	_ =	swait.ge [sflag:s14], $0x2000  }
0xd3: {  	[sflag:s14] =	ssyncset.done $0x0  }
0xd4: {  	[sflag:s14] =	ssyncadd.s32 $0xFFFFE000  }
0xd5: {  	_ =	swait.ge [sflag:s17], $0x2000  }
0xd6: {  	[sflag:s17] =	ssyncset.done $0x0  }
0xd7: {  	s8 =	simm.s32 $0x2F80;
	[sflag:s17] =	ssyncadd.s32 $0xFFFFE000  }
0xd8: {  	[spmem:s3] =	stream.indirect.scatter.add.f32 [tilespmem:s13], [sflag:$0x7], $0x80, s8, s10, $0xb8;
	[tilespmem:$0x1FC00] =	vst v63  }
0xd9: {  	_ =	swait.ge [sflag:s14], $0x2000  }
0xda: {  	[sflag:s14] =	ssyncset.done $0x0  }
0xdb: {  	s5 =	simm.s32 $0x0;
	s24 =	rddreg [dreg:$0xc];
	[sflag:s14] =	ssyncadd.s32 $0xFFFFE000  }
0xdc: {  	[tilespmem:s5], [sflag:$0x1] =	stream.linear.gather [hbm4b:s24+s5], $0x1000, $0x38;
	[tilespmem:$0x1FC00] =	vst v63  }
0xdd: {  	s2 =	simm.s32 $0x2000;
	s25 =	rddreg [dreg:$0xd]  }
0xde: {  	[tilespmem:s2], [sflag:$0x1] =	stream.linear.gather [hbm4b:s25+s5], $0x1000, $0x38;
	[tilespmem:$0x1FC00] =	vst v63  }
0xdf: {  	_ =	swait.ge [sflag:s18], $0x1000  }
0xe0: {  	[sflag:s18] =	ssyncset.done $0x0  }
0xe1: {  	[sflag:s18] =	ssyncadd.s32 $0xFFFFF000  }
0xe2: {  	_ =	swait.ge [sflag:s18], $0x1000  }
0xe3: {  	[sflag:s18] =	ssyncset.done $0x0  }
0xe4: {  	s26 =	simm.s32 $0x1000;
	[sflag:s18] =	ssyncadd.s32 $0xFFFFF000  }
0xe5: {  	[tilespmem:s6], [sflag:$0x3] =	stream.indirect.gather [hbm4b:s1+s10], $0x80, s26, s10, $0xb8;
	[tilespmem:$0x1FC00] =	vst v63  }
0xe6: {  	s29 =	simm.s32 $0x1080  }
0xe7: {  	[tilespmem:s11], [sflag:$0x4] =	stream.indirect.gather [hbm4b:s1+s10], $0x80, s29, s10, $0xb8;
	[tilespmem:$0x1FC00] =	vst v63  }
0xe8: {  	s30 =	simm.s32 $0x1100;
	p1 =	sle.u32 s20, $0x0  }
0xe9: {  	[tilespmem:s12], [sflag:$0x5] =	stream.indirect.gather [hbm4b:s1+s10], $0x80, s30, s10, $0xb8;
	[tilespmem:$0x1FC00] =	vst v63  }
0xea: {  	s31 =	simm.s32 $0x1180;
	s24 =	simm.s32 @!p1 $0x3  }
0xeb: {  	[tilespmem:s13], [sflag:$0x6] =	stream.indirect.gather [hbm4b:s1+s10], $0x80, s31, s10, $0xb8;
	[tilespmem:$0x1FC00] =	vst v63  }
0xec: {  	_ =	swait.ge @!p1 [sflag:s24], $0x2000  }
0xed: {  	s25 =	simm.s32 @!p1 $0x3000;
	[sflag:s24] =	ssyncset.done @!p1 $0x0  }
0xee: {  	s26 =	simm.s32 @!p1 $0x4000;
	[sflag:s24] =	ssyncadd.s32 @!p1 $0xFFFFE000;
	s24 =	simm.s32 @!p1 $0x40  }
0xef: {  	[spmem:s3] =	stream.indirect.scatter.add.f32 @!p1 [tilespmem:s26], [sflag:$0x7], $0x80, s25, s24, $0xb8;
	[tilespmem:$0x1FC00] =	vst v63  }
0xf0: {  	p3 =	sle.u32 @!p1 s20, $0x4;
	s24 =	simm.s32 @!p1 $0x7  }
0xf1: {  	p4 =	por p3, p1;
	_ =	swait.ge @!p1 [sflag:s24], $0x2000  }
0xf2: {  	p3 =	sle.u32 s20, $0x1;
	s25 =	simm.s32 @!p4 $0x40;
	[sflag:s24] =	ssyncset.done @!p1 $0x0  }
0xf3: {  	s26 =	simm.s32 @!p4 $0x4000;
	[sflag:s24] =	ssyncadd.s32 @!p1 $0xFFFFE000;
	s24 =	simm.s32 @!p4 $0x1200  }
0xf4: {  	[tilespmem:s26], [sflag:$0x3] =	stream.indirect.gather @!p4 [hbm4b:s1+s25], $0x80, s24, s25, $0xb8;
	[tilespmem:$0x1FC00] =	vst v63  }
0xf5: {  	s24 =	simm.s32 @!p3 $0x4  }
0xf6: {  	_ =	swait.ge @!p3 [sflag:s24], $0x2000  }
0xf7: {  	s25 =	simm.s32 @!p3 $0x3080;
	[sflag:s24] =	ssyncset.done @!p3 $0x0  }
0xf8: {  	s26 =	simm.s32 @!p3 $0x40;
	[sflag:s24] =	ssyncadd.s32 @!p3 $0xFFFFE000;
	s24 =	simm.s32 @!p3 $0x6000  }
0xf9: {  	[spmem:s3] =	stream.indirect.scatter.add.f32 @!p3 [tilespmem:s24], [sflag:$0x7], $0x80, s25, s26, $0xb8;
	[tilespmem:$0x1FC00] =	vst v63  }
0xfa: {  	p1 =	sle.u32 @!p3 s20, $0x5;
	s24 =	simm.s32 @!p3 $0x7  }
0xfb: {  	p4 =	por p1, p3;
	_ =	swait.ge @!p3 [sflag:s24], $0x2000  }
0xfc: {  	p1 =	sle.u32 s20, $0x2;
	s25 =	simm.s32 @!p4 $0x6000;
	[sflag:s24] =	ssyncset.done @!p3 $0x0  }
0xfd: {  	s26 =	simm.s32 @!p4 $0x1280;
	[sflag:s24] =	ssyncadd.s32 @!p3 $0xFFFFE000;
	s24 =	simm.s32 @!p4 $0x40  }
0xfe: {  	[tilespmem:s25], [sflag:$0x4] =	stream.indirect.gather @!p4 [hbm4b:s1+s24], $0x80, s26, s24, $0xb8;
	[tilespmem:$0x1FC00] =	vst v63  }
0xff: {  	s24 =	simm.s32 @!p1 $0x5  }
0x100: {  	_ =	swait.ge @!p1 [sflag:s24], $0x2000  }
0x101: {  	s25 =	simm.s32 @!p1 $0x3100;
	[sflag:s24] =	ssyncset.done @!p1 $0x0  }
0x102: {  	s26 =	simm.s32 @!p1 $0x8000;
	[sflag:s24] =	ssyncadd.s32 @!p1 $0xFFFFE000;
	s24 =	simm.s32 @!p1 $0x40  }
0x103: {  	[spmem:s3] =	stream.indirect.scatter.add.f32 @!p1 [tilespmem:s26], [sflag:$0x7], $0x80, s25, s24, $0xb8;
	[tilespmem:$0x1FC00] =	vst v63  }
0x104: {  	p3 =	sle.u32 @!p1 s20, $0x6;
	s24 =	simm.s32 @!p1 $0x7  }
0x105: {  	p3 =	por p3, p1;
	_ =	swait.ge @!p1 [sflag:s24], $0x2000  }
0x106: {  	p5 =	sle.u32 s20, $0x3;
	s25 =	simm.s32 @!p3 $0x8000;
	[sflag:s24] =	ssyncset.done @!p1 $0x0  }
0x107: {  	s26 =	simm.s32 @!p3 $0x1300;
	[sflag:s24] =	ssyncadd.s32 @!p1 $0xFFFFE000;
	s24 =	simm.s32 @!p3 $0x40  }
0x108: {  	[tilespmem:s25], [sflag:$0x5] =	stream.indirect.gather @!p3 [hbm4b:s1+s24], $0x80, s26, s24, $0xb8;
	[tilespmem:$0x1FC00] =	vst v63  }
0x109: {  	s24 =	simm.s32 @!p5 $0x6  }
0x10a: {  	s28 =	simm.s32 @!p5 $0x7;
	_ =	swait.ge @!p5 [sflag:s24], $0x2000  }
0x10b: {  	p1 =	sle.u32 @!p5 s20, $0x7;
	s25 =	simm.s32 @!p5 $0x3180;
	[sflag:s24] =	ssyncset.done @!p5 $0x0  }
0x10c: {  	s26 =	simm.s32 @!p5 $0x40;
	[sflag:s24] =	ssyncadd.s32 @!p5 $0xFFFFE000;
	s24 =	simm.s32 @!p5 $0xA000  }
0x10d: {  	[spmem:s3] =	stream.indirect.scatter.add.f32 @!p5 [tilespmem:s24], [sflag:$0x7], $0x80, s25, s26, $0xb8;
	[tilespmem:$0x1FC00] =	vst v63  }
0x10e: {  	p4 =	por p1, p5;
	s24 =	simm.s32 $0x4;
	s25 =	simm.s32 $0x800  }
.LBB2_6:
0x10f: {  	_ =	swait.ge @!p5 [sflag:s28], $0x2000;
	s29 =	sshra.s32 @!p4 s5, $0x2  }
0x110: {  	s26 =	smov.u32 s24;
	s24 =	sadd.s32 $0x4, s24;
	s5 =	smov.u32 s25  }
0x111: {  	p3 =	sne.s32 s24, $0x20;
	[sflag:s28] =	ssyncset.done @!p5 $0x0;
	s29 =	sadd.s32 @!p4 $0x1380, s29  }
0x112: {  	s30 =	simm.s32 @!p4 $0xA000;
	[sflag:s28] =	ssyncadd.s32 @!p5 $0xFFFFE000;
	s28 =	simm.s32 @!p4 $0x40  }
0x113: {  	[tilespmem:s30], [sflag:$0x6] =	stream.indirect.gather @!p4 [hbm4b:s1+s28], $0x80, s29, s28, $0xb8;
	[tilespmem:$0x1FC00] =	vst v63  }
0x114: {  	_ = 	snop  }
0x115: {  	p5 =	sge.u32 s26, s20;
	s28 =	sadd.s32 $0x2, s26  }
0x116: {  	s29 =	simm.s32 @!p5 $0x3;
	s30 =	sshra.s32 @!p5 s25, $0x2;
	s31 =	simm.s32 @!p5 $0x7  }
0x117: {  	s0 =	sadd.s32 @!p5 $0x4, s26;
	s30 =	sadd.s32 @!p5 $0x3000, s30;
	_ =	swait.ge @!p5 [sflag:s29], $0x2000  }
0x118: {  	p1 =	sge.u32 @!p5 s0, s20;
	p4 =	sge.u32 s28, s20;
	[sflag:s29] =	ssyncset.done @!p5 $0x0  }
0x119: {  	s0 =	simm.s32 @!p5 $0x40;
	s28 =	simm.s32 @!p5 $0x4000;
	[sflag:s29] =	ssyncadd.s32 @!p5 $0xFFFFE000  }
0x11a: {  	[spmem:s3] =	stream.indirect.scatter.add.f32 @!p5 [tilespmem:s28], [sflag:$0x7], $0x80, s30, s0, $0xb8;
	[tilespmem:$0x1FC00] =	vst v63  }
0x11b: {  	p1 =	por p1, p5;
	s0 =	sshra.s32 @!p4 s25, $0x2;
	_ =	swait.ge @!p5 [sflag:s31], $0x2000  }
0x11c: {  	s29 =	sadd.s32 $0x1, s26;
	s28 =	sshra.s32 @!p1 s25, $0x2;
	[sflag:s31] =	ssyncset.done @!p5 $0x0  }
0x11d: {  	s28 =	sadd.s32 @!p1 $0x1200, s28;
	[sflag:s31] =	ssyncadd.s32 @!p5 $0xFFFFE000;
	p5 =	sge.u32 s29, s20  }
0x11e: {  	s29 =	simm.s32 @!p1 $0x40;
	s30 =	simm.s32 @!p5 $0x4;
	s31 =	sshra.s32 @!p5 s25, $0x2  }
0x11f: {  	s2 =	simm.s32 @!p1 $0x4000;
	s8 =	sadd.s32 @!p5 $0x5, s26;
	s31 =	sadd.s32 @!p5 $0x3080, s31  }
0x120: {  	s0 =	sadd.s32 @!p4 $0x3100, s0;
	p6 =	sge.u32 @!p5 s8, s20;
	s8 =	sadd.s32 @!p4 $0x6, s26  }
0x121: {  	[tilespmem:s2], [sflag:$0x3] =	stream.indirect.gather @!p1 [hbm4b:s1+s29], $0x80, s28, s29, $0xb8;
	[tilespmem:$0x1FC00] =	vst v63  }
0x122: {  	s2 =	simm.s32 @!p5 $0x7;
	p1 =	por p6, p5;
	_ =	swait.ge @!p5 [sflag:s30], $0x2000  }
0x123: {  	s28 =	simm.s32 @!p5 $0x40;
	s29 =	simm.s32 @!p5 $0x6000;
	[sflag:s30] =	ssyncset.done @!p5 $0x0  }
0x124: {  	s4 =	simm.s32 @!p1 $0x6000;
	[sflag:s30] =	ssyncadd.s32 @!p5 $0xFFFFE000;
	s30 =	sshra.s32 @!p1 s25, $0x2  }
0x125: {  	[spmem:s3] =	stream.indirect.scatter.add.f32 @!p5 [tilespmem:s29], [sflag:$0x7], $0x80, s31, s28, $0xb8;
	[tilespmem:$0x1FC00] =	vst v63  }
0x126: {  	s28 =	sadd.s32 @!p1 $0x1280, s30;
	s29 =	simm.s32 @!p4 $0x5;
	_ =	swait.ge @!p5 [sflag:s2], $0x2000  }
0x127: {  	p6 =	sge.u32 @!p4 s8, s20;
	s30 =	simm.s32 @!p4 $0x8000;
	[sflag:s2] =	ssyncset.done @!p5 $0x0  }
0x128: {  	p6 =	por p6, p4;
	[sflag:s2] =	ssyncadd.s32 @!p5 $0xFFFFE000;
	s2 =	simm.s32 @!p1 $0x40  }
0x129: {  	[tilespmem:s4], [sflag:$0x4] =	stream.indirect.gather @!p1 [hbm4b:s1+s2], $0x80, s28, s2, $0xb8;
	[tilespmem:$0x1FC00] =	vst v63  }
0x12a: {  	s2 =	simm.s32 @!p4 $0x40;
	s4 =	simm.s32 @!p6 $0x8000;
	_ =	swait.ge @!p4 [sflag:s29], $0x2000  }
0x12b: {  	s8 =	simm.s32 @!p4 $0x7;
	s28 =	sshra.s32 @!p6 s25, $0x2;
	[sflag:s29] =	ssyncset.done @!p4 $0x0  }
0x12c: {  	s28 =	sadd.s32 @!p6 $0x1300, s28;
	[sflag:s29] =	ssyncadd.s32 @!p4 $0xFFFFE000;
	s29 =	sadd.s32 $0x3, s26  }
0x12d: {  	[spmem:s3] =	stream.indirect.scatter.add.f32 @!p4 [tilespmem:s30], [sflag:$0x7], $0x80, s0, s2, $0xb8;
	[tilespmem:$0x1FC00] =	vst v63  }
0x12e: {  	s0 =	simm.s32 @!p6 $0x40;
	p5 =	sge.u32 s29, s20;
	_ =	swait.ge @!p4 [sflag:s8], $0x2000  }
0x12f: {  	s2 =	simm.s32 @!p5 $0x6;
	s29 =	sshra.s32 @!p5 s25, $0x2;
	[sflag:s8] =	ssyncset.done @!p4 $0x0  }
0x130: {  	s26 =	sadd.s32 @!p5 $0x7, s26;
	[sflag:s8] =	ssyncadd.s32 @!p4 $0xFFFFE000;
	s8 =	sadd.s32 @!p5 $0x3180, s29  }
0x131: {  	[tilespmem:s4], [sflag:$0x5] =	stream.indirect.gather @!p6 [hbm4b:s1+s0], $0x80, s28, s0, $0xb8;
	[tilespmem:$0x1FC00] =	vst v63  }
.Ltmp2:
0x132: {  	_ = 	snop;
	(pc) =	sbr.rel @p3 .LBB2_6-.Ltmp2, $4  }
0x133: {  	s0 =	simm.s32 @!p5 $0x40;
	s4 =	simm.s32 @!p5 $0xA000;
	_ =	swait.ge @!p5 [sflag:s2], $0x2000  }
0x134: {  	p1 =	sge.u32 @!p5 s26, s20;
	s28 =	simm.s32 @!p5 $0x7;
	[sflag:s2] =	ssyncset.done @!p5 $0x0  }
0x135: {  	s25 =	sadd.s32 $0x800, s25;
	p4 =	por p1, p5;
	[sflag:s2] =	ssyncadd.s32 @!p5 $0xFFFFE000  }
0x136: {  	[spmem:s3] =	stream.indirect.scatter.add.f32 @!p5 [tilespmem:s4], [sflag:$0x7], $0x80, s8, s0, $0xb8;
	[tilespmem:$0x1FC00] =	vst v63  }
0x137: {  	_ =	swait.ge @!p5 [sflag:s28], $0x2000  }
0x138: {  	s0 =	sshra.s32 @!p4 s5, $0x2;
	s2 =	simm.s32 @!p4 $0x40;
	[sflag:s28] =	ssyncset.done @!p5 $0x0  }
0x139: {  	s4 =	simm.s32 @!p4 $0xA000;
	s0 =	sadd.s32 @!p4 $0x1380, s0;
	[sflag:s28] =	ssyncadd.s32 @!p5 $0xFFFFE000  }
0x13a: {  	[tilespmem:s4], [sflag:$0x6] =	stream.indirect.gather @!p4 [hbm4b:s1+s2], $0x80, s0, s2, $0xb8;
	[tilespmem:$0x1FC00] =	vst v63  }
0x13b: {  	s25 =	simm.s32 $0x0;
	s29 =	simm.s32 $0x1000;
	s26 =	rddreg [dreg:$0xe]  }
0x13c: {  	[tilespmem:s29], [sflag:$0x2] =	stream.linear.gather [hbm4b:s26+s25], $0x1000, $0x38;
	[tilespmem:$0x1FC00] =	vst v63  }
0x13d: {  	s31 =	simm.s32 $0x3000;
	s30 =	rddreg [dreg:$0xf]  }
0x13e: {  	[tilespmem:s31], [sflag:$0x2] =	stream.linear.gather [hbm4b:s30+s25], $0x1000, $0x38;
	[tilespmem:$0x1FC00] =	vst v63  }
0x13f: {  	_ =	swait.ge [sflag:s9], $0x1000  }
0x140: {  	[sflag:s9] =	ssyncset.done $0x0  }
0x141: {  	[sflag:s9] =	ssyncadd.s32 $0xFFFFF000  }
0x142: {  	_ =	swait.ge [sflag:s9], $0x1000  }
0x143: {  	s0 =	simm.s32 @!p2 $0x40;
	[sflag:s9] =	ssyncset.done $0x0  }
0x144: {  	s2 =	simm.s32 @!p2 $0x0;
	s4 =	simm.s32 @!p2 $0x4000;
	[sflag:s9] =	ssyncadd.s32 $0xFFFFF000  }
0x145: {  	[tilespmem:s4], [sflag:$0x3] =	stream.indirect.gather @!p2 [hbm4b:s1+s0], $0x80, s2, s0, $0xb8;
	[tilespmem:$0x1FC00] =	vst v63  }
0x146: {  	s0 =	simm.s32 @!p0 $0x40;
	s2 =	simm.s32 @!p0 $0x80;
	s4 =	simm.s32 @!p0 $0x6000  }
0x147: {  	[tilespmem:s4], [sflag:$0x4] =	stream.indirect.gather @!p0 [hbm4b:s1+s0], $0x80, s2, s0, $0xb8;
	[tilespmem:$0x1FC00] =	vst v63  }
0x148: {  	s2 =	simm.s32 @!p0 $0x100;
	s4 =	simm.s32 @!p0 $0x8000  }
0x149: {  	[tilespmem:s4], [sflag:$0x5] =	stream.indirect.gather @!p0 [hbm4b:s1+s0], $0x80, s2, s0, $0xb8;
	[tilespmem:$0x1FC00] =	vst v63  }
0x14a: {  	p1 =	sle.u32 s21, $0x0;
	s2 =	simm.s32 @!p0 $0x180;
	s4 =	simm.s32 @!p0 $0xA000  }
0x14b: {  	[tilespmem:s4], [sflag:$0x6] =	stream.indirect.gather @!p0 [hbm4b:s1+s0], $0x80, s2, s0, $0xb8;
	[tilespmem:$0x1FC00] =	vst v63  }
0x14c: {  	s0 =	simm.s32 @!p1 $0x3  }
0x14d: {  	_ =	swait.ge @!p1 [sflag:s0], $0x2000  }
0x14e: {  	s5 =	simm.s32 @!p1 $0x4000;
	s2 =	simm.s32 @!p1 $0x7;
	[sflag:s0] =	ssyncset.done @!p1 $0x0  }
0x14f: {  	s4 =	simm.s32 @!p1 $0x2000;
	[sflag:s0] =	ssyncadd.s32 @!p1 $0xFFFFE000;
	s0 =	simm.s32 @!p1 $0x40  }
0x150: {  	[spmem:s3] =	stream.indirect.scatter.add.f32 @!p1 [tilespmem:s5], [sflag:$0x7], $0x80, s4, s0, $0xb8;
	[tilespmem:$0x1FC00] =	vst v63  }
0x151: {  	p3 =	sle.u32 @!p1 s21, $0x4;
	_ =	swait.ge @!p1 [sflag:s2], $0x2000  }
0x152: {  	s24 =	simm.s32 $0x4;
	p3 =	por p3, p1;
	[sflag:s2] =	ssyncset.done @!p1 $0x0  }
0x153: {  	s0 =	simm.s32 @!p3 $0x200;
	[sflag:s2] =	ssyncadd.s32 @!p1 $0xFFFFE000;
	p1 =	sle.u32 s21, $0x1  }
0x154: {  	s5 =	simm.s32 @!p3 $0x4000;
	s2 =	simm.s32 @!p3 $0x40;
	s4 =	simm.s32 @!p1 $0x4  }
0x155: {  	[tilespmem:s5], [sflag:$0x3] =	stream.indirect.gather @!p3 [hbm4b:s1+s2], $0x80, s0, s2, $0xb8;
	[tilespmem:$0x1FC00] =	vst v63  }
0x156: {  	p5 =	sle.u32 s21, $0x3;
	s0 =	simm.s32 @!p1 $0x2080;
	_ =	swait.ge @!p1 [sflag:s4], $0x2000  }
0x157: {  	p4 =	sle.u32 @!p1 s21, $0x5;
	s2 =	simm.s32 @!p1 $0x7;
	[sflag:s4] =	ssyncset.done @!p1 $0x0  }
0x158: {  	s5 =	simm.s32 @!p1 $0x40;
	s8 =	simm.s32 @!p1 $0x6000;
	[sflag:s4] =	ssyncadd.s32 @!p1 $0xFFFFE000  }
0x159: {  	[spmem:s3] =	stream.indirect.scatter.add.f32 @!p1 [tilespmem:s8], [sflag:$0x7], $0x80, s0, s5, $0xb8;
	[tilespmem:$0x1FC00] =	vst v63  }
0x15a: {  	p3 =	sle.u32 s21, $0x2;
	p4 =	por p4, p1;
	_ =	swait.ge @!p1 [sflag:s2], $0x2000  }
0x15b: {  	s4 =	simm.s32 @!p4 $0x280;
	s0 =	simm.s32 @!p4 $0x6000;
	[sflag:s2] =	ssyncset.done @!p1 $0x0  }
0x15c: {  	s5 =	simm.s32 @!p3 $0x5;
	[sflag:s2] =	ssyncadd.s32 @!p1 $0xFFFFE000;
	s2 =	simm.s32 @!p4 $0x40  }
0x15d: {  	[tilespmem:s0], [sflag:$0x4] =	stream.indirect.gather @!p4 [hbm4b:s1+s2], $0x80, s4, s2, $0xb8;
	[tilespmem:$0x1FC00] =	vst v63  }
0x15e: {  	s28 =	simm.s32 @!p5 $0x7;
	s8 =	simm.s32 @!p3 $0x7;
	_ =	swait.ge @!p3 [sflag:s5], $0x2000  }
0x15f: {  	p1 =	sle.u32 @!p3 s21, $0x6;
	s0 =	simm.s32 @!p3 $0x2100;
	[sflag:s5] =	ssyncset.done @!p3 $0x0  }
0x160: {  	s2 =	simm.s32 @!p3 $0x8000;
	s4 =	simm.s32 @!p3 $0x40;
	[sflag:s5] =	ssyncadd.s32 @!p3 $0xFFFFE000  }
0x161: {  	[spmem:s3] =	stream.indirect.scatter.add.f32 @!p3 [tilespmem:s2], [sflag:$0x7], $0x80, s0, s4, $0xb8;
	[tilespmem:$0x1FC00] =	vst v63  }
0x162: {  	s25 =	simm.s32 $0x800;
	p1 =	por p1, p3;
	_ =	swait.ge @!p3 [sflag:s8], $0x2000  }
0x163: {  	s5 =	simm.s32 @!p5 $0x6;
	s0 =	simm.s32 @!p1 $0x8000;
	[sflag:s8] =	ssyncset.done @!p3 $0x0  }
0x164: {  	s2 =	simm.s32 @!p1 $0x300;
	s4 =	simm.s32 @!p1 $0x40;
	[sflag:s8] =	ssyncadd.s32 @!p3 $0xFFFFE000  }
0x165: {  	[tilespmem:s0], [sflag:$0x5] =	stream.indirect.gather @!p1 [hbm4b:s1+s4], $0x80, s2, s4, $0xb8;
	[tilespmem:$0x1FC00] =	vst v63  }
0x166: {  	s0 =	simm.s32 @!p5 $0x2180;
	s2 =	simm.s32 @!p5 $0x40;
	_ =	swait.ge @!p5 [sflag:s5], $0x2000  }
0x167: {  	s4 =	simm.s32 @!p5 $0xA000;
	p1 =	sle.u32 @!p5 s21, $0x7;
	[sflag:s5] =	ssyncset.done @!p5 $0x0  }
0x168: {  	p4 =	por p1, p5;
	[sflag:s5] =	ssyncadd.s32 @!p5 $0xFFFFE000;
	s5 =	simm.s32 $0x0  }
0x169: {  	[spmem:s3] =	stream.indirect.scatter.add.f32 @!p5 [tilespmem:s4], [sflag:$0x7], $0x80, s0, s2, $0xb8;
	[tilespmem:$0x1FC00] =	vst v63  }
.LBB2_8:
0x16a: {  	_ =	swait.ge @!p5 [sflag:s28], $0x2000;
	s0 =	sshra.s32 @!p4 s5, $0x2  }
0x16b: {  	s26 =	smov.u32 s24;
	s24 =	sadd.s32 $0x4, s24;
	s5 =	smov.u32 s25  }
0x16c: {  	p3 =	sne.s32 s24, $0x20;
	[sflag:s28] =	ssyncset.done @!p5 $0x0;
	s0 =	sadd.s32 @!p4 $0x380, s0  }
0x16d: {  	s2 =	simm.s32 @!p4 $0x40;
	s4 =	simm.s32 @!p4 $0xA000;
	[sflag:s28] =	ssyncadd.s32 @!p5 $0xFFFFE000  }
0x16e: {  	[tilespmem:s4], [sflag:$0x6] =	stream.indirect.gather @!p4 [hbm4b:s1+s2], $0x80, s0, s2, $0xb8;
	[tilespmem:$0x1FC00] =	vst v63  }
0x16f: {  	_ = 	snop  }
0x170: {  	p5 =	sge.u32 s26, s21;
	s0 =	sadd.s32 $0x2, s26  }
0x171: {  	s2 =	simm.s32 @!p5 $0x3;
	s4 =	sshra.s32 @!p5 s25, $0x2;
	s8 =	simm.s32 @!p5 $0x7  }
0x172: {  	s28 =	sadd.s32 @!p5 $0x4, s26;
	s4 =	sadd.s32 @!p5 $0x2000, s4;
	_ =	swait.ge @!p5 [sflag:s2], $0x2000  }
0x173: {  	p1 =	sge.u32 @!p5 s28, s21;
	p4 =	sge.u32 s0, s21;
	[sflag:s2] =	ssyncset.done @!p5 $0x0  }
0x174: {  	s0 =	simm.s32 @!p5 $0x40;
	[sflag:s2] =	ssyncadd.s32 @!p5 $0xFFFFE000;
	s2 =	simm.s32 @!p5 $0x4000  }
0x175: {  	[spmem:s3] =	stream.indirect.scatter.add.f32 @!p5 [tilespmem:s2], [sflag:$0x7], $0x80, s4, s0, $0xb8;
	[tilespmem:$0x1FC00] =	vst v63  }
0x176: {  	p1 =	por p1, p5;
	s0 =	sshra.s32 @!p4 s25, $0x2;
	_ =	swait.ge @!p5 [sflag:s8], $0x2000  }
0x177: {  	s2 =	sshra.s32 @!p1 s25, $0x2;
	s4 =	sadd.s32 $0x1, s26;
	[sflag:s8] =	ssyncset.done @!p5 $0x0  }
0x178: {  	s2 =	sadd.s32 @!p1 $0x200, s2;
	[sflag:s8] =	ssyncadd.s32 @!p5 $0xFFFFE000;
	p5 =	sge.u32 s4, s21  }
0x179: {  	s4 =	simm.s32 @!p1 $0x40;
	s8 =	simm.s32 @!p5 $0x4;
	s28 =	sshra.s32 @!p5 s25, $0x2  }
0x17a: {  	s29 =	simm.s32 @!p1 $0x4000;
	s30 =	sadd.s32 @!p5 $0x5, s26;
	s28 =	sadd.s32 @!p5 $0x2080, s28  }
0x17b: {  	s0 =	sadd.s32 @!p4 $0x2100, s0;
	p6 =	sge.u32 @!p5 s30, s21;
	s30 =	sadd.s32 @!p4 $0x6, s26  }
0x17c: {  	[tilespmem:s29], [sflag:$0x3] =	stream.indirect.gather @!p1 [hbm4b:s1+s4], $0x80, s2, s4, $0xb8;
	[tilespmem:$0x1FC00] =	vst v63  }
0x17d: {  	s2 =	simm.s32 @!p5 $0x7;
	p1 =	por p6, p5;
	_ =	swait.ge @!p5 [sflag:s8], $0x2000  }
0x17e: {  	s4 =	simm.s32 @!p5 $0x40;
	s29 =	simm.s32 @!p5 $0x6000;
	[sflag:s8] =	ssyncset.done @!p5 $0x0  }
0x17f: {  	s31 =	simm.s32 @!p1 $0x6000;
	[sflag:s8] =	ssyncadd.s32 @!p5 $0xFFFFE000;
	s8 =	sshra.s32 @!p1 s25, $0x2  }
0x180: {  	[spmem:s3] =	stream.indirect.scatter.add.f32 @!p5 [tilespmem:s29], [sflag:$0x7], $0x80, s28, s4, $0xb8;
	[tilespmem:$0x1FC00] =	vst v63  }
0x181: {  	s4 =	sadd.s32 @!p1 $0x280, s8;
	s8 =	simm.s32 @!p4 $0x5;
	_ =	swait.ge @!p5 [sflag:s2], $0x2000  }
0x182: {  	p6 =	sge.u32 @!p4 s30, s21;
	s28 =	simm.s32 @!p4 $0x8000;
	[sflag:s2] =	ssyncset.done @!p5 $0x0  }
0x183: {  	p6 =	por p6, p4;
	[sflag:s2] =	ssyncadd.s32 @!p5 $0xFFFFE000;
	s2 =	simm.s32 @!p1 $0x40  }
0x184: {  	[tilespmem:s31], [sflag:$0x4] =	stream.indirect.gather @!p1 [hbm4b:s1+s2], $0x80, s4, s2, $0xb8;
	[tilespmem:$0x1FC00] =	vst v63  }
0x185: {  	s2 =	simm.s32 @!p4 $0x40;
	s4 =	simm.s32 @!p6 $0x8000;
	_ =	swait.ge @!p4 [sflag:s8], $0x2000  }
0x186: {  	s30 =	sshra.s32 @!p6 s25, $0x2;
	s29 =	simm.s32 @!p4 $0x7;
	[sflag:s8] =	ssyncset.done @!p4 $0x0  }
0x187: {  	[sflag:s8] =	ssyncadd.s32 @!p4 $0xFFFFE000;
	s8 =	sadd.s32 @!p6 $0x300, s30;
	s30 =	sadd.s32 $0x3, s26  }
0x188: {  	[spmem:s3] =	stream.indirect.scatter.add.f32 @!p4 [tilespmem:s28], [sflag:$0x7], $0x80, s0, s2, $0xb8;
	[tilespmem:$0x1FC00] =	vst v63  }
0x189: {  	s0 =	simm.s32 @!p6 $0x40;
	p5 =	sge.u32 s30, s21;
	_ =	swait.ge @!p4 [sflag:s29], $0x2000  }
0x18a: {  	s2 =	simm.s32 @!p5 $0x6;
	s28 =	sshra.s32 @!p5 s25, $0x2;
	[sflag:s29] =	ssyncset.done @!p4 $0x0  }
0x18b: {  	s26 =	sadd.s32 @!p5 $0x7, s26;
	[sflag:s29] =	ssyncadd.s32 @!p4 $0xFFFFE000;
	s29 =	sadd.s32 @!p5 $0x2180, s28  }
0x18c: {  	[tilespmem:s4], [sflag:$0x5] =	stream.indirect.gather @!p6 [hbm4b:s1+s0], $0x80, s8, s0, $0xb8;
	[tilespmem:$0x1FC00] =	vst v63  }
.Ltmp3:
0x18d: {  	_ = 	snop;
	(pc) =	sbr.rel @p3 .LBB2_8-.Ltmp3, $4  }
0x18e: {  	s0 =	simm.s32 @!p5 $0x40;
	s4 =	simm.s32 @!p5 $0xA000;
	_ =	swait.ge @!p5 [sflag:s2], $0x2000  }
0x18f: {  	p1 =	sge.u32 @!p5 s26, s21;
	s28 =	simm.s32 @!p5 $0x7;
	[sflag:s2] =	ssyncset.done @!p5 $0x0  }
0x190: {  	s25 =	sadd.s32 $0x800, s25;
	p4 =	por p1, p5;
	[sflag:s2] =	ssyncadd.s32 @!p5 $0xFFFFE000  }
0x191: {  	[spmem:s3] =	stream.indirect.scatter.add.f32 @!p5 [tilespmem:s4], [sflag:$0x7], $0x80, s29, s0, $0xb8;
	[tilespmem:$0x1FC00] =	vst v63  }
0x192: {  	_ =	swait.ge @!p5 [sflag:s28], $0x2000  }
0x193: {  	s0 =	sshra.s32 @!p4 s5, $0x2;
	s2 =	simm.s32 @!p4 $0x40;
	[sflag:s28] =	ssyncset.done @!p5 $0x0  }
0x194: {  	s4 =	simm.s32 @!p4 $0xA000;
	s0 =	sadd.s32 @!p4 $0x380, s0;
	[sflag:s28] =	ssyncadd.s32 @!p5 $0xFFFFE000  }
0x195: {  	[tilespmem:s4], [sflag:$0x6] =	stream.indirect.gather @!p4 [hbm4b:s1+s2], $0x80, s0, s2, $0xb8;
	[tilespmem:$0x1FC00] =	vst v63  }
0x196: {  	s26 =	simm.s32 $0x0;
	s29 =	rddreg [dreg:$0x10]  }
0x197: {  	[tilespmem:s26], [sflag:$0x1] =	stream.linear.gather [hbm4b:s29+s26], $0x1000, $0x38;
	[tilespmem:$0x1FC00] =	vst v63  }
0x198: {  	s31 =	simm.s32 $0x2000;
	s30 =	rddreg [dreg:$0x11]  }
0x199: {  	[tilespmem:s31], [sflag:$0x1] =	stream.linear.gather [hbm4b:s30+s26], $0x1000, $0x38;
	[tilespmem:$0x1FC00] =	vst v63  }
0x19a: {  	_ =	swait.ge [sflag:s18], $0x1000  }
0x19b: {  	[sflag:s18] =	ssyncset.done $0x0  }
0x19c: {  	[sflag:s18] =	ssyncadd.s32 $0xFFFFF000  }
0x19d: {  	_ =	swait.ge [sflag:s18], $0x1000  }
0x19e: {  	s0 =	simm.s32 @!p0 $0x40;
	[sflag:s18] =	ssyncset.done $0x0  }
0x19f: {  	s2 =	simm.s32 @!p0 $0x1000;
	s4 =	simm.s32 @!p0 $0x4000;
	[sflag:s18] =	ssyncadd.s32 $0xFFFFF000  }
0x1a0: {  	[tilespmem:s4], [sflag:$0x3] =	stream.indirect.gather @!p0 [hbm4b:s1+s0], $0x80, s2, s0, $0xb8;
	[tilespmem:$0x1FC00] =	vst v63  }
0x1a1: {  	s2 =	simm.s32 @!p0 $0x1080;
	s4 =	simm.s32 @!p0 $0x6000  }
0x1a2: {  	[tilespmem:s4], [sflag:$0x4] =	stream.indirect.gather @!p0 [hbm4b:s1+s0], $0x80, s2, s0, $0xb8;
	[tilespmem:$0x1FC00] =	vst v63  }
0x1a3: {  	s2 =	simm.s32 @!p0 $0x1100;
	s4 =	simm.s32 @!p0 $0x8000  }
0x1a4: {  	[tilespmem:s4], [sflag:$0x5] =	stream.indirect.gather @!p0 [hbm4b:s1+s0], $0x80, s2, s0, $0xb8;
	[tilespmem:$0x1FC00] =	vst v63  }
0x1a5: {  	p1 =	sle.u32 s22, $0x0;
	s2 =	simm.s32 @!p0 $0x1180;
	s4 =	simm.s32 @!p0 $0xA000  }
0x1a6: {  	[tilespmem:s4], [sflag:$0x6] =	stream.indirect.gather @!p0 [hbm4b:s1+s0], $0x80, s2, s0, $0xb8;
	[tilespmem:$0x1FC00] =	vst v63  }
0x1a7: {  	s0 =	simm.s32 @!p1 $0x3  }
0x1a8: {  	_ =	swait.ge @!p1 [sflag:s0], $0x2000  }
0x1a9: {  	s5 =	simm.s32 @!p1 $0x4000;
	s2 =	simm.s32 @!p1 $0x7;
	[sflag:s0] =	ssyncset.done @!p1 $0x0  }
0x1aa: {  	s4 =	simm.s32 @!p1 $0x3000;
	[sflag:s0] =	ssyncadd.s32 @!p1 $0xFFFFE000;
	s0 =	simm.s32 @!p1 $0x40  }
0x1ab: {  	[spmem:s3] =	stream.indirect.scatter.add.f32 @!p1 [tilespmem:s5], [sflag:$0x7], $0x80, s4, s0, $0xb8;
	[tilespmem:$0x1FC00] =	vst v63  }
0x1ac: {  	p3 =	sle.u32 @!p1 s22, $0x4;
	_ =	swait.ge @!p1 [sflag:s2], $0x2000  }
0x1ad: {  	s24 =	simm.s32 $0x4;
	p3 =	por p3, p1;
	[sflag:s2] =	ssyncset.done @!p1 $0x0  }
0x1ae: {  	s0 =	simm.s32 @!p3 $0x1200;
	[sflag:s2] =	ssyncadd.s32 @!p1 $0xFFFFE000;
	p1 =	sle.u32 s22, $0x1  }
0x1af: {  	s5 =	simm.s32 @!p3 $0x4000;
	s2 =	simm.s32 @!p3 $0x40;
	s4 =	simm.s32 @!p1 $0x4  }
0x1b0: {  	[tilespmem:s5], [sflag:$0x3] =	stream.indirect.gather @!p3 [hbm4b:s1+s2], $0x80, s0, s2, $0xb8;
	[tilespmem:$0x1FC00] =	vst v63  }
0x1b1: {  	s25 =	simm.s32 $0x800;
	s0 =	simm.s32 @!p1 $0x3080;
	_ =	swait.ge @!p1 [sflag:s4], $0x2000  }
0x1b2: {  	p4 =	sle.u32 @!p1 s22, $0x5;
	s2 =	simm.s32 @!p1 $0x7;
	[sflag:s4] =	ssyncset.done @!p1 $0x0  }
0x1b3: {  	s5 =	simm.s32 @!p1 $0x40;
	s8 =	simm.s32 @!p1 $0x6000;
	[sflag:s4] =	ssyncadd.s32 @!p1 $0xFFFFE000  }
0x1b4: {  	[spmem:s3] =	stream.indirect.scatter.add.f32 @!p1 [tilespmem:s8], [sflag:$0x7], $0x80, s0, s5, $0xb8;
	[tilespmem:$0x1FC00] =	vst v63  }
0x1b5: {  	p3 =	sle.u32 s22, $0x2;
	p4 =	por p4, p1;
	_ =	swait.ge @!p1 [sflag:s2], $0x2000  }
0x1b6: {  	s4 =	simm.s32 @!p4 $0x1280;
	s0 =	simm.s32 @!p4 $0x6000;
	[sflag:s2] =	ssyncset.done @!p1 $0x0  }
0x1b7: {  	s5 =	simm.s32 @!p3 $0x5;
	[sflag:s2] =	ssyncadd.s32 @!p1 $0xFFFFE000;
	s2 =	simm.s32 @!p4 $0x40  }
0x1b8: {  	[tilespmem:s0], [sflag:$0x4] =	stream.indirect.gather @!p4 [hbm4b:s1+s2], $0x80, s4, s2, $0xb8;
	[tilespmem:$0x1FC00] =	vst v63  }
0x1b9: {  	p5 =	sle.u32 s22, $0x3;
	s8 =	simm.s32 @!p3 $0x7;
	_ =	swait.ge @!p3 [sflag:s5], $0x2000  }
0x1ba: {  	p1 =	sle.u32 @!p3 s22, $0x6;
	s0 =	simm.s32 @!p3 $0x3100;
	[sflag:s5] =	ssyncset.done @!p3 $0x0  }
0x1bb: {  	s2 =	simm.s32 @!p3 $0x8000;
	s4 =	simm.s32 @!p3 $0x40;
	[sflag:s5] =	ssyncadd.s32 @!p3 $0xFFFFE000  }
0x1bc: {  	[spmem:s3] =	stream.indirect.scatter.add.f32 @!p3 [tilespmem:s2], [sflag:$0x7], $0x80, s0, s4, $0xb8;
	[tilespmem:$0x1FC00] =	vst v63  }
0x1bd: {  	s28 =	simm.s32 @!p5 $0x7;
	p1 =	por p1, p3;
	_ =	swait.ge @!p3 [sflag:s8], $0x2000  }
0x1be: {  	s5 =	simm.s32 @!p5 $0x6;
	s0 =	simm.s32 @!p1 $0x8000;
	[sflag:s8] =	ssyncset.done @!p3 $0x0  }
0x1bf: {  	s2 =	simm.s32 @!p1 $0x1300;
	s4 =	simm.s32 @!p1 $0x40;
	[sflag:s8] =	ssyncadd.s32 @!p3 $0xFFFFE000  }
0x1c0: {  	[tilespmem:s0], [sflag:$0x5] =	stream.indirect.gather @!p1 [hbm4b:s1+s4], $0x80, s2, s4, $0xb8;
	[tilespmem:$0x1FC00] =	vst v63  }
0x1c1: {  	s0 =	simm.s32 @!p5 $0x3180;
	s2 =	simm.s32 @!p5 $0x40;
	_ =	swait.ge @!p5 [sflag:s5], $0x2000  }
0x1c2: {  	s4 =	simm.s32 @!p5 $0xA000;
	p1 =	sle.u32 @!p5 s22, $0x7;
	[sflag:s5] =	ssyncset.done @!p5 $0x0  }
0x1c3: {  	p4 =	por p1, p5;
	[sflag:s5] =	ssyncadd.s32 @!p5 $0xFFFFE000;
	s5 =	simm.s32 $0x0  }
0x1c4: {  	[spmem:s3] =	stream.indirect.scatter.add.f32 @!p5 [tilespmem:s4], [sflag:$0x7], $0x80, s0, s2, $0xb8;
	[tilespmem:$0x1FC00] =	vst v63  }
.LBB2_10:
0x1c5: {  	_ =	swait.ge @!p5 [sflag:s28], $0x2000;
	s0 =	sshra.s32 @!p4 s5, $0x2  }
0x1c6: {  	s26 =	smov.u32 s24;
	s24 =	sadd.s32 $0x4, s24;
	s5 =	smov.u32 s25  }
0x1c7: {  	p3 =	sne.s32 s24, $0x20;
	[sflag:s28] =	ssyncset.done @!p5 $0x0;
	s0 =	sadd.s32 @!p4 $0x1380, s0  }
0x1c8: {  	s2 =	simm.s32 @!p4 $0x40;
	s4 =	simm.s32 @!p4 $0xA000;
	[sflag:s28] =	ssyncadd.s32 @!p5 $0xFFFFE000  }
0x1c9: {  	[tilespmem:s4], [sflag:$0x6] =	stream.indirect.gather @!p4 [hbm4b:s1+s2], $0x80, s0, s2, $0xb8;
	[tilespmem:$0x1FC00] =	vst v63  }
0x1ca: {  	_ = 	snop  }
0x1cb: {  	p5 =	sge.u32 s26, s22;
	s0 =	sadd.s32 $0x2, s26  }
0x1cc: {  	s2 =	simm.s32 @!p5 $0x3;
	s4 =	sshra.s32 @!p5 s25, $0x2;
	s8 =	simm.s32 @!p5 $0x7  }
0x1cd: {  	s28 =	sadd.s32 @!p5 $0x4, s26;
	s4 =	sadd.s32 @!p5 $0x3000, s4;
	_ =	swait.ge @!p5 [sflag:s2], $0x2000  }
0x1ce: {  	p1 =	sge.u32 @!p5 s28, s22;
	p4 =	sge.u32 s0, s22;
	[sflag:s2] =	ssyncset.done @!p5 $0x0  }
0x1cf: {  	s0 =	simm.s32 @!p5 $0x40;
	[sflag:s2] =	ssyncadd.s32 @!p5 $0xFFFFE000;
	s2 =	simm.s32 @!p5 $0x4000  }
0x1d0: {  	[spmem:s3] =	stream.indirect.scatter.add.f32 @!p5 [tilespmem:s2], [sflag:$0x7], $0x80, s4, s0, $0xb8;
	[tilespmem:$0x1FC00] =	vst v63  }
0x1d1: {  	p1 =	por p1, p5;
	s0 =	sshra.s32 @!p4 s25, $0x2;
	_ =	swait.ge @!p5 [sflag:s8], $0x2000  }
0x1d2: {  	s2 =	sshra.s32 @!p1 s25, $0x2;
	s4 =	sadd.s32 $0x1, s26;
	[sflag:s8] =	ssyncset.done @!p5 $0x0  }
0x1d3: {  	s2 =	sadd.s32 @!p1 $0x1200, s2;
	[sflag:s8] =	ssyncadd.s32 @!p5 $0xFFFFE000;
	p5 =	sge.u32 s4, s22  }
0x1d4: {  	s4 =	simm.s32 @!p1 $0x40;
	s8 =	simm.s32 @!p5 $0x4;
	s28 =	sshra.s32 @!p5 s25, $0x2  }
0x1d5: {  	s29 =	simm.s32 @!p1 $0x4000;
	s30 =	sadd.s32 @!p5 $0x5, s26;
	s28 =	sadd.s32 @!p5 $0x3080, s28  }
0x1d6: {  	s0 =	sadd.s32 @!p4 $0x3100, s0;
	p6 =	sge.u32 @!p5 s30, s22;
	s30 =	sadd.s32 @!p4 $0x6, s26  }
0x1d7: {  	[tilespmem:s29], [sflag:$0x3] =	stream.indirect.gather @!p1 [hbm4b:s1+s4], $0x80, s2, s4, $0xb8;
	[tilespmem:$0x1FC00] =	vst v63  }
0x1d8: {  	s2 =	simm.s32 @!p5 $0x7;
	p1 =	por p6, p5;
	_ =	swait.ge @!p5 [sflag:s8], $0x2000  }
0x1d9: {  	s4 =	simm.s32 @!p5 $0x40;
	s29 =	simm.s32 @!p5 $0x6000;
	[sflag:s8] =	ssyncset.done @!p5 $0x0  }
0x1da: {  	s31 =	simm.s32 @!p1 $0x6000;
	[sflag:s8] =	ssyncadd.s32 @!p5 $0xFFFFE000;
	s8 =	sshra.s32 @!p1 s25, $0x2  }
0x1db: {  	[spmem:s3] =	stream.indirect.scatter.add.f32 @!p5 [tilespmem:s29], [sflag:$0x7], $0x80, s28, s4, $0xb8;
	[tilespmem:$0x1FC00] =	vst v63  }
0x1dc: {  	s4 =	sadd.s32 @!p1 $0x1280, s8;
	s8 =	simm.s32 @!p4 $0x5;
	_ =	swait.ge @!p5 [sflag:s2], $0x2000  }
0x1dd: {  	p6 =	sge.u32 @!p4 s30, s22;
	s28 =	simm.s32 @!p4 $0x8000;
	[sflag:s2] =	ssyncset.done @!p5 $0x0  }
0x1de: {  	p6 =	por p6, p4;
	[sflag:s2] =	ssyncadd.s32 @!p5 $0xFFFFE000;
	s2 =	simm.s32 @!p1 $0x40  }
0x1df: {  	[tilespmem:s31], [sflag:$0x4] =	stream.indirect.gather @!p1 [hbm4b:s1+s2], $0x80, s4, s2, $0xb8;
	[tilespmem:$0x1FC00] =	vst v63  }
0x1e0: {  	s2 =	simm.s32 @!p4 $0x40;
	s4 =	simm.s32 @!p6 $0x8000;
	_ =	swait.ge @!p4 [sflag:s8], $0x2000  }
0x1e1: {  	s30 =	sshra.s32 @!p6 s25, $0x2;
	s29 =	simm.s32 @!p4 $0x7;
	[sflag:s8] =	ssyncset.done @!p4 $0x0  }
0x1e2: {  	[sflag:s8] =	ssyncadd.s32 @!p4 $0xFFFFE000;
	s8 =	sadd.s32 @!p6 $0x1300, s30;
	s30 =	sadd.s32 $0x3, s26  }
0x1e3: {  	[spmem:s3] =	stream.indirect.scatter.add.f32 @!p4 [tilespmem:s28], [sflag:$0x7], $0x80, s0, s2, $0xb8;
	[tilespmem:$0x1FC00] =	vst v63  }
0x1e4: {  	s0 =	simm.s32 @!p6 $0x40;
	p5 =	sge.u32 s30, s22;
	_ =	swait.ge @!p4 [sflag:s29], $0x2000  }
0x1e5: {  	s2 =	simm.s32 @!p5 $0x6;
	s28 =	sshra.s32 @!p5 s25, $0x2;
	[sflag:s29] =	ssyncset.done @!p4 $0x0  }
0x1e6: {  	s26 =	sadd.s32 @!p5 $0x7, s26;
	[sflag:s29] =	ssyncadd.s32 @!p4 $0xFFFFE000;
	s29 =	sadd.s32 @!p5 $0x3180, s28  }
0x1e7: {  	[tilespmem:s4], [sflag:$0x5] =	stream.indirect.gather @!p6 [hbm4b:s1+s0], $0x80, s8, s0, $0xb8;
	[tilespmem:$0x1FC00] =	vst v63  }
.Ltmp4:
0x1e8: {  	_ = 	snop;
	(pc) =	sbr.rel @p3 .LBB2_10-.Ltmp4, $4  }
0x1e9: {  	s0 =	simm.s32 @!p5 $0x40;
	s4 =	simm.s32 @!p5 $0xA000;
	_ =	swait.ge @!p5 [sflag:s2], $0x2000  }
0x1ea: {  	p1 =	sge.u32 @!p5 s26, s22;
	s28 =	simm.s32 @!p5 $0x7;
	[sflag:s2] =	ssyncset.done @!p5 $0x0  }
0x1eb: {  	s25 =	sadd.s32 $0x800, s25;
	p4 =	por p1, p5;
	[sflag:s2] =	ssyncadd.s32 @!p5 $0xFFFFE000  }
0x1ec: {  	[spmem:s3] =	stream.indirect.scatter.add.f32 @!p5 [tilespmem:s4], [sflag:$0x7], $0x80, s29, s0, $0xb8;
	[tilespmem:$0x1FC00] =	vst v63  }
0x1ed: {  	_ =	swait.ge @!p5 [sflag:s28], $0x2000  }
0x1ee: {  	s0 =	sshra.s32 @!p4 s5, $0x2;
	s2 =	simm.s32 @!p4 $0x40;
	[sflag:s28] =	ssyncset.done @!p5 $0x0  }
0x1ef: {  	s4 =	simm.s32 @!p4 $0xA000;
	s0 =	sadd.s32 @!p4 $0x1380, s0;
	[sflag:s28] =	ssyncadd.s32 @!p5 $0xFFFFE000  }
0x1f0: {  	[tilespmem:s4], [sflag:$0x6] =	stream.indirect.gather @!p4 [hbm4b:s1+s2], $0x80, s0, s2, $0xb8;
	[tilespmem:$0x1FC00] =	vst v63  }
0x1f1: {  	_ =	swait.ge [sflag:s9], $0x1000  }
0x1f2: {  	[sflag:s9] =	ssyncset.done $0x0  }
0x1f3: {  	[sflag:s9] =	ssyncadd.s32 $0xFFFFF000  }
0x1f4: {  	_ =	swait.ge [sflag:s9], $0x1000  }
0x1f5: {  	s31 =	sld [smem:$0x7FD];
	_ =	sdelay $0x1  }
0x1f6: {  	[sflag:s9] =	ssyncset.done $0x0  }
0x1f7: {  	[sflag:s9] =	ssyncadd.s32 $0xFFFFF000;
	p1 =	seq.s32 s31, $0x1  }
0x1f8: {  	s0 =	simm.s32 @!p1 $0x40;
	s2 =	simm.s32 @!p1 $0x0;
	s4 =	simm.s32 @!p1 $0x4000  }
0x1f9: {  	[tilespmem:s4], [sflag:$0x3] =	stream.indirect.gather @!p1 [hbm4b:s1+s0], $0x80, s2, s0, $0xb8;
	[tilespmem:$0x1FC00] =	vst v63  }
0x1fa: {  	s0 =	simm.s32 @!p0 $0x40;
	s2 =	simm.s32 @!p0 $0x80;
	s4 =	simm.s32 @!p0 $0x6000  }
0x1fb: {  	[tilespmem:s4], [sflag:$0x4] =	stream.indirect.gather @!p0 [hbm4b:s1+s0], $0x80, s2, s0, $0xb8;
	[tilespmem:$0x1FC00] =	vst v63  }
0x1fc: {  	s2 =	simm.s32 @!p0 $0x100;
	s4 =	simm.s32 @!p0 $0x8000  }
0x1fd: {  	[tilespmem:s4], [sflag:$0x5] =	stream.indirect.gather @!p0 [hbm4b:s1+s0], $0x80, s2, s0, $0xb8;
	[tilespmem:$0x1FC00] =	vst v63  }
0x1fe: {  	p1 =	sle.u32 s23, $0x0;
	s2 =	simm.s32 @!p0 $0x180;
	s4 =	simm.s32 @!p0 $0xA000  }
0x1ff: {  	[tilespmem:s4], [sflag:$0x6] =	stream.indirect.gather @!p0 [hbm4b:s1+s0], $0x80, s2, s0, $0xb8;
	[tilespmem:$0x1FC00] =	vst v63  }
0x200: {  	s0 =	simm.s32 @!p1 $0x3  }
0x201: {  	_ =	swait.ge @!p1 [sflag:s0], $0x2000  }
0x202: {  	s5 =	simm.s32 @!p1 $0x4000;
	s2 =	simm.s32 @!p1 $0x7;
	[sflag:s0] =	ssyncset.done @!p1 $0x0  }
0x203: {  	s4 =	simm.s32 @!p1 $0x2000;
	[sflag:s0] =	ssyncadd.s32 @!p1 $0xFFFFE000;
	s0 =	simm.s32 @!p1 $0x40  }
0x204: {  	[spmem:s3] =	stream.indirect.scatter.add.f32 @!p1 [tilespmem:s5], [sflag:$0x7], $0x80, s4, s0, $0xb8;
	[tilespmem:$0x1FC00] =	vst v63  }
0x205: {  	p3 =	sle.u32 @!p1 s23, $0x4;
	_ =	swait.ge @!p1 [sflag:s2], $0x2000  }
0x206: {  	s24 =	simm.s32 $0x4;
	p3 =	por p3, p1;
	[sflag:s2] =	ssyncset.done @!p1 $0x0  }
0x207: {  	s0 =	simm.s32 @!p3 $0x200;
	[sflag:s2] =	ssyncadd.s32 @!p1 $0xFFFFE000;
	p1 =	sle.u32 s23, $0x1  }
0x208: {  	s5 =	simm.s32 @!p3 $0x4000;
	s2 =	simm.s32 @!p3 $0x40;
	s4 =	simm.s32 @!p1 $0x4  }
0x209: {  	[tilespmem:s5], [sflag:$0x3] =	stream.indirect.gather @!p3 [hbm4b:s1+s2], $0x80, s0, s2, $0xb8;
	[tilespmem:$0x1FC00] =	vst v63  }
0x20a: {  	s25 =	simm.s32 $0x800;
	s0 =	simm.s32 @!p1 $0x2080;
	_ =	swait.ge @!p1 [sflag:s4], $0x2000  }
0x20b: {  	p4 =	sle.u32 @!p1 s23, $0x5;
	s2 =	simm.s32 @!p1 $0x7;
	[sflag:s4] =	ssyncset.done @!p1 $0x0  }
0x20c: {  	s5 =	simm.s32 @!p1 $0x40;
	s8 =	simm.s32 @!p1 $0x6000;
	[sflag:s4] =	ssyncadd.s32 @!p1 $0xFFFFE000  }
0x20d: {  	[spmem:s3] =	stream.indirect.scatter.add.f32 @!p1 [tilespmem:s8], [sflag:$0x7], $0x80, s0, s5, $0xb8;
	[tilespmem:$0x1FC00] =	vst v63  }
0x20e: {  	p3 =	sle.u32 s23, $0x2;
	p4 =	por p4, p1;
	_ =	swait.ge @!p1 [sflag:s2], $0x2000  }
0x20f: {  	s4 =	simm.s32 @!p4 $0x280;
	s0 =	simm.s32 @!p4 $0x6000;
	[sflag:s2] =	ssyncset.done @!p1 $0x0  }
0x210: {  	s5 =	simm.s32 @!p3 $0x5;
	[sflag:s2] =	ssyncadd.s32 @!p1 $0xFFFFE000;
	s2 =	simm.s32 @!p4 $0x40  }
0x211: {  	[tilespmem:s0], [sflag:$0x4] =	stream.indirect.gather @!p4 [hbm4b:s1+s2], $0x80, s4, s2, $0xb8;
	[tilespmem:$0x1FC00] =	vst v63  }
0x212: {  	p5 =	sle.u32 s23, $0x3;
	s8 =	simm.s32 @!p3 $0x7;
	_ =	swait.ge @!p3 [sflag:s5], $0x2000  }
0x213: {  	p1 =	sle.u32 @!p3 s23, $0x6;
	s0 =	simm.s32 @!p3 $0x2100;
	[sflag:s5] =	ssyncset.done @!p3 $0x0  }
0x214: {  	s2 =	simm.s32 @!p3 $0x8000;
	s4 =	simm.s32 @!p3 $0x40;
	[sflag:s5] =	ssyncadd.s32 @!p3 $0xFFFFE000  }
0x215: {  	[spmem:s3] =	stream.indirect.scatter.add.f32 @!p3 [tilespmem:s2], [sflag:$0x7], $0x80, s0, s4, $0xb8;
	[tilespmem:$0x1FC00] =	vst v63  }
0x216: {  	s28 =	simm.s32 @!p5 $0x7;
	p1 =	por p1, p3;
	_ =	swait.ge @!p3 [sflag:s8], $0x2000  }
0x217: {  	s5 =	simm.s32 @!p5 $0x6;
	s0 =	simm.s32 @!p1 $0x8000;
	[sflag:s8] =	ssyncset.done @!p3 $0x0  }
0x218: {  	s2 =	simm.s32 @!p1 $0x300;
	s4 =	simm.s32 @!p1 $0x40;
	[sflag:s8] =	ssyncadd.s32 @!p3 $0xFFFFE000  }
0x219: {  	[tilespmem:s0], [sflag:$0x5] =	stream.indirect.gather @!p1 [hbm4b:s1+s4], $0x80, s2, s4, $0xb8;
	[tilespmem:$0x1FC00] =	vst v63  }
0x21a: {  	s0 =	simm.s32 @!p5 $0x2180;
	s2 =	simm.s32 @!p5 $0x40;
	_ =	swait.ge @!p5 [sflag:s5], $0x2000  }
0x21b: {  	s4 =	simm.s32 @!p5 $0xA000;
	p1 =	sle.u32 @!p5 s23, $0x7;
	[sflag:s5] =	ssyncset.done @!p5 $0x0  }
0x21c: {  	p4 =	por p1, p5;
	[sflag:s5] =	ssyncadd.s32 @!p5 $0xFFFFE000;
	s5 =	simm.s32 $0x0  }
0x21d: {  	[spmem:s3] =	stream.indirect.scatter.add.f32 @!p5 [tilespmem:s4], [sflag:$0x7], $0x80, s0, s2, $0xb8;
	[tilespmem:$0x1FC00] =	vst v63  }
.LBB2_12:
0x21e: {  	_ =	swait.ge @!p5 [sflag:s28], $0x2000;
	s0 =	sshra.s32 @!p4 s5, $0x2  }
0x21f: {  	s26 =	smov.u32 s24;
	s24 =	sadd.s32 $0x4, s24;
	s5 =	smov.u32 s25  }
0x220: {  	p3 =	sne.s32 s24, $0x20;
	[sflag:s28] =	ssyncset.done @!p5 $0x0;
	s0 =	sadd.s32 @!p4 $0x380, s0  }
0x221: {  	s2 =	simm.s32 @!p4 $0x40;
	s4 =	simm.s32 @!p4 $0xA000;
	[sflag:s28] =	ssyncadd.s32 @!p5 $0xFFFFE000  }
0x222: {  	[tilespmem:s4], [sflag:$0x6] =	stream.indirect.gather @!p4 [hbm4b:s1+s2], $0x80, s0, s2, $0xb8;
	[tilespmem:$0x1FC00] =	vst v63  }
0x223: {  	_ = 	snop  }
0x224: {  	p5 =	sge.u32 s26, s23;
	s0 =	sadd.s32 $0x2, s26  }
0x225: {  	s2 =	simm.s32 @!p5 $0x3;
	s4 =	sshra.s32 @!p5 s25, $0x2;
	s8 =	simm.s32 @!p5 $0x7  }
0x226: {  	s28 =	sadd.s32 @!p5 $0x4, s26;
	s4 =	sadd.s32 @!p5 $0x2000, s4;
	_ =	swait.ge @!p5 [sflag:s2], $0x2000  }
0x227: {  	p1 =	sge.u32 @!p5 s28, s23;
	p4 =	sge.u32 s0, s23;
	[sflag:s2] =	ssyncset.done @!p5 $0x0  }
0x228: {  	s0 =	simm.s32 @!p5 $0x40;
	[sflag:s2] =	ssyncadd.s32 @!p5 $0xFFFFE000;
	s2 =	simm.s32 @!p5 $0x4000  }
0x229: {  	[spmem:s3] =	stream.indirect.scatter.add.f32 @!p5 [tilespmem:s2], [sflag:$0x7], $0x80, s4, s0, $0xb8;
	[tilespmem:$0x1FC00] =	vst v63  }
0x22a: {  	p1 =	por p1, p5;
	s0 =	sshra.s32 @!p4 s25, $0x2;
	_ =	swait.ge @!p5 [sflag:s8], $0x2000  }
0x22b: {  	s2 =	sshra.s32 @!p1 s25, $0x2;
	s4 =	sadd.s32 $0x1, s26;
	[sflag:s8] =	ssyncset.done @!p5 $0x0  }
0x22c: {  	s2 =	sadd.s32 @!p1 $0x200, s2;
	[sflag:s8] =	ssyncadd.s32 @!p5 $0xFFFFE000;
	p5 =	sge.u32 s4, s23  }
0x22d: {  	s4 =	simm.s32 @!p1 $0x40;
	s8 =	simm.s32 @!p5 $0x4;
	s28 =	sshra.s32 @!p5 s25, $0x2  }
0x22e: {  	s29 =	simm.s32 @!p1 $0x4000;
	s30 =	sadd.s32 @!p5 $0x5, s26;
	s28 =	sadd.s32 @!p5 $0x2080, s28  }
0x22f: {  	s0 =	sadd.s32 @!p4 $0x2100, s0;
	p6 =	sge.u32 @!p5 s30, s23;
	s30 =	sadd.s32 @!p4 $0x6, s26  }
0x230: {  	[tilespmem:s29], [sflag:$0x3] =	stream.indirect.gather @!p1 [hbm4b:s1+s4], $0x80, s2, s4, $0xb8;
	[tilespmem:$0x1FC00] =	vst v63  }
0x231: {  	s2 =	simm.s32 @!p5 $0x7;
	p1 =	por p6, p5;
	_ =	swait.ge @!p5 [sflag:s8], $0x2000  }
0x232: {  	s4 =	simm.s32 @!p5 $0x40;
	s29 =	simm.s32 @!p5 $0x6000;
	[sflag:s8] =	ssyncset.done @!p5 $0x0  }
0x233: {  	s31 =	simm.s32 @!p1 $0x6000;
	[sflag:s8] =	ssyncadd.s32 @!p5 $0xFFFFE000;
	s8 =	sshra.s32 @!p1 s25, $0x2  }
0x234: {  	[spmem:s3] =	stream.indirect.scatter.add.f32 @!p5 [tilespmem:s29], [sflag:$0x7], $0x80, s28, s4, $0xb8;
	[tilespmem:$0x1FC00] =	vst v63  }
0x235: {  	s4 =	sadd.s32 @!p1 $0x280, s8;
	s8 =	simm.s32 @!p4 $0x5;
	_ =	swait.ge @!p5 [sflag:s2], $0x2000  }
0x236: {  	p6 =	sge.u32 @!p4 s30, s23;
	s28 =	simm.s32 @!p4 $0x8000;
	[sflag:s2] =	ssyncset.done @!p5 $0x0  }
0x237: {  	p6 =	por p6, p4;
	[sflag:s2] =	ssyncadd.s32 @!p5 $0xFFFFE000;
	s2 =	simm.s32 @!p1 $0x40  }
0x238: {  	[tilespmem:s31], [sflag:$0x4] =	stream.indirect.gather @!p1 [hbm4b:s1+s2], $0x80, s4, s2, $0xb8;
	[tilespmem:$0x1FC00] =	vst v63  }
0x239: {  	s2 =	simm.s32 @!p4 $0x40;
	s4 =	simm.s32 @!p6 $0x8000;
	_ =	swait.ge @!p4 [sflag:s8], $0x2000  }
0x23a: {  	s30 =	sshra.s32 @!p6 s25, $0x2;
	s29 =	simm.s32 @!p4 $0x7;
	[sflag:s8] =	ssyncset.done @!p4 $0x0  }
0x23b: {  	[sflag:s8] =	ssyncadd.s32 @!p4 $0xFFFFE000;
	s8 =	sadd.s32 @!p6 $0x300, s30;
	s30 =	sadd.s32 $0x3, s26  }
0x23c: {  	[spmem:s3] =	stream.indirect.scatter.add.f32 @!p4 [tilespmem:s28], [sflag:$0x7], $0x80, s0, s2, $0xb8;
	[tilespmem:$0x1FC00] =	vst v63  }
0x23d: {  	s0 =	simm.s32 @!p6 $0x40;
	p5 =	sge.u32 s30, s23;
	_ =	swait.ge @!p4 [sflag:s29], $0x2000  }
0x23e: {  	s2 =	simm.s32 @!p5 $0x6;
	s28 =	sshra.s32 @!p5 s25, $0x2;
	[sflag:s29] =	ssyncset.done @!p4 $0x0  }
0x23f: {  	s26 =	sadd.s32 @!p5 $0x7, s26;
	[sflag:s29] =	ssyncadd.s32 @!p4 $0xFFFFE000;
	s29 =	sadd.s32 @!p5 $0x2180, s28  }
0x240: {  	[tilespmem:s4], [sflag:$0x5] =	stream.indirect.gather @!p6 [hbm4b:s1+s0], $0x80, s8, s0, $0xb8;
	[tilespmem:$0x1FC00] =	vst v63  }
.Ltmp5:
0x241: {  	_ = 	snop;
	(pc) =	sbr.rel @p3 .LBB2_12-.Ltmp5, $4  }
0x242: {  	s0 =	simm.s32 @!p5 $0x40;
	s4 =	simm.s32 @!p5 $0xA000;
	_ =	swait.ge @!p5 [sflag:s2], $0x2000  }
0x243: {  	p1 =	sge.u32 @!p5 s26, s23;
	s28 =	simm.s32 @!p5 $0x7;
	[sflag:s2] =	ssyncset.done @!p5 $0x0  }
0x244: {  	s25 =	sadd.s32 $0x800, s25;
	p4 =	por p1, p5;
	[sflag:s2] =	ssyncadd.s32 @!p5 $0xFFFFE000  }
0x245: {  	[spmem:s3] =	stream.indirect.scatter.add.f32 @!p5 [tilespmem:s4], [sflag:$0x7], $0x80, s29, s0, $0xb8;
	[tilespmem:$0x1FC00] =	vst v63  }
0x246: {  	_ =	swait.ge @!p5 [sflag:s28], $0x2000  }
0x247: {  	s0 =	sshra.s32 @!p4 s5, $0x2;
	s2 =	simm.s32 @!p4 $0x40;
	[sflag:s28] =	ssyncset.done @!p5 $0x0  }
0x248: {  	s4 =	simm.s32 @!p4 $0xA000;
	s0 =	sadd.s32 @!p4 $0x380, s0;
	[sflag:s28] =	ssyncadd.s32 @!p5 $0xFFFFE000  }
0x249: {  	[tilespmem:s4], [sflag:$0x6] =	stream.indirect.gather @!p4 [hbm4b:s1+s2], $0x80, s0, s2, $0xb8;
	[tilespmem:$0x1FC00] =	vst v63  }
0x24a: {  	s28 =	stileid.u32;
	[bflag:$0x0] =	sbarrier.arrive $0xFFFF  }
0x24b: {  	s0 =	sshll.u32 s28, $0x6;
	s4 =	rddreg [dreg:$0x7]  }
0x24c: {  	s0 =	sor.u32 $0x1C07, s0;
	s30 =	rddreg [dreg:$0x13];
	s29 =	sshrl.u32 s4, $0x3  }
0x24d: {  	[hbm:s30], [sflag:s0] =	dma.local [spmem:s29], $0x2780  }
0x24e: {  	_ =	swait.ge [sflag:s14], $0x2780  }
0x24f: {  	s19 =	sadd.s32 $0x1, s19;
	s31 =	rddreg [dreg:$0x14]  }
0x250: {  	p1 =	sne.s32 s19, s31  }
.Ltmp6:
0x251: {  	_ = 	snop;
	(pc) =	sbr.rel @p1 .LBB2_1-.Ltmp6, $3  }
0x252: {  	_ =	sdelay $0x1  }
0x253: {  	[sflag:s14] =	ssyncset.done $0x0  }
0x254: {  	[sflag:s14] =	ssyncadd.s32 $0xFFFFD880  }
0x255: {  	_ =	sfence.sel $0x180000  }
0x256: {  	[bflag:$0x0] =	sbarrier.arrive $0xFFFF  }
0x257: {  	_ =	strace $0x90000047  }
0x258: {  	s0 =	stileid.u32;
	[bflag:$0x2] =	sbarrier.arrive $0xFFFF  }
0x259: {  	p0 =	sne.s32 s0, $0x0;
	s0 =	rddreg [dreg:$0x3]  }
0x25a: {  	s0 =	sadd.s32 @!p0 $0x100000, s0  }
0x25b: {  	[sflag:s0] =	ssyncadd.tile.s32 @!p0 $0x1;
	_ =	shalt  }
.Lfunc_end2:
_tile_overlayer_lowered:
.L_overlay_start_2:
0x25c: {  	(tag) =	ssettag $0x2  }
0x25d: {  	s0 =	rddreg [dreg:$0x0];
	s2 =	stileid.u32  }
0x25e: {  	s1 =	rddreg [dreg:$0x1];
	p0 =	sne.s32 s2, $0x0  }
0x25f: {  	s3 =	rddreg [dreg:$0x2];
	[bflag:$0x3] =	sbarrier.arrive $0xFFFF;
	s2 =	simm.s32 @!p0 $0x1C07  }
0x260: {  	[timem:s3], [sflag:s2] =	dma.local @!p0 [hbm:s0], s1  }
0x261: {  	s0 =	simm.s32 @!p0 $0x7  }
0x262: {  	_ =	swait.ge @!p0 [sflag:s0], s1  }
0x263: {  	s1 =	ssub.s32 @!p0 $0x0, s1;
	[sflag:s0] =	ssyncset.done @!p0 $0x0  }
0x264: {  	[sflag:s0] =	ssyncadd.s32 @!p0 s1  }
0x265: {  	[bflag:$0x3] =	sbarrier.arrive $0xFFFF  }
0x266: {  	_ =	shalt  }

// kernel: kernel.9.cloned.1.call-start
scs
__scs_entry_jumppad:
0x0: {  	(pc) =	sbr.rel $0x88, $3  }
0x1: {  	(tag) =	ssettag $0x0;
	lr =	simm.s32 $0x1  }
0x2: {  	[smem:$0x3F9B] =	sst lr;
	_ =	strace $0xD0000000  }
0x3: {  	_ = 	snop  }
0x4: {  	_ = 	snop  }
0x5: {  	_ = 	snop  }
0x6: {  	_ = 	snop  }
0x7: {  	_ = 	snop  }
__scs_overlays_trampoline_lowered:
0x8: {  	[smem:$0x3FAA] =	sst s0  }
0x9: {  	[smem:$0x3FAB] =	sst s1  }
0xa: {  	[smem:$0x3FAC] =	sst s2  }
0xb: {  	[smem:$0x3FAD] =	sst s3  }
0xc: {  	[smem:$0x3FAE] =	sst s4  }
0xd: {  	[smem:$0x3FAF] =	sst s5  }
0xe: {  	[smem:$0x3FB0] =	sst s6  }
0xf: {  	[smem:$0x3FB1] =	sst s7  }
0x10: {  	[smem:$0x3FB2] =	sst s8  }
0x11: {  	[smem:$0x3FB3] =	sst s9;
	s0 =	simm.s32 @!p0 $0x0  }
0x12: {  	s1 =	sld [smem:$0x3F99];
	s0 =	simm.s32 @p0 $0x1  }
0x13: {  	[smem:$0x3FB4] =	sst s0;
	s0 =	simm.s32 @!p1 $0x0  }
0x14: {  	s2 =	sld [smem:$0x3F98];
	s0 =	simm.s32 @p1 $0x1  }
0x15: {  	[smem:$0x3FB5] =	sst s0;
	s0 =	simm.s32 @!p2 $0x0  }
0x16: {  	s3 =	sld [smem:$0x3FDB];
	s0 =	simm.s32 @p2 $0x1  }
0x17: {  	s4 =	simm.s32 $0x1BF5;
	[smem:$0x3FB7] =	sst s0  }
0x18: {  	s0 =	sld [smem:$0x3F9A];
	_ =	swait.ge [sflag:s4], $0x0  }
0x19: {  	s7 =	sld [smem:$0x3F9B]  }
0x1a: {  	s8 =	sadd.s32 $0xFFFFE003, lr  }
0x1b: {  	s9 =	sadd.s32 $0xFFFFFEF7, lr;
	s5 =	simm.s32 $0xFFFFFFFF;
	p2 =	slt.u32 s8, $0xFFFFF086  }
0x1c: {  	p1 =	slt.u32 s9, $0xF7A;
	s5 =	simm.s32 @!p2 $0x0  }
0x1d: {  	s5 =	simm.s32 @p1 $0x1;
	p0 =	seq.s32 s7, s2  }
0x1e: {  	s7 =	smul.u32 @!p0 $0xF7A, s2;
	p2 =	seq.s32 @!p0 s5, $0x0  }
0x1f: {  	s9 =	smul.u32 $0xF7A, s1;
	s8 =	simm.s32 @!p0 $0x1BF5;
	p2 =	por !p2, p0  }
0x20: {  	[sflag:s8] =	ssyncset.s32 @!p0 $0xFFFFF086;
	s6 =	sadd.s32 @!p0 s3, s7;
	s7 =	simm.s32 @!p0 $0x108  }
0x21: {  	s3 =	sadd.s32 s3, s9;
	s6 =	sadd.s32 @!p0 $0x88, s6;
	s7 =	simm.s32 @p2 $0x1082  }
0x22: {  	[simem:s7], [sflag:s8] =	dma.local @!p0 [hbm:s6], $0xF7A  }
0x23: {  	s9 =	sor.u32 $0xD0000000, s2;
	s6 =	simm.s32 $0x108;
	_ =	swait.ge @!p0 [sflag:s8], $0x0  }
0x24: {  	s3 =	sadd.s32 $0x88, s3;
	s6 =	simm.s32 @!p1 $0x1082;
	[sflag:s4] =	ssyncset.s32 $0xFFFFF086  }
0x25: {  	[simem:s6], [sflag:s4] =	dma.local [hbm:s3], $0xF7A  }
0x26: {  	[smem:$0x3F9B] =	sst s1;
	(tag) =	ssettag s2;
	_ =	strace s9  }
0x27: {  	s1 =	sld [smem:$0x3FAB]  }
0x28: {  	s2 =	sld [smem:$0x3FAC]  }
0x29: {  	s4 =	sld [smem:$0x3FAE]  }
0x2a: {  	p0 =	seq.s32 s5, $0x0;
	s5 =	sld [smem:$0x3FAF]  }
0x2b: {  	s6 =	sld [smem:$0x3FB0]  }
0x2c: {  	s7 =	sld [smem:$0x3FB1]  }
0x2d: {  	s3 =	simm.s32 $0x108;
	s8 =	sld [smem:$0x3FB2]  }
0x2e: {  	s3 =	simm.s32 @!p0 $0x1082;
	s9 =	sld [smem:$0x3FB3]  }
0x2f: {  	lr =	sadd.s32 s0, s3;
	s0 =	sld [smem:$0x3FAA]  }
0x30: {  	s3 =	sld [smem:$0x3FAD]  }
0x31: {  	[smem:$0x3FB6] =	sst s10  }
0x32: {  	s10 =	sld [smem:$0x3FB4];
	_ =	sdelay $0x3  }
0x33: {  	p0 =	seq.s32 s10, $0x1;
	s10 =	sld [smem:$0x3FB6];
	_ =	sdelay $0x3  }
0x34: {  	[smem:$0x3FB6] =	sst s10  }
0x35: {  	s10 =	sld [smem:$0x3FB5];
	_ =	sdelay $0x3  }
0x36: {  	p1 =	seq.s32 s10, $0x1;
	s10 =	sld [smem:$0x3FB6];
	_ =	sdelay $0x3  }
0x37: {  	[smem:$0x3FB6] =	sst s10  }
0x38: {  	s10 =	sld [smem:$0x3FB7]  }
0x39: {  	_ = 	snop;
	(pc) =	sbr.ind lr, $3  }
0x3a: {  	_ = 	snop  }
0x3b: {  	_ = 	snop  }
0x3c: {  	p2 =	seq.s32 s10, $0x1;
	s10 =	sld [smem:$0x3FB6]  }
0x3d: {  	_ =	shalt  }
0x3e: {  	_ =	shalt  }
0x3f: {  	_ =	shalt  }
0x40: {  	_ =	shalt  }
0x41: {  	_ =	shalt  }
0x42: {  	_ =	shalt  }
0x43: {  	_ =	shalt  }
0x44: {  	_ =	shalt  }
0x45: {  	_ =	shalt  }
0x46: {  	_ =	shalt  }
0x47: {  	_ =	shalt  }
0x48: {  	_ =	shalt  }
0x49: {  	_ =	shalt  }
0x4a: {  	_ =	shalt  }
0x4b: {  	_ =	shalt  }
0x4c: {  	_ =	shalt  }
0x4d: {  	_ =	shalt  }
0x4e: {  	_ =	shalt  }
0x4f: {  	_ =	shalt  }
0x50: {  	_ =	shalt  }
0x51: {  	_ =	shalt  }
0x52: {  	_ =	shalt  }
0x53: {  	_ =	shalt  }
0x54: {  	_ =	shalt  }
0x55: {  	_ =	shalt  }
0x56: {  	_ =	shalt  }
0x57: {  	_ =	shalt  }
0x58: {  	_ =	shalt  }
0x59: {  	_ =	shalt  }
0x5a: {  	_ =	shalt  }
0x5b: {  	_ =	shalt  }
0x5c: {  	_ =	shalt  }
0x5d: {  	_ =	shalt  }
0x5e: {  	_ =	shalt  }
0x5f: {  	_ =	shalt  }
0x60: {  	_ =	shalt  }
0x61: {  	_ =	shalt  }
0x62: {  	_ =	shalt  }
0x63: {  	_ =	shalt  }
0x64: {  	_ =	shalt  }
0x65: {  	_ =	shalt  }
0x66: {  	_ =	shalt  }
0x67: {  	_ =	shalt  }
0x68: {  	_ =	shalt  }
0x69: {  	_ =	shalt  }
0x6a: {  	_ =	shalt  }
0x6b: {  	_ =	shalt  }
0x6c: {  	_ =	shalt  }
0x6d: {  	_ =	shalt  }
0x6e: {  	_ =	shalt  }
0x6f: {  	_ =	shalt  }
0x70: {  	_ =	shalt  }
0x71: {  	_ =	shalt  }
0x72: {  	_ =	shalt  }
0x73: {  	_ =	shalt  }
0x74: {  	_ =	shalt  }
0x75: {  	_ =	shalt  }
0x76: {  	_ =	shalt  }
0x77: {  	_ =	shalt  }
0x78: {  	_ =	shalt  }
0x79: {  	_ =	shalt  }
0x7a: {  	_ =	shalt  }
0x7b: {  	_ =	shalt  }
0x7c: {  	_ =	shalt  }
0x7d: {  	_ =	shalt  }
0x7e: {  	_ =	shalt  }
0x7f: {  	_ =	shalt  }
0x80: {  	_ =	shalt  }
0x81: {  	_ =	shalt  }
0x82: {  	_ =	shalt  }
0x83: {  	_ =	shalt  }
0x84: {  	_ =	shalt  }
0x85: {  	_ =	shalt  }
0x86: {  	_ =	shalt  }
0x87: {  	_ =	shalt  }
.Lfunc_end0:
.L_simem_size_0:
called_computation.1_lowered:
.L_overlay_start_0:
0x88: {  	s2 =	sld [smem:$0x3FD9]  }
0x89: {  	s3 =	sld [smem:$0x3FFE];
	_ =	sdelay $0x1  }
0x8a: {  	s1 =	srdreg.scid  }
0x8b: {  	s0 =	sand.u32 $0x1, s1  }
0x8c: {  	s17 =	sshll.u32 s0, $0xA;
	s2 =	sadd.s32 s3, s2  }
0x8d: {  	s2 =	sadd.s32 s2, s17  }
0x8e: {  	[smem:$0x3FC2] =	sst s2  }
0x8f: {  	_ = 	snop  }
0x90: {  	s2 =	sld [smem:$0x3FD0];
	(tm) =	ssettm $0x1  }
0x91: {  	s18 =	sld [smem:$0x3FFB];
	_ =	sdelay $0x3  }
0x92: {  	_ =	strace s18  }
0x93: {  	s3 =	sld [smem:$0x3FFC];
	_ =	sdelay $0x3  }
0x94: {  	_ =	strace s3  }
0x95: {  	s3 =	sld [smem:$0x3FFD];
	_ =	sdelay $0x3  }
0x96: {  	_ =	strace s3  }
0x97: {  	_ =	strace $0x8FFFFFFF  }
0x98: {  	s19 =	sld [smem:$0x3FDB];
	_ =	sdelay $0x1  }
0x99: {  	s4 =	simm.s32 $_scs_section_size  }
0x9a: {  	s5 =	simm.s32 $_size__tile_overlayer_lowered;
	s6 =	simm.s32 $_tile_overlayer_lowered  }
0x9b: {  	s22 =	simm.s32 $0x1BFF;
	s21 =	sshll.u32 s6, $0x1;
	s3 =	sadd.s32 s4, s19  }
0x9c: {  	s7 =	simm.s32 $0x0;
	s20 =	sshll.u32 s5, $0x1;
	s5 =	sadd.s32 s21, s3  }
0x9d: {  	[timem:s7], [sflag:s22] =	dma.local [hbm:s5], s20  }
0x9e: {  	_ =	swait.ge [sflag:s22], s20  }
0x9f: {  	s4 =	ssub.s32 $0x0, s20;
	[sflag:s22] =	ssyncset.done $0x0  }
0xa0: {  	[sflag:s22] =	ssyncadd.s32 s4;
	_ =	sdelay $0x1  }
0xa1: {  	s23 =	simm.s32 $0x1B8B  }
0xa2: {  	_ =	swait.ge [sflag:s23], $0x1  }
0xa3: {  	[sflag:s23] =	ssyncset.done $0x0  }
0xa4: {  	s25 =	simm.s32 $0x1B8E;
	s24 =	sld [smem:$0x3FFE];
	[sflag:s23] =	ssyncadd.s32 $0xFFFFFFFF  }
0xa5: {  	s26 =	simm.s32 $execute0_lowered;
	[smem:$0x3FD2] =	sst s25  }
0xa6: {  	s5 =	sshll.u32 s26, $0x1;
	_ =	strace $0x80000049;
	[dreg:$0x1] =	wrdreg $0xFFFFFFFF  }
0xa7: {  	s28 =	simm.s32 $_size_execute0_lowered;
	s3 =	sadd.s32 s3, s5;
	[dreg:$0x0] =	wrdreg $0x0  }
0xa8: {  	s5 =	sshll.u32 s28, $0x1;
	[dreg:$0x2] =	wrdreg s3  }
0xa9: {  	[dreg:$0x3] =	wrdreg s5  }
0xaa: {  	[dreg:$0x4] =	wrdreg $0xC0  }
0xab: {  	_ =	task [dreg:s7], $0x5FFFF  }
0xac: {  	[dreg:$0x1] =	wrdreg $0xFFFFFFFF  }
0xad: {  	[dreg:$0x0] =	wrdreg $0x60  }
0xae: {  	[dreg:$0x2] =	wrdreg s2  }
0xaf: {  	[dreg:$0x3] =	wrdreg s24  }
0xb0: {  	[dreg:$0x4] =	wrdreg $0xC0000  }
0xb1: {  	[dreg:$0x5] =	wrdreg $0x9  }
0xb2: {  	_ =	task.clear_ibuf [dreg:s7], $0x6FFFF;
	_ =	strace $0x90000049  }
0xb3: {  	s29 =	simm.s32 $0x9;
	_ =	strace $0x8000004B  }
0xb4: {  	_ =	swait.ge [sflag:s29], $0x1  }
0xb5: {  	[sflag:s29] =	ssyncadd.s32 $0xFFFFFFFF  }
0xb6: {  	_ =	strace $0x9000004B  }
0xb7: {  	_ =	sfence  }
0xb8: {  	s30 =	sld [smem:$0x0];
	_ =	sdelay $0x2  }
0xb9: {  	s31 =	sshll.u32 s1, $0xD;
	s1 =	sshrl.u32 s1, $0x2  }
0xba: {  	s3 =	sand.u32 $0x4000, s31;
	s1 =	sadd.s32 s1, s30  }
0xbb: {  	s0 =	sor.u32 s3, s0;
	s1 =	sshll.u32 s1, $0x11  }
0xbc: {  	s0 =	sor.u32 s1, s0  }
0xbd: {  	s0 =	sadd.s32 $0x8F2B, s0  }
0xbe: {  	[sflag:s0] =	ssyncadd.remote.s32 $0x1  }
0xbf: {  	_ =	sfence.sel $0xFFFF  }
0xc0: {  	[dreg:$0x0] =	wrdreg $0xFFFFFFFF;
	(pc) =	sbr.abs _section_cstart, $3  }
0xc1: {  	[dreg:$0x1] =	wrdreg $0xFFFFFFFF  }
0xc2: {  	_ =	task.clear_ibuf [dreg:s7], $0x2FFFF;
	_ =	strace $0x9FFFFFFF  }
0xc3: {  	(tm) =	ssettm $0x7FFFFFFF  }
tec
execute0_lowered:
.L_overlay_start_1:
0x0: {  	(tag) =	ssettag $0x1  }
0x1: {  	s1 =	rddreg [dreg:$0x0]  }
0x2: {  	s0 =	rddreg [dreg:$0x1]  }
0x3: {  	s3 =	rddreg [dreg:$0x2]  }
0x4: {  	s2 =	srdreg.scid;
	s4 =	stileid.u32  }
0x5: {  	s6 =	simm.s32 $0x0;
	s2 =	sand.u32 $0x1, s2;
	s5 =	smul.u32 $0x2780, s4  }
0x6: {  	[smem:$0x7FF] =	sst s6;
	s9 =	sadd.s32 $0x14E00, s0;
	s12 =	smul.u32 $0x4F000, s4  }
0x7: {  	s10 =	sadd.s32 $0xE00, s0;
	s23 =	smul.u32 $0x27800, s2;
	s7 =	sshll.u32 s2, $0x4  }
0x8: {  	_ =	strace $0x8000004A;
	s2 =	ssub.s32 $0x2, s2;
	s7 =	sor.u32 s4, s7  }
0x9: {  	s11 =	sshrl.u32 s2, $0x1;
	s28 =	sshrl.u32 s12, $0x2;
	s6 =	smul.u32 $0xFFFFFF60, s7  }
0xa: {  	s5 =	sadd.s32 s5, s23;
	s24 =	smul.u32 $0xA00, s7;
	s4 =	sadd.s32 s28, s3  }
0xb: {  	s8 =	smul.u32 $0x5000, s7;
	s22 =	sadd.s32 $0x8000, s4;
	[dreg:$0x7] =	wrdreg s4  }
0xc: {  	s2 =	ssub.s32 s2, s11;
	s28 =	sadd.s32 $0xC000, s4;
	[dreg:$0x12] =	wrdreg s22  }
0xd: {  	s0 =	sadd.s32 s5, s0;
	s26 =	sadd.s32 s9, s24;
	[dreg:$0x16] =	wrdreg s28  }
0xe: {  	s25 =	sshrl.u32 s8, $0x3;
	s29 =	sadd.s32 s10, s24;
	[dreg:$0x4] =	wrdreg s26  }
0xf: {  	s8 =	sadd.s32 $0x2000, s4;
	s0 =	sadd.s32 $0x28E00, s0;
	[dreg:$0x5] =	wrdreg s29  }
0x10: {  	s13 =	sadd.s32 $0x200, s25;
	[dreg:$0x9] =	wrdreg s8;
	s12 =	sadd.s32 $0x400, s25  }
0x11: {  	s8 =	sadd.s32 $0x4000, s4;
	s16 =	sadd.s32 $0x600, s25;
	[dreg:$0x13] =	wrdreg s0  }
0x12: {  	s11 =	sadd.s32 $0x800, s25;
	s25 =	smax.u32 s2, $0x1;
	[dreg:$0xa] =	wrdreg s8  }
0x13: {  	s26 =	sadd.s32 $0xA000, s4;
	[dreg:$0x14] =	wrdreg s25  }
0x14: {  	p0 =	slt.s32 s6, $0xFFFFED18;
	s29 =	sadd.s32 $0xE000, s4;
	[dreg:$0x15] =	wrdreg s26  }
0x15: {  	s6 =	simm.s32 @!p0 $0xFFFFED18;
	s30 =	sadd.s32 s9, s13;
	[dreg:$0x17] =	wrdreg s29  }
0x16: {  	p0 =	seq.s32 s7, $0x1F;
	s31 =	sadd.s32 s10, s13;
	[dreg:$0x6] =	wrdreg s30  }
0x17: {  	s6 =	sadd.s32 $0x1388, s6;
	s13 =	sadd.s32 $0x6000, s4;
	[dreg:$0x8] =	wrdreg s31  }
0x18: {  	s14 =	sadd.s32 s9, s12;
	s5 =	sadd.s32 s10, s12;
	[dreg:$0xb] =	wrdreg s13  }
0x19: {  	s17 =	sadd.s32 s9, s16;
	s18 =	sadd.s32 s10, s16;
	[dreg:$0xc] =	wrdreg s14  }
0x1a: {  	s20 =	sadd.s32 s9, s11;
	s21 =	sadd.s32 s10, s11;
	[dreg:$0xd] =	wrdreg s5  }
0x1b: {  	s9 =	simm.s32 $0x1;
	s10 =	simm.s32 $0x40;
	[dreg:$0xe] =	wrdreg s17  }
0x1c: {  	s11 =	simm.s32 $0x6000;
	s12 =	simm.s32 $0x8000;
	[dreg:$0xf] =	wrdreg s18  }
0x1d: {  	s16 =	simm.s32 $0x5;
	s15 =	smin.u32 s6, $0x40;
	[dreg:$0x10] =	wrdreg s20  }
0x1e: {  	s19 =	smax.u32 s6, $0x40;
	[dreg:$0x11] =	wrdreg s21;
	s24 =	smax.u32 s6, $0x60  }
0x1f: {  	p1 =	slt.u32 s6, $0x81;
	s6 =	smax.u32 s6, $0x80;
	s30 =	sadd.s32 $0x10000, s4  }
0x20: {  	s31 =	sadd.s32 $0x12000, s4;
	s13 =	simm.s32 $0xA000;
	s14 =	simm.s32 $0x7  }
0x21: {  	s17 =	simm.s32 $0x6;
	s18 =	simm.s32 $0x2;
	s20 =	sadd.s32 $0xFFFFFFE0, s15  }
0x22: {  	s23 =	smin.u32 s19, $0x60;
	s5 =	smin.u32 s24, $0x80;
	[dreg:$0x18] =	wrdreg s30  }
0x23: {  	s7 =	simm.s32 @!p1 $0x0;
	[dreg:$0x19] =	wrdreg s31;
	s15 =	simm.s32 $0x4  }
0x24: {  	s19 =	simm.s32 $0x0;
	s21 =	sadd.s32 $0xFFFFFFC0, s23;
	s7 =	simm.s32 @p1 $0x1  }
0x25: {  	s22 =	sadd.s32 $0xFFFFFFA0, s5;
	s23 =	sadd.s32 $0xFFFFFF80, s6;
	s6 =	simm.s32 $0x4000  }
0x26: {  	v0 =	vimm.f32 $0.0e+00;
	[smem:$0x7FD] =	sst s7;
	p2 =	seq.s32 s21, $0x0;
	s7 =	simm.s32 $0x3  }
.LBB2_1:
0x27: {  	s2 =	rddreg [dreg:$0x4]  }
0x28: {  	s0 =	simm.s32 $0x0;
	s26 =	rddreg [dreg:$0x5]  }
0x29: {  	[tilespmem:s0], [sflag:$0x1] =	stream.linear.gather [hbm4b:s2+s0], $0x1000, $0x38;
	[tilespmem:$0x1FC00] =	vst v63  }
0x2a: {  	s5 =	simm.s32 $0x2000;
	s28 =	rddreg [dreg:$0x6]  }
0x2b: {  	[tilespmem:s5], [sflag:$0x1] =	stream.linear.gather [hbm4b:s26+s0], $0x1000, $0x38;
	[tilespmem:$0x1FC00] =	vst v63  }
0x2c: {  	s29 =	simm.s32 $0x1000;
	s30 =	rddreg [dreg:$0x8]  }
0x2d: {  	[tilespmem:s29], [sflag:$0x2] =	stream.linear.gather [hbm4b:s28+s0], $0x1000, $0x38;
	[tilespmem:$0x1FC00] =	vst v63  }
0x2e: {  	s31 =	simm.s32 $0x3000;
	s24 =	simm.s32 $0x200;
	s5 =	simm.s32 $0x0  }
0x2f: {  	[tilespmem:s31], [sflag:$0x2] =	stream.linear.gather [hbm4b:s30+s0], $0x1000, $0x38;
	[tilespmem:$0x1FC00] =	vst v63  }
.LBB2_2:
0x30: {  	p1 =	sne.s32 s24, $0x7E00;
	[tilespmem:s5+$0x4070] =	vst v0  }
0x31: {  	[tilespmem:s5+$0x4000] =	vst v0  }
0x32: {  	[tilespmem:s5+$0x4010] =	vst v0  }
.Ltmp0:
0x33: {  	[tilespmem:s5+$0x4020] =	vst v0;
	(pc) =	sbr.rel @p1 .LBB2_2-.Ltmp0, $4  }
0x34: {  	[tilespmem:s5+$0x4030] =	vst v0  }
0x35: {  	[tilespmem:s5+$0x4040] =	vst v0  }
0x36: {  	[tilespmem:s5+$0x4050] =	vst v0  }
0x37: {  	[tilespmem:s5+$0x4060] =	vst v0;
	s5 =	sshra.s32 s24, $0x2;
	s24 =	sadd.s32 $0x200, s24  }
0x38: {  	[tilespmem:s5+$0x4070] =	vst v0  }
0x39: {  	[tilespmem:s5+$0x4000] =	vst v0  }
0x3a: {  	[tilespmem:s5+$0x4010] =	vst v0  }
0x3b: {  	[tilespmem:s5+$0x4020] =	vst v0  }
0x3c: {  	[tilespmem:s5+$0x4030] =	vst v0  }
0x3d: {  	[tilespmem:s5+$0x4040] =	vst v0  }
0x3e: {  	[tilespmem:s5+$0x4050] =	vst v0  }
0x3f: {  	[tilespmem:s5+$0x4060] =	vst v0  }
0x40: {  	[spmem:s4] =	stream.linear.scatter [tilespmem:s6], [sflag:$0x3], $0x2000, $0x38;
	[tilespmem:$0x1FC00] =	vst v63  }
0x41: {  	s0 =	rddreg [dreg:$0x9]  }
0x42: {  	[spmem:s0] =	stream.linear.scatter [tilespmem:s6], [sflag:$0x3], $0x2000, $0x38;
	[tilespmem:$0x1FC00] =	vst v63  }
0x43: {  	s8 =	rddreg [dreg:$0xa]  }
0x44: {  	[spmem:s8] =	stream.linear.scatter [tilespmem:s6], [sflag:$0x3], $0x2000, $0x38;
	[tilespmem:$0x1FC00] =	vst v63  }
0x45: {  	s24 =	rddreg [dreg:$0xb]  }
0x46: {  	[spmem:s24] =	stream.linear.scatter [tilespmem:s6], [sflag:$0x3], $0x2000, $0x38;
	[tilespmem:$0x1FC00] =	vst v63  }
0x47: {  	s25 =	rddreg [dreg:$0x12]  }
0x48: {  	[spmem:s25] =	stream.linear.scatter [tilespmem:s6], [sflag:$0x3], $0x2000, $0x38;
	[tilespmem:$0x1FC00] =	vst v63  }
0x49: {  	s26 =	rddreg [dreg:$0x15]  }
0x4a: {  	[spmem:s26] =	stream.linear.scatter [tilespmem:s6], [sflag:$0x3], $0x2000, $0x38;
	[tilespmem:$0x1FC00] =	vst v63  }
0x4b: {  	s28 =	rddreg [dreg:$0x16]  }
0x4c: {  	[spmem:s28] =	stream.linear.scatter [tilespmem:s6], [sflag:$0x3], $0x2000, $0x38;
	[tilespmem:$0x1FC00] =	vst v63  }
0x4d: {  	s29 =	rddreg [dreg:$0x17]  }
0x4e: {  	[spmem:s29] =	stream.linear.scatter [tilespmem:s6], [sflag:$0x3], $0x2000, $0x38;
	[tilespmem:$0x1FC00] =	vst v63  }
0x4f: {  	s30 =	rddreg [dreg:$0x18]  }
0x50: {  	[spmem:s30] =	stream.linear.scatter [tilespmem:s6], [sflag:$0x3], $0x2000, $0x38;
	[tilespmem:$0x1FC00] =	vst v63  }
0x51: {  	s31 =	rddreg [dreg:$0x19]  }
0x52: {  	[spmem:s31] =	stream.linear.scatter [tilespmem:s6], [sflag:$0x3], $0x1C00, $0x38;
	[tilespmem:$0x1FC00] =	vst v63  }
0x53: {  	_ =	swait.ge [sflag:s7], $0x2000  }
0x54: {  	[sflag:s7] =	ssyncset.done $0x0  }
0x55: {  	[sflag:s7] =	ssyncadd.s32 $0xFFFFE000  }
0x56: {  	_ =	swait.ge [sflag:s7], $0x2000  }
0x57: {  	[sflag:s7] =	ssyncset.done $0x0  }
0x58: {  	[sflag:s7] =	ssyncadd.s32 $0xFFFFE000  }
0x59: {  	_ =	swait.ge [sflag:s7], $0x2000  }
0x5a: {  	[sflag:s7] =	ssyncset.done $0x0  }
0x5b: {  	[sflag:s7] =	ssyncadd.s32 $0xFFFFE000  }
0x5c: {  	_ =	swait.ge [sflag:s7], $0x2000  }
0x5d: {  	[sflag:s7] =	ssyncset.done $0x0  }
0x5e: {  	[sflag:s7] =	ssyncadd.s32 $0xFFFFE000  }
0x5f: {  	_ =	swait.ge [sflag:s7], $0x2000  }
0x60: {  	[sflag:s7] =	ssyncset.done $0x0  }
0x61: {  	[sflag:s7] =	ssyncadd.s32 $0xFFFFE000  }
0x62: {  	_ =	swait.ge [sflag:s7], $0x2000  }
0x63: {  	[sflag:s7] =	ssyncset.done $0x0  }
0x64: {  	[sflag:s7] =	ssyncadd.s32 $0xFFFFE000  }
0x65: {  	_ =	swait.ge [sflag:s7], $0x2000  }
0x66: {  	[sflag:s7] =	ssyncset.done $0x0  }
0x67: {  	[sflag:s7] =	ssyncadd.s32 $0xFFFFE000  }
0x68: {  	_ =	swait.ge [sflag:s7], $0x2000  }
0x69: {  	[sflag:s7] =	ssyncset.done $0x0  }
0x6a: {  	[sflag:s7] =	ssyncadd.s32 $0xFFFFE000  }
0x6b: {  	_ =	swait.ge [sflag:s7], $0x2000  }
0x6c: {  	[sflag:s7] =	ssyncset.done $0x0  }
0x6d: {  	[sflag:s7] =	ssyncadd.s32 $0xFFFFE000  }
0x6e: {  	_ =	swait.ge [sflag:s7], $0x1C00  }
0x6f: {  	[sflag:s7] =	ssyncset.done $0x0  }
0x70: {  	[sflag:s7] =	ssyncadd.s32 $0xFFFFE400  }
0x71: {  	[bflag:$0x0] =	sbarrier.arrive $0xFFFF  }
0x72: {  	_ =	swait.ge [sflag:s9], $0x1000  }
0x73: {  	[sflag:s9] =	ssyncset.done $0x0  }
0x74: {  	[sflag:s9] =	ssyncadd.s32 $0xFFFFF000  }
0x75: {  	_ =	swait.ge [sflag:s9], $0x1000  }
0x76: {  	[sflag:s9] =	ssyncset.done $0x0  }
0x77: {  	s2 =	simm.s32 $0x0;
	[sflag:s9] =	ssyncadd.s32 $0xFFFFF000  }
0x78: {  	[tilespmem:s6], [sflag:$0x3] =	stream.indirect.gather [hbm4b:s1+s10], $0x80, s2, s10, $0xb8;
	[tilespmem:$0x1FC00] =	vst v63  }
0x79: {  	s4 =	simm.s32 $0x80  }
0x7a: {  	[tilespmem:s11], [sflag:$0x4] =	stream.indirect.gather [hbm4b:s1+s10], $0x80, s4, s10, $0xb8;
	[tilespmem:$0x1FC00] =	vst v63  }
0x7b: {  	s5 =	simm.s32 $0x100  }
0x7c: {  	[tilespmem:s12], [sflag:$0x5] =	stream.indirect.gather [hbm4b:s1+s10], $0x80, s5, s10, $0xb8;
	[tilespmem:$0x1FC00] =	vst v63  }
0x7d: {  	s8 =	simm.s32 $0x180  }
0x7e: {  	[tilespmem:s13], [sflag:$0x6] =	stream.indirect.gather [hbm4b:s1+s10], $0x80, s8, s10, $0xb8;
	[tilespmem:$0x1FC00] =	vst v63  }
0x7f: {  	_ =	swait.ge [sflag:s7], $0x2000  }
0x80: {  	[sflag:s7] =	ssyncset.done $0x0  }
0x81: {  	s24 =	simm.s32 $0x2000;
	[sflag:s7] =	ssyncadd.s32 $0xFFFFE000  }
0x82: {  	[spmem:s3] =	stream.indirect.scatter.add.f32 [tilespmem:s6], [sflag:$0x7], $0x80, s24, s10, $0xb8;
	[tilespmem:$0x1FC00] =	vst v63  }
0x83: {  	_ =	swait.ge [sflag:s14], $0x2000  }
0x84: {  	[sflag:s14] =	ssyncset.done $0x0  }
0x85: {  	s25 =	simm.s32 $0x200;
	[sflag:s14] =	ssyncadd.s32 $0xFFFFE000  }
0x86: {  	[tilespmem:s6], [sflag:$0x3] =	stream.indirect.gather [hbm4b:s1+s10], $0x80, s25, s10, $0xb8;
	[tilespmem:$0x1FC00] =	vst v63  }
0x87: {  	_ =	swait.ge [sflag:s15], $0x2000  }
0x88: {  	[sflag:s15] =	ssyncset.done $0x0  }
0x89: {  	s26 =	simm.s32 $0x2080;
	[sflag:s15] =	ssyncadd.s32 $0xFFFFE000  }
0x8a: {  	[spmem:s3] =	stream.indirect.scatter.add.f32 [tilespmem:s11], [sflag:$0x7], $0x80, s26, s10, $0xb8;
	[tilespmem:$0x1FC00] =	vst v63  }
0x8b: {  	_ =	swait.ge [sflag:s14], $0x2000  }
0x8c: {  	[sflag:s14] =	ssyncset.done $0x0  }
0x8d: {  	s28 =	simm.s32 $0x280;
	[sflag:s14] =	ssyncadd.s32 $0xFFFFE000  }
0x8e: {  	[tilespmem:s11], [sflag:$0x4] =	stream.indirect.gather [hbm4b:s1+s10], $0x80, s28, s10, $0xb8;
	[tilespmem:$0x1FC00] =	vst v63  }
0x8f: {  	_ =	swait.ge [sflag:s16], $0x2000  }
0x90: {  	[sflag:s16] =	ssyncset.done $0x0  }
0x91: {  	s29 =	simm.s32 $0x2100;
	[sflag:s16] =	ssyncadd.s32 $0xFFFFE000  }
0x92: {  	[spmem:s3] =	stream.indirect.scatter.add.f32 [tilespmem:s12], [sflag:$0x7], $0x80, s29, s10, $0xb8;
	[tilespmem:$0x1FC00] =	vst v63  }
0x93: {  	_ =	swait.ge [sflag:s14], $0x2000  }
0x94: {  	[sflag:s14] =	ssyncset.done $0x0  }
0x95: {  	s30 =	simm.s32 $0x300;
	[sflag:s14] =	ssyncadd.s32 $0xFFFFE000  }
0x96: {  	[tilespmem:s12], [sflag:$0x5] =	stream.indirect.gather [hbm4b:s1+s10], $0x80, s30, s10, $0xb8;
	[tilespmem:$0x1FC00] =	vst v63  }
0x97: {  	_ =	swait.ge [sflag:s17], $0x2000  }
0x98: {  	[sflag:s17] =	ssyncset.done $0x0  }
0x99: {  	s31 =	simm.s32 $0x2180;
	[sflag:s17] =	ssyncadd.s32 $0xFFFFE000  }
0x9a: {  	[spmem:s3] =	stream.indirect.scatter.add.f32 [tilespmem:s13], [sflag:$0x7], $0x80, s31, s10, $0xb8;
	[tilespmem:$0x1FC00] =	vst v63  }
0x9b: {  	_ =	swait.ge [sflag:s14], $0x2000  }
0x9c: {  	[sflag:s14] =	ssyncset.done $0x0  }
0x9d: {  	s5 =	simm.s32 $0x800;
	s24 =	simm.s32 $0x380;
	[sflag:s14] =	ssyncadd.s32 $0xFFFFE000  }
.LBB2_4:
0x9e: {  	[tilespmem:s13], [sflag:$0x6] =	stream.indirect.gather [hbm4b:s1+s10], $0x80, s24, s10, $0xb8;
	[tilespmem:$0x1FC00] =	vst v63  }
0x9f: {  	s24 =	smov.u32 s5  }
0xa0: {  	p3 =	sne.s32 s5, $0x3000;
	s5 =	sadd.s32 $0x800, s5;
	_ =	swait.ge [sflag:s7], $0x2000  }
0xa1: {  	s24 =	sshra.s32 s24, $0x2;
	[sflag:s7] =	ssyncset.done $0x0  }
0xa2: {  	s25 =	sadd.s32 $0x2000, s24;
	[sflag:s7] =	ssyncadd.s32 $0xFFFFE000  }
0xa3: {  	[spmem:s3] =	stream.indirect.scatter.add.f32 [tilespmem:s6], [sflag:$0x7], $0x80, s25, s10, $0xb8;
	[tilespmem:$0x1FC00] =	vst v63  }
0xa4: {  	_ =	swait.ge [sflag:s14], $0x2000  }
0xa5: {  	[sflag:s14] =	ssyncset.done $0x0  }
0xa6: {  	s25 =	sadd.s32 $0x200, s24;
	[sflag:s14] =	ssyncadd.s32 $0xFFFFE000  }
0xa7: {  	[tilespmem:s6], [sflag:$0x3] =	stream.indirect.gather [hbm4b:s1+s10], $0x80, s25, s10, $0xb8;
	[tilespmem:$0x1FC00] =	vst v63  }
0xa8: {  	_ =	swait.ge [sflag:s15], $0x2000  }
0xa9: {  	[sflag:s15] =	ssyncset.done $0x0  }
0xaa: {  	s25 =	sadd.s32 $0x2080, s24;
	[sflag:s15] =	ssyncadd.s32 $0xFFFFE000  }
0xab: {  	[spmem:s3] =	stream.indirect.scatter.add.f32 [tilespmem:s11], [sflag:$0x7], $0x80, s25, s10, $0xb8;
	[tilespmem:$0x1FC00] =	vst v63  }
0xac: {  	_ =	swait.ge [sflag:s14], $0x2000  }
0xad: {  	[sflag:s14] =	ssyncset.done $0x0  }
0xae: {  	s25 =	sadd.s32 $0x280, s24;
	[sflag:s14] =	ssyncadd.s32 $0xFFFFE000  }
0xaf: {  	[tilespmem:s11], [sflag:$0x4] =	stream.indirect.gather [hbm4b:s1+s10], $0x80, s25, s10, $0xb8;
	[tilespmem:$0x1FC00] =	vst v63  }
0xb0: {  	_ =	swait.ge [sflag:s16], $0x2000  }
0xb1: {  	[sflag:s16] =	ssyncset.done $0x0  }
0xb2: {  	s25 =	sadd.s32 $0x2100, s24;
	[sflag:s16] =	ssyncadd.s32 $0xFFFFE000  }
0xb3: {  	[spmem:s3] =	stream.indirect.scatter.add.f32 [tilespmem:s12], [sflag:$0x7], $0x80, s25, s10, $0xb8;
	[tilespmem:$0x1FC00] =	vst v63  }
0xb4: {  	_ =	swait.ge [sflag:s14], $0x2000  }
0xb5: {  	[sflag:s14] =	ssyncset.done $0x0  }
0xb6: {  	s25 =	sadd.s32 $0x300, s24;
	[sflag:s14] =	ssyncadd.s32 $0xFFFFE000  }
0xb7: {  	[tilespmem:s12], [sflag:$0x5] =	stream.indirect.gather [hbm4b:s1+s10], $0x80, s25, s10, $0xb8;
	[tilespmem:$0x1FC00] =	vst v63  }
0xb8: {  	_ =	swait.ge [sflag:s17], $0x2000  }
0xb9: {  	[sflag:s17] =	ssyncset.done $0x0  }
.Ltmp1:
0xba: {  	s25 =	sadd.s32 $0x2180, s24;
	[sflag:s17] =	ssyncadd.s32 $0xFFFFE000;
	(pc) =	sbr.rel @p3 .LBB2_4-.Ltmp1, $4  }
0xbb: {  	[spmem:s3] =	stream.indirect.scatter.add.f32 [tilespmem:s13], [sflag:$0x7], $0x80, s25, s10, $0xb8;
	[tilespmem:$0x1FC00] =	vst v63  }
0xbc: {  	_ =	swait.ge [sflag:s14], $0x2000  }
0xbd: {  	[sflag:s14] =	ssyncset.done $0x0  }
0xbe: {  	s24 =	sadd.s32 $0x380, s24;
	[sflag:s14] =	ssyncadd.s32 $0xFFFFE000  }
0xbf: {  	[tilespmem:s13], [sflag:$0x6] =	stream.indirect.gather [hbm4b:s1+s10], $0x80, s24, s10, $0xb8;
	[tilespmem:$0x1FC00] =	vst v63  }
0xc0: {  	_ =	swait.ge [sflag:s7], $0x2000  }
0xc1: {  	[sflag:s7] =	ssyncset.done $0x0  }
0xc2: {  	s0 =	simm.s32 $0x2E00;
	[sflag:s7] =	ssyncadd.s32 $0xFFFFE000  }
0xc3: {  	[spmem:s3] =	stream.indirect.scatter.add.f32 [tilespmem:s6], [sflag:$0x7], $0x80, s0, s10, $0xb8;
	[tilespmem:$0x1FC00] =	vst v63  }
0xc4: {  	_ =	swait.ge [sflag:s14], $0x2000  }
0xc5: {  	[sflag:s14] =	ssyncset.done $0x0  }
0xc6: {  	[sflag:s14] =	ssyncadd.s32 $0xFFFFE000  }
0xc7: {  	_ =	swait.ge [sflag:s15], $0x2000  }
0xc8: {  	[sflag:s15] =	ssyncset.done $0x0  }
0xc9: {  	s4 =	simm.s32 $0x2E80;
	[sflag:s15] =	ssyncadd.s32 $0xFFFFE000  }
0xca: {  	[spmem:s3] =	stream.indirect.scatter.add.f32 [tilespmem:s11], [sflag:$0x7], $0x80, s4, s10, $0xb8;
	[tilespmem:$0x1FC00] =	vst v63  }
0xcb: {  	_ =	swait.ge [sflag:s14], $0x2000  }
0xcc: {  	[sflag:s14] =	ssyncset.done $0x0  }
0xcd: {  	[sflag:s14] =	ssyncadd.s32 $0xFFFFE000  }
0xce: {  	_ =	swait.ge [sflag:s16], $0x2000  }
0xcf: {  	[sflag:s16] =	ssyncset.done $0x0  }
0xd0: {  	s5 =	simm.s32 $0x2F00;
	[sflag:s16] =	ssyncadd.s32 $0xFFFFE000  }
0xd1: {  	[spmem:s3] =	stream.indirect.scatter.add.f32 [tilespmem:s12], [sflag:$0x7], $0x80, s5, s10, $0xb8;
	[tilespmem:$0x1FC00] =	vst v63  }
0xd2: {  	_ =	swait.ge [sflag:s14], $0x2000  }
0xd3: {  	[sflag:s14] =	ssyncset.done $0x0  }
0xd4: {  	[sflag:s14] =	ssyncadd.s32 $0xFFFFE000  }
0xd5: {  	_ =	swait.ge [sflag:s17], $0x2000  }
0xd6: {  	[sflag:s17] =	ssyncset.done $0x0  }
0xd7: {  	s8 =	simm.s32 $0x2F80;
	[sflag:s17] =	ssyncadd.s32 $0xFFFFE000  }
0xd8: {  	[spmem:s3] =	stream.indirect.scatter.add.f32 [tilespmem:s13], [sflag:$0x7], $0x80, s8, s10, $0xb8;
	[tilespmem:$0x1FC00] =	vst v63  }
0xd9: {  	_ =	swait.ge [sflag:s14], $0x2000  }
0xda: {  	[sflag:s14] =	ssyncset.done $0x0  }
0xdb: {  	s5 =	simm.s32 $0x0;
	s24 =	rddreg [dreg:$0xc];
	[sflag:s14] =	ssyncadd.s32 $0xFFFFE000  }
0xdc: {  	[tilespmem:s5], [sflag:$0x1] =	stream.linear.gather [hbm4b:s24+s5], $0x1000, $0x38;
	[tilespmem:$0x1FC00] =	vst v63  }
0xdd: {  	s2 =	simm.s32 $0x2000;
	s25 =	rddreg [dreg:$0xd]  }
0xde: {  	[tilespmem:s2], [sflag:$0x1] =	stream.linear.gather [hbm4b:s25+s5], $0x1000, $0x38;
	[tilespmem:$0x1FC00] =	vst v63  }
0xdf: {  	_ =	swait.ge [sflag:s18], $0x1000  }
0xe0: {  	[sflag:s18] =	ssyncset.done $0x0  }
0xe1: {  	[sflag:s18] =	ssyncadd.s32 $0xFFFFF000  }
0xe2: {  	_ =	swait.ge [sflag:s18], $0x1000  }
0xe3: {  	[sflag:s18] =	ssyncset.done $0x0  }
0xe4: {  	s26 =	simm.s32 $0x1000;
	[sflag:s18] =	ssyncadd.s32 $0xFFFFF000  }
0xe5: {  	[tilespmem:s6], [sflag:$0x3] =	stream.indirect.gather [hbm4b:s1+s10], $0x80, s26, s10, $0xb8;
	[tilespmem:$0x1FC00] =	vst v63  }
0xe6: {  	s29 =	simm.s32 $0x1080  }
0xe7: {  	[tilespmem:s11], [sflag:$0x4] =	stream.indirect.gather [hbm4b:s1+s10], $0x80, s29, s10, $0xb8;
	[tilespmem:$0x1FC00] =	vst v63  }
0xe8: {  	s30 =	simm.s32 $0x1100;
	p1 =	sle.u32 s20, $0x0  }
0xe9: {  	[tilespmem:s12], [sflag:$0x5] =	stream.indirect.gather [hbm4b:s1+s10], $0x80, s30, s10, $0xb8;
	[tilespmem:$0x1FC00] =	vst v63  }
0xea: {  	s31 =	simm.s32 $0x1180;
	s24 =	simm.s32 @!p1 $0x3  }
0xeb: {  	[tilespmem:s13], [sflag:$0x6] =	stream.indirect.gather [hbm4b:s1+s10], $0x80, s31, s10, $0xb8;
	[tilespmem:$0x1FC00] =	vst v63  }
0xec: {  	_ =	swait.ge @!p1 [sflag:s24], $0x2000  }
0xed: {  	s25 =	simm.s32 @!p1 $0x3000;
	[sflag:s24] =	ssyncset.done @!p1 $0x0  }
0xee: {  	s26 =	simm.s32 @!p1 $0x4000;
	[sflag:s24] =	ssyncadd.s32 @!p1 $0xFFFFE000;
	s24 =	simm.s32 @!p1 $0x40  }
0xef: {  	[spmem:s3] =	stream.indirect.scatter.add.f32 @!p1 [tilespmem:s26], [sflag:$0x7], $0x80, s25, s24, $0xb8;
	[tilespmem:$0x1FC00] =	vst v63  }
0xf0: {  	p3 =	sle.u32 @!p1 s20, $0x4;
	s24 =	simm.s32 @!p1 $0x7  }
0xf1: {  	p4 =	por p3, p1;
	_ =	swait.ge @!p1 [sflag:s24], $0x2000  }
0xf2: {  	p3 =	sle.u32 s20, $0x1;
	s25 =	simm.s32 @!p4 $0x40;
	[sflag:s24] =	ssyncset.done @!p1 $0x0  }
0xf3: {  	s26 =	simm.s32 @!p4 $0x4000;
	[sflag:s24] =	ssyncadd.s32 @!p1 $0xFFFFE000;
	s24 =	simm.s32 @!p4 $0x1200  }
0xf4: {  	[tilespmem:s26], [sflag:$0x3] =	stream.indirect.gather @!p4 [hbm4b:s1+s25], $0x80, s24, s25, $0xb8;
	[tilespmem:$0x1FC00] =	vst v63  }
0xf5: {  	s24 =	simm.s32 @!p3 $0x4  }
0xf6: {  	_ =	swait.ge @!p3 [sflag:s24], $0x2000  }
0xf7: {  	s25 =	simm.s32 @!p3 $0x3080;
	[sflag:s24] =	ssyncset.done @!p3 $0x0  }
0xf8: {  	s26 =	simm.s32 @!p3 $0x40;
	[sflag:s24] =	ssyncadd.s32 @!p3 $0xFFFFE000;
	s24 =	simm.s32 @!p3 $0x6000  }
0xf9: {  	[spmem:s3] =	stream.indirect.scatter.add.f32 @!p3 [tilespmem:s24], [sflag:$0x7], $0x80, s25, s26, $0xb8;
	[tilespmem:$0x1FC00] =	vst v63  }
0xfa: {  	p1 =	sle.u32 @!p3 s20, $0x5;
	s24 =	simm.s32 @!p3 $0x7  }
0xfb: {  	p4 =	por p1, p3;
	_ =	swait.ge @!p3 [sflag:s24], $0x2000  }
0xfc: {  	p1 =	sle.u32 s20, $0x2;
	s25 =	simm.s32 @!p4 $0x6000;
	[sflag:s24] =	ssyncset.done @!p3 $0x0  }
0xfd: {  	s26 =	simm.s32 @!p4 $0x1280;
	[sflag:s24] =	ssyncadd.s32 @!p3 $0xFFFFE000;
	s24 =	simm.s32 @!p4 $0x40  }
0xfe: {  	[tilespmem:s25], [sflag:$0x4] =	stream.indirect.gather @!p4 [hbm4b:s1+s24], $0x80, s26, s24, $0xb8;
	[tilespmem:$0x1FC00] =	vst v63  }
0xff: {  	s24 =	simm.s32 @!p1 $0x5  }
0x100: {  	_ =	swait.ge @!p1 [sflag:s24], $0x2000  }
0x101: {  	s25 =	simm.s32 @!p1 $0x3100;
	[sflag:s24] =	ssyncset.done @!p1 $0x0  }
0x102: {  	s26 =	simm.s32 @!p1 $0x8000;
	[sflag:s24] =	ssyncadd.s32 @!p1 $0xFFFFE000;
	s24 =	simm.s32 @!p1 $0x40  }
0x103: {  	[spmem:s3] =	stream.indirect.scatter.add.f32 @!p1 [tilespmem:s26], [sflag:$0x7], $0x80, s25, s24, $0xb8;
	[tilespmem:$0x1FC00] =	vst v63  }
0x104: {  	p3 =	sle.u32 @!p1 s20, $0x6;
	s24 =	simm.s32 @!p1 $0x7  }
0x105: {  	p3 =	por p3, p1;
	_ =	swait.ge @!p1 [sflag:s24], $0x2000  }
0x106: {  	p5 =	sle.u32 s20, $0x3;
	s25 =	simm.s32 @!p3 $0x8000;
	[sflag:s24] =	ssyncset.done @!p1 $0x0  }
0x107: {  	s26 =	simm.s32 @!p3 $0x1300;
	[sflag:s24] =	ssyncadd.s32 @!p1 $0xFFFFE000;
	s24 =	simm.s32 @!p3 $0x40  }
0x108: {  	[tilespmem:s25], [sflag:$0x5] =	stream.indirect.gather @!p3 [hbm4b:s1+s24], $0x80, s26, s24, $0xb8;
	[tilespmem:$0x1FC00] =	vst v63  }
0x109: {  	s24 =	simm.s32 @!p5 $0x6  }
0x10a: {  	s28 =	simm.s32 @!p5 $0x7;
	_ =	swait.ge @!p5 [sflag:s24], $0x2000  }
0x10b: {  	p1 =	sle.u32 @!p5 s20, $0x7;
	s25 =	simm.s32 @!p5 $0x3180;
	[sflag:s24] =	ssyncset.done @!p5 $0x0  }
0x10c: {  	s26 =	simm.s32 @!p5 $0x40;
	[sflag:s24] =	ssyncadd.s32 @!p5 $0xFFFFE000;
	s24 =	simm.s32 @!p5 $0xA000  }
0x10d: {  	[spmem:s3] =	stream.indirect.scatter.add.f32 @!p5 [tilespmem:s24], [sflag:$0x7], $0x80, s25, s26, $0xb8;
	[tilespmem:$0x1FC00] =	vst v63  }
0x10e: {  	p4 =	por p1, p5;
	s24 =	simm.s32 $0x4;
	s25 =	simm.s32 $0x800  }
.LBB2_6:
0x10f: {  	_ =	swait.ge @!p5 [sflag:s28], $0x2000;
	s29 =	sshra.s32 @!p4 s5, $0x2  }
0x110: {  	s26 =	smov.u32 s24;
	s24 =	sadd.s32 $0x4, s24;
	s5 =	smov.u32 s25  }
0x111: {  	p3 =	sne.s32 s24, $0x20;
	[sflag:s28] =	ssyncset.done @!p5 $0x0;
	s29 =	sadd.s32 @!p4 $0x1380, s29  }
0x112: {  	s30 =	simm.s32 @!p4 $0xA000;
	[sflag:s28] =	ssyncadd.s32 @!p5 $0xFFFFE000;
	s28 =	simm.s32 @!p4 $0x40  }
0x113: {  	[tilespmem:s30], [sflag:$0x6] =	stream.indirect.gather @!p4 [hbm4b:s1+s28], $0x80, s29, s28, $0xb8;
	[tilespmem:$0x1FC00] =	vst v63  }
0x114: {  	_ = 	snop  }
0x115: {  	p5 =	sge.u32 s26, s20;
	s28 =	sadd.s32 $0x2, s26  }
0x116: {  	s29 =	simm.s32 @!p5 $0x3;
	s30 =	sshra.s32 @!p5 s25, $0x2;
	s31 =	simm.s32 @!p5 $0x7  }
0x117: {  	s0 =	sadd.s32 @!p5 $0x4, s26;
	s30 =	sadd.s32 @!p5 $0x3000, s30;
	_ =	swait.ge @!p5 [sflag:s29], $0x2000  }
0x118: {  	p1 =	sge.u32 @!p5 s0, s20;
	p4 =	sge.u32 s28, s20;
	[sflag:s29] =	ssyncset.done @!p5 $0x0  }
0x119: {  	s0 =	simm.s32 @!p5 $0x40;
	s28 =	simm.s32 @!p5 $0x4000;
	[sflag:s29] =	ssyncadd.s32 @!p5 $0xFFFFE000  }
0x11a: {  	[spmem:s3] =	stream.indirect.scatter.add.f32 @!p5 [tilespmem:s28], [sflag:$0x7], $0x80, s30, s0, $0xb8;
	[tilespmem:$0x1FC00] =	vst v63  }
0x11b: {  	p1 =	por p1, p5;
	s0 =	sshra.s32 @!p4 s25, $0x2;
	_ =	swait.ge @!p5 [sflag:s31], $0x2000  }
0x11c: {  	s29 =	sadd.s32 $0x1, s26;
	s28 =	sshra.s32 @!p1 s25, $0x2;
	[sflag:s31] =	ssyncset.done @!p5 $0x0  }
0x11d: {  	s28 =	sadd.s32 @!p1 $0x1200, s28;
	[sflag:s31] =	ssyncadd.s32 @!p5 $0xFFFFE000;
	p5 =	sge.u32 s29, s20  }
0x11e: {  	s29 =	simm.s32 @!p1 $0x40;
	s30 =	simm.s32 @!p5 $0x4;
	s31 =	sshra.s32 @!p5 s25, $0x2  }
0x11f: {  	s2 =	simm.s32 @!p1 $0x4000;
	s8 =	sadd.s32 @!p5 $0x5, s26;
	s31 =	sadd.s32 @!p5 $0x3080, s31  }
0x120: {  	s0 =	sadd.s32 @!p4 $0x3100, s0;
	p6 =	sge.u32 @!p5 s8, s20;
	s8 =	sadd.s32 @!p4 $0x6, s26  }
0x121: {  	[tilespmem:s2], [sflag:$0x3] =	stream.indirect.gather @!p1 [hbm4b:s1+s29], $0x80, s28, s29, $0xb8;
	[tilespmem:$0x1FC00] =	vst v63  }
0x122: {  	s2 =	simm.s32 @!p5 $0x7;
	p1 =	por p6, p5;
	_ =	swait.ge @!p5 [sflag:s30], $0x2000  }
0x123: {  	s28 =	simm.s32 @!p5 $0x40;
	s29 =	simm.s32 @!p5 $0x6000;
	[sflag:s30] =	ssyncset.done @!p5 $0x0  }
0x124: {  	s4 =	simm.s32 @!p1 $0x6000;
	[sflag:s30] =	ssyncadd.s32 @!p5 $0xFFFFE000;
	s30 =	sshra.s32 @!p1 s25, $0x2  }
0x125: {  	[spmem:s3] =	stream.indirect.scatter.add.f32 @!p5 [tilespmem:s29], [sflag:$0x7], $0x80, s31, s28, $0xb8;
	[tilespmem:$0x1FC00] =	vst v63  }
0x126: {  	s28 =	sadd.s32 @!p1 $0x1280, s30;
	s29 =	simm.s32 @!p4 $0x5;
	_ =	swait.ge @!p5 [sflag:s2], $0x2000  }
0x127: {  	p6 =	sge.u32 @!p4 s8, s20;
	s30 =	simm.s32 @!p4 $0x8000;
	[sflag:s2] =	ssyncset.done @!p5 $0x0  }
0x128: {  	p6 =	por p6, p4;
	[sflag:s2] =	ssyncadd.s32 @!p5 $0xFFFFE000;
	s2 =	simm.s32 @!p1 $0x40  }
0x129: {  	[tilespmem:s4], [sflag:$0x4] =	stream.indirect.gather @!p1 [hbm4b:s1+s2], $0x80, s28, s2, $0xb8;
	[tilespmem:$0x1FC00] =	vst v63  }
0x12a: {  	s2 =	simm.s32 @!p4 $0x40;
	s4 =	simm.s32 @!p6 $0x8000;
	_ =	swait.ge @!p4 [sflag:s29], $0x2000  }
0x12b: {  	s8 =	simm.s32 @!p4 $0x7;
	s28 =	sshra.s32 @!p6 s25, $0x2;
	[sflag:s29] =	ssyncset.done @!p4 $0x0  }
0x12c: {  	s28 =	sadd.s32 @!p6 $0x1300, s28;
	[sflag:s29] =	ssyncadd.s32 @!p4 $0xFFFFE000;
	s29 =	sadd.s32 $0x3, s26  }
0x12d: {  	[spmem:s3] =	stream.indirect.scatter.add.f32 @!p4 [tilespmem:s30], [sflag:$0x7], $0x80, s0, s2, $0xb8;
	[tilespmem:$0x1FC00] =	vst v63  }
0x12e: {  	s0 =	simm.s32 @!p6 $0x40;
	p5 =	sge.u32 s29, s20;
	_ =	swait.ge @!p4 [sflag:s8], $0x2000  }
0x12f: {  	s2 =	simm.s32 @!p5 $0x6;
	s29 =	sshra.s32 @!p5 s25, $0x2;
	[sflag:s8] =	ssyncset.done @!p4 $0x0  }
0x130: {  	s26 =	sadd.s32 @!p5 $0x7, s26;
	[sflag:s8] =	ssyncadd.s32 @!p4 $0xFFFFE000;
	s8 =	sadd.s32 @!p5 $0x3180, s29  }
0x131: {  	[tilespmem:s4], [sflag:$0x5] =	stream.indirect.gather @!p6 [hbm4b:s1+s0], $0x80, s28, s0, $0xb8;
	[tilespmem:$0x1FC00] =	vst v63  }
.Ltmp2:
0x132: {  	_ = 	snop;
	(pc) =	sbr.rel @p3 .LBB2_6-.Ltmp2, $4  }
0x133: {  	s0 =	simm.s32 @!p5 $0x40;
	s4 =	simm.s32 @!p5 $0xA000;
	_ =	swait.ge @!p5 [sflag:s2], $0x2000  }
0x134: {  	p1 =	sge.u32 @!p5 s26, s20;
	s28 =	simm.s32 @!p5 $0x7;
	[sflag:s2] =	ssyncset.done @!p5 $0x0  }
0x135: {  	s25 =	sadd.s32 $0x800, s25;
	p4 =	por p1, p5;
	[sflag:s2] =	ssyncadd.s32 @!p5 $0xFFFFE000  }
0x136: {  	[spmem:s3] =	stream.indirect.scatter.add.f32 @!p5 [tilespmem:s4], [sflag:$0x7], $0x80, s8, s0, $0xb8;
	[tilespmem:$0x1FC00] =	vst v63  }
0x137: {  	_ =	swait.ge @!p5 [sflag:s28], $0x2000  }
0x138: {  	s0 =	sshra.s32 @!p4 s5, $0x2;
	s2 =	simm.s32 @!p4 $0x40;
	[sflag:s28] =	ssyncset.done @!p5 $0x0  }
0x139: {  	s4 =	simm.s32 @!p4 $0xA000;
	s0 =	sadd.s32 @!p4 $0x1380, s0;
	[sflag:s28] =	ssyncadd.s32 @!p5 $0xFFFFE000  }
0x13a: {  	[tilespmem:s4], [sflag:$0x6] =	stream.indirect.gather @!p4 [hbm4b:s1+s2], $0x80, s0, s2, $0xb8;
	[tilespmem:$0x1FC00] =	vst v63  }
0x13b: {  	s25 =	simm.s32 $0x0;
	s29 =	simm.s32 $0x1000;
	s26 =	rddreg [dreg:$0xe]  }
0x13c: {  	[tilespmem:s29], [sflag:$0x2] =	stream.linear.gather [hbm4b:s26+s25], $0x1000, $0x38;
	[tilespmem:$0x1FC00] =	vst v63  }
0x13d: {  	s31 =	simm.s32 $0x3000;
	s30 =	rddreg [dreg:$0xf]  }
0x13e: {  	[tilespmem:s31], [sflag:$0x2] =	stream.linear.gather [hbm4b:s30+s25], $0x1000, $0x38;
	[tilespmem:$0x1FC00] =	vst v63  }
0x13f: {  	_ =	swait.ge [sflag:s9], $0x1000  }
0x140: {  	[sflag:s9] =	ssyncset.done $0x0  }
0x141: {  	[sflag:s9] =	ssyncadd.s32 $0xFFFFF000  }
0x142: {  	_ =	swait.ge [sflag:s9], $0x1000  }
0x143: {  	s0 =	simm.s32 @!p2 $0x40;
	[sflag:s9] =	ssyncset.done $0x0  }
0x144: {  	s2 =	simm.s32 @!p2 $0x0;
	s4 =	simm.s32 @!p2 $0x4000;
	[sflag:s9] =	ssyncadd.s32 $0xFFFFF000  }
0x145: {  	[tilespmem:s4], [sflag:$0x3] =	stream.indirect.gather @!p2 [hbm4b:s1+s0], $0x80, s2, s0, $0xb8;
	[tilespmem:$0x1FC00] =	vst v63  }
0x146: {  	s0 =	simm.s32 @!p0 $0x40;
	s2 =	simm.s32 @!p0 $0x80;
	s4 =	simm.s32 @!p0 $0x6000  }
0x147: {  	[tilespmem:s4], [sflag:$0x4] =	stream.indirect.gather @!p0 [hbm4b:s1+s0], $0x80, s2, s0, $0xb8;
	[tilespmem:$0x1FC00] =	vst v63  }
0x148: {  	s2 =	simm.s32 @!p0 $0x100;
	s4 =	simm.s32 @!p0 $0x8000  }
0x149: {  	[tilespmem:s4], [sflag:$0x5] =	stream.indirect.gather @!p0 [hbm4b:s1+s0], $0x80, s2, s0, $0xb8;
	[tilespmem:$0x1FC00] =	vst v63  }
0x14a: {  	p1 =	sle.u32 s21, $0x0;
	s2 =	simm.s32 @!p0 $0x180;
	s4 =	simm.s32 @!p0 $0xA000  }
0x14b: {  	[tilespmem:s4], [sflag:$0x6] =	stream.indirect.gather @!p0 [hbm4b:s1+s0], $0x80, s2, s0, $0xb8;
	[tilespmem:$0x1FC00] =	vst v63  }
0x14c: {  	s0 =	simm.s32 @!p1 $0x3  }
0x14d: {  	_ =	swait.ge @!p1 [sflag:s0], $0x2000  }
0x14e: {  	s5 =	simm.s32 @!p1 $0x4000;
	s2 =	simm.s32 @!p1 $0x7;
	[sflag:s0] =	ssyncset.done @!p1 $0x0  }
0x14f: {  	s4 =	simm.s32 @!p1 $0x2000;
	[sflag:s0] =	ssyncadd.s32 @!p1 $0xFFFFE000;
	s0 =	simm.s32 @!p1 $0x40  }
0x150: {  	[spmem:s3] =	stream.indirect.scatter.add.f32 @!p1 [tilespmem:s5], [sflag:$0x7], $0x80, s4, s0, $0xb8;
	[tilespmem:$0x1FC00] =	vst v63  }
0x151: {  	p3 =	sle.u32 @!p1 s21, $0x4;
	_ =	swait.ge @!p1 [sflag:s2], $0x2000  }
0x152: {  	s24 =	simm.s32 $0x4;
	p3 =	por p3, p1;
	[sflag:s2] =	ssyncset.done @!p1 $0x0  }
0x153: {  	s0 =	simm.s32 @!p3 $0x200;
	[sflag:s2] =	ssyncadd.s32 @!p1 $0xFFFFE000;
	p1 =	sle.u32 s21, $0x1  }
0x154: {  	s5 =	simm.s32 @!p3 $0x4000;
	s2 =	simm.s32 @!p3 $0x40;
	s4 =	simm.s32 @!p1 $0x4  }
0x155: {  	[tilespmem:s5], [sflag:$0x3] =	stream.indirect.gather @!p3 [hbm4b:s1+s2], $0x80, s0, s2, $0xb8;
	[tilespmem:$0x1FC00] =	vst v63  }
0x156: {  	p5 =	sle.u32 s21, $0x3;
	s0 =	simm.s32 @!p1 $0x2080;
	_ =	swait.ge @!p1 [sflag:s4], $0x2000  }
0x157: {  	p4 =	sle.u32 @!p1 s21, $0x5;
	s2 =	simm.s32 @!p1 $0x7;
	[sflag:s4] =	ssyncset.done @!p1 $0x0  }
0x158: {  	s5 =	simm.s32 @!p1 $0x40;
	s8 =	simm.s32 @!p1 $0x6000;
	[sflag:s4] =	ssyncadd.s32 @!p1 $0xFFFFE000  }
0x159: {  	[spmem:s3] =	stream.indirect.scatter.add.f32 @!p1 [tilespmem:s8], [sflag:$0x7], $0x80, s0, s5, $0xb8;
	[tilespmem:$0x1FC00] =	vst v63  }
0x15a: {  	p3 =	sle.u32 s21, $0x2;
	p4 =	por p4, p1;
	_ =	swait.ge @!p1 [sflag:s2], $0x2000  }
0x15b: {  	s4 =	simm.s32 @!p4 $0x280;
	s0 =	simm.s32 @!p4 $0x6000;
	[sflag:s2] =	ssyncset.done @!p1 $0x0  }
0x15c: {  	s5 =	simm.s32 @!p3 $0x5;
	[sflag:s2] =	ssyncadd.s32 @!p1 $0xFFFFE000;
	s2 =	simm.s32 @!p4 $0x40  }
0x15d: {  	[tilespmem:s0], [sflag:$0x4] =	stream.indirect.gather @!p4 [hbm4b:s1+s2], $0x80, s4, s2, $0xb8;
	[tilespmem:$0x1FC00] =	vst v63  }
0x15e: {  	s28 =	simm.s32 @!p5 $0x7;
	s8 =	simm.s32 @!p3 $0x7;
	_ =	swait.ge @!p3 [sflag:s5], $0x2000  }
0x15f: {  	p1 =	sle.u32 @!p3 s21, $0x6;
	s0 =	simm.s32 @!p3 $0x2100;
	[sflag:s5] =	ssyncset.done @!p3 $0x0  }
0x160: {  	s2 =	simm.s32 @!p3 $0x8000;
	s4 =	simm.s32 @!p3 $0x40;
	[sflag:s5] =	ssyncadd.s32 @!p3 $0xFFFFE000  }
0x161: {  	[spmem:s3] =	stream.indirect.scatter.add.f32 @!p3 [tilespmem:s2], [sflag:$0x7], $0x80, s0, s4, $0xb8;
	[tilespmem:$0x1FC00] =	vst v63  }
0x162: {  	s25 =	simm.s32 $0x800;
	p1 =	por p1, p3;
	_ =	swait.ge @!p3 [sflag:s8], $0x2000  }
0x163: {  	s5 =	simm.s32 @!p5 $0x6;
	s0 =	simm.s32 @!p1 $0x8000;
	[sflag:s8] =	ssyncset.done @!p3 $0x0  }
0x164: {  	s2 =	simm.s32 @!p1 $0x300;
	s4 =	simm.s32 @!p1 $0x40;
	[sflag:s8] =	ssyncadd.s32 @!p3 $0xFFFFE000  }
0x165: {  	[tilespmem:s0], [sflag:$0x5] =	stream.indirect.gather @!p1 [hbm4b:s1+s4], $0x80, s2, s4, $0xb8;
	[tilespmem:$0x1FC00] =	vst v63  }
0x166: {  	s0 =	simm.s32 @!p5 $0x2180;
	s2 =	simm.s32 @!p5 $0x40;
	_ =	swait.ge @!p5 [sflag:s5], $0x2000  }
0x167: {  	s4 =	simm.s32 @!p5 $0xA000;
	p1 =	sle.u32 @!p5 s21, $0x7;
	[sflag:s5] =	ssyncset.done @!p5 $0x0  }
0x168: {  	p4 =	por p1, p5;
	[sflag:s5] =	ssyncadd.s32 @!p5 $0xFFFFE000;
	s5 =	simm.s32 $0x0  }
0x169: {  	[spmem:s3] =	stream.indirect.scatter.add.f32 @!p5 [tilespmem:s4], [sflag:$0x7], $0x80, s0, s2, $0xb8;
	[tilespmem:$0x1FC00] =	vst v63  }
.LBB2_8:
0x16a: {  	_ =	swait.ge @!p5 [sflag:s28], $0x2000;
	s0 =	sshra.s32 @!p4 s5, $0x2  }
0x16b: {  	s26 =	smov.u32 s24;
	s24 =	sadd.s32 $0x4, s24;
	s5 =	smov.u32 s25  }
0x16c: {  	p3 =	sne.s32 s24, $0x20;
	[sflag:s28] =	ssyncset.done @!p5 $0x0;
	s0 =	sadd.s32 @!p4 $0x380, s0  }
0x16d: {  	s2 =	simm.s32 @!p4 $0x40;
	s4 =	simm.s32 @!p4 $0xA000;
	[sflag:s28] =	ssyncadd.s32 @!p5 $0xFFFFE000  }
0x16e: {  	[tilespmem:s4], [sflag:$0x6] =	stream.indirect.gather @!p4 [hbm4b:s1+s2], $0x80, s0, s2, $0xb8;
	[tilespmem:$0x1FC00] =	vst v63  }
0x16f: {  	_ = 	snop  }
0x170: {  	p5 =	sge.u32 s26, s21;
	s0 =	sadd.s32 $0x2, s26  }
0x171: {  	s2 =	simm.s32 @!p5 $0x3;
	s4 =	sshra.s32 @!p5 s25, $0x2;
	s8 =	simm.s32 @!p5 $0x7  }
0x172: {  	s28 =	sadd.s32 @!p5 $0x4, s26;
	s4 =	sadd.s32 @!p5 $0x2000, s4;
	_ =	swait.ge @!p5 [sflag:s2], $0x2000  }
0x173: {  	p1 =	sge.u32 @!p5 s28, s21;
	p4 =	sge.u32 s0, s21;
	[sflag:s2] =	ssyncset.done @!p5 $0x0  }
0x174: {  	s0 =	simm.s32 @!p5 $0x40;
	[sflag:s2] =	ssyncadd.s32 @!p5 $0xFFFFE000;
	s2 =	simm.s32 @!p5 $0x4000  }
0x175: {  	[spmem:s3] =	stream.indirect.scatter.add.f32 @!p5 [tilespmem:s2], [sflag:$0x7], $0x80, s4, s0, $0xb8;
	[tilespmem:$0x1FC00] =	vst v63  }
0x176: {  	p1 =	por p1, p5;
	s0 =	sshra.s32 @!p4 s25, $0x2;
	_ =	swait.ge @!p5 [sflag:s8], $0x2000  }
0x177: {  	s2 =	sshra.s32 @!p1 s25, $0x2;
	s4 =	sadd.s32 $0x1, s26;
	[sflag:s8] =	ssyncset.done @!p5 $0x0  }
0x178: {  	s2 =	sadd.s32 @!p1 $0x200, s2;
	[sflag:s8] =	ssyncadd.s32 @!p5 $0xFFFFE000;
	p5 =	sge.u32 s4, s21  }
0x179: {  	s4 =	simm.s32 @!p1 $0x40;
	s8 =	simm.s32 @!p5 $0x4;
	s28 =	sshra.s32 @!p5 s25, $0x2  }
0x17a: {  	s29 =	simm.s32 @!p1 $0x4000;
	s30 =	sadd.s32 @!p5 $0x5, s26;
	s28 =	sadd.s32 @!p5 $0x2080, s28  }
0x17b: {  	s0 =	sadd.s32 @!p4 $0x2100, s0;
	p6 =	sge.u32 @!p5 s30, s21;
	s30 =	sadd.s32 @!p4 $0x6, s26  }
0x17c: {  	[tilespmem:s29], [sflag:$0x3] =	stream.indirect.gather @!p1 [hbm4b:s1+s4], $0x80, s2, s4, $0xb8;
	[tilespmem:$0x1FC00] =	vst v63  }
0x17d: {  	s2 =	simm.s32 @!p5 $0x7;
	p1 =	por p6, p5;
	_ =	swait.ge @!p5 [sflag:s8], $0x2000  }
0x17e: {  	s4 =	simm.s32 @!p5 $0x40;
	s29 =	simm.s32 @!p5 $0x6000;
	[sflag:s8] =	ssyncset.done @!p5 $0x0  }
0x17f: {  	s31 =	simm.s32 @!p1 $0x6000;
	[sflag:s8] =	ssyncadd.s32 @!p5 $0xFFFFE000;
	s8 =	sshra.s32 @!p1 s25, $0x2  }
0x180: {  	[spmem:s3] =	stream.indirect.scatter.add.f32 @!p5 [tilespmem:s29], [sflag:$0x7], $0x80, s28, s4, $0xb8;
	[tilespmem:$0x1FC00] =	vst v63  }
0x181: {  	s4 =	sadd.s32 @!p1 $0x280, s8;
	s8 =	simm.s32 @!p4 $0x5;
	_ =	swait.ge @!p5 [sflag:s2], $0x2000  }
0x182: {  	p6 =	sge.u32 @!p4 s30, s21;
	s28 =	simm.s32 @!p4 $0x8000;
	[sflag:s2] =	ssyncset.done @!p5 $0x0  }
0x183: {  	p6 =	por p6, p4;
	[sflag:s2] =	ssyncadd.s32 @!p5 $0xFFFFE000;
	s2 =	simm.s32 @!p1 $0x40  }
0x184: {  	[tilespmem:s31], [sflag:$0x4] =	stream.indirect.gather @!p1 [hbm4b:s1+s2], $0x80, s4, s2, $0xb8;
	[tilespmem:$0x1FC00] =	vst v63  }
0x185: {  	s2 =	simm.s32 @!p4 $0x40;
	s4 =	simm.s32 @!p6 $0x8000;
	_ =	swait.ge @!p4 [sflag:s8], $0x2000  }
0x186: {  	s30 =	sshra.s32 @!p6 s25, $0x2;
	s29 =	simm.s32 @!p4 $0x7;
	[sflag:s8] =	ssyncset.done @!p4 $0x0  }
0x187: {  	[sflag:s8] =	ssyncadd.s32 @!p4 $0xFFFFE000;
	s8 =	sadd.s32 @!p6 $0x300, s30;
	s30 =	sadd.s32 $0x3, s26  }
0x188: {  	[spmem:s3] =	stream.indirect.scatter.add.f32 @!p4 [tilespmem:s28], [sflag:$0x7], $0x80, s0, s2, $0xb8;
	[tilespmem:$0x1FC00] =	vst v63  }
0x189: {  	s0 =	simm.s32 @!p6 $0x40;
	p5 =	sge.u32 s30, s21;
	_ =	swait.ge @!p4 [sflag:s29], $0x2000  }
0x18a: {  	s2 =	simm.s32 @!p5 $0x6;
	s28 =	sshra.s32 @!p5 s25, $0x2;
	[sflag:s29] =	ssyncset.done @!p4 $0x0  }
0x18b: {  	s26 =	sadd.s32 @!p5 $0x7, s26;
	[sflag:s29] =	ssyncadd.s32 @!p4 $0xFFFFE000;
	s29 =	sadd.s32 @!p5 $0x2180, s28  }
0x18c: {  	[tilespmem:s4], [sflag:$0x5] =	stream.indirect.gather @!p6 [hbm4b:s1+s0], $0x80, s8, s0, $0xb8;
	[tilespmem:$0x1FC00] =	vst v63  }
.Ltmp3:
0x18d: {  	_ = 	snop;
	(pc) =	sbr.rel @p3 .LBB2_8-.Ltmp3, $4  }
0x18e: {  	s0 =	simm.s32 @!p5 $0x40;
	s4 =	simm.s32 @!p5 $0xA000;
	_ =	swait.ge @!p5 [sflag:s2], $0x2000  }
0x18f: {  	p1 =	sge.u32 @!p5 s26, s21;
	s28 =	simm.s32 @!p5 $0x7;
	[sflag:s2] =	ssyncset.done @!p5 $0x0  }
0x190: {  	s25 =	sadd.s32 $0x800, s25;
	p4 =	por p1, p5;
	[sflag:s2] =	ssyncadd.s32 @!p5 $0xFFFFE000  }
0x191: {  	[spmem:s3] =	stream.indirect.scatter.add.f32 @!p5 [tilespmem:s4], [sflag:$0x7], $0x80, s29, s0, $0xb8;
	[tilespmem:$0x1FC00] =	vst v63  }
0x192: {  	_ =	swait.ge @!p5 [sflag:s28], $0x2000  }
0x193: {  	s0 =	sshra.s32 @!p4 s5, $0x2;
	s2 =	simm.s32 @!p4 $0x40;
	[sflag:s28] =	ssyncset.done @!p5 $0x0  }
0x194: {  	s4 =	simm.s32 @!p4 $0xA000;
	s0 =	sadd.s32 @!p4 $0x380, s0;
	[sflag:s28] =	ssyncadd.s32 @!p5 $0xFFFFE000  }
0x195: {  	[tilespmem:s4], [sflag:$0x6] =	stream.indirect.gather @!p4 [hbm4b:s1+s2], $0x80, s0, s2, $0xb8;
	[tilespmem:$0x1FC00] =	vst v63  }
0x196: {  	s26 =	simm.s32 $0x0;
	s29 =	rddreg [dreg:$0x10]  }
0x197: {  	[tilespmem:s26], [sflag:$0x1] =	stream.linear.gather [hbm4b:s29+s26], $0x1000, $0x38;
	[tilespmem:$0x1FC00] =	vst v63  }
0x198: {  	s31 =	simm.s32 $0x2000;
	s30 =	rddreg [dreg:$0x11]  }
0x199: {  	[tilespmem:s31], [sflag:$0x1] =	stream.linear.gather [hbm4b:s30+s26], $0x1000, $0x38;
	[tilespmem:$0x1FC00] =	vst v63  }
0x19a: {  	_ =	swait.ge [sflag:s18], $0x1000  }
0x19b: {  	[sflag:s18] =	ssyncset.done $0x0  }
0x19c: {  	[sflag:s18] =	ssyncadd.s32 $0xFFFFF000  }
0x19d: {  	_ =	swait.ge [sflag:s18], $0x1000  }
0x19e: {  	s0 =	simm.s32 @!p0 $0x40;
	[sflag:s18] =	ssyncset.done $0x0  }
0x19f: {  	s2 =	simm.s32 @!p0 $0x1000;
	s4 =	simm.s32 @!p0 $0x4000;
	[sflag:s18] =	ssyncadd.s32 $0xFFFFF000  }
0x1a0: {  	[tilespmem:s4], [sflag:$0x3] =	stream.indirect.gather @!p0 [hbm4b:s1+s0], $0x80, s2, s0, $0xb8;
	[tilespmem:$0x1FC00] =	vst v63  }
0x1a1: {  	s2 =	simm.s32 @!p0 $0x1080;
	s4 =	simm.s32 @!p0 $0x6000  }
0x1a2: {  	[tilespmem:s4], [sflag:$0x4] =	stream.indirect.gather @!p0 [hbm4b:s1+s0], $0x80, s2, s0, $0xb8;
	[tilespmem:$0x1FC00] =	vst v63  }
0x1a3: {  	s2 =	simm.s32 @!p0 $0x1100;
	s4 =	simm.s32 @!p0 $0x8000  }
0x1a4: {  	[tilespmem:s4], [sflag:$0x5] =	stream.indirect.gather @!p0 [hbm4b:s1+s0], $0x80, s2, s0, $0xb8;
	[tilespmem:$0x1FC00] =	vst v63  }
0x1a5: {  	p1 =	sle.u32 s22, $0x0;
	s2 =	simm.s32 @!p0 $0x1180;
	s4 =	simm.s32 @!p0 $0xA000  }
0x1a6: {  	[tilespmem:s4], [sflag:$0x6] =	stream.indirect.gather @!p0 [hbm4b:s1+s0], $0x80, s2, s0, $0xb8;
	[tilespmem:$0x1FC00] =	vst v63  }
0x1a7: {  	s0 =	simm.s32 @!p1 $0x3  }
0x1a8: {  	_ =	swait.ge @!p1 [sflag:s0], $0x2000  }
0x1a9: {  	s5 =	simm.s32 @!p1 $0x4000;
	s2 =	simm.s32 @!p1 $0x7;
	[sflag:s0] =	ssyncset.done @!p1 $0x0  }
0x1aa: {  	s4 =	simm.s32 @!p1 $0x3000;
	[sflag:s0] =	ssyncadd.s32 @!p1 $0xFFFFE000;
	s0 =	simm.s32 @!p1 $0x40  }
0x1ab: {  	[spmem:s3] =	stream.indirect.scatter.add.f32 @!p1 [tilespmem:s5], [sflag:$0x7], $0x80, s4, s0, $0xb8;
	[tilespmem:$0x1FC00] =	vst v63  }
0x1ac: {  	p3 =	sle.u32 @!p1 s22, $0x4;
	_ =	swait.ge @!p1 [sflag:s2], $0x2000  }
0x1ad: {  	s24 =	simm.s32 $0x4;
	p3 =	por p3, p1;
	[sflag:s2] =	ssyncset.done @!p1 $0x0  }
0x1ae: {  	s0 =	simm.s32 @!p3 $0x1200;
	[sflag:s2] =	ssyncadd.s32 @!p1 $0xFFFFE000;
	p1 =	sle.u32 s22, $0x1  }
0x1af: {  	s5 =	simm.s32 @!p3 $0x4000;
	s2 =	simm.s32 @!p3 $0x40;
	s4 =	simm.s32 @!p1 $0x4  }
0x1b0: {  	[tilespmem:s5], [sflag:$0x3] =	stream.indirect.gather @!p3 [hbm4b:s1+s2], $0x80, s0, s2, $0xb8;
	[tilespmem:$0x1FC00] =	vst v63  }
0x1b1: {  	s25 =	simm.s32 $0x800;
	s0 =	simm.s32 @!p1 $0x3080;
	_ =	swait.ge @!p1 [sflag:s4], $0x2000  }
0x1b2: {  	p4 =	sle.u32 @!p1 s22, $0x5;
	s2 =	simm.s32 @!p1 $0x7;
	[sflag:s4] =	ssyncset.done @!p1 $0x0  }
0x1b3: {  	s5 =	simm.s32 @!p1 $0x40;
	s8 =	simm.s32 @!p1 $0x6000;
	[sflag:s4] =	ssyncadd.s32 @!p1 $0xFFFFE000  }
0x1b4: {  	[spmem:s3] =	stream.indirect.scatter.add.f32 @!p1 [tilespmem:s8], [sflag:$0x7], $0x80, s0, s5, $0xb8;
	[tilespmem:$0x1FC00] =	vst v63  }
0x1b5: {  	p3 =	sle.u32 s22, $0x2;
	p4 =	por p4, p1;
	_ =	swait.ge @!p1 [sflag:s2], $0x2000  }
0x1b6: {  	s4 =	simm.s32 @!p4 $0x1280;
	s0 =	simm.s32 @!p4 $0x6000;
	[sflag:s2] =	ssyncset.done @!p1 $0x0  }
0x1b7: {  	s5 =	simm.s32 @!p3 $0x5;
	[sflag:s2] =	ssyncadd.s32 @!p1 $0xFFFFE000;
	s2 =	simm.s32 @!p4 $0x40  }
0x1b8: {  	[tilespmem:s0], [sflag:$0x4] =	stream.indirect.gather @!p4 [hbm4b:s1+s2], $0x80, s4, s2, $0xb8;
	[tilespmem:$0x1FC00] =	vst v63  }
0x1b9: {  	p5 =	sle.u32 s22, $0x3;
	s8 =	simm.s32 @!p3 $0x7;
	_ =	swait.ge @!p3 [sflag:s5], $0x2000  }
0x1ba: {  	p1 =	sle.u32 @!p3 s22, $0x6;
	s0 =	simm.s32 @!p3 $0x3100;
	[sflag:s5] =	ssyncset.done @!p3 $0x0  }
0x1bb: {  	s2 =	simm.s32 @!p3 $0x8000;
	s4 =	simm.s32 @!p3 $0x40;
	[sflag:s5] =	ssyncadd.s32 @!p3 $0xFFFFE000  }
0x1bc: {  	[spmem:s3] =	stream.indirect.scatter.add.f32 @!p3 [tilespmem:s2], [sflag:$0x7], $0x80, s0, s4, $0xb8;
	[tilespmem:$0x1FC00] =	vst v63  }
0x1bd: {  	s28 =	simm.s32 @!p5 $0x7;
	p1 =	por p1, p3;
	_ =	swait.ge @!p3 [sflag:s8], $0x2000  }
0x1be: {  	s5 =	simm.s32 @!p5 $0x6;
	s0 =	simm.s32 @!p1 $0x8000;
	[sflag:s8] =	ssyncset.done @!p3 $0x0  }
0x1bf: {  	s2 =	simm.s32 @!p1 $0x1300;
	s4 =	simm.s32 @!p1 $0x40;
	[sflag:s8] =	ssyncadd.s32 @!p3 $0xFFFFE000  }
0x1c0: {  	[tilespmem:s0], [sflag:$0x5] =	stream.indirect.gather @!p1 [hbm4b:s1+s4], $0x80, s2, s4, $0xb8;
	[tilespmem:$0x1FC00] =	vst v63  }
0x1c1: {  	s0 =	simm.s32 @!p5 $0x3180;
	s2 =	simm.s32 @!p5 $0x40;
	_ =	swait.ge @!p5 [sflag:s5], $0x2000  }
0x1c2: {  	s4 =	simm.s32 @!p5 $0xA000;
	p1 =	sle.u32 @!p5 s22, $0x7;
	[sflag:s5] =	ssyncset.done @!p5 $0x0  }
0x1c3: {  	p4 =	por p1, p5;
	[sflag:s5] =	ssyncadd.s32 @!p5 $0xFFFFE000;
	s5 =	simm.s32 $0x0  }
0x1c4: {  	[spmem:s3] =	stream.indirect.scatter.add.f32 @!p5 [tilespmem:s4], [sflag:$0x7], $0x80, s0, s2, $0xb8;
	[tilespmem:$0x1FC00] =	vst v63  }
.LBB2_10:
0x1c5: {  	_ =	swait.ge @!p5 [sflag:s28], $0x2000;
	s0 =	sshra.s32 @!p4 s5, $0x2  }
0x1c6: {  	s26 =	smov.u32 s24;
	s24 =	sadd.s32 $0x4, s24;
	s5 =	smov.u32 s25  }
0x1c7: {  	p3 =	sne.s32 s24, $0x20;
	[sflag:s28] =	ssyncset.done @!p5 $0x0;
	s0 =	sadd.s32 @!p4 $0x1380, s0  }
0x1c8: {  	s2 =	simm.s32 @!p4 $0x40;
	s4 =	simm.s32 @!p4 $0xA000;
	[sflag:s28] =	ssyncadd.s32 @!p5 $0xFFFFE000  }
0x1c9: {  	[tilespmem:s4], [sflag:$0x6] =	stream.indirect.gather @!p4 [hbm4b:s1+s2], $0x80, s0, s2, $0xb8;
	[tilespmem:$0x1FC00] =	vst v63  }
0x1ca: {  	_ = 	snop  }
0x1cb: {  	p5 =	sge.u32 s26, s22;
	s0 =	sadd.s32 $0x2, s26  }
0x1cc: {  	s2 =	simm.s32 @!p5 $0x3;
	s4 =	sshra.s32 @!p5 s25, $0x2;
	s8 =	simm.s32 @!p5 $0x7  }
0x1cd: {  	s28 =	sadd.s32 @!p5 $0x4, s26;
	s4 =	sadd.s32 @!p5 $0x3000, s4;
	_ =	swait.ge @!p5 [sflag:s2], $0x2000  }
0x1ce: {  	p1 =	sge.u32 @!p5 s28, s22;
	p4 =	sge.u32 s0, s22;
	[sflag:s2] =	ssyncset.done @!p5 $0x0  }
0x1cf: {  	s0 =	simm.s32 @!p5 $0x40;
	[sflag:s2] =	ssyncadd.s32 @!p5 $0xFFFFE000;
	s2 =	simm.s32 @!p5 $0x4000  }
0x1d0: {  	[spmem:s3] =	stream.indirect.scatter.add.f32 @!p5 [tilespmem:s2], [sflag:$0x7], $0x80, s4, s0, $0xb8;
	[tilespmem:$0x1FC00] =	vst v63  }
0x1d1: {  	p1 =	por p1, p5;
	s0 =	sshra.s32 @!p4 s25, $0x2;
	_ =	swait.ge @!p5 [sflag:s8], $0x2000  }
0x1d2: {  	s2 =	sshra.s32 @!p1 s25, $0x2;
	s4 =	sadd.s32 $0x1, s26;
	[sflag:s8] =	ssyncset.done @!p5 $0x0  }
0x1d3: {  	s2 =	sadd.s32 @!p1 $0x1200, s2;
	[sflag:s8] =	ssyncadd.s32 @!p5 $0xFFFFE000;
	p5 =	sge.u32 s4, s22  }
0x1d4: {  	s4 =	simm.s32 @!p1 $0x40;
	s8 =	simm.s32 @!p5 $0x4;
	s28 =	sshra.s32 @!p5 s25, $0x2  }
0x1d5: {  	s29 =	simm.s32 @!p1 $0x4000;
	s30 =	sadd.s32 @!p5 $0x5, s26;
	s28 =	sadd.s32 @!p5 $0x3080, s28  }
0x1d6: {  	s0 =	sadd.s32 @!p4 $0x3100, s0;
	p6 =	sge.u32 @!p5 s30, s22;
	s30 =	sadd.s32 @!p4 $0x6, s26  }
0x1d7: {  	[tilespmem:s29], [sflag:$0x3] =	stream.indirect.gather @!p1 [hbm4b:s1+s4], $0x80, s2, s4, $0xb8;
	[tilespmem:$0x1FC00] =	vst v63  }
0x1d8: {  	s2 =	simm.s32 @!p5 $0x7;
	p1 =	por p6, p5;
	_ =	swait.ge @!p5 [sflag:s8], $0x2000  }
0x1d9: {  	s4 =	simm.s32 @!p5 $0x40;
	s29 =	simm.s32 @!p5 $0x6000;
	[sflag:s8] =	ssyncset.done @!p5 $0x0  }
0x1da: {  	s31 =	simm.s32 @!p1 $0x6000;
	[sflag:s8] =	ssyncadd.s32 @!p5 $0xFFFFE000;
	s8 =	sshra.s32 @!p1 s25, $0x2  }
0x1db: {  	[spmem:s3] =	stream.indirect.scatter.add.f32 @!p5 [tilespmem:s29], [sflag:$0x7], $0x80, s28, s4, $0xb8;
	[tilespmem:$0x1FC00] =	vst v63  }
0x1dc: {  	s4 =	sadd.s32 @!p1 $0x1280, s8;
	s8 =	simm.s32 @!p4 $0x5;
	_ =	swait.ge @!p5 [sflag:s2], $0x2000  }
0x1dd: {  	p6 =	sge.u32 @!p4 s30, s22;
	s28 =	simm.s32 @!p4 $0x8000;
	[sflag:s2] =	ssyncset.done @!p5 $0x0  }
0x1de: {  	p6 =	por p6, p4;
	[sflag:s2] =	ssyncadd.s32 @!p5 $0xFFFFE000;
	s2 =	simm.s32 @!p1 $0x40  }
0x1df: {  	[tilespmem:s31], [sflag:$0x4] =	stream.indirect.gather @!p1 [hbm4b:s1+s2], $0x80, s4, s2, $0xb8;
	[tilespmem:$0x1FC00] =	vst v63  }
0x1e0: {  	s2 =	simm.s32 @!p4 $0x40;
	s4 =	simm.s32 @!p6 $0x8000;
	_ =	swait.ge @!p4 [sflag:s8], $0x2000  }
0x1e1: {  	s30 =	sshra.s32 @!p6 s25, $0x2;
	s29 =	simm.s32 @!p4 $0x7;
	[sflag:s8] =	ssyncset.done @!p4 $0x0  }
0x1e2: {  	[sflag:s8] =	ssyncadd.s32 @!p4 $0xFFFFE000;
	s8 =	sadd.s32 @!p6 $0x1300, s30;
	s30 =	sadd.s32 $0x3, s26  }
0x1e3: {  	[spmem:s3] =	stream.indirect.scatter.add.f32 @!p4 [tilespmem:s28], [sflag:$0x7], $0x80, s0, s2, $0xb8;
	[tilespmem:$0x1FC00] =	vst v63  }
0x1e4: {  	s0 =	simm.s32 @!p6 $0x40;
	p5 =	sge.u32 s30, s22;
	_ =	swait.ge @!p4 [sflag:s29], $0x2000  }
0x1e5: {  	s2 =	simm.s32 @!p5 $0x6;
	s28 =	sshra.s32 @!p5 s25, $0x2;
	[sflag:s29] =	ssyncset.done @!p4 $0x0  }
0x1e6: {  	s26 =	sadd.s32 @!p5 $0x7, s26;
	[sflag:s29] =	ssyncadd.s32 @!p4 $0xFFFFE000;
	s29 =	sadd.s32 @!p5 $0x3180, s28  }
0x1e7: {  	[tilespmem:s4], [sflag:$0x5] =	stream.indirect.gather @!p6 [hbm4b:s1+s0], $0x80, s8, s0, $0xb8;
	[tilespmem:$0x1FC00] =	vst v63  }
.Ltmp4:
0x1e8: {  	_ = 	snop;
	(pc) =	sbr.rel @p3 .LBB2_10-.Ltmp4, $4  }
0x1e9: {  	s0 =	simm.s32 @!p5 $0x40;
	s4 =	simm.s32 @!p5 $0xA000;
	_ =	swait.ge @!p5 [sflag:s2], $0x2000  }
0x1ea: {  	p1 =	sge.u32 @!p5 s26, s22;
	s28 =	simm.s32 @!p5 $0x7;
	[sflag:s2] =	ssyncset.done @!p5 $0x0  }
0x1eb: {  	s25 =	sadd.s32 $0x800, s25;
	p4 =	por p1, p5;
	[sflag:s2] =	ssyncadd.s32 @!p5 $0xFFFFE000  }
0x1ec: {  	[spmem:s3] =	stream.indirect.scatter.add.f32 @!p5 [tilespmem:s4], [sflag:$0x7], $0x80, s29, s0, $0xb8;
	[tilespmem:$0x1FC00] =	vst v63  }
0x1ed: {  	_ =	swait.ge @!p5 [sflag:s28], $0x2000  }
0x1ee: {  	s0 =	sshra.s32 @!p4 s5, $0x2;
	s2 =	simm.s32 @!p4 $0x40;
	[sflag:s28] =	ssyncset.done @!p5 $0x0  }
0x1ef: {  	s4 =	simm.s32 @!p4 $0xA000;
	s0 =	sadd.s32 @!p4 $0x1380, s0;
	[sflag:s28] =	ssyncadd.s32 @!p5 $0xFFFFE000  }
0x1f0: {  	[tilespmem:s4], [sflag:$0x6] =	stream.indirect.gather @!p4 [hbm4b:s1+s2], $0x80, s0, s2, $0xb8;
	[tilespmem:$0x1FC00] =	vst v63  }
0x1f1: {  	_ =	swait.ge [sflag:s9], $0x1000  }
0x1f2: {  	[sflag:s9] =	ssyncset.done $0x0  }
0x1f3: {  	[sflag:s9] =	ssyncadd.s32 $0xFFFFF000  }
0x1f4: {  	_ =	swait.ge [sflag:s9], $0x1000  }
0x1f5: {  	s31 =	sld [smem:$0x7FD];
	_ =	sdelay $0x1  }
0x1f6: {  	[sflag:s9] =	ssyncset.done $0x0  }
0x1f7: {  	[sflag:s9] =	ssyncadd.s32 $0xFFFFF000;
	p1 =	seq.s32 s31, $0x1  }
0x1f8: {  	s0 =	simm.s32 @!p1 $0x40;
	s2 =	simm.s32 @!p1 $0x0;
	s4 =	simm.s32 @!p1 $0x4000  }
0x1f9: {  	[tilespmem:s4], [sflag:$0x3] =	stream.indirect.gather @!p1 [hbm4b:s1+s0], $0x80, s2, s0, $0xb8;
	[tilespmem:$0x1FC00] =	vst v63  }
0x1fa: {  	s0 =	simm.s32 @!p0 $0x40;
	s2 =	simm.s32 @!p0 $0x80;
	s4 =	simm.s32 @!p0 $0x6000  }
0x1fb: {  	[tilespmem:s4], [sflag:$0x4] =	stream.indirect.gather @!p0 [hbm4b:s1+s0], $0x80, s2, s0, $0xb8;
	[tilespmem:$0x1FC00] =	vst v63  }
0x1fc: {  	s2 =	simm.s32 @!p0 $0x100;
	s4 =	simm.s32 @!p0 $0x8000  }
0x1fd: {  	[tilespmem:s4], [sflag:$0x5] =	stream.indirect.gather @!p0 [hbm4b:s1+s0], $0x80, s2, s0, $0xb8;
	[tilespmem:$0x1FC00] =	vst v63  }
0x1fe: {  	p1 =	sle.u32 s23, $0x0;
	s2 =	simm.s32 @!p0 $0x180;
	s4 =	simm.s32 @!p0 $0xA000  }
0x1ff: {  	[tilespmem:s4], [sflag:$0x6] =	stream.indirect.gather @!p0 [hbm4b:s1+s0], $0x80, s2, s0, $0xb8;
	[tilespmem:$0x1FC00] =	vst v63  }
0x200: {  	s0 =	simm.s32 @!p1 $0x3  }
0x201: {  	_ =	swait.ge @!p1 [sflag:s0], $0x2000  }
0x202: {  	s5 =	simm.s32 @!p1 $0x4000;
	s2 =	simm.s32 @!p1 $0x7;
	[sflag:s0] =	ssyncset.done @!p1 $0x0  }
0x203: {  	s4 =	simm.s32 @!p1 $0x2000;
	[sflag:s0] =	ssyncadd.s32 @!p1 $0xFFFFE000;
	s0 =	simm.s32 @!p1 $0x40  }
0x204: {  	[spmem:s3] =	stream.indirect.scatter.add.f32 @!p1 [tilespmem:s5], [sflag:$0x7], $0x80, s4, s0, $0xb8;
	[tilespmem:$0x1FC00] =	vst v63  }
0x205: {  	p3 =	sle.u32 @!p1 s23, $0x4;
	_ =	swait.ge @!p1 [sflag:s2], $0x2000  }
0x206: {  	s24 =	simm.s32 $0x4;
	p3 =	por p3, p1;
	[sflag:s2] =	ssyncset.done @!p1 $0x0  }
0x207: {  	s0 =	simm.s32 @!p3 $0x200;
	[sflag:s2] =	ssyncadd.s32 @!p1 $0xFFFFE000;
	p1 =	sle.u32 s23, $0x1  }
0x208: {  	s5 =	simm.s32 @!p3 $0x4000;
	s2 =	simm.s32 @!p3 $0x40;
	s4 =	simm.s32 @!p1 $0x4  }
0x209: {  	[tilespmem:s5], [sflag:$0x3] =	stream.indirect.gather @!p3 [hbm4b:s1+s2], $0x80, s0, s2, $0xb8;
	[tilespmem:$0x1FC00] =	vst v63  }
0x20a: {  	s25 =	simm.s32 $0x800;
	s0 =	simm.s32 @!p1 $0x2080;
	_ =	swait.ge @!p1 [sflag:s4], $0x2000  }
0x20b: {  	p4 =	sle.u32 @!p1 s23, $0x5;
	s2 =	simm.s32 @!p1 $0x7;
	[sflag:s4] =	ssyncset.done @!p1 $0x0  }
0x20c: {  	s5 =	simm.s32 @!p1 $0x40;
	s8 =	simm.s32 @!p1 $0x6000;
	[sflag:s4] =	ssyncadd.s32 @!p1 $0xFFFFE000  }
0x20d: {  	[spmem:s3] =	stream.indirect.scatter.add.f32 @!p1 [tilespmem:s8], [sflag:$0x7], $0x80, s0, s5, $0xb8;
	[tilespmem:$0x1FC00] =	vst v63  }
0x20e: {  	p3 =	sle.u32 s23, $0x2;
	p4 =	por p4, p1;
	_ =	swait.ge @!p1 [sflag:s2], $0x2000  }
0x20f: {  	s4 =	simm.s32 @!p4 $0x280;
	s0 =	simm.s32 @!p4 $0x6000;
	[sflag:s2] =	ssyncset.done @!p1 $0x0  }
0x210: {  	s5 =	simm.s32 @!p3 $0x5;
	[sflag:s2] =	ssyncadd.s32 @!p1 $0xFFFFE000;
	s2 =	simm.s32 @!p4 $0x40  }
0x211: {  	[tilespmem:s0], [sflag:$0x4] =	stream.indirect.gather @!p4 [hbm4b:s1+s2], $0x80, s4, s2, $0xb8;
	[tilespmem:$0x1FC00] =	vst v63  }
0x212: {  	p5 =	sle.u32 s23, $0x3;
	s8 =	simm.s32 @!p3 $0x7;
	_ =	swait.ge @!p3 [sflag:s5], $0x2000  }
0x213: {  	p1 =	sle.u32 @!p3 s23, $0x6;
	s0 =	simm.s32 @!p3 $0x2100;
	[sflag:s5] =	ssyncset.done @!p3 $0x0  }
0x214: {  	s2 =	simm.s32 @!p3 $0x8000;
	s4 =	simm.s32 @!p3 $0x40;
	[sflag:s5] =	ssyncadd.s32 @!p3 $0xFFFFE000  }
0x215: {  	[spmem:s3] =	stream.indirect.scatter.add.f32 @!p3 [tilespmem:s2], [sflag:$0x7], $0x80, s0, s4, $0xb8;
	[tilespmem:$0x1FC00] =	vst v63  }
0x216: {  	s28 =	simm.s32 @!p5 $0x7;
	p1 =	por p1, p3;
	_ =	swait.ge @!p3 [sflag:s8], $0x2000  }
0x217: {  	s5 =	simm.s32 @!p5 $0x6;
	s0 =	simm.s32 @!p1 $0x8000;
	[sflag:s8] =	ssyncset.done @!p3 $0x0  }
0x218: {  	s2 =	simm.s32 @!p1 $0x300;
	s4 =	simm.s32 @!p1 $0x40;
	[sflag:s8] =	ssyncadd.s32 @!p3 $0xFFFFE000  }
0x219: {  	[tilespmem:s0], [sflag:$0x5] =	stream.indirect.gather @!p1 [hbm4b:s1+s4], $0x80, s2, s4, $0xb8;
	[tilespmem:$0x1FC00] =	vst v63  }
0x21a: {  	s0 =	simm.s32 @!p5 $0x2180;
	s2 =	simm.s32 @!p5 $0x40;
	_ =	swait.ge @!p5 [sflag:s5], $0x2000  }
0x21b: {  	s4 =	simm.s32 @!p5 $0xA000;
	p1 =	sle.u32 @!p5 s23, $0x7;
	[sflag:s5] =	ssyncset.done @!p5 $0x0  }
0x21c: {  	p4 =	por p1, p5;
	[sflag:s5] =	ssyncadd.s32 @!p5 $0xFFFFE000;
	s5 =	simm.s32 $0x0  }
0x21d: {  	[spmem:s3] =	stream.indirect.scatter.add.f32 @!p5 [tilespmem:s4], [sflag:$0x7], $0x80, s0, s2, $0xb8;
	[tilespmem:$0x1FC00] =	vst v63  }
.LBB2_12:
0x21e: {  	_ =	swait.ge @!p5 [sflag:s28], $0x2000;
	s0 =	sshra.s32 @!p4 s5, $0x2  }
0x21f: {  	s26 =	smov.u32 s24;
	s24 =	sadd.s32 $0x4, s24;
	s5 =	smov.u32 s25  }
0x220: {  	p3 =	sne.s32 s24, $0x20;
	[sflag:s28] =	ssyncset.done @!p5 $0x0;
	s0 =	sadd.s32 @!p4 $0x380, s0  }
0x221: {  	s2 =	simm.s32 @!p4 $0x40;
	s4 =	simm.s32 @!p4 $0xA000;
	[sflag:s28] =	ssyncadd.s32 @!p5 $0xFFFFE000  }
0x222: {  	[tilespmem:s4], [sflag:$0x6] =	stream.indirect.gather @!p4 [hbm4b:s1+s2], $0x80, s0, s2, $0xb8;
	[tilespmem:$0x1FC00] =	vst v63  }
0x223: {  	_ = 	snop  }
0x224: {  	p5 =	sge.u32 s26, s23;
	s0 =	sadd.s32 $0x2, s26  }
0x225: {  	s2 =	simm.s32 @!p5 $0x3;
	s4 =	sshra.s32 @!p5 s25, $0x2;
	s8 =	simm.s32 @!p5 $0x7  }
0x226: {  	s28 =	sadd.s32 @!p5 $0x4, s26;
	s4 =	sadd.s32 @!p5 $0x2000, s4;
	_ =	swait.ge @!p5 [sflag:s2], $0x2000  }
0x227: {  	p1 =	sge.u32 @!p5 s28, s23;
	p4 =	sge.u32 s0, s23;
	[sflag:s2] =	ssyncset.done @!p5 $0x0  }
0x228: {  	s0 =	simm.s32 @!p5 $0x40;
	[sflag:s2] =	ssyncadd.s32 @!p5 $0xFFFFE000;
	s2 =	simm.s32 @!p5 $0x4000  }
0x229: {  	[spmem:s3] =	stream.indirect.scatter.add.f32 @!p5 [tilespmem:s2], [sflag:$0x7], $0x80, s4, s0, $0xb8;
	[tilespmem:$0x1FC00] =	vst v63  }
0x22a: {  	p1 =	por p1, p5;
	s0 =	sshra.s32 @!p4 s25, $0x2;
	_ =	swait.ge @!p5 [sflag:s8], $0x2000  }
0x22b: {  	s2 =	sshra.s32 @!p1 s25, $0x2;
	s4 =	sadd.s32 $0x1, s26;
	[sflag:s8] =	ssyncset.done @!p5 $0x0  }
0x22c: {  	s2 =	sadd.s32 @!p1 $0x200, s2;
	[sflag:s8] =	ssyncadd.s32 @!p5 $0xFFFFE000;
	p5 =	sge.u32 s4, s23  }
0x22d: {  	s4 =	simm.s32 @!p1 $0x40;
	s8 =	simm.s32 @!p5 $0x4;
	s28 =	sshra.s32 @!p5 s25, $0x2  }
0x22e: {  	s29 =	simm.s32 @!p1 $0x4000;
	s30 =	sadd.s32 @!p5 $0x5, s26;
	s28 =	sadd.s32 @!p5 $0x2080, s28  }
0x22f: {  	s0 =	sadd.s32 @!p4 $0x2100, s0;
	p6 =	sge.u32 @!p5 s30, s23;
	s30 =	sadd.s32 @!p4 $0x6, s26  }
0x230: {  	[tilespmem:s29], [sflag:$0x3] =	stream.indirect.gather @!p1 [hbm4b:s1+s4], $0x80, s2, s4, $0xb8;
	[tilespmem:$0x1FC00] =	vst v63  }
0x231: {  	s2 =	simm.s32 @!p5 $0x7;
	p1 =	por p6, p5;
	_ =	swait.ge @!p5 [sflag:s8], $0x2000  }
0x232: {  	s4 =	simm.s32 @!p5 $0x40;
	s29 =	simm.s32 @!p5 $0x6000;
	[sflag:s8] =	ssyncset.done @!p5 $0x0  }
0x233: {  	s31 =	simm.s32 @!p1 $0x6000;
	[sflag:s8] =	ssyncadd.s32 @!p5 $0xFFFFE000;
	s8 =	sshra.s32 @!p1 s25, $0x2  }
0x234: {  	[spmem:s3] =	stream.indirect.scatter.add.f32 @!p5 [tilespmem:s29], [sflag:$0x7], $0x80, s28, s4, $0xb8;
	[tilespmem:$0x1FC00] =	vst v63  }
0x235: {  	s4 =	sadd.s32 @!p1 $0x280, s8;
	s8 =	simm.s32 @!p4 $0x5;
	_ =	swait.ge @!p5 [sflag:s2], $0x2000  }
0x236: {  	p6 =	sge.u32 @!p4 s30, s23;
	s28 =	simm.s32 @!p4 $0x8000;
	[sflag:s2] =	ssyncset.done @!p5 $0x0  }
0x237: {  	p6 =	por p6, p4;
	[sflag:s2] =	ssyncadd.s32 @!p5 $0xFFFFE000;
	s2 =	simm.s32 @!p1 $0x40  }
0x238: {  	[tilespmem:s31], [sflag:$0x4] =	stream.indirect.gather @!p1 [hbm4b:s1+s2], $0x80, s4, s2, $0xb8;
	[tilespmem:$0x1FC00] =	vst v63  }
0x239: {  	s2 =	simm.s32 @!p4 $0x40;
	s4 =	simm.s32 @!p6 $0x8000;
	_ =	swait.ge @!p4 [sflag:s8], $0x2000  }
0x23a: {  	s30 =	sshra.s32 @!p6 s25, $0x2;
	s29 =	simm.s32 @!p4 $0x7;
	[sflag:s8] =	ssyncset.done @!p4 $0x0  }
0x23b: {  	[sflag:s8] =	ssyncadd.s32 @!p4 $0xFFFFE000;
	s8 =	sadd.s32 @!p6 $0x300, s30;
	s30 =	sadd.s32 $0x3, s26  }
0x23c: {  	[spmem:s3] =	stream.indirect.scatter.add.f32 @!p4 [tilespmem:s28], [sflag:$0x7], $0x80, s0, s2, $0xb8;
	[tilespmem:$0x1FC00] =	vst v63  }
0x23d: {  	s0 =	simm.s32 @!p6 $0x40;
	p5 =	sge.u32 s30, s23;
	_ =	swait.ge @!p4 [sflag:s29], $0x2000  }
0x23e: {  	s2 =	simm.s32 @!p5 $0x6;
	s28 =	sshra.s32 @!p5 s25, $0x2;
	[sflag:s29] =	ssyncset.done @!p4 $0x0  }
0x23f: {  	s26 =	sadd.s32 @!p5 $0x7, s26;
	[sflag:s29] =	ssyncadd.s32 @!p4 $0xFFFFE000;
	s29 =	sadd.s32 @!p5 $0x2180, s28  }
0x240: {  	[tilespmem:s4], [sflag:$0x5] =	stream.indirect.gather @!p6 [hbm4b:s1+s0], $0x80, s8, s0, $0xb8;
	[tilespmem:$0x1FC00] =	vst v63  }
.Ltmp5:
0x241: {  	_ = 	snop;
	(pc) =	sbr.rel @p3 .LBB2_12-.Ltmp5, $4  }
0x242: {  	s0 =	simm.s32 @!p5 $0x40;
	s4 =	simm.s32 @!p5 $0xA000;
	_ =	swait.ge @!p5 [sflag:s2], $0x2000  }
0x243: {  	p1 =	sge.u32 @!p5 s26, s23;
	s28 =	simm.s32 @!p5 $0x7;
	[sflag:s2] =	ssyncset.done @!p5 $0x0  }
0x244: {  	s25 =	sadd.s32 $0x800, s25;
	p4 =	por p1, p5;
	[sflag:s2] =	ssyncadd.s32 @!p5 $0xFFFFE000  }
0x245: {  	[spmem:s3] =	stream.indirect.scatter.add.f32 @!p5 [tilespmem:s4], [sflag:$0x7], $0x80, s29, s0, $0xb8;
	[tilespmem:$0x1FC00] =	vst v63  }
0x246: {  	_ =	swait.ge @!p5 [sflag:s28], $0x2000  }
0x247: {  	s0 =	sshra.s32 @!p4 s5, $0x2;
	s2 =	simm.s32 @!p4 $0x40;
	[sflag:s28] =	ssyncset.done @!p5 $0x0  }
0x248: {  	s4 =	simm.s32 @!p4 $0xA000;
	s0 =	sadd.s32 @!p4 $0x380, s0;
	[sflag:s28] =	ssyncadd.s32 @!p5 $0xFFFFE000  }
0x249: {  	[tilespmem:s4], [sflag:$0x6] =	stream.indirect.gather @!p4 [hbm4b:s1+s2], $0x80, s0, s2, $0xb8;
	[tilespmem:$0x1FC00] =	vst v63  }
0x24a: {  	s28 =	stileid.u32;
	[bflag:$0x0] =	sbarrier.arrive $0xFFFF  }
0x24b: {  	s0 =	sshll.u32 s28, $0x6;
	s4 =	rddreg [dreg:$0x7]  }
0x24c: {  	s0 =	sor.u32 $0x1C07, s0;
	s30 =	rddreg [dreg:$0x13];
	s29 =	sshrl.u32 s4, $0x3  }
0x24d: {  	[hbm:s30], [sflag:s0] =	dma.local [spmem:s29], $0x2780  }
0x24e: {  	_ =	swait.ge [sflag:s14], $0x2780  }
0x24f: {  	s19 =	sadd.s32 $0x1, s19;
	s31 =	rddreg [dreg:$0x14]  }
0x250: {  	p1 =	sne.s32 s19, s31  }
.Ltmp6:
0x251: {  	_ = 	snop;
	(pc) =	sbr.rel @p1 .LBB2_1-.Ltmp6, $3  }
0x252: {  	_ =	sdelay $0x1  }
0x253: {  	[sflag:s14] =	ssyncset.done $0x0  }
0x254: {  	[sflag:s14] =	ssyncadd.s32 $0xFFFFD880  }
0x255: {  	_ =	sfence.sel $0x180000  }
0x256: {  	[bflag:$0x0] =	sbarrier.arrive $0xFFFF  }
0x257: {  	_ =	strace $0x9000004A  }
0x258: {  	s0 =	stileid.u32;
	[bflag:$0x2] =	sbarrier.arrive $0xFFFF  }
0x259: {  	p0 =	sne.s32 s0, $0x0;
	s0 =	rddreg [dreg:$0x3]  }
0x25a: {  	s0 =	sadd.s32 @!p0 $0x100000, s0  }
0x25b: {  	[sflag:s0] =	ssyncadd.tile.s32 @!p0 $0x1;
	_ =	shalt  }
.Lfunc_end2:
_tile_overlayer_lowered:
.L_overlay_start_2:
0x25c: {  	(tag) =	ssettag $0x2  }
0x25d: {  	s0 =	rddreg [dreg:$0x0];
	s2 =	stileid.u32  }
0x25e: {  	s1 =	rddreg [dreg:$0x1];
	p0 =	sne.s32 s2, $0x0  }
0x25f: {  	s3 =	rddreg [dreg:$0x2];
	[bflag:$0x3] =	sbarrier.arrive $0xFFFF;
	s2 =	simm.s32 @!p0 $0x1C07  }
0x260: {  	[timem:s3], [sflag:s2] =	dma.local @!p0 [hbm:s0], s1  }
0x261: {  	s0 =	simm.s32 @!p0 $0x7  }
0x262: {  	_ =	swait.ge @!p0 [sflag:s0], s1  }
0x263: {  	s1 =	ssub.s32 @!p0 $0x0, s1;
	[sflag:s0] =	ssyncset.done @!p0 $0x0  }
0x264: {  	[sflag:s0] =	ssyncadd.s32 @!p0 s1  }
0x265: {  	[bflag:$0x3] =	sbarrier.arrive $0xFFFF  }
0x266: {  	_ =	shalt  }

</sc_bundles>
